<compile_context>
chip_gen: v7x
topology: tpu7x:2x2x1
jax: 0.10.2.dev20260603
libtpu: 0.0.44.dev20260713+nightly
codegen_flags: <defaults>
</compile_context>

<pallas_src>
import functools

import jax
import jax.numpy as jnp
from jax import lax
from jax.experimental import pallas as pl
from jax.experimental.pallas import tpu as pltpu
from jax.experimental.pallas import tpu_sc as plsc

_NC = 2
_NS = 16
_NW = _NC * _NS
_CH = 128
_DW = 256


def _ln(x, gamma, beta):
    mu = jnp.mean(x, axis=-1, keepdims=True)
    var = jnp.mean((x - mu) ** 2, axis=-1, keepdims=True)
    return (x - mu) * lax.rsqrt(var + 1e-5) * gamma + beta


def _vln(vx, vy, vz):
    nsq = jnp.maximum(vx * vx + vy * vy + vz * vz, 1e-8)
    denom = jnp.sqrt(jnp.mean(nsq, axis=-1, keepdims=True) + 1e-8)
    return vx / denom, vy / denom, vz / denom


def _vnorm(vx, vy, vz):
    return jnp.sqrt(jnp.maximum(vx * vx + vy * vy + vz * vz, 1e-8))



def _node_enc_body(ns_ref, seq_ref, nv_ref, wseq_ref, g_ref, b_ref,
                   wh_ref, wss_ref, wsv_ref, bs_ref, wv_ref, t_ref):
    B = ns_ref.shape[0]
    seq = seq_ref[...]
    oh = (lax.broadcasted_iota(jnp.int32, (B, 20), 1) == seq).astype(jnp.float32)
    emb = jnp.dot(oh, wseq_ref[...], preferred_element_type=jnp.float32)
    s0 = jnp.concatenate([ns_ref[...], emb], axis=-1)
    s0 = _ln(s0, g_ref[...], b_ref[...])
    vx, vy, vz = nv_ref[0], nv_ref[1], nv_ref[2]
    vx, vy, vz = _vln(vx, vy, vz)
    wh = wh_ref[...]
    vhx = jnp.dot(vx, wh, preferred_element_type=jnp.float32)
    vhy = jnp.dot(vy, wh, preferred_element_type=jnp.float32)
    vhz = jnp.dot(vz, wh, preferred_element_type=jnp.float32)
    vn = _vnorm(vhx, vhy, vhz)
    hs = (jnp.dot(s0, wss_ref[...], preferred_element_type=jnp.float32)
          + jnp.dot(vn, wsv_ref[...], preferred_element_type=jnp.float32)
          + bs_ref[...])
    wv = wv_ref[...]
    ox = jnp.dot(vhx, wv, preferred_element_type=jnp.float32)
    oy = jnp.dot(vhy, wv, preferred_element_type=jnp.float32)
    oz = jnp.dot(vhz, wv, preferred_element_type=jnp.float32)
    t_ref[...] = jnp.concatenate(
        [hs, ox, oy, oz, jnp.zeros((B, _DW - 176), jnp.float32)], axis=-1)


def _edge_enc_body(es_ref, ev_ref, g_ref, b_ref, wh_ref, wss_ref, wsv_ref,
                   bs_ref, wv_ref, eso_ref, evo_ref):
    es = _ln(es_ref[...], g_ref[...], b_ref[...])
    ev = ev_ref[...]
    nsq = jnp.maximum(jnp.sum(ev * ev, axis=-1, keepdims=True), 1e-8)
    ev = ev / jnp.sqrt(nsq + 1e-8)
    vh = ev * wh_ref[...]
    vn = jnp.sqrt(jnp.maximum(jnp.sum(vh * vh, axis=-1, keepdims=True), 1e-8))
    eso_ref[...] = (jnp.dot(es, wss_ref[...], preferred_element_type=jnp.float32)
                    + vn * wsv_ref[...] + bs_ref[...])
    evo_ref[...] = vh * wv_ref[...]


def _msg_body(gs_ref, gd_ref, es_ref, ev_ref,
              wh0a_ref, wh0b_ref, wh0c_ref, wsa_ref, wsb_ref, wsc_ref,
              wsd_ref, bs0_ref, wv0_ref,
              wh1_ref, ws1s_ref, ws1v_ref, bs1_ref, wv1_ref,
              wh2_ref, ws2s_ref, ws2v_ref, bs2_ref, wv2_ref,
              ms_ref, mv_ref):
    f32 = jnp.float32
    gs = gs_ref[...]
    gd = gd_ref[...]
    es = es_ref[...]
    ev = ev_ref[...]
    B = gs.shape[0]
    gss, gds = gs[:, 0:128], gd[:, 0:128]
    wh0a, wh0b, wh0c = wh0a_ref[...], wh0b_ref[...], wh0c_ref[...]

    def vh0(c):
        a = jnp.dot(gs[:, 128 + 16 * c:144 + 16 * c], wh0a,
                    preferred_element_type=f32)
        b = ev[:, c:c + 1] * wh0b
        d = jnp.dot(gd[:, 128 + 16 * c:144 + 16 * c], wh0c,
                    preferred_element_type=f32)
        return a + b + d

    vhx, vhy, vhz = vh0(0), vh0(1), vh0(2)
    vn0 = _vnorm(vhx, vhy, vhz)
    s = (jnp.dot(gss, wsa_ref[...], preferred_element_type=f32)
         + jnp.dot(es, wsb_ref[...], preferred_element_type=f32)
         + jnp.dot(gds, wsc_ref[...], preferred_element_type=f32)
         + jnp.dot(vn0, wsd_ref[...], preferred_element_type=f32)
         + bs0_ref[...])
    s = jnp.maximum(s, 0.0)
    wv0 = wv0_ref[...]
    vx = jnp.dot(vhx, wv0, preferred_element_type=f32)
    vy = jnp.dot(vhy, wv0, preferred_element_type=f32)
    vz = jnp.dot(vhz, wv0, preferred_element_type=f32)
    gate = jax.nn.sigmoid(_vnorm(vx, vy, vz))
    vx, vy, vz = vx * gate, vy * gate, vz * gate

    for wh_r, wss_r, wsv_r, bs_r, wv_r, act in (
            (wh1_ref, ws1s_ref, ws1v_ref, bs1_ref, wv1_ref, True),
            (wh2_ref, ws2s_ref, ws2v_ref, bs2_ref, wv2_ref, False)):
        wh = wh_r[...]
        vhx = jnp.dot(vx, wh, preferred_element_type=f32)
        vhy = jnp.dot(vy, wh, preferred_element_type=f32)
        vhz = jnp.dot(vz, wh, preferred_element_type=f32)
        vn = _vnorm(vhx, vhy, vhz)
        s = (jnp.dot(s, wss_r[...], preferred_element_type=f32)
             + jnp.dot(vn, wsv_r[...], preferred_element_type=f32)
             + bs_r[...])
        wv = wv_r[...]
        vx = jnp.dot(vhx, wv, preferred_element_type=f32)
        vy = jnp.dot(vhy, wv, preferred_element_type=f32)
        vz = jnp.dot(vhz, wv, preferred_element_type=f32)
        if act:
            s = jnp.maximum(s, 0.0)
            gate = jax.nn.sigmoid(_vnorm(vx, vy, vz))
            vx, vy, vz = vx * gate, vy * gate, vz * gate

    ms_ref[...] = s
    mv_ref[...] = jnp.concatenate(
        [vx, vy, vz, jnp.ones((B, 1), f32), jnp.zeros((B, 79), f32)], axis=-1)


def _node_upd_body(t_ref, aps_ref, apv_ref,
                   g0_ref, b0_ref,
                   whf0_ref, wsf0s_ref, wsf0v_ref, bsf0_ref, wvf0_ref,
                   whf1_ref, wsf1s_ref, wsf1v_ref, bsf1_ref, wvf1_ref,
                   g1_ref, b1_ref, to_ref):
    f32 = jnp.float32
    t = t_ref[...]
    B = t.shape[0]
    agg_s = aps_ref[0] + aps_ref[1]
    agg_v = apv_ref[0] + apv_ref[1]
    inv = 1.0 / jnp.maximum(agg_v[:, 48:49], 1.0)
    hs_in = t[:, 0:128] + agg_s * inv
    vx_in = t[:, 128:144] + agg_v[:, 0:16] * inv
    vy_in = t[:, 144:160] + agg_v[:, 16:32] * inv
    vz_in = t[:, 160:176] + agg_v[:, 32:48] * inv
    hs = _ln(hs_in, g0_ref[...], b0_ref[...])
    vx, vy, vz = _vln(vx_in, vy_in, vz_in)
    whf0 = whf0_ref[...]
    vhx = jnp.dot(vx, whf0, preferred_element_type=f32)
    vhy = jnp.dot(vy, whf0, preferred_element_type=f32)
    vhz = jnp.dot(vz, whf0, preferred_element_type=f32)
    vn = _vnorm(vhx, vhy, vhz)
    fs = (jnp.dot(hs, wsf0s_ref[...], preferred_element_type=f32)
          + jnp.dot(vn, wsf0v_ref[...], preferred_element_type=f32)
          + bsf0_ref[...])
    fs = jnp.maximum(fs, 0.0)
    wvf0 = wvf0_ref[...]
    fvx = jnp.dot(vhx, wvf0, preferred_element_type=f32)
    fvy = jnp.dot(vhy, wvf0, preferred_element_type=f32)
    fvz = jnp.dot(vhz, wvf0, preferred_element_type=f32)
    gate = jax.nn.sigmoid(_vnorm(fvx, fvy, fvz))
    fvx, fvy, fvz = fvx * gate, fvy * gate, fvz * gate
    whf1 = whf1_ref[...]
    vhx = jnp.dot(fvx, whf1, preferred_element_type=f32)
    vhy = jnp.dot(fvy, whf1, preferred_element_type=f32)
    vhz = jnp.dot(fvz, whf1, preferred_element_type=f32)
    vn = _vnorm(vhx, vhy, vhz)
    fs2 = (jnp.dot(fs, wsf1s_ref[...], preferred_element_type=f32)
           + jnp.dot(vn, wsf1v_ref[...], preferred_element_type=f32)
           + bsf1_ref[...])
    wvf1 = wvf1_ref[...]
    fv2x = jnp.dot(vhx, wvf1, preferred_element_type=f32)
    fv2y = jnp.dot(vhy, wvf1, preferred_element_type=f32)
    fv2z = jnp.dot(vhz, wvf1, preferred_element_type=f32)
    s = _ln(hs + fs2, g1_ref[...], b1_ref[...])
    ox, oy, oz = _vln(vx + fv2x, vy + fv2y, vz + fv2z)
    to_ref[...] = jnp.concatenate(
        [s, ox, oy, oz, jnp.zeros((B, _DW - 176), f32)], axis=-1)


def _out_body(t_ref, g_ref, b_ref, wh_ref, wss_ref, wsv_ref, bs_ref, o_ref):
    f32 = jnp.float32
    t = t_ref[...]
    s = _ln(t[:, 0:128], g_ref[...], b_ref[...])
    vx, vy, vz = _vln(t[:, 128:144], t[:, 144:160], t[:, 160:176])
    wh = wh_ref[...]
    vhx = jnp.dot(vx, wh, preferred_element_type=f32)
    vhy = jnp.dot(vy, wh, preferred_element_type=f32)
    vhz = jnp.dot(vz, wh, preferred_element_type=f32)
    vn = _vnorm(vhx, vhy, vhz)
    o = (jnp.dot(s, wss_ref[...], preferred_element_type=f32)
         + jnp.dot(vn, wsv_ref[...], preferred_element_type=f32)
         + bs_ref[...])
    o_ref[...] = jnp.maximum(o, 0.0)


def _full(shape):
    return pl.BlockSpec(shape, lambda i: tuple(0 for _ in shape))



def _sc_gather(table, src, dst, e_pad):
    epw = e_pad // _NW
    nch = epw // _CH
    mesh = plsc.VectorSubcoreMesh(core_axis_name="c", subcore_axis_name="s")

    @functools.partial(
        pl.kernel, mesh=mesh,
        out_type=[jax.ShapeDtypeStruct((e_pad, _DW), jnp.float32),
                  jax.ShapeDtypeStruct((e_pad, _DW), jnp.float32)],
        scratch_types=[pltpu.VMEM((_CH,), jnp.int32),
                       pltpu.VMEM((_CH, _DW), jnp.float32),
                       pltpu.VMEM((_CH,), jnp.int32),
                       pltpu.VMEM((_CH, _DW), jnp.float32),
                       pltpu.SemaphoreType.DMA,
                       pltpu.SemaphoreType.DMA],
    )
    def k(t_hbm, s_hbm, d_hbm, gs_hbm, gd_hbm, idx_s, rows_s, idx_d, rows_d,
          sem_s, sem_d):
        wid = lax.axis_index("s") * _NC + lax.axis_index("c")
        base = wid * epw

        def body(j, carry):
            off = base + j * _CH
            pltpu.sync_copy(s_hbm.at[pl.ds(off, _CH)], idx_s)
            pltpu.sync_copy(d_hbm.at[pl.ds(off, _CH)], idx_d)
            cp_s = pltpu.async_copy(t_hbm.at[idx_s], rows_s, sem_s)
            cp_d = pltpu.async_copy(t_hbm.at[idx_d], rows_d, sem_d)
            cp_s.wait()
            pltpu.sync_copy(rows_s, gs_hbm.at[pl.ds(off, _CH)])
            cp_d.wait()
            pltpu.sync_copy(rows_d, gd_hbm.at[pl.ds(off, _CH)])
            return carry

        lax.fori_loop(0, nch, body, 0)

    return k(table, src, dst)


def _sc_scatter_add(msgs, dst, zeros, e_pad, n_acc):
    epw = e_pad // _NW
    nch = epw // _CH
    rows_per_tile = n_acc // _NS
    mesh = plsc.VectorSubcoreMesh(core_axis_name="c", subcore_axis_name="s")

    @functools.partial(
        pl.kernel, mesh=mesh,
        out_type=jax.ShapeDtypeStruct((2, n_acc, 128), jnp.float32),
        scratch_types=[pltpu.VMEM((_CH,), jnp.int32),
                       pltpu.VMEM((_CH, 128), jnp.float32),
                       pltpu.VMEM_SHARED((n_acc, 128), jnp.float32)],
    )
    def k(m_hbm, d_hbm, z_hbm, out_hbm, idx_v, rows_v, acc_sh):
        cid = lax.axis_index("c")
        sid = lax.axis_index("s")
        wid = sid * _NC + cid

        @pl.when(sid == 0)
        def _zero():
            pltpu.sync_copy(z_hbm, acc_sh)

        plsc.subcore_barrier()
        base = wid * epw

        def body(j, carry):
            off = base + j * _CH
            pltpu.sync_copy(d_hbm.at[pl.ds(off, _CH)], idx_v)
            pltpu.sync_copy(m_hbm.at[pl.ds(off, _CH)], rows_v)
            pltpu.sync_copy(rows_v, acc_sh.at[idx_v], add=True)
            return carry

        lax.fori_loop(0, nch, body, 0)
        plsc.subcore_barrier()
        r0 = sid * rows_per_tile
        pltpu.sync_copy(acc_sh.at[pl.ds(r0, rows_per_tile)],
                        out_hbm.at[cid, pl.ds(r0, rows_per_tile)])

    return k(msgs, dst, zeros)



def kernel(node_s, node_v, edge_s, edge_v, seq, edge_index, params):
    N = node_s.shape[0]
    E = edge_s.shape[0]
    f32 = jnp.float32

    BN = 1000
    gn = N // BN
    BE = 2048
    e_pad = ((E + _NW * _CH - 1) // (_NW * _CH)) * (_NW * _CH)
    ge = e_pad // BE
    n_acc = ((N + _NS * 8 - 1) // (_NS * 8)) * (_NS * 8)

    src = edge_index[0].astype(jnp.int32)
    dst = edge_index[1].astype(jnp.int32)
    pad_e = e_pad - E
    src = jnp.concatenate([src, jnp.zeros((pad_e,), jnp.int32)])
    dst_p = jnp.concatenate([dst, jnp.full((pad_e,), N, jnp.int32)])
    es_in = jnp.concatenate([edge_s, jnp.zeros((pad_e, edge_s.shape[1]), f32)])
    ev_in = jnp.concatenate([edge_v.reshape(E, 3), jnp.zeros((pad_e, 3), f32)])
    nv_p = jnp.transpose(node_v, (2, 0, 1))
    seq_c = seq.astype(jnp.int32).reshape(N, 1)

    p = params
    row = lambda a: a.reshape(1, -1)

    wv_ws = p['W_v']['ws']
    T = pl.pallas_call(
        _node_enc_body,
        grid=(gn,),
        in_specs=[pl.BlockSpec((BN, 6), lambda i: (i, 0)),
                  pl.BlockSpec((BN, 1), lambda i: (i, 0)),
                  pl.BlockSpec((3, BN, 3), lambda i: (0, i, 0)),
                  _full((20, 20)), _full((1, 26)), _full((1, 26)),
                  _full((3, 16)), _full((26, 128)), _full((16, 128)),
                  _full((1, 128)), _full((16, 16))],
        out_specs=pl.BlockSpec((BN, _DW), lambda i: (i, 0)),
        out_shape=jax.ShapeDtypeStruct((N, _DW), f32),
    )(node_s, seq_c, nv_p, p['W_seq'], row(p['ln_v']['gamma']),
      row(p['ln_v']['beta']), p['W_v']['wh'], wv_ws[0:26], wv_ws[26:42],
      row(p['W_v']['bs']), p['W_v']['wv'])

    we_ws = p['W_e']['ws']
    es, ev = pl.pallas_call(
        _edge_enc_body,
        grid=(ge,),
        in_specs=[pl.BlockSpec((BE, 32), lambda i: (i, 0)),
                  pl.BlockSpec((BE, 3), lambda i: (i, 0)),
                  _full((1, 32)), _full((1, 32)), _full((1, 1)),
                  _full((32, 32)), _full((1, 32)), _full((1, 32)),
                  _full((1, 1))],
        out_specs=[pl.BlockSpec((BE, 32), lambda i: (i, 0)),
                   pl.BlockSpec((BE, 3), lambda i: (i, 0))],
        out_shape=[jax.ShapeDtypeStruct((e_pad, 32), f32),
                   jax.ShapeDtypeStruct((e_pad, 3), f32)],
    )(es_in, ev_in, row(p['ln_e']['gamma']), row(p['ln_e']['beta']),
      p['W_e']['wh'], we_ws[0:32], we_ws[32:33], row(p['W_e']['bs']),
      p['W_e']['wv'])

    zeros128 = jnp.zeros((n_acc, 128), f32)

    for layer in p['layers']:
        gs, gd = _sc_gather(T, src, dst_p, e_pad)

        m0, m1, m2 = layer['msg0'], layer['msg1'], layer['msg2']
        wh0, ws0 = m0['wh'], m0['ws']
        Ms, Mv = pl.pallas_call(
            _msg_body,
            grid=(ge,),
            in_specs=[pl.BlockSpec((BE, _DW), lambda i: (i, 0)),
                      pl.BlockSpec((BE, _DW), lambda i: (i, 0)),
                      pl.BlockSpec((BE, 32), lambda i: (i, 0)),
                      pl.BlockSpec((BE, 3), lambda i: (i, 0)),
                      _full((16, 33)), _full((1, 33)), _full((16, 33)),
                      _full((128, 128)), _full((32, 128)), _full((128, 128)),
                      _full((33, 128)), _full((1, 128)), _full((33, 16)),
                      _full((16, 16)), _full((128, 128)), _full((16, 128)),
                      _full((1, 128)), _full((16, 16)),
                      _full((16, 16)), _full((128, 128)), _full((16, 128)),
                      _full((1, 128)), _full((16, 16))],
            out_specs=[pl.BlockSpec((BE, 128), lambda i: (i, 0)),
                       pl.BlockSpec((BE, 128), lambda i: (i, 0))],
            out_shape=[jax.ShapeDtypeStruct((e_pad, 128), f32),
                       jax.ShapeDtypeStruct((e_pad, 128), f32)],
        )(gs, gd, es, ev,
          wh0[0:16], wh0[16:17], wh0[17:33],
          ws0[0:128], ws0[128:160], ws0[160:288], ws0[288:321],
          row(m0['bs']), m0['wv'],
          m1['wh'], m1['ws'][0:128], m1['ws'][128:144], row(m1['bs']),
          m1['wv'],
          m2['wh'], m2['ws'][0:128], m2['ws'][128:144], row(m2['bs']),
          m2['wv'])

        agg_s = _sc_scatter_add(Ms, dst_p, zeros128, e_pad, n_acc)
        agg_v = _sc_scatter_add(Mv, dst_p, zeros128, e_pad, n_acc)

        f0, f1 = layer['ff0'], layer['ff1']
        T = pl.pallas_call(
            _node_upd_body,
            grid=(gn,),
            in_specs=[pl.BlockSpec((BN, _DW), lambda i: (i, 0)),
                      pl.BlockSpec((2, BN, 128), lambda i: (0, i, 0)),
                      pl.BlockSpec((2, BN, 128), lambda i: (0, i, 0)),
                      _full((1, 128)), _full((1, 128)),
                      _full((16, 32)), _full((128, 512)), _full((32, 512)),
                      _full((1, 512)), _full((32, 32)),
                      _full((32, 32)), _full((512, 128)), _full((32, 128)),
                      _full((1, 128)), _full((32, 16)),
                      _full((1, 128)), _full((1, 128))],
            out_specs=pl.BlockSpec((BN, _DW), lambda i: (i, 0)),
            out_shape=jax.ShapeDtypeStruct((N, _DW), f32),
        )(T, agg_s, agg_v,
          row(layer['norm0']['gamma']), row(layer['norm0']['beta']),
          f0['wh'], f0['ws'][0:128], f0['ws'][128:160], row(f0['bs']),
          f0['wv'],
          f1['wh'], f1['ws'][0:512], f1['ws'][512:544], row(f1['bs']),
          f1['wv'],
          row(layer['norm1']['gamma']), row(layer['norm1']['beta']))

    wo_ws = p['W_out']['ws']
    out = pl.pallas_call(
        _out_body,
        grid=(gn,),
        in_specs=[pl.BlockSpec((BN, _DW), lambda i: (i, 0)),
                  _full((1, 128)), _full((1, 128)), _full((16, 16)),
                  _full((128, 128)), _full((16, 128)), _full((1, 128))],
        out_specs=pl.BlockSpec((BN, 128), lambda i: (i, 0)),
        out_shape=jax.ShapeDtypeStruct((N, 128), f32),
    )(T, row(p['ln_out']['gamma']), row(p['ln_out']['beta']),
      p['W_out']['wh'], wo_ws[0:128], wo_ws[128:144], row(p['W_out']['bs']))

    return out

# --- scband reference (transcript-rebuilt; emitter-appended) ---
"""Pipeline reference for scband-pocket-encoder-6631429505709 (READ-ONLY COPY).

The authoritative reference and input builder live on the scoring server;
editing this copy changes nothing except your own understanding.
"""

import jax, jax.numpy as jnp
import numpy as np

N_NODES = 10000
N_EDGES = 320000

def _norm_no_nan(x, axis=-1, keepdims=False, eps=1e-8, sqrt=True):
    out = jnp.maximum(jnp.sum(jnp.square(x), axis=axis, keepdims=keepdims), eps)
    return jnp.sqrt(out) if sqrt else out

def _gvp_init(key, si, vi, so, vo):
    h = max(vi, vo) if vo > 0 else vi
    k1, k2, k3 = jax.random.split(key, 3)
    p = {}
    if vi > 0:
        p['wh'] = jax.random.normal(k1, (vi, h), dtype=jnp.float32) / np.sqrt(vi)
        ws_in = si + h
    else:
        ws_in = si
    p['ws'] = jax.random.normal(k2, (ws_in, so), dtype=jnp.float32) / np.sqrt(ws_in)
    p['bs'] = jnp.zeros((so,), dtype=jnp.float32)
    if vo > 0:
        p['wv'] = jax.random.normal(k3, (h, vo), dtype=jnp.float32) / np.sqrt(h)
    return p

def _ln_init(si):
    return {'gamma': jnp.ones((si,), dtype=jnp.float32), 'beta': jnp.zeros((si,), dtype=jnp.float32)}

def _gvp_apply(p, s, v, scalar_act, vector_act):
    vh = None
    if v is not None:
        vh = jnp.einsum('nvc,vh->nhc', v, p['wh'])
        vn = _norm_no_nan(vh, axis=-1)
        s_in = jnp.concatenate([s, vn], axis=-1)
    else:
        s_in = s
    s_out = s_in @ p['ws'] + p['bs']
    v_out = None
    if 'wv' in p:
        v_out = jnp.einsum('nhc,ho->noc', vh, p['wv'])
        if vector_act:
            v_out = v_out * jax.nn.sigmoid(_norm_no_nan(v_out, axis=-1, keepdims=True))
    if scalar_act:
        s_out = jax.nn.relu(s_out)
    return s_out, v_out

def _ln_apply(p, s, v):
    mu = jnp.mean(s, axis=-1, keepdims=True)
    var = jnp.var(s, axis=-1, keepdims=True)
    s = (s - mu) / jnp.sqrt(var + 1e-5) * p['gamma'] + p['beta']
    if v is not None:
        vn = _norm_no_nan(v, axis=-1, keepdims=True, sqrt=False)
        vn = jnp.sqrt(jnp.mean(vn, axis=-2, keepdims=True) + 1e-8)
        v = v / vn
    return s, v

def setup_inputs(seed: int = 0):
    key = jax.random.key(seed)
    ks = jax.random.split(key, 12)
    N, E = N_NODES, N_EDGES
    node_s = jax.random.normal(ks[0], (N, 6), dtype=jnp.float32)
    node_v = jax.random.normal(ks[1], (N, 3, 3), dtype=jnp.float32)
    edge_s = jax.random.normal(ks[2], (E, 32), dtype=jnp.float32)
    edge_v = jax.random.normal(ks[3], (E, 1, 3), dtype=jnp.float32)
    seq = jax.random.randint(ks[4], (N,), 0, 20)
    edge_index = jax.random.randint(ks[5], (2, E), 0, N)
    params = {}
    params['W_seq'] = jax.random.normal(ks[6], (20, 20), dtype=jnp.float32) * 0.1
    params['ln_v'] = _ln_init(26)
    params['W_v'] = _gvp_init(ks[7], 26, 3, 128, 16)
    params['ln_e'] = _ln_init(32)
    params['W_e'] = _gvp_init(ks[8], 32, 1, 32, 1)
    layers = []
    for i in range(3):
        kk = jax.random.fold_in(key, 100 + i)
        k = jax.random.split(kk, 5)
        layers.append({
            'msg0': _gvp_init(k[0], 288, 33, 128, 16),
            'msg1': _gvp_init(k[1], 128, 16, 128, 16),
            'msg2': _gvp_init(k[2], 128, 16, 128, 16),
            'norm0': _ln_init(128),
            'ff0': _gvp_init(k[3], 128, 16, 512, 32),
            'ff1': _gvp_init(k[4], 512, 32, 128, 16),
            'norm1': _ln_init(128),
        })
    params['layers'] = layers
    params['ln_out'] = _ln_init(128)
    params['W_out'] = _gvp_init(ks[9], 128, 16, 128, 0)
    return {'node_s': node_s, 'node_v': node_v, 'edge_s': edge_s, 'edge_v': edge_v,
            'seq': seq, 'edge_index': edge_index, 'params': params}

def reference(node_s, node_v, edge_s, edge_v, seq, edge_index, params):
    N = node_s.shape[0]
    seq_emb = params['W_seq'][seq]
    hs = jnp.concatenate([node_s, seq_emb], axis=-1)
    hv = node_v
    hs, hv = _ln_apply(params['ln_v'], hs, hv)
    hs, hv = _gvp_apply(params['W_v'], hs, hv, False, False)
    es, ev = _ln_apply(params['ln_e'], edge_s, edge_v)
    es, ev = _gvp_apply(params['W_e'], es, ev, False, False)
    src = edge_index[0]
    dst = edge_index[1]
    ones = jnp.ones((src.shape[0],), dtype=hs.dtype)
    cnt = jnp.maximum(jax.ops.segment_sum(ones, dst, num_segments=N), 1.0)
    for layer in params['layers']:
        ms = jnp.concatenate([hs[src], es, hs[dst]], axis=-1)
        mv = jnp.concatenate([hv[src], ev, hv[dst]], axis=-2)
        ms, mv = _gvp_apply(layer['msg0'], ms, mv, True, True)
        ms, mv = _gvp_apply(layer['msg1'], ms, mv, True, True)
        ms, mv = _gvp_apply(layer['msg2'], ms, mv, False, False)
        agg_s = jax.ops.segment_sum(ms, dst, num_segments=N) / cnt[:, None]
        agg_v = jax.ops.segment_sum(mv, dst, num_segments=N) / cnt[:, None, None]
        hs2, hv2 = _ln_apply(layer['norm0'], hs + agg_s, hv + agg_v)
        fs, fv = _gvp_apply(layer['ff0'], hs2, hv2, True, True)
        fs, fv = _gvp_apply(layer['ff1'], fs, fv, False, False)
        hs, hv = _ln_apply(layer['norm1'], hs2 + fs, hv2 + fv)
    os_, ov_ = _ln_apply(params['ln_out'], hs, hv)
    out, _ = _gvp_apply(params['W_out'], os_, ov_, True, False)
    return out

if __name__ == "__main__":
    import jax
    _d = setup_inputs()
    print(jax.jit(kernel)(*tuple(_d.values())))

</pallas_src>

<mosaic_0001>
#map = affine_map<(d0, d1) -> (0, 0)>
#map1 = affine_map<(d0, d1) -> (0)>
#map2 = affine_map<(d0, d1) -> (0, 0, 0)>
module attributes {stable_mosaic.version = 14 : i64} {
  func.func @k(%arg0: i32, %arg1: i32, %arg2: memref<323584x128xf32, #tpu.memory_space<hbm>>, %arg3: memref<323584xi32, #tpu.memory_space<hbm>>, %arg4: memref<10112x128xf32, #tpu.memory_space<hbm>>, %arg5: memref<2x10112x128xf32, #tpu.memory_space<hbm>>, %arg6: memref<128xi32, #tpu.memory_space<vmem>>, %arg7: memref<128x128xf32, #tpu.memory_space<vmem>>, %arg8: memref<10112x128xf32, #tpu.memory_space<vmem_shared>>) attributes {dimension_semantics = [#tpu.dimension_semantics<core_parallel>, #tpu.dimension_semantics<subcore_parallel>], iteration_bounds = array<i64: 2, 16>, scalar_prefetch = 0 : i64, scratch_operands = 3 : i64, tpu.core_type = #tpu.core_type<sc_vector_subcore>, window_params = [{transform_indices = #map}, {transform_indices = #map1}, {transform_indices = #map}, {transform_indices = #map2}]} {
    %mul3A = arith.constant 2 : i32
    %mul3A_0 = arith.muli %arg1, %mul3A : i32
    %add3A = arith.addi %mul3A_0, %arg0 : i32
    %eq3A = arith.constant 0 : i32
    %eq3A_1 = arith.cmpi eq, %arg1, %eq3A : i32
    %convert_element_type3A = arith.extui %eq3A_1 : i1 to i32
    %cond3A = arith.constant 0 : i32
    %cond3A_2 = arith.cmpi ne, %convert_element_type3A, %cond3A : i32
    scf.if %cond3A_2 {
      "tpu.region"() ({
        %run_scoped3A = tpu.sem_alloc : memref<!tpu.dma_semaphore, #tpu.memory_space<semaphore_mem>>
        tpu.enqueue_dma source(%arg4 : memref<10112x128xf32, #tpu.memory_space<hbm>>) target(%arg8 : memref<10112x128xf32, #tpu.memory_space<vmem_shared>>) target_semaphore(%run_scoped3A : memref<!tpu.dma_semaphore, #tpu.memory_space<semaphore_mem>>)
        tpu.wait_dma2 semaphore(%run_scoped3A : memref<!tpu.dma_semaphore, #tpu.memory_space<semaphore_mem>>) src(%arg4 : memref<10112x128xf32, #tpu.memory_space<hbm>>) dst(%arg8 : memref<10112x128xf32, #tpu.memory_space<vmem_shared>>)
        tpu.yield
      }) : () -> ()
    } else {
    }
    %barrier3A = arith.constant 0 : index
    tpu.barrier barrier_id(%barrier3A)
    %mul3A_3 = arith.constant 10112 : i32
    %mul3A_4 = arith.muli %add3A, %mul3A_3 : i32
    %scan3A = arith.constant 0 : i32
    %scan3A_5 = arith.constant 0 : i32
    %scan3A_6 = arith.constant 79 : i32
    %scan3A_7 = arith.addi %scan3A_5, %scan3A_6 : i32
    %scan3A_8 = arith.constant 1 : i32
    scf.for %scan3A_13 = %scan3A_5 to %scan3A_7 step %scan3A_8  : i32 {
      %mul3A_14 = arith.constant 128 : i32
      %mul3A_15 = arith.muli %scan3A_13, %mul3A_14 : i32
      %add3A_16 = arith.addi %mul3A_4, %mul3A_15 : i32
      "tpu.region"() ({
        %run_scoped3A = tpu.sem_alloc : memref<!tpu.dma_semaphore, #tpu.memory_space<semaphore_mem>>
        %dma_start3A = tpu.memref_slice %arg3[%add3A_16] : memref<323584xi32, #tpu.memory_space<hbm>> -> memref<128xi32, #tpu.memory_space<hbm>>
        %dma_start3A_17 = tpu.memref_slice %arg3[%add3A_16] : memref<323584xi32, #tpu.memory_space<hbm>> -> memref<128xi32, #tpu.memory_space<hbm>>
        tpu.enqueue_dma source(%dma_start3A_17 : memref<128xi32, #tpu.memory_space<hbm>>) target(%arg6 : memref<128xi32, #tpu.memory_space<vmem>>) target_semaphore(%run_scoped3A : memref<!tpu.dma_semaphore, #tpu.memory_space<semaphore_mem>>)
        %dma_wait3A = tpu.memref_slice %arg3[%add3A_16] : memref<323584xi32, #tpu.memory_space<hbm>> -> memref<128xi32, #tpu.memory_space<hbm>>
        %dma_wait3A_18 = tpu.memref_slice %arg3[%add3A_16] : memref<323584xi32, #tpu.memory_space<hbm>> -> memref<128xi32, #tpu.memory_space<hbm>>
        tpu.wait_dma2 semaphore(%run_scoped3A : memref<!tpu.dma_semaphore, #tpu.memory_space<semaphore_mem>>) src(%dma_wait3A_18 : memref<128xi32, #tpu.memory_space<hbm>>) dst(%arg6 : memref<128xi32, #tpu.memory_space<vmem>>)
        tpu.yield
      }) : () -> ()
      "tpu.region"() ({
        %run_scoped3A = tpu.sem_alloc : memref<!tpu.dma_semaphore, #tpu.memory_space<semaphore_mem>>
        %dma_start3A = arith.constant 0 : i32
        %dma_start3A_17 = tpu.memref_slice %arg2[%add3A_16, %dma_start3A] : memref<323584x128xf32, #tpu.memory_space<hbm>> -> memref<128x128xf32, #tpu.memory_space<hbm>>
        %dma_start3A_18 = arith.constant 0 : i32
        %dma_start3A_19 = tpu.memref_slice %arg2[%add3A_16, %dma_start3A_18] : memref<323584x128xf32, #tpu.memory_space<hbm>> -> memref<128x128xf32, #tpu.memory_space<hbm>>
        tpu.enqueue_dma source(%dma_start3A_19 : memref<128x128xf32, #tpu.memory_space<hbm>>) target(%arg7 : memref<128x128xf32, #tpu.memory_space<vmem>>) target_semaphore(%run_scoped3A : memref<!tpu.dma_semaphore, #tpu.memory_space<semaphore_mem>>)
        %dma_wait3A = arith.constant 0 : i32
        %dma_wait3A_20 = tpu.memref_slice %arg2[%add3A_16, %dma_wait3A] : memref<323584x128xf32, #tpu.memory_space<hbm>> -> memref<128x128xf32, #tpu.memory_space<hbm>>
        %dma_wait3A_21 = arith.constant 0 : i32
        %dma_wait3A_22 = tpu.memref_slice %arg2[%add3A_16, %dma_wait3A_21] : memref<323584x128xf32, #tpu.memory_space<hbm>> -> memref<128x128xf32, #tpu.memory_space<hbm>>
        tpu.wait_dma2 semaphore(%run_scoped3A : memref<!tpu.dma_semaphore, #tpu.memory_space<semaphore_mem>>) src(%dma_wait3A_22 : memref<128x128xf32, #tpu.memory_space<hbm>>) dst(%arg7 : memref<128x128xf32, #tpu.memory_space<vmem>>)
        tpu.yield
      }) : () -> ()
      "tpu.region"() ({
        %run_scoped3A = tpu.sem_alloc : memref<!tpu.dma_semaphore, #tpu.memory_space<semaphore_mem>>
        %dma_start3A = arith.constant 0 : i32
        %dma_start3A_17 = arith.constant 0 : i32
        %dma_start3A_18 = tpu.memref_slice %arg8[%dma_start3A, %dma_start3A_17] : memref<10112x128xf32, #tpu.memory_space<vmem_shared>> -> memref<10112x128xf32, #tpu.memory_space<vmem_shared>>
        tpu.enqueue_indirect_dma source(%arg7 : memref<128x128xf32, #tpu.memory_space<vmem>>) target(%dma_start3A_18 : memref<10112x128xf32, #tpu.memory_space<vmem_shared>>) offsets(%arg6 : memref<128xi32, #tpu.memory_space<vmem>>) semaphore(%run_scoped3A : memref<!tpu.dma_semaphore, #tpu.memory_space<semaphore_mem>>) {add = true}
        %dma_wait3A = arith.constant 0 : i32
        %dma_wait3A_19 = arith.constant 0 : i32
        %dma_wait3A_20 = tpu.memref_slice %arg8[%dma_wait3A, %dma_wait3A_19] : memref<10112x128xf32, #tpu.memory_space<vmem_shared>> -> memref<10112x128xf32, #tpu.memory_space<vmem_shared>>
        tpu.wait_indirect_dma semaphore(%run_scoped3A : memref<!tpu.dma_semaphore, #tpu.memory_space<semaphore_mem>>) src(%arg7 : memref<128x128xf32, #tpu.memory_space<vmem>>) dst(%dma_wait3A_20 : memref<10112x128xf32, #tpu.memory_space<vmem_shared>>)
        tpu.yield
      }) : () -> ()
    }
    %scan3A_9 = arith.constant 79 : i32
    %barrier3A_10 = arith.constant 0 : index
    tpu.barrier barrier_id(%barrier3A_10)
    %mul3A_11 = arith.constant 632 : i32
    %mul3A_12 = arith.muli %arg1, %mul3A_11 : i32
    "tpu.region"() ({
      %run_scoped3A = tpu.sem_alloc : memref<!tpu.dma_semaphore, #tpu.memory_space<semaphore_mem>>
      %dma_start3A = arith.constant 0 : i32
      %dma_start3A_13 = tpu.memref_slice %arg5[%arg0, %mul3A_12, %dma_start3A] : memref<2x10112x128xf32, #tpu.memory_space<hbm>> -> memref<1x632x128xf32, #tpu.memory_space<hbm>>
      %dma_start3A_14 = tpu.memref_squeeze %dma_start3A_13 : memref<1x632x128xf32, #tpu.memory_space<hbm>> -> memref<632x128xf32, #tpu.memory_space<hbm>>
      %dma_start3A_15 = arith.constant 0 : i32
      %dma_start3A_16 = tpu.memref_slice %arg8[%mul3A_12, %dma_start3A_15] : memref<10112x128xf32, #tpu.memory_space<vmem_shared>> -> memref<632x128xf32, #tpu.memory_space<vmem_shared>>
      tpu.enqueue_dma source(%dma_start3A_16 : memref<632x128xf32, #tpu.memory_space<vmem_shared>>) target(%dma_start3A_14 : memref<632x128xf32, #tpu.memory_space<hbm>>) target_semaphore(%run_scoped3A : memref<!tpu.dma_semaphore, #tpu.memory_space<semaphore_mem>>)
      %dma_wait3A = arith.constant 0 : i32
      %dma_wait3A_17 = tpu.memref_slice %arg5[%arg0, %mul3A_12, %dma_wait3A] : memref<2x10112x128xf32, #tpu.memory_space<hbm>> -> memref<1x632x128xf32, #tpu.memory_space<hbm>>
      %dma_wait3A_18 = tpu.memref_squeeze %dma_wait3A_17 : memref<1x632x128xf32, #tpu.memory_space<hbm>> -> memref<632x128xf32, #tpu.memory_space<hbm>>
      %dma_wait3A_19 = arith.constant 0 : i32
      %dma_wait3A_20 = tpu.memref_slice %arg8[%mul3A_12, %dma_wait3A_19] : memref<10112x128xf32, #tpu.memory_space<vmem_shared>> -> memref<632x128xf32, #tpu.memory_space<vmem_shared>>
      tpu.wait_dma2 semaphore(%run_scoped3A : memref<!tpu.dma_semaphore, #tpu.memory_space<semaphore_mem>>) src(%dma_wait3A_20 : memref<632x128xf32, #tpu.memory_space<vmem_shared>>) dst(%dma_wait3A_18 : memref<632x128xf32, #tpu.memory_space<hbm>>)
      tpu.yield
    }) : () -> ()
    return
  }
}

#map = affine_map<(d0, d1) -> (0, 0)>
#map1 = affine_map<(d0, d1) -> (0)>
module attributes {stable_mosaic.version = 14 : i64} {
  func.func @k(%arg0: i32, %arg1: i32, %arg2: memref<10000x256xf32, #tpu.memory_space<hbm>>, %arg3: memref<323584xi32, #tpu.memory_space<hbm>>, %arg4: memref<323584xi32, #tpu.memory_space<hbm>>, %arg5: memref<323584x256xf32, #tpu.memory_space<hbm>>, %arg6: memref<323584x256xf32, #tpu.memory_space<hbm>>, %arg7: memref<128xi32, #tpu.memory_space<vmem>>, %arg8: memref<128x256xf32, #tpu.memory_space<vmem>>, %arg9: memref<128xi32, #tpu.memory_space<vmem>>, %arg10: memref<128x256xf32, #tpu.memory_space<vmem>>, %arg11: memref<!tpu.dma_semaphore, #tpu.memory_space<semaphore_mem>>, %arg12: memref<!tpu.dma_semaphore, #tpu.memory_space<semaphore_mem>>) attributes {dimension_semantics = [#tpu.dimension_semantics<core_parallel>, #tpu.dimension_semantics<subcore_parallel>], iteration_bounds = array<i64: 2, 16>, scalar_prefetch = 0 : i64, scratch_operands = 6 : i64, tpu.core_type = #tpu.core_type<sc_vector_subcore>, window_params = [{transform_indices = #map}, {transform_indices = #map1}, {transform_indices = #map1}, {transform_indices = #map}, {transform_indices = #map}]} {
    %mul3A = arith.constant 2 : i32
    %mul3A_0 = arith.muli %arg1, %mul3A : i32
    %add3A = arith.addi %mul3A_0, %arg0 : i32
    %mul3A_1 = arith.constant 10112 : i32
    %mul3A_2 = arith.muli %add3A, %mul3A_1 : i32
    %scan3A = arith.constant 0 : i32
    %scan3A_3 = arith.constant 0 : i32
    %scan3A_4 = arith.constant 79 : i32
    %scan3A_5 = arith.addi %scan3A_3, %scan3A_4 : i32
    %scan3A_6 = arith.constant 1 : i32
    scf.for %scan3A_8 = %scan3A_3 to %scan3A_5 step %scan3A_6  : i32 {
      %mul3A_9 = arith.constant 128 : i32
      %mul3A_10 = arith.muli %scan3A_8, %mul3A_9 : i32
      %add3A_11 = arith.addi %mul3A_2, %mul3A_10 : i32
      "tpu.region"() ({
        %run_scoped3A = tpu.sem_alloc : memref<!tpu.dma_semaphore, #tpu.memory_space<semaphore_mem>>
        %dma_start3A_22 = tpu.memref_slice %arg3[%add3A_11] : memref<323584xi32, #tpu.memory_space<hbm>> -> memref<128xi32, #tpu.memory_space<hbm>>
        %dma_start3A_23 = tpu.memref_slice %arg3[%add3A_11] : memref<323584xi32, #tpu.memory_space<hbm>> -> memref<128xi32, #tpu.memory_space<hbm>>
        tpu.enqueue_dma source(%dma_start3A_23 : memref<128xi32, #tpu.memory_space<hbm>>) target(%arg7 : memref<128xi32, #tpu.memory_space<vmem>>) target_semaphore(%run_scoped3A : memref<!tpu.dma_semaphore, #tpu.memory_space<semaphore_mem>>)
        %dma_wait3A_24 = tpu.memref_slice %arg3[%add3A_11] : memref<323584xi32, #tpu.memory_space<hbm>> -> memref<128xi32, #tpu.memory_space<hbm>>
        %dma_wait3A_25 = tpu.memref_slice %arg3[%add3A_11] : memref<323584xi32, #tpu.memory_space<hbm>> -> memref<128xi32, #tpu.memory_space<hbm>>
        tpu.wait_dma2 semaphore(%run_scoped3A : memref<!tpu.dma_semaphore, #tpu.memory_space<semaphore_mem>>) src(%dma_wait3A_25 : memref<128xi32, #tpu.memory_space<hbm>>) dst(%arg7 : memref<128xi32, #tpu.memory_space<vmem>>)
        tpu.yield
      }) : () -> ()
      "tpu.region"() ({
        %run_scoped3A = tpu.sem_alloc : memref<!tpu.dma_semaphore, #tpu.memory_space<semaphore_mem>>
        %dma_start3A_22 = tpu.memref_slice %arg4[%add3A_11] : memref<323584xi32, #tpu.memory_space<hbm>> -> memref<128xi32, #tpu.memory_space<hbm>>
        %dma_start3A_23 = tpu.memref_slice %arg4[%add3A_11] : memref<323584xi32, #tpu.memory_space<hbm>> -> memref<128xi32, #tpu.memory_space<hbm>>
        tpu.enqueue_dma source(%dma_start3A_23 : memref<128xi32, #tpu.memory_space<hbm>>) target(%arg9 : memref<128xi32, #tpu.memory_space<vmem>>) target_semaphore(%run_scoped3A : memref<!tpu.dma_semaphore, #tpu.memory_space<semaphore_mem>>)
        %dma_wait3A_24 = tpu.memref_slice %arg4[%add3A_11] : memref<323584xi32, #tpu.memory_space<hbm>> -> memref<128xi32, #tpu.memory_space<hbm>>
        %dma_wait3A_25 = tpu.memref_slice %arg4[%add3A_11] : memref<323584xi32, #tpu.memory_space<hbm>> -> memref<128xi32, #tpu.memory_space<hbm>>
        tpu.wait_dma2 semaphore(%run_scoped3A : memref<!tpu.dma_semaphore, #tpu.memory_space<semaphore_mem>>) src(%dma_wait3A_25 : memref<128xi32, #tpu.memory_space<hbm>>) dst(%arg9 : memref<128xi32, #tpu.memory_space<vmem>>)
        tpu.yield
      }) : () -> ()
      %dma_start3A = arith.constant 0 : i32
      %dma_start3A_12 = arith.constant 0 : i32
      %dma_start3A_13 = tpu.memref_slice %arg2[%dma_start3A, %dma_start3A_12] : memref<10000x256xf32, #tpu.memory_space<hbm>> -> memref<10000x256xf32, #tpu.memory_space<hbm>>
      tpu.enqueue_indirect_dma source(%dma_start3A_13 : memref<10000x256xf32, #tpu.memory_space<hbm>>) target(%arg8 : memref<128x256xf32, #tpu.memory_space<vmem>>) offsets(%arg7 : memref<128xi32, #tpu.memory_space<vmem>>) semaphore(%arg11 : memref<!tpu.dma_semaphore, #tpu.memory_space<semaphore_mem>>)
      %dma_start3A_14 = arith.constant 0 : i32
      %dma_start3A_15 = arith.constant 0 : i32
      %dma_start3A_16 = tpu.memref_slice %arg2[%dma_start3A_14, %dma_start3A_15] : memref<10000x256xf32, #tpu.memory_space<hbm>> -> memref<10000x256xf32, #tpu.memory_space<hbm>>
      tpu.enqueue_indirect_dma source(%dma_start3A_16 : memref<10000x256xf32, #tpu.memory_space<hbm>>) target(%arg10 : memref<128x256xf32, #tpu.memory_space<vmem>>) offsets(%arg9 : memref<128xi32, #tpu.memory_space<vmem>>) semaphore(%arg12 : memref<!tpu.dma_semaphore, #tpu.memory_space<semaphore_mem>>)
      %dma_wait3A = arith.constant 0 : i32
      %dma_wait3A_17 = arith.constant 0 : i32
      %dma_wait3A_18 = tpu.memref_slice %arg2[%dma_wait3A, %dma_wait3A_17] : memref<10000x256xf32, #tpu.memory_space<hbm>> -> memref<10000x256xf32, #tpu.memory_space<hbm>>
      tpu.wait_indirect_dma semaphore(%arg11 : memref<!tpu.dma_semaphore, #tpu.memory_space<semaphore_mem>>) src(%dma_wait3A_18 : memref<10000x256xf32, #tpu.memory_space<hbm>>) dst(%arg8 : memref<128x256xf32, #tpu.memory_space<vmem>>)
      "tpu.region"() ({
        %run_scoped3A = tpu.sem_alloc : memref<!tpu.dma_semaphore, #tpu.memory_space<semaphore_mem>>
        %dma_start3A_22 = arith.constant 0 : i32
        %dma_start3A_23 = tpu.memref_slice %arg5[%add3A_11, %dma_start3A_22] : memref<323584x256xf32, #tpu.memory_space<hbm>> -> memref<128x256xf32, #tpu.memory_space<hbm>>
        %dma_start3A_24 = arith.constant 0 : i32
        %dma_start3A_25 = tpu.memref_slice %arg5[%add3A_11, %dma_start3A_24] : memref<323584x256xf32, #tpu.memory_space<hbm>> -> memref<128x256xf32, #tpu.memory_space<hbm>>
        tpu.enqueue_dma source(%arg8 : memref<128x256xf32, #tpu.memory_space<vmem>>) target(%dma_start3A_25 : memref<128x256xf32, #tpu.memory_space<hbm>>) target_semaphore(%run_scoped3A : memref<!tpu.dma_semaphore, #tpu.memory_space<semaphore_mem>>)
        %dma_wait3A_26 = arith.constant 0 : i32
        %dma_wait3A_27 = tpu.memref_slice %arg5[%add3A_11, %dma_wait3A_26] : memref<323584x256xf32, #tpu.memory_space<hbm>> -> memref<128x256xf32, #tpu.memory_space<hbm>>
        %dma_wait3A_28 = arith.constant 0 : i32
        %dma_wait3A_29 = tpu.memref_slice %arg5[%add3A_11, %dma_wait3A_28] : memref<323584x256xf32, #tpu.memory_space<hbm>> -> memref<128x256xf32, #tpu.memory_space<hbm>>
        tpu.wait_dma2 semaphore(%run_scoped3A : memref<!tpu.dma_semaphore, #tpu.memory_space<semaphore_mem>>) src(%arg8 : memref<128x256xf32, #tpu.memory_space<vmem>>) dst(%dma_wait3A_29 : memref<128x256xf32, #tpu.memory_space<hbm>>)
        tpu.yield
      }) : () -> ()
      %dma_wait3A_19 = arith.constant 0 : i32
      %dma_wait3A_20 = arith.constant 0 : i32
      %dma_wait3A_21 = tpu.memref_slice %arg2[%dma_wait3A_19, %dma_wait3A_20] : memref<10000x256xf32, #tpu.memory_space<hbm>> -> memref<10000x256xf32, #tpu.memory_space<hbm>>
      tpu.wait_indirect_dma semaphore(%arg12 : memref<!tpu.dma_semaphore, #tpu.memory_space<semaphore_mem>>) src(%dma_wait3A_21 : memref<10000x256xf32, #tpu.memory_space<hbm>>) dst(%arg10 : memref<128x256xf32, #tpu.memory_space<vmem>>)
      "tpu.region"() ({
        %run_scoped3A = tpu.sem_alloc : memref<!tpu.dma_semaphore, #tpu.memory_space<semaphore_mem>>
        %dma_start3A_22 = arith.constant 0 : i32
        %dma_start3A_23 = tpu.memref_slice %arg6[%add3A_11, %dma_start3A_22] : memref<323584x256xf32, #tpu.memory_space<hbm>> -> memref<128x256xf32, #tpu.memory_space<hbm>>
        %dma_start3A_24 = arith.constant 0 : i32
        %dma_start3A_25 = tpu.memref_slice %arg6[%add3A_11, %dma_start3A_24] : memref<323584x256xf32, #tpu.memory_space<hbm>> -> memref<128x256xf32, #tpu.memory_space<hbm>>
        tpu.enqueue_dma source(%arg10 : memref<128x256xf32, #tpu.memory_space<vmem>>) target(%dma_start3A_25 : memref<128x256xf32, #tpu.memory_space<hbm>>) target_semaphore(%run_scoped3A : memref<!tpu.dma_semaphore, #tpu.memory_space<semaphore_mem>>)
        %dma_wait3A_26 = arith.constant 0 : i32
        %dma_wait3A_27 = tpu.memref_slice %arg6[%add3A_11, %dma_wait3A_26] : memref<323584x256xf32, #tpu.memory_space<hbm>> -> memref<128x256xf32, #tpu.memory_space<hbm>>
        %dma_wait3A_28 = arith.constant 0 : i32
        %dma_wait3A_29 = tpu.memref_slice %arg6[%add3A_11, %dma_wait3A_28] : memref<323584x256xf32, #tpu.memory_space<hbm>> -> memref<128x256xf32, #tpu.memory_space<hbm>>
        tpu.wait_dma2 semaphore(%run_scoped3A : memref<!tpu.dma_semaphore, #tpu.memory_space<semaphore_mem>>) src(%arg10 : memref<128x256xf32, #tpu.memory_space<vmem>>) dst(%dma_wait3A_29 : memref<128x256xf32, #tpu.memory_space<hbm>>)
        tpu.yield
      }) : () -> ()
    }
    %scan3A_7 = arith.constant 79 : i32
    return
  }
}

#map = affine_map<(d0, d1) -> (0, 0)>
#map1 = affine_map<(d0, d1) -> (0)>
module attributes {stable_mosaic.version = 14 : i64} {
  func.func @k(%arg0: i32, %arg1: i32, %arg2: memref<10000x256xf32, #tpu.memory_space<hbm>>, %arg3: memref<323584xi32, #tpu.memory_space<hbm>>, %arg4: memref<323584xi32, #tpu.memory_space<hbm>>, %arg5: memref<323584x256xf32, #tpu.memory_space<hbm>>, %arg6: memref<323584x256xf32, #tpu.memory_space<hbm>>, %arg7: memref<128xi32, #tpu.memory_space<vmem>>, %arg8: memref<128x256xf32, #tpu.memory_space<vmem>>, %arg9: memref<128xi32, #tpu.memory_space<vmem>>, %arg10: memref<128x256xf32, #tpu.memory_space<vmem>>, %arg11: memref<!tpu.dma_semaphore, #tpu.memory_space<semaphore_mem>>, %arg12: memref<!tpu.dma_semaphore, #tpu.memory_space<semaphore_mem>>) attributes {dimension_semantics = [#tpu.dimension_semantics<core_parallel>, #tpu.dimension_semantics<subcore_parallel>], iteration_bounds = array<i64: 2, 16>, scalar_prefetch = 0 : i64, scratch_operands = 6 : i64, tpu.core_type = #tpu.core_type<sc_vector_subcore>, window_params = [{transform_indices = #map}, {transform_indices = #map1}, {transform_indices = #map1}, {transform_indices = #map}, {transform_indices = #map}]} {
    %mul3A = arith.constant 2 : i32
    %mul3A_0 = arith.muli %arg1, %mul3A : i32
    %add3A = arith.addi %mul3A_0, %arg0 : i32
    %mul3A_1 = arith.constant 10112 : i32
    %mul3A_2 = arith.muli %add3A, %mul3A_1 : i32
    %scan3A = arith.constant 0 : i32
    %scan3A_3 = arith.constant 0 : i32
    %scan3A_4 = arith.constant 79 : i32
    %scan3A_5 = arith.addi %scan3A_3, %scan3A_4 : i32
    %scan3A_6 = arith.constant 1 : i32
    scf.for %scan3A_8 = %scan3A_3 to %scan3A_5 step %scan3A_6  : i32 {
      %mul3A_9 = arith.constant 128 : i32
      %mul3A_10 = arith.muli %scan3A_8, %mul3A_9 : i32
      %add3A_11 = arith.addi %mul3A_2, %mul3A_10 : i32
      "tpu.region"() ({
        %run_scoped3A = tpu.sem_alloc : memref<!tpu.dma_semaphore, #tpu.memory_space<semaphore_mem>>
        %dma_start3A_22 = tpu.memref_slice %arg3[%add3A_11] : memref<323584xi32, #tpu.memory_space<hbm>> -> memref<128xi32, #tpu.memory_space<hbm>>
        %dma_start3A_23 = tpu.memref_slice %arg3[%add3A_11] : memref<323584xi32, #tpu.memory_space<hbm>> -> memref<128xi32, #tpu.memory_space<hbm>>
        tpu.enqueue_dma source(%dma_start3A_23 : memref<128xi32, #tpu.memory_space<hbm>>) target(%arg7 : memref<128xi32, #tpu.memory_space<vmem>>) target_semaphore(%run_scoped3A : memref<!tpu.dma_semaphore, #tpu.memory_space<semaphore_mem>>)
        %dma_wait3A_24 = tpu.memref_slice %arg3[%add3A_11] : memref<323584xi32, #tpu.memory_space<hbm>> -> memref<128xi32, #tpu.memory_space<hbm>>
        %dma_wait3A_25 = tpu.memref_slice %arg3[%add3A_11] : memref<323584xi32, #tpu.memory_space<hbm>> -> memref<128xi32, #tpu.memory_space<hbm>>
        tpu.wait_dma2 semaphore(%run_scoped3A : memref<!tpu.dma_semaphore, #tpu.memory_space<semaphore_mem>>) src(%dma_wait3A_25 : memref<128xi32, #tpu.memory_space<hbm>>) dst(%arg7 : memref<128xi32, #tpu.memory_space<vmem>>)
        tpu.yield
      }) : () -> ()
      "tpu.region"() ({
        %run_scoped3A = tpu.sem_alloc : memref<!tpu.dma_semaphore, #tpu.memory_space<semaphore_mem>>
        %dma_start3A_22 = tpu.memref_slice %arg4[%add3A_11] : memref<323584xi32, #tpu.memory_space<hbm>> -> memref<128xi32, #tpu.memory_space<hbm>>
        %dma_start3A_23 = tpu.memref_slice %arg4[%add3A_11] : memref<323584xi32, #tpu.memory_space<hbm>> -> memref<128xi32, #tpu.memory_space<hbm>>
        tpu.enqueue_dma source(%dma_start3A_23 : memref<128xi32, #tpu.memory_space<hbm>>) target(%arg9 : memref<128xi32, #tpu.memory_space<vmem>>) target_semaphore(%run_scoped3A : memref<!tpu.dma_semaphore, #tpu.memory_space<semaphore_mem>>)
        %dma_wait3A_24 = tpu.memref_slice %arg4[%add3A_11] : memref<323584xi32, #tpu.memory_space<hbm>> -> memref<128xi32, #tpu.memory_space<hbm>>
        %dma_wait3A_25 = tpu.memref_slice %arg4[%add3A_11] : memref<323584xi32, #tpu.memory_space<hbm>> -> memref<128xi32, #tpu.memory_space<hbm>>
        tpu.wait_dma2 semaphore(%run_scoped3A : memref<!tpu.dma_semaphore, #tpu.memory_space<semaphore_mem>>) src(%dma_wait3A_25 : memref<128xi32, #tpu.memory_space<hbm>>) dst(%arg9 : memref<128xi32, #tpu.memory_space<vmem>>)
        tpu.yield
      }) : () -> ()
      %dma_start3A = arith.constant 0 : i32
      %dma_start3A_12 = arith.constant 0 : i32
      %dma_start3A_13 = tpu.memref_slice %arg2[%dma_start3A, %dma_start3A_12] : memref<10000x256xf32, #tpu.memory_space<hbm>> -> memref<10000x256xf32, #tpu.memory_space<hbm>>
      tpu.enqueue_indirect_dma source(%dma_start3A_13 : memref<10000x256xf32, #tpu.memory_space<hbm>>) target(%arg8 : memref<128x256xf32, #tpu.memory_space<vmem>>) offsets(%arg7 : memref<128xi32, #tpu.memory_space<vmem>>) semaphore(%arg11 : memref<!tpu.dma_semaphore, #tpu.memory_space<semaphore_mem>>)
      %dma_start3A_14 = arith.constant 0 : i32
      %dma_start3A_15 = arith.constant 0 : i32
      %dma_start3A_16 = tpu.memref_slice %arg2[%dma_start3A_14, %dma_start3A_15] : memref<10000x256xf32, #tpu.memory_space<hbm>> -> memref<10000x256xf32, #tpu.memory_space<hbm>>
      tpu.enqueue_indirect_dma source(%dma_start3A_16 : memref<10000x256xf32, #tpu.memory_space<hbm>>) target(%arg10 : memref<128x256xf32, #tpu.memory_space<vmem>>) offsets(%arg9 : memref<128xi32, #tpu.memory_space<vmem>>) semaphore(%arg12 : memref<!tpu.dma_semaphore, #tpu.memory_space<semaphore_mem>>)
      %dma_wait3A = arith.constant 0 : i32
      %dma_wait3A_17 = arith.constant 0 : i32
      %dma_wait3A_18 = tpu.memref_slice %arg2[%dma_wait3A, %dma_wait3A_17] : memref<10000x256xf32, #tpu.memory_space<hbm>> -> memref<10000x256xf32, #tpu.memory_space<hbm>>
      tpu.wait_indirect_dma semaphore(%arg11 : memref<!tpu.dma_semaphore, #tpu.memory_space<semaphore_mem>>) src(%dma_wait3A_18 : memref<10000x256xf32, #tpu.memory_space<hbm>>) dst(%arg8 : memref<128x256xf32, #tpu.memory_space<vmem>>)
      "tpu.region"() ({
        %run_scoped3A = tpu.sem_alloc : memref<!tpu.dma_semaphore, #tpu.memory_space<semaphore_mem>>
        %dma_start3A_22 = arith.constant 0 : i32
        %dma_start3A_23 = tpu.memref_slice %arg5[%add3A_11, %dma_start3A_22] : memref<323584x256xf32, #tpu.memory_space<hbm>> -> memref<128x256xf32, #tpu.memory_space<hbm>>
        %dma_start3A_24 = arith.constant 0 : i32
        %dma_start3A_25 = tpu.memref_slice %arg5[%add3A_11, %dma_start3A_24] : memref<323584x256xf32, #tpu.memory_space<hbm>> -> memref<128x256xf32, #tpu.memory_space<hbm>>
        tpu.enqueue_dma source(%arg8 : memref<128x256xf32, #tpu.memory_space<vmem>>) target(%dma_start3A_25 : memref<128x256xf32, #tpu.memory_space<hbm>>) target_semaphore(%run_scoped3A : memref<!tpu.dma_semaphore, #tpu.memory_space<semaphore_mem>>)
        %dma_wait3A_26 = arith.constant 0 : i32
        %dma_wait3A_27 = tpu.memref_slice %arg5[%add3A_11, %dma_wait3A_26] : memref<323584x256xf32, #tpu.memory_space<hbm>> -> memref<128x256xf32, #tpu.memory_space<hbm>>
        %dma_wait3A_28 = arith.constant 0 : i32
        %dma_wait3A_29 = tpu.memref_slice %arg5[%add3A_11, %dma_wait3A_28] : memref<323584x256xf32, #tpu.memory_space<hbm>> -> memref<128x256xf32, #tpu.memory_space<hbm>>
        tpu.wait_dma2 semaphore(%run_scoped3A : memref<!tpu.dma_semaphore, #tpu.memory_space<semaphore_mem>>) src(%arg8 : memref<128x256xf32, #tpu.memory_space<vmem>>) dst(%dma_wait3A_29 : memref<128x256xf32, #tpu.memory_space<hbm>>)
        tpu.yield
      }) : () -> ()
      %dma_wait3A_19 = arith.constant 0 : i32
      %dma_wait3A_20 = arith.constant 0 : i32
      %dma_wait3A_21 = tpu.memref_slice %arg2[%dma_wait3A_19, %dma_wait3A_20] : memref<10000x256xf32, #tpu.memory_space<hbm>> -> memref<10000x256xf32, #tpu.memory_space<hbm>>
      tpu.wait_indirect_dma semaphore(%arg12 : memref<!tpu.dma_semaphore, #tpu.memory_space<semaphore_mem>>) src(%dma_wait3A_21 : memref<10000x256xf32, #tpu.memory_space<hbm>>) dst(%arg10 : memref<128x256xf32, #tpu.memory_space<vmem>>)
      "tpu.region"() ({
        %run_scoped3A = tpu.sem_alloc : memref<!tpu.dma_semaphore, #tpu.memory_space<semaphore_mem>>
        %dma_start3A_22 = arith.constant 0 : i32
        %dma_start3A_23 = tpu.memref_slice %arg6[%add3A_11, %dma_start3A_22] : memref<323584x256xf32, #tpu.memory_space<hbm>> -> memref<128x256xf32, #tpu.memory_space<hbm>>
        %dma_start3A_24 = arith.constant 0 : i32
        %dma_start3A_25 = tpu.memref_slice %arg6[%add3A_11, %dma_start3A_24] : memref<323584x256xf32, #tpu.memory_space<hbm>> -> memref<128x256xf32, #tpu.memory_space<hbm>>
        tpu.enqueue_dma source(%arg10 : memref<128x256xf32, #tpu.memory_space<vmem>>) target(%dma_start3A_25 : memref<128x256xf32, #tpu.memory_space<hbm>>) target_semaphore(%run_scoped3A : memref<!tpu.dma_semaphore, #tpu.memory_space<semaphore_mem>>)
        %dma_wait3A_26 = arith.constant 0 : i32
        %dma_wait3A_27 = tpu.memref_slice %arg6[%add3A_11, %dma_wait3A_26] : memref<323584x256xf32, #tpu.memory_space<hbm>> -> memref<128x256xf32, #tpu.memory_space<hbm>>
        %dma_wait3A_28 = arith.constant 0 : i32
        %dma_wait3A_29 = tpu.memref_slice %arg6[%add3A_11, %dma_wait3A_28] : memref<323584x256xf32, #tpu.memory_space<hbm>> -> memref<128x256xf32, #tpu.memory_space<hbm>>
        tpu.wait_dma2 semaphore(%run_scoped3A : memref<!tpu.dma_semaphore, #tpu.memory_space<semaphore_mem>>) src(%arg10 : memref<128x256xf32, #tpu.memory_space<vmem>>) dst(%dma_wait3A_29 : memref<128x256xf32, #tpu.memory_space<hbm>>)
        tpu.yield
      }) : () -> ()
    }
    %scan3A_7 = arith.constant 79 : i32
    return
  }
}

#map = affine_map<(d0, d1) -> (0, 0)>
#map1 = affine_map<(d0, d1) -> (0)>
#map2 = affine_map<(d0, d1) -> (0, 0, 0)>
module attributes {stable_mosaic.version = 14 : i64} {
  func.func @k(%arg0: i32, %arg1: i32, %arg2: memref<323584x128xf32, #tpu.memory_space<hbm>>, %arg3: memref<323584xi32, #tpu.memory_space<hbm>>, %arg4: memref<10112x128xf32, #tpu.memory_space<hbm>>, %arg5: memref<2x10112x128xf32, #tpu.memory_space<hbm>>, %arg6: memref<128xi32, #tpu.memory_space<vmem>>, %arg7: memref<128x128xf32, #tpu.memory_space<vmem>>, %arg8: memref<10112x128xf32, #tpu.memory_space<vmem_shared>>) attributes {dimension_semantics = [#tpu.dimension_semantics<core_parallel>, #tpu.dimension_semantics<subcore_parallel>], iteration_bounds = array<i64: 2, 16>, scalar_prefetch = 0 : i64, scratch_operands = 3 : i64, tpu.core_type = #tpu.core_type<sc_vector_subcore>, window_params = [{transform_indices = #map}, {transform_indices = #map1}, {transform_indices = #map}, {transform_indices = #map2}]} {
    %mul3A = arith.constant 2 : i32
    %mul3A_0 = arith.muli %arg1, %mul3A : i32
    %add3A = arith.addi %mul3A_0, %arg0 : i32
    %eq3A = arith.constant 0 : i32
    %eq3A_1 = arith.cmpi eq, %arg1, %eq3A : i32
    %convert_element_type3A = arith.extui %eq3A_1 : i1 to i32
    %cond3A = arith.constant 0 : i32
    %cond3A_2 = arith.cmpi ne, %convert_element_type3A, %cond3A : i32
    scf.if %cond3A_2 {
      "tpu.region"() ({
        %run_scoped3A = tpu.sem_alloc : memref<!tpu.dma_semaphore, #tpu.memory_space<semaphore_mem>>
        tpu.enqueue_dma source(%arg4 : memref<10112x128xf32, #tpu.memory_space<hbm>>) target(%arg8 : memref<10112x128xf32, #tpu.memory_space<vmem_shared>>) target_semaphore(%run_scoped3A : memref<!tpu.dma_semaphore, #tpu.memory_space<semaphore_mem>>)
        tpu.wait_dma2 semaphore(%run_scoped3A : memref<!tpu.dma_semaphore, #tpu.memory_space<semaphore_mem>>) src(%arg4 : memref<10112x128xf32, #tpu.memory_space<hbm>>) dst(%arg8 : memref<10112x128xf32, #tpu.memory_space<vmem_shared>>)
        tpu.yield
      }) : () -> ()
    } else {
    }
    %barrier3A = arith.constant 0 : index
    tpu.barrier barrier_id(%barrier3A)
    %mul3A_3 = arith.constant 10112 : i32
    %mul3A_4 = arith.muli %add3A, %mul3A_3 : i32
    %scan3A = arith.constant 0 : i32
    %scan3A_5 = arith.constant 0 : i32
    %scan3A_6 = arith.constant 79 : i32
    %scan3A_7 = arith.addi %scan3A_5, %scan3A_6 : i32
    %scan3A_8 = arith.constant 1 : i32
    scf.for %scan3A_13 = %scan3A_5 to %scan3A_7 step %scan3A_8  : i32 {
      %mul3A_14 = arith.constant 128 : i32
      %mul3A_15 = arith.muli %scan3A_13, %mul3A_14 : i32
      %add3A_16 = arith.addi %mul3A_4, %mul3A_15 : i32
      "tpu.region"() ({
        %run_scoped3A = tpu.sem_alloc : memref<!tpu.dma_semaphore, #tpu.memory_space<semaphore_mem>>
        %dma_start3A = tpu.memref_slice %arg3[%add3A_16] : memref<323584xi32, #tpu.memory_space<hbm>> -> memref<128xi32, #tpu.memory_space<hbm>>
        %dma_start3A_17 = tpu.memref_slice %arg3[%add3A_16] : memref<323584xi32, #tpu.memory_space<hbm>> -> memref<128xi32, #tpu.memory_space<hbm>>
        tpu.enqueue_dma source(%dma_start3A_17 : memref<128xi32, #tpu.memory_space<hbm>>) target(%arg6 : memref<128xi32, #tpu.memory_space<vmem>>) target_semaphore(%run_scoped3A : memref<!tpu.dma_semaphore, #tpu.memory_space<semaphore_mem>>)
        %dma_wait3A = tpu.memref_slice %arg3[%add3A_16] : memref<323584xi32, #tpu.memory_space<hbm>> -> memref<128xi32, #tpu.memory_space<hbm>>
        %dma_wait3A_18 = tpu.memref_slice %arg3[%add3A_16] : memref<323584xi32, #tpu.memory_space<hbm>> -> memref<128xi32, #tpu.memory_space<hbm>>
        tpu.wait_dma2 semaphore(%run_scoped3A : memref<!tpu.dma_semaphore, #tpu.memory_space<semaphore_mem>>) src(%dma_wait3A_18 : memref<128xi32, #tpu.memory_space<hbm>>) dst(%arg6 : memref<128xi32, #tpu.memory_space<vmem>>)
        tpu.yield
      }) : () -> ()
      "tpu.region"() ({
        %run_scoped3A = tpu.sem_alloc : memref<!tpu.dma_semaphore, #tpu.memory_space<semaphore_mem>>
        %dma_start3A = arith.constant 0 : i32
        %dma_start3A_17 = tpu.memref_slice %arg2[%add3A_16, %dma_start3A] : memref<323584x128xf32, #tpu.memory_space<hbm>> -> memref<128x128xf32, #tpu.memory_space<hbm>>
        %dma_start3A_18 = arith.constant 0 : i32
        %dma_start3A_19 = tpu.memref_slice %arg2[%add3A_16, %dma_start3A_18] : memref<323584x128xf32, #tpu.memory_space<hbm>> -> memref<128x128xf32, #tpu.memory_space<hbm>>
        tpu.enqueue_dma source(%dma_start3A_19 : memref<128x128xf32, #tpu.memory_space<hbm>>) target(%arg7 : memref<128x128xf32, #tpu.memory_space<vmem>>) target_semaphore(%run_scoped3A : memref<!tpu.dma_semaphore, #tpu.memory_space<semaphore_mem>>)
        %dma_wait3A = arith.constant 0 : i32
        %dma_wait3A_20 = tpu.memref_slice %arg2[%add3A_16, %dma_wait3A] : memref<323584x128xf32, #tpu.memory_space<hbm>> -> memref<128x128xf32, #tpu.memory_space<hbm>>
        %dma_wait3A_21 = arith.constant 0 : i32
        %dma_wait3A_22 = tpu.memref_slice %arg2[%add3A_16, %dma_wait3A_21] : memref<323584x128xf32, #tpu.memory_space<hbm>> -> memref<128x128xf32, #tpu.memory_space<hbm>>
        tpu.wait_dma2 semaphore(%run_scoped3A : memref<!tpu.dma_semaphore, #tpu.memory_space<semaphore_mem>>) src(%dma_wait3A_22 : memref<128x128xf32, #tpu.memory_space<hbm>>) dst(%arg7 : memref<128x128xf32, #tpu.memory_space<vmem>>)
        tpu.yield
      }) : () -> ()
      "tpu.region"() ({
        %run_scoped3A = tpu.sem_alloc : memref<!tpu.dma_semaphore, #tpu.memory_space<semaphore_mem>>
        %dma_start3A = arith.constant 0 : i32
        %dma_start3A_17 = arith.constant 0 : i32
        %dma_start3A_18 = tpu.memref_slice %arg8[%dma_start3A, %dma_start3A_17] : memref<10112x128xf32, #tpu.memory_space<vmem_shared>> -> memref<10112x128xf32, #tpu.memory_space<vmem_shared>>
        tpu.enqueue_indirect_dma source(%arg7 : memref<128x128xf32, #tpu.memory_space<vmem>>) target(%dma_start3A_18 : memref<10112x128xf32, #tpu.memory_space<vmem_shared>>) offsets(%arg6 : memref<128xi32, #tpu.memory_space<vmem>>) semaphore(%run_scoped3A : memref<!tpu.dma_semaphore, #tpu.memory_space<semaphore_mem>>) {add = true}
        %dma_wait3A = arith.constant 0 : i32
        %dma_wait3A_19 = arith.constant 0 : i32
        %dma_wait3A_20 = tpu.memref_slice %arg8[%dma_wait3A, %dma_wait3A_19] : memref<10112x128xf32, #tpu.memory_space<vmem_shared>> -> memref<10112x128xf32, #tpu.memory_space<vmem_shared>>
        tpu.wait_indirect_dma semaphore(%run_scoped3A : memref<!tpu.dma_semaphore, #tpu.memory_space<semaphore_mem>>) src(%arg7 : memref<128x128xf32, #tpu.memory_space<vmem>>) dst(%dma_wait3A_20 : memref<10112x128xf32, #tpu.memory_space<vmem_shared>>)
        tpu.yield
      }) : () -> ()
    }
    %scan3A_9 = arith.constant 79 : i32
    %barrier3A_10 = arith.constant 0 : index
    tpu.barrier barrier_id(%barrier3A_10)
    %mul3A_11 = arith.constant 632 : i32
    %mul3A_12 = arith.muli %arg1, %mul3A_11 : i32
    "tpu.region"() ({
      %run_scoped3A = tpu.sem_alloc : memref<!tpu.dma_semaphore, #tpu.memory_space<semaphore_mem>>
      %dma_start3A = arith.constant 0 : i32
      %dma_start3A_13 = tpu.memref_slice %arg5[%arg0, %mul3A_12, %dma_start3A] : memref<2x10112x128xf32, #tpu.memory_space<hbm>> -> memref<1x632x128xf32, #tpu.memory_space<hbm>>
      %dma_start3A_14 = tpu.memref_squeeze %dma_start3A_13 : memref<1x632x128xf32, #tpu.memory_space<hbm>> -> memref<632x128xf32, #tpu.memory_space<hbm>>
      %dma_start3A_15 = arith.constant 0 : i32
      %dma_start3A_16 = tpu.memref_slice %arg8[%mul3A_12, %dma_start3A_15] : memref<10112x128xf32, #tpu.memory_space<vmem_shared>> -> memref<632x128xf32, #tpu.memory_space<vmem_shared>>
      tpu.enqueue_dma source(%dma_start3A_16 : memref<632x128xf32, #tpu.memory_space<vmem_shared>>) target(%dma_start3A_14 : memref<632x128xf32, #tpu.memory_space<hbm>>) target_semaphore(%run_scoped3A : memref<!tpu.dma_semaphore, #tpu.memory_space<semaphore_mem>>)
      %dma_wait3A = arith.constant 0 : i32
      %dma_wait3A_17 = tpu.memref_slice %arg5[%arg0, %mul3A_12, %dma_wait3A] : memref<2x10112x128xf32, #tpu.memory_space<hbm>> -> memref<1x632x128xf32, #tpu.memory_space<hbm>>
      %dma_wait3A_18 = tpu.memref_squeeze %dma_wait3A_17 : memref<1x632x128xf32, #tpu.memory_space<hbm>> -> memref<632x128xf32, #tpu.memory_space<hbm>>
      %dma_wait3A_19 = arith.constant 0 : i32
      %dma_wait3A_20 = tpu.memref_slice %arg8[%mul3A_12, %dma_wait3A_19] : memref<10112x128xf32, #tpu.memory_space<vmem_shared>> -> memref<632x128xf32, #tpu.memory_space<vmem_shared>>
      tpu.wait_dma2 semaphore(%run_scoped3A : memref<!tpu.dma_semaphore, #tpu.memory_space<semaphore_mem>>) src(%dma_wait3A_20 : memref<632x128xf32, #tpu.memory_space<vmem_shared>>) dst(%dma_wait3A_18 : memref<632x128xf32, #tpu.memory_space<hbm>>)
      tpu.yield
    }) : () -> ()
    return
  }
}

#map = affine_map<(d0, d1) -> (0, 0)>
#map1 = affine_map<(d0, d1) -> (0)>
#map2 = affine_map<(d0, d1) -> (0, 0, 0)>
module attributes {stable_mosaic.version = 14 : i64} {
  func.func @k(%arg0: i32, %arg1: i32, %arg2: memref<323584x128xf32, #tpu.memory_space<hbm>>, %arg3: memref<323584xi32, #tpu.memory_space<hbm>>, %arg4: memref<10112x128xf32, #tpu.memory_space<hbm>>, %arg5: memref<2x10112x128xf32, #tpu.memory_space<hbm>>, %arg6: memref<128xi32, #tpu.memory_space<vmem>>, %arg7: memref<128x128xf32, #tpu.memory_space<vmem>>, %arg8: memref<10112x128xf32, #tpu.memory_space<vmem_shared>>) attributes {dimension_semantics = [#tpu.dimension_semantics<core_parallel>, #tpu.dimension_semantics<subcore_parallel>], iteration_bounds = array<i64: 2, 16>, scalar_prefetch = 0 : i64, scratch_operands = 3 : i64, tpu.core_type = #tpu.core_type<sc_vector_subcore>, window_params = [{transform_indices = #map}, {transform_indices = #map1}, {transform_indices = #map}, {transform_indices = #map2}]} {
    %mul3A = arith.constant 2 : i32
    %mul3A_0 = arith.muli %arg1, %mul3A : i32
    %add3A = arith.addi %mul3A_0, %arg0 : i32
    %eq3A = arith.constant 0 : i32
    %eq3A_1 = arith.cmpi eq, %arg1, %eq3A : i32
    %convert_element_type3A = arith.extui %eq3A_1 : i1 to i32
    %cond3A = arith.constant 0 : i32
    %cond3A_2 = arith.cmpi ne, %convert_element_type3A, %cond3A : i32
    scf.if %cond3A_2 {
      "tpu.region"() ({
        %run_scoped3A = tpu.sem_alloc : memref<!tpu.dma_semaphore, #tpu.memory_space<semaphore_mem>>
        tpu.enqueue_dma source(%arg4 : memref<10112x128xf32, #tpu.memory_space<hbm>>) target(%arg8 : memref<10112x128xf32, #tpu.memory_space<vmem_shared>>) target_semaphore(%run_scoped3A : memref<!tpu.dma_semaphore, #tpu.memory_space<semaphore_mem>>)
        tpu.wait_dma2 semaphore(%run_scoped3A : memref<!tpu.dma_semaphore, #tpu.memory_space<semaphore_mem>>) src(%arg4 : memref<10112x128xf32, #tpu.memory_space<hbm>>) dst(%arg8 : memref<10112x128xf32, #tpu.memory_space<vmem_shared>>)
        tpu.yield
      }) : () -> ()
    } else {
    }
    %barrier3A = arith.constant 0 : index
    tpu.barrier barrier_id(%barrier3A)
    %mul3A_3 = arith.constant 10112 : i32
    %mul3A_4 = arith.muli %add3A, %mul3A_3 : i32
    %scan3A = arith.constant 0 : i32
    %scan3A_5 = arith.constant 0 : i32
    %scan3A_6 = arith.constant 79 : i32
    %scan3A_7 = arith.addi %scan3A_5, %scan3A_6 : i32
    %scan3A_8 = arith.constant 1 : i32
    scf.for %scan3A_13 = %scan3A_5 to %scan3A_7 step %scan3A_8  : i32 {
      %mul3A_14 = arith.constant 128 : i32
      %mul3A_15 = arith.muli %scan3A_13, %mul3A_14 : i32
      %add3A_16 = arith.addi %mul3A_4, %mul3A_15 : i32
      "tpu.region"() ({
        %run_scoped3A = tpu.sem_alloc : memref<!tpu.dma_semaphore, #tpu.memory_space<semaphore_mem>>
        %dma_start3A = tpu.memref_slice %arg3[%add3A_16] : memref<323584xi32, #tpu.memory_space<hbm>> -> memref<128xi32, #tpu.memory_space<hbm>>
        %dma_start3A_17 = tpu.memref_slice %arg3[%add3A_16] : memref<323584xi32, #tpu.memory_space<hbm>> -> memref<128xi32, #tpu.memory_space<hbm>>
        tpu.enqueue_dma source(%dma_start3A_17 : memref<128xi32, #tpu.memory_space<hbm>>) target(%arg6 : memref<128xi32, #tpu.memory_space<vmem>>) target_semaphore(%run_scoped3A : memref<!tpu.dma_semaphore, #tpu.memory_space<semaphore_mem>>)
        %dma_wait3A = tpu.memref_slice %arg3[%add3A_16] : memref<323584xi32, #tpu.memory_space<hbm>> -> memref<128xi32, #tpu.memory_space<hbm>>
        %dma_wait3A_18 = tpu.memref_slice %arg3[%add3A_16] : memref<323584xi32, #tpu.memory_space<hbm>> -> memref<128xi32, #tpu.memory_space<hbm>>
        tpu.wait_dma2 semaphore(%run_scoped3A : memref<!tpu.dma_semaphore, #tpu.memory_space<semaphore_mem>>) src(%dma_wait3A_18 : memref<128xi32, #tpu.memory_space<hbm>>) dst(%arg6 : memref<128xi32, #tpu.memory_space<vmem>>)
        tpu.yield
      }) : () -> ()
      "tpu.region"() ({
        %run_scoped3A = tpu.sem_alloc : memref<!tpu.dma_semaphore, #tpu.memory_space<semaphore_mem>>
        %dma_start3A = arith.constant 0 : i32
        %dma_start3A_17 = tpu.memref_slice %arg2[%add3A_16, %dma_start3A] : memref<323584x128xf32, #tpu.memory_space<hbm>> -> memref<128x128xf32, #tpu.memory_space<hbm>>
        %dma_start3A_18 = arith.constant 0 : i32
        %dma_start3A_19 = tpu.memref_slice %arg2[%add3A_16, %dma_start3A_18] : memref<323584x128xf32, #tpu.memory_space<hbm>> -> memref<128x128xf32, #tpu.memory_space<hbm>>
        tpu.enqueue_dma source(%dma_start3A_19 : memref<128x128xf32, #tpu.memory_space<hbm>>) target(%arg7 : memref<128x128xf32, #tpu.memory_space<vmem>>) target_semaphore(%run_scoped3A : memref<!tpu.dma_semaphore, #tpu.memory_space<semaphore_mem>>)
        %dma_wait3A = arith.constant 0 : i32
        %dma_wait3A_20 = tpu.memref_slice %arg2[%add3A_16, %dma_wait3A] : memref<323584x128xf32, #tpu.memory_space<hbm>> -> memref<128x128xf32, #tpu.memory_space<hbm>>
        %dma_wait3A_21 = arith.constant 0 : i32
        %dma_wait3A_22 = tpu.memref_slice %arg2[%add3A_16, %dma_wait3A_21] : memref<323584x128xf32, #tpu.memory_space<hbm>> -> memref<128x128xf32, #tpu.memory_space<hbm>>
        tpu.wait_dma2 semaphore(%run_scoped3A : memref<!tpu.dma_semaphore, #tpu.memory_space<semaphore_mem>>) src(%dma_wait3A_22 : memref<128x128xf32, #tpu.memory_space<hbm>>) dst(%arg7 : memref<128x128xf32, #tpu.memory_space<vmem>>)
        tpu.yield
      }) : () -> ()
      "tpu.region"() ({
        %run_scoped3A = tpu.sem_alloc : memref<!tpu.dma_semaphore, #tpu.memory_space<semaphore_mem>>
        %dma_start3A = arith.constant 0 : i32
        %dma_start3A_17 = arith.constant 0 : i32
        %dma_start3A_18 = tpu.memref_slice %arg8[%dma_start3A, %dma_start3A_17] : memref<10112x128xf32, #tpu.memory_space<vmem_shared>> -> memref<10112x128xf32, #tpu.memory_space<vmem_shared>>
        tpu.enqueue_indirect_dma source(%arg7 : memref<128x128xf32, #tpu.memory_space<vmem>>) target(%dma_start3A_18 : memref<10112x128xf32, #tpu.memory_space<vmem_shared>>) offsets(%arg6 : memref<128xi32, #tpu.memory_space<vmem>>) semaphore(%run_scoped3A : memref<!tpu.dma_semaphore, #tpu.memory_space<semaphore_mem>>) {add = true}
        %dma_wait3A = arith.constant 0 : i32
        %dma_wait3A_19 = arith.constant 0 : i32
        %dma_wait3A_20 = tpu.memref_slice %arg8[%dma_wait3A, %dma_wait3A_19] : memref<10112x128xf32, #tpu.memory_space<vmem_shared>> -> memref<10112x128xf32, #tpu.memory_space<vmem_shared>>
        tpu.wait_indirect_dma semaphore(%run_scoped3A : memref<!tpu.dma_semaphore, #tpu.memory_space<semaphore_mem>>) src(%arg7 : memref<128x128xf32, #tpu.memory_space<vmem>>) dst(%dma_wait3A_20 : memref<10112x128xf32, #tpu.memory_space<vmem_shared>>)
        tpu.yield
      }) : () -> ()
    }
    %scan3A_9 = arith.constant 79 : i32
    %barrier3A_10 = arith.constant 0 : index
    tpu.barrier barrier_id(%barrier3A_10)
    %mul3A_11 = arith.constant 632 : i32
    %mul3A_12 = arith.muli %arg1, %mul3A_11 : i32
    "tpu.region"() ({
      %run_scoped3A = tpu.sem_alloc : memref<!tpu.dma_semaphore, #tpu.memory_space<semaphore_mem>>
      %dma_start3A = arith.constant 0 : i32
      %dma_start3A_13 = tpu.memref_slice %arg5[%arg0, %mul3A_12, %dma_start3A] : memref<2x10112x128xf32, #tpu.memory_space<hbm>> -> memref<1x632x128xf32, #tpu.memory_space<hbm>>
      %dma_start3A_14 = tpu.memref_squeeze %dma_start3A_13 : memref<1x632x128xf32, #tpu.memory_space<hbm>> -> memref<632x128xf32, #tpu.memory_space<hbm>>
      %dma_start3A_15 = arith.constant 0 : i32
      %dma_start3A_16 = tpu.memref_slice %arg8[%mul3A_12, %dma_start3A_15] : memref<10112x128xf32, #tpu.memory_space<vmem_shared>> -> memref<632x128xf32, #tpu.memory_space<vmem_shared>>
      tpu.enqueue_dma source(%dma_start3A_16 : memref<632x128xf32, #tpu.memory_space<vmem_shared>>) target(%dma_start3A_14 : memref<632x128xf32, #tpu.memory_space<hbm>>) target_semaphore(%run_scoped3A : memref<!tpu.dma_semaphore, #tpu.memory_space<semaphore_mem>>)
      %dma_wait3A = arith.constant 0 : i32
      %dma_wait3A_17 = tpu.memref_slice %arg5[%arg0, %mul3A_12, %dma_wait3A] : memref<2x10112x128xf32, #tpu.memory_space<hbm>> -> memref<1x632x128xf32, #tpu.memory_space<hbm>>
      %dma_wait3A_18 = tpu.memref_squeeze %dma_wait3A_17 : memref<1x632x128xf32, #tpu.memory_space<hbm>> -> memref<632x128xf32, #tpu.memory_space<hbm>>
      %dma_wait3A_19 = arith.constant 0 : i32
      %dma_wait3A_20 = tpu.memref_slice %arg8[%mul3A_12, %dma_wait3A_19] : memref<10112x128xf32, #tpu.memory_space<vmem_shared>> -> memref<632x128xf32, #tpu.memory_space<vmem_shared>>
      tpu.wait_dma2 semaphore(%run_scoped3A : memref<!tpu.dma_semaphore, #tpu.memory_space<semaphore_mem>>) src(%dma_wait3A_20 : memref<632x128xf32, #tpu.memory_space<vmem_shared>>) dst(%dma_wait3A_18 : memref<632x128xf32, #tpu.memory_space<hbm>>)
      tpu.yield
    }) : () -> ()
    return
  }
}

#map = affine_map<(d0, d1) -> (0, 0)>
#map1 = affine_map<(d0, d1) -> (0)>
#map2 = affine_map<(d0, d1) -> (0, 0, 0)>
module attributes {stable_mosaic.version = 14 : i64} {
  func.func @k(%arg0: i32, %arg1: i32, %arg2: memref<323584x128xf32, #tpu.memory_space<hbm>>, %arg3: memref<323584xi32, #tpu.memory_space<hbm>>, %arg4: memref<10112x128xf32, #tpu.memory_space<hbm>>, %arg5: memref<2x10112x128xf32, #tpu.memory_space<hbm>>, %arg6: memref<128xi32, #tpu.memory_space<vmem>>, %arg7: memref<128x128xf32, #tpu.memory_space<vmem>>, %arg8: memref<10112x128xf32, #tpu.memory_space<vmem_shared>>) attributes {dimension_semantics = [#tpu.dimension_semantics<core_parallel>, #tpu.dimension_semantics<subcore_parallel>], iteration_bounds = array<i64: 2, 16>, scalar_prefetch = 0 : i64, scratch_operands = 3 : i64, tpu.core_type = #tpu.core_type<sc_vector_subcore>, window_params = [{transform_indices = #map}, {transform_indices = #map1}, {transform_indices = #map}, {transform_indices = #map2}]} {
    %mul3A = arith.constant 2 : i32
    %mul3A_0 = arith.muli %arg1, %mul3A : i32
    %add3A = arith.addi %mul3A_0, %arg0 : i32
    %eq3A = arith.constant 0 : i32
    %eq3A_1 = arith.cmpi eq, %arg1, %eq3A : i32
    %convert_element_type3A = arith.extui %eq3A_1 : i1 to i32
    %cond3A = arith.constant 0 : i32
    %cond3A_2 = arith.cmpi ne, %convert_element_type3A, %cond3A : i32
    scf.if %cond3A_2 {
      "tpu.region"() ({
        %run_scoped3A = tpu.sem_alloc : memref<!tpu.dma_semaphore, #tpu.memory_space<semaphore_mem>>
        tpu.enqueue_dma source(%arg4 : memref<10112x128xf32, #tpu.memory_space<hbm>>) target(%arg8 : memref<10112x128xf32, #tpu.memory_space<vmem_shared>>) target_semaphore(%run_scoped3A : memref<!tpu.dma_semaphore, #tpu.memory_space<semaphore_mem>>)
        tpu.wait_dma2 semaphore(%run_scoped3A : memref<!tpu.dma_semaphore, #tpu.memory_space<semaphore_mem>>) src(%arg4 : memref<10112x128xf32, #tpu.memory_space<hbm>>) dst(%arg8 : memref<10112x128xf32, #tpu.memory_space<vmem_shared>>)
        tpu.yield
      }) : () -> ()
    } else {
    }
    %barrier3A = arith.constant 0 : index
    tpu.barrier barrier_id(%barrier3A)
    %mul3A_3 = arith.constant 10112 : i32
    %mul3A_4 = arith.muli %add3A, %mul3A_3 : i32
    %scan3A = arith.constant 0 : i32
    %scan3A_5 = arith.constant 0 : i32
    %scan3A_6 = arith.constant 79 : i32
    %scan3A_7 = arith.addi %scan3A_5, %scan3A_6 : i32
    %scan3A_8 = arith.constant 1 : i32
    scf.for %scan3A_13 = %scan3A_5 to %scan3A_7 step %scan3A_8  : i32 {
      %mul3A_14 = arith.constant 128 : i32
      %mul3A_15 = arith.muli %scan3A_13, %mul3A_14 : i32
      %add3A_16 = arith.addi %mul3A_4, %mul3A_15 : i32
      "tpu.region"() ({
        %run_scoped3A = tpu.sem_alloc : memref<!tpu.dma_semaphore, #tpu.memory_space<semaphore_mem>>
        %dma_start3A = tpu.memref_slice %arg3[%add3A_16] : memref<323584xi32, #tpu.memory_space<hbm>> -> memref<128xi32, #tpu.memory_space<hbm>>
        %dma_start3A_17 = tpu.memref_slice %arg3[%add3A_16] : memref<323584xi32, #tpu.memory_space<hbm>> -> memref<128xi32, #tpu.memory_space<hbm>>
        tpu.enqueue_dma source(%dma_start3A_17 : memref<128xi32, #tpu.memory_space<hbm>>) target(%arg6 : memref<128xi32, #tpu.memory_space<vmem>>) target_semaphore(%run_scoped3A : memref<!tpu.dma_semaphore, #tpu.memory_space<semaphore_mem>>)
        %dma_wait3A = tpu.memref_slice %arg3[%add3A_16] : memref<323584xi32, #tpu.memory_space<hbm>> -> memref<128xi32, #tpu.memory_space<hbm>>
        %dma_wait3A_18 = tpu.memref_slice %arg3[%add3A_16] : memref<323584xi32, #tpu.memory_space<hbm>> -> memref<128xi32, #tpu.memory_space<hbm>>
        tpu.wait_dma2 semaphore(%run_scoped3A : memref<!tpu.dma_semaphore, #tpu.memory_space<semaphore_mem>>) src(%dma_wait3A_18 : memref<128xi32, #tpu.memory_space<hbm>>) dst(%arg6 : memref<128xi32, #tpu.memory_space<vmem>>)
        tpu.yield
      }) : () -> ()
      "tpu.region"() ({
        %run_scoped3A = tpu.sem_alloc : memref<!tpu.dma_semaphore, #tpu.memory_space<semaphore_mem>>
        %dma_start3A = arith.constant 0 : i32
        %dma_start3A_17 = tpu.memref_slice %arg2[%add3A_16, %dma_start3A] : memref<323584x128xf32, #tpu.memory_space<hbm>> -> memref<128x128xf32, #tpu.memory_space<hbm>>
        %dma_start3A_18 = arith.constant 0 : i32
        %dma_start3A_19 = tpu.memref_slice %arg2[%add3A_16, %dma_start3A_18] : memref<323584x128xf32, #tpu.memory_space<hbm>> -> memref<128x128xf32, #tpu.memory_space<hbm>>
        tpu.enqueue_dma source(%dma_start3A_19 : memref<128x128xf32, #tpu.memory_space<hbm>>) target(%arg7 : memref<128x128xf32, #tpu.memory_space<vmem>>) target_semaphore(%run_scoped3A : memref<!tpu.dma_semaphore, #tpu.memory_space<semaphore_mem>>)
        %dma_wait3A = arith.constant 0 : i32
        %dma_wait3A_20 = tpu.memref_slice %arg2[%add3A_16, %dma_wait3A] : memref<323584x128xf32, #tpu.memory_space<hbm>> -> memref<128x128xf32, #tpu.memory_space<hbm>>
        %dma_wait3A_21 = arith.constant 0 : i32
        %dma_wait3A_22 = tpu.memref_slice %arg2[%add3A_16, %dma_wait3A_21] : memref<323584x128xf32, #tpu.memory_space<hbm>> -> memref<128x128xf32, #tpu.memory_space<hbm>>
        tpu.wait_dma2 semaphore(%run_scoped3A : memref<!tpu.dma_semaphore, #tpu.memory_space<semaphore_mem>>) src(%dma_wait3A_22 : memref<128x128xf32, #tpu.memory_space<hbm>>) dst(%arg7 : memref<128x128xf32, #tpu.memory_space<vmem>>)
        tpu.yield
      }) : () -> ()
      "tpu.region"() ({
        %run_scoped3A = tpu.sem_alloc : memref<!tpu.dma_semaphore, #tpu.memory_space<semaphore_mem>>
        %dma_start3A = arith.constant 0 : i32
        %dma_start3A_17 = arith.constant 0 : i32
        %dma_start3A_18 = tpu.memref_slice %arg8[%dma_start3A, %dma_start3A_17] : memref<10112x128xf32, #tpu.memory_space<vmem_shared>> -> memref<10112x128xf32, #tpu.memory_space<vmem_shared>>
        tpu.enqueue_indirect_dma source(%arg7 : memref<128x128xf32, #tpu.memory_space<vmem>>) target(%dma_start3A_18 : memref<10112x128xf32, #tpu.memory_space<vmem_shared>>) offsets(%arg6 : memref<128xi32, #tpu.memory_space<vmem>>) semaphore(%run_scoped3A : memref<!tpu.dma_semaphore, #tpu.memory_space<semaphore_mem>>) {add = true}
        %dma_wait3A = arith.constant 0 : i32
        %dma_wait3A_19 = arith.constant 0 : i32
        %dma_wait3A_20 = tpu.memref_slice %arg8[%dma_wait3A, %dma_wait3A_19] : memref<10112x128xf32, #tpu.memory_space<vmem_shared>> -> memref<10112x128xf32, #tpu.memory_space<vmem_shared>>
        tpu.wait_indirect_dma semaphore(%run_scoped3A : memref<!tpu.dma_semaphore, #tpu.memory_space<semaphore_mem>>) src(%arg7 : memref<128x128xf32, #tpu.memory_space<vmem>>) dst(%dma_wait3A_20 : memref<10112x128xf32, #tpu.memory_space<vmem_shared>>)
        tpu.yield
      }) : () -> ()
    }
    %scan3A_9 = arith.constant 79 : i32
    %barrier3A_10 = arith.constant 0 : index
    tpu.barrier barrier_id(%barrier3A_10)
    %mul3A_11 = arith.constant 632 : i32
    %mul3A_12 = arith.muli %arg1, %mul3A_11 : i32
    "tpu.region"() ({
      %run_scoped3A = tpu.sem_alloc : memref<!tpu.dma_semaphore, #tpu.memory_space<semaphore_mem>>
      %dma_start3A = arith.constant 0 : i32
      %dma_start3A_13 = tpu.memref_slice %arg5[%arg0, %mul3A_12, %dma_start3A] : memref<2x10112x128xf32, #tpu.memory_space<hbm>> -> memref<1x632x128xf32, #tpu.memory_space<hbm>>
      %dma_start3A_14 = tpu.memref_squeeze %dma_start3A_13 : memref<1x632x128xf32, #tpu.memory_space<hbm>> -> memref<632x128xf32, #tpu.memory_space<hbm>>
      %dma_start3A_15 = arith.constant 0 : i32
      %dma_start3A_16 = tpu.memref_slice %arg8[%mul3A_12, %dma_start3A_15] : memref<10112x128xf32, #tpu.memory_space<vmem_shared>> -> memref<632x128xf32, #tpu.memory_space<vmem_shared>>
      tpu.enqueue_dma source(%dma_start3A_16 : memref<632x128xf32, #tpu.memory_space<vmem_shared>>) target(%dma_start3A_14 : memref<632x128xf32, #tpu.memory_space<hbm>>) target_semaphore(%run_scoped3A : memref<!tpu.dma_semaphore, #tpu.memory_space<semaphore_mem>>)
      %dma_wait3A = arith.constant 0 : i32
      %dma_wait3A_17 = tpu.memref_slice %arg5[%arg0, %mul3A_12, %dma_wait3A] : memref<2x10112x128xf32, #tpu.memory_space<hbm>> -> memref<1x632x128xf32, #tpu.memory_space<hbm>>
      %dma_wait3A_18 = tpu.memref_squeeze %dma_wait3A_17 : memref<1x632x128xf32, #tpu.memory_space<hbm>> -> memref<632x128xf32, #tpu.memory_space<hbm>>
      %dma_wait3A_19 = arith.constant 0 : i32
      %dma_wait3A_20 = tpu.memref_slice %arg8[%mul3A_12, %dma_wait3A_19] : memref<10112x128xf32, #tpu.memory_space<vmem_shared>> -> memref<632x128xf32, #tpu.memory_space<vmem_shared>>
      tpu.wait_dma2 semaphore(%run_scoped3A : memref<!tpu.dma_semaphore, #tpu.memory_space<semaphore_mem>>) src(%dma_wait3A_20 : memref<632x128xf32, #tpu.memory_space<vmem_shared>>) dst(%dma_wait3A_18 : memref<632x128xf32, #tpu.memory_space<hbm>>)
      tpu.yield
    }) : () -> ()
    return
  }
}

#map = affine_map<(d0, d1) -> (0, 0)>
#map1 = affine_map<(d0, d1) -> (0)>
module attributes {stable_mosaic.version = 14 : i64} {
  func.func @k(%arg0: i32, %arg1: i32, %arg2: memref<10000x256xf32, #tpu.memory_space<hbm>>, %arg3: memref<323584xi32, #tpu.memory_space<hbm>>, %arg4: memref<323584xi32, #tpu.memory_space<hbm>>, %arg5: memref<323584x256xf32, #tpu.memory_space<hbm>>, %arg6: memref<323584x256xf32, #tpu.memory_space<hbm>>, %arg7: memref<128xi32, #tpu.memory_space<vmem>>, %arg8: memref<128x256xf32, #tpu.memory_space<vmem>>, %arg9: memref<128xi32, #tpu.memory_space<vmem>>, %arg10: memref<128x256xf32, #tpu.memory_space<vmem>>, %arg11: memref<!tpu.dma_semaphore, #tpu.memory_space<semaphore_mem>>, %arg12: memref<!tpu.dma_semaphore, #tpu.memory_space<semaphore_mem>>) attributes {dimension_semantics = [#tpu.dimension_semantics<core_parallel>, #tpu.dimension_semantics<subcore_parallel>], iteration_bounds = array<i64: 2, 16>, scalar_prefetch = 0 : i64, scratch_operands = 6 : i64, tpu.core_type = #tpu.core_type<sc_vector_subcore>, window_params = [{transform_indices = #map}, {transform_indices = #map1}, {transform_indices = #map1}, {transform_indices = #map}, {transform_indices = #map}]} {
    %mul3A = arith.constant 2 : i32
    %mul3A_0 = arith.muli %arg1, %mul3A : i32
    %add3A = arith.addi %mul3A_0, %arg0 : i32
    %mul3A_1 = arith.constant 10112 : i32
    %mul3A_2 = arith.muli %add3A, %mul3A_1 : i32
    %scan3A = arith.constant 0 : i32
    %scan3A_3 = arith.constant 0 : i32
    %scan3A_4 = arith.constant 79 : i32
    %scan3A_5 = arith.addi %scan3A_3, %scan3A_4 : i32
    %scan3A_6 = arith.constant 1 : i32
    scf.for %scan3A_8 = %scan3A_3 to %scan3A_5 step %scan3A_6  : i32 {
      %mul3A_9 = arith.constant 128 : i32
      %mul3A_10 = arith.muli %scan3A_8, %mul3A_9 : i32
      %add3A_11 = arith.addi %mul3A_2, %mul3A_10 : i32
      "tpu.region"() ({
        %run_scoped3A = tpu.sem_alloc : memref<!tpu.dma_semaphore, #tpu.memory_space<semaphore_mem>>
        %dma_start3A_22 = tpu.memref_slice %arg3[%add3A_11] : memref<323584xi32, #tpu.memory_space<hbm>> -> memref<128xi32, #tpu.memory_space<hbm>>
        %dma_start3A_23 = tpu.memref_slice %arg3[%add3A_11] : memref<323584xi32, #tpu.memory_space<hbm>> -> memref<128xi32, #tpu.memory_space<hbm>>
        tpu.enqueue_dma source(%dma_start3A_23 : memref<128xi32, #tpu.memory_space<hbm>>) target(%arg7 : memref<128xi32, #tpu.memory_space<vmem>>) target_semaphore(%run_scoped3A : memref<!tpu.dma_semaphore, #tpu.memory_space<semaphore_mem>>)
        %dma_wait3A_24 = tpu.memref_slice %arg3[%add3A_11] : memref<323584xi32, #tpu.memory_space<hbm>> -> memref<128xi32, #tpu.memory_space<hbm>>
        %dma_wait3A_25 = tpu.memref_slice %arg3[%add3A_11] : memref<323584xi32, #tpu.memory_space<hbm>> -> memref<128xi32, #tpu.memory_space<hbm>>
        tpu.wait_dma2 semaphore(%run_scoped3A : memref<!tpu.dma_semaphore, #tpu.memory_space<semaphore_mem>>) src(%dma_wait3A_25 : memref<128xi32, #tpu.memory_space<hbm>>) dst(%arg7 : memref<128xi32, #tpu.memory_space<vmem>>)
        tpu.yield
      }) : () -> ()
      "tpu.region"() ({
        %run_scoped3A = tpu.sem_alloc : memref<!tpu.dma_semaphore, #tpu.memory_space<semaphore_mem>>
        %dma_start3A_22 = tpu.memref_slice %arg4[%add3A_11] : memref<323584xi32, #tpu.memory_space<hbm>> -> memref<128xi32, #tpu.memory_space<hbm>>
        %dma_start3A_23 = tpu.memref_slice %arg4[%add3A_11] : memref<323584xi32, #tpu.memory_space<hbm>> -> memref<128xi32, #tpu.memory_space<hbm>>
        tpu.enqueue_dma source(%dma_start3A_23 : memref<128xi32, #tpu.memory_space<hbm>>) target(%arg9 : memref<128xi32, #tpu.memory_space<vmem>>) target_semaphore(%run_scoped3A : memref<!tpu.dma_semaphore, #tpu.memory_space<semaphore_mem>>)
        %dma_wait3A_24 = tpu.memref_slice %arg4[%add3A_11] : memref<323584xi32, #tpu.memory_space<hbm>> -> memref<128xi32, #tpu.memory_space<hbm>>
        %dma_wait3A_25 = tpu.memref_slice %arg4[%add3A_11] : memref<323584xi32, #tpu.memory_space<hbm>> -> memref<128xi32, #tpu.memory_space<hbm>>
        tpu.wait_dma2 semaphore(%run_scoped3A : memref<!tpu.dma_semaphore, #tpu.memory_space<semaphore_mem>>) src(%dma_wait3A_25 : memref<128xi32, #tpu.memory_space<hbm>>) dst(%arg9 : memref<128xi32, #tpu.memory_space<vmem>>)
        tpu.yield
      }) : () -> ()
      %dma_start3A = arith.constant 0 : i32
      %dma_start3A_12 = arith.constant 0 : i32
      %dma_start3A_13 = tpu.memref_slice %arg2[%dma_start3A, %dma_start3A_12] : memref<10000x256xf32, #tpu.memory_space<hbm>> -> memref<10000x256xf32, #tpu.memory_space<hbm>>
      tpu.enqueue_indirect_dma source(%dma_start3A_13 : memref<10000x256xf32, #tpu.memory_space<hbm>>) target(%arg8 : memref<128x256xf32, #tpu.memory_space<vmem>>) offsets(%arg7 : memref<128xi32, #tpu.memory_space<vmem>>) semaphore(%arg11 : memref<!tpu.dma_semaphore, #tpu.memory_space<semaphore_mem>>)
      %dma_start3A_14 = arith.constant 0 : i32
      %dma_start3A_15 = arith.constant 0 : i32
      %dma_start3A_16 = tpu.memref_slice %arg2[%dma_start3A_14, %dma_start3A_15] : memref<10000x256xf32, #tpu.memory_space<hbm>> -> memref<10000x256xf32, #tpu.memory_space<hbm>>
      tpu.enqueue_indirect_dma source(%dma_start3A_16 : memref<10000x256xf32, #tpu.memory_space<hbm>>) target(%arg10 : memref<128x256xf32, #tpu.memory_space<vmem>>) offsets(%arg9 : memref<128xi32, #tpu.memory_space<vmem>>) semaphore(%arg12 : memref<!tpu.dma_semaphore, #tpu.memory_space<semaphore_mem>>)
      %dma_wait3A = arith.constant 0 : i32
      %dma_wait3A_17 = arith.constant 0 : i32
      %dma_wait3A_18 = tpu.memref_slice %arg2[%dma_wait3A, %dma_wait3A_17] : memref<10000x256xf32, #tpu.memory_space<hbm>> -> memref<10000x256xf32, #tpu.memory_space<hbm>>
      tpu.wait_indirect_dma semaphore(%arg11 : memref<!tpu.dma_semaphore, #tpu.memory_space<semaphore_mem>>) src(%dma_wait3A_18 : memref<10000x256xf32, #tpu.memory_space<hbm>>) dst(%arg8 : memref<128x256xf32, #tpu.memory_space<vmem>>)
      "tpu.region"() ({
        %run_scoped3A = tpu.sem_alloc : memref<!tpu.dma_semaphore, #tpu.memory_space<semaphore_mem>>
        %dma_start3A_22 = arith.constant 0 : i32
        %dma_start3A_23 = tpu.memref_slice %arg5[%add3A_11, %dma_start3A_22] : memref<323584x256xf32, #tpu.memory_space<hbm>> -> memref<128x256xf32, #tpu.memory_space<hbm>>
        %dma_start3A_24 = arith.constant 0 : i32
        %dma_start3A_25 = tpu.memref_slice %arg5[%add3A_11, %dma_start3A_24] : memref<323584x256xf32, #tpu.memory_space<hbm>> -> memref<128x256xf32, #tpu.memory_space<hbm>>
        tpu.enqueue_dma source(%arg8 : memref<128x256xf32, #tpu.memory_space<vmem>>) target(%dma_start3A_25 : memref<128x256xf32, #tpu.memory_space<hbm>>) target_semaphore(%run_scoped3A : memref<!tpu.dma_semaphore, #tpu.memory_space<semaphore_mem>>)
        %dma_wait3A_26 = arith.constant 0 : i32
        %dma_wait3A_27 = tpu.memref_slice %arg5[%add3A_11, %dma_wait3A_26] : memref<323584x256xf32, #tpu.memory_space<hbm>> -> memref<128x256xf32, #tpu.memory_space<hbm>>
        %dma_wait3A_28 = arith.constant 0 : i32
        %dma_wait3A_29 = tpu.memref_slice %arg5[%add3A_11, %dma_wait3A_28] : memref<323584x256xf32, #tpu.memory_space<hbm>> -> memref<128x256xf32, #tpu.memory_space<hbm>>
        tpu.wait_dma2 semaphore(%run_scoped3A : memref<!tpu.dma_semaphore, #tpu.memory_space<semaphore_mem>>) src(%arg8 : memref<128x256xf32, #tpu.memory_space<vmem>>) dst(%dma_wait3A_29 : memref<128x256xf32, #tpu.memory_space<hbm>>)
        tpu.yield
      }) : () -> ()
      %dma_wait3A_19 = arith.constant 0 : i32
      %dma_wait3A_20 = arith.constant 0 : i32
      %dma_wait3A_21 = tpu.memref_slice %arg2[%dma_wait3A_19, %dma_wait3A_20] : memref<10000x256xf32, #tpu.memory_space<hbm>> -> memref<10000x256xf32, #tpu.memory_space<hbm>>
      tpu.wait_indirect_dma semaphore(%arg12 : memref<!tpu.dma_semaphore, #tpu.memory_space<semaphore_mem>>) src(%dma_wait3A_21 : memref<10000x256xf32, #tpu.memory_space<hbm>>) dst(%arg10 : memref<128x256xf32, #tpu.memory_space<vmem>>)
      "tpu.region"() ({
        %run_scoped3A = tpu.sem_alloc : memref<!tpu.dma_semaphore, #tpu.memory_space<semaphore_mem>>
        %dma_start3A_22 = arith.constant 0 : i32
        %dma_start3A_23 = tpu.memref_slice %arg6[%add3A_11, %dma_start3A_22] : memref<323584x256xf32, #tpu.memory_space<hbm>> -> memref<128x256xf32, #tpu.memory_space<hbm>>
        %dma_start3A_24 = arith.constant 0 : i32
        %dma_start3A_25 = tpu.memref_slice %arg6[%add3A_11, %dma_start3A_24] : memref<323584x256xf32, #tpu.memory_space<hbm>> -> memref<128x256xf32, #tpu.memory_space<hbm>>
        tpu.enqueue_dma source(%arg10 : memref<128x256xf32, #tpu.memory_space<vmem>>) target(%dma_start3A_25 : memref<128x256xf32, #tpu.memory_space<hbm>>) target_semaphore(%run_scoped3A : memref<!tpu.dma_semaphore, #tpu.memory_space<semaphore_mem>>)
        %dma_wait3A_26 = arith.constant 0 : i32
        %dma_wait3A_27 = tpu.memref_slice %arg6[%add3A_11, %dma_wait3A_26] : memref<323584x256xf32, #tpu.memory_space<hbm>> -> memref<128x256xf32, #tpu.memory_space<hbm>>
        %dma_wait3A_28 = arith.constant 0 : i32
        %dma_wait3A_29 = tpu.memref_slice %arg6[%add3A_11, %dma_wait3A_28] : memref<323584x256xf32, #tpu.memory_space<hbm>> -> memref<128x256xf32, #tpu.memory_space<hbm>>
        tpu.wait_dma2 semaphore(%run_scoped3A : memref<!tpu.dma_semaphore, #tpu.memory_space<semaphore_mem>>) src(%arg10 : memref<128x256xf32, #tpu.memory_space<vmem>>) dst(%dma_wait3A_29 : memref<128x256xf32, #tpu.memory_space<hbm>>)
        tpu.yield
      }) : () -> ()
    }
    %scan3A_7 = arith.constant 79 : i32
    return
  }
}

#map = affine_map<(d0, d1) -> (0, 0)>
#map1 = affine_map<(d0, d1) -> (0)>
#map2 = affine_map<(d0, d1) -> (0, 0, 0)>
module attributes {stable_mosaic.version = 14 : i64} {
  func.func @k(%arg0: i32, %arg1: i32, %arg2: memref<323584x128xf32, #tpu.memory_space<hbm>>, %arg3: memref<323584xi32, #tpu.memory_space<hbm>>, %arg4: memref<10112x128xf32, #tpu.memory_space<hbm>>, %arg5: memref<2x10112x128xf32, #tpu.memory_space<hbm>>, %arg6: memref<128xi32, #tpu.memory_space<vmem>>, %arg7: memref<128x128xf32, #tpu.memory_space<vmem>>, %arg8: memref<10112x128xf32, #tpu.memory_space<vmem_shared>>) attributes {dimension_semantics = [#tpu.dimension_semantics<core_parallel>, #tpu.dimension_semantics<subcore_parallel>], iteration_bounds = array<i64: 2, 16>, scalar_prefetch = 0 : i64, scratch_operands = 3 : i64, tpu.core_type = #tpu.core_type<sc_vector_subcore>, window_params = [{transform_indices = #map}, {transform_indices = #map1}, {transform_indices = #map}, {transform_indices = #map2}]} {
    %mul3A = arith.constant 2 : i32
    %mul3A_0 = arith.muli %arg1, %mul3A : i32
    %add3A = arith.addi %mul3A_0, %arg0 : i32
    %eq3A = arith.constant 0 : i32
    %eq3A_1 = arith.cmpi eq, %arg1, %eq3A : i32
    %convert_element_type3A = arith.extui %eq3A_1 : i1 to i32
    %cond3A = arith.constant 0 : i32
    %cond3A_2 = arith.cmpi ne, %convert_element_type3A, %cond3A : i32
    scf.if %cond3A_2 {
      "tpu.region"() ({
        %run_scoped3A = tpu.sem_alloc : memref<!tpu.dma_semaphore, #tpu.memory_space<semaphore_mem>>
        tpu.enqueue_dma source(%arg4 : memref<10112x128xf32, #tpu.memory_space<hbm>>) target(%arg8 : memref<10112x128xf32, #tpu.memory_space<vmem_shared>>) target_semaphore(%run_scoped3A : memref<!tpu.dma_semaphore, #tpu.memory_space<semaphore_mem>>)
        tpu.wait_dma2 semaphore(%run_scoped3A : memref<!tpu.dma_semaphore, #tpu.memory_space<semaphore_mem>>) src(%arg4 : memref<10112x128xf32, #tpu.memory_space<hbm>>) dst(%arg8 : memref<10112x128xf32, #tpu.memory_space<vmem_shared>>)
        tpu.yield
      }) : () -> ()
    } else {
    }
    %barrier3A = arith.constant 0 : index
    tpu.barrier barrier_id(%barrier3A)
    %mul3A_3 = arith.constant 10112 : i32
    %mul3A_4 = arith.muli %add3A, %mul3A_3 : i32
    %scan3A = arith.constant 0 : i32
    %scan3A_5 = arith.constant 0 : i32
    %scan3A_6 = arith.constant 79 : i32
    %scan3A_7 = arith.addi %scan3A_5, %scan3A_6 : i32
    %scan3A_8 = arith.constant 1 : i32
    scf.for %scan3A_13 = %scan3A_5 to %scan3A_7 step %scan3A_8  : i32 {
      %mul3A_14 = arith.constant 128 : i32
      %mul3A_15 = arith.muli %scan3A_13, %mul3A_14 : i32
      %add3A_16 = arith.addi %mul3A_4, %mul3A_15 : i32
      "tpu.region"() ({
        %run_scoped3A = tpu.sem_alloc : memref<!tpu.dma_semaphore, #tpu.memory_space<semaphore_mem>>
        %dma_start3A = tpu.memref_slice %arg3[%add3A_16] : memref<323584xi32, #tpu.memory_space<hbm>> -> memref<128xi32, #tpu.memory_space<hbm>>
        %dma_start3A_17 = tpu.memref_slice %arg3[%add3A_16] : memref<323584xi32, #tpu.memory_space<hbm>> -> memref<128xi32, #tpu.memory_space<hbm>>
        tpu.enqueue_dma source(%dma_start3A_17 : memref<128xi32, #tpu.memory_space<hbm>>) target(%arg6 : memref<128xi32, #tpu.memory_space<vmem>>) target_semaphore(%run_scoped3A : memref<!tpu.dma_semaphore, #tpu.memory_space<semaphore_mem>>)
        %dma_wait3A = tpu.memref_slice %arg3[%add3A_16] : memref<323584xi32, #tpu.memory_space<hbm>> -> memref<128xi32, #tpu.memory_space<hbm>>
        %dma_wait3A_18 = tpu.memref_slice %arg3[%add3A_16] : memref<323584xi32, #tpu.memory_space<hbm>> -> memref<128xi32, #tpu.memory_space<hbm>>
        tpu.wait_dma2 semaphore(%run_scoped3A : memref<!tpu.dma_semaphore, #tpu.memory_space<semaphore_mem>>) src(%dma_wait3A_18 : memref<128xi32, #tpu.memory_space<hbm>>) dst(%arg6 : memref<128xi32, #tpu.memory_space<vmem>>)
        tpu.yield
      }) : () -> ()
      "tpu.region"() ({
        %run_scoped3A = tpu.sem_alloc : memref<!tpu.dma_semaphore, #tpu.memory_space<semaphore_mem>>
        %dma_start3A = arith.constant 0 : i32
        %dma_start3A_17 = tpu.memref_slice %arg2[%add3A_16, %dma_start3A] : memref<323584x128xf32, #tpu.memory_space<hbm>> -> memref<128x128xf32, #tpu.memory_space<hbm>>
        %dma_start3A_18 = arith.constant 0 : i32
        %dma_start3A_19 = tpu.memref_slice %arg2[%add3A_16, %dma_start3A_18] : memref<323584x128xf32, #tpu.memory_space<hbm>> -> memref<128x128xf32, #tpu.memory_space<hbm>>
        tpu.enqueue_dma source(%dma_start3A_19 : memref<128x128xf32, #tpu.memory_space<hbm>>) target(%arg7 : memref<128x128xf32, #tpu.memory_space<vmem>>) target_semaphore(%run_scoped3A : memref<!tpu.dma_semaphore, #tpu.memory_space<semaphore_mem>>)
        %dma_wait3A = arith.constant 0 : i32
        %dma_wait3A_20 = tpu.memref_slice %arg2[%add3A_16, %dma_wait3A] : memref<323584x128xf32, #tpu.memory_space<hbm>> -> memref<128x128xf32, #tpu.memory_space<hbm>>
        %dma_wait3A_21 = arith.constant 0 : i32
        %dma_wait3A_22 = tpu.memref_slice %arg2[%add3A_16, %dma_wait3A_21] : memref<323584x128xf32, #tpu.memory_space<hbm>> -> memref<128x128xf32, #tpu.memory_space<hbm>>
        tpu.wait_dma2 semaphore(%run_scoped3A : memref<!tpu.dma_semaphore, #tpu.memory_space<semaphore_mem>>) src(%dma_wait3A_22 : memref<128x128xf32, #tpu.memory_space<hbm>>) dst(%arg7 : memref<128x128xf32, #tpu.memory_space<vmem>>)
        tpu.yield
      }) : () -> ()
      "tpu.region"() ({
        %run_scoped3A = tpu.sem_alloc : memref<!tpu.dma_semaphore, #tpu.memory_space<semaphore_mem>>
        %dma_start3A = arith.constant 0 : i32
        %dma_start3A_17 = arith.constant 0 : i32
        %dma_start3A_18 = tpu.memref_slice %arg8[%dma_start3A, %dma_start3A_17] : memref<10112x128xf32, #tpu.memory_space<vmem_shared>> -> memref<10112x128xf32, #tpu.memory_space<vmem_shared>>
        tpu.enqueue_indirect_dma source(%arg7 : memref<128x128xf32, #tpu.memory_space<vmem>>) target(%dma_start3A_18 : memref<10112x128xf32, #tpu.memory_space<vmem_shared>>) offsets(%arg6 : memref<128xi32, #tpu.memory_space<vmem>>) semaphore(%run_scoped3A : memref<!tpu.dma_semaphore, #tpu.memory_space<semaphore_mem>>) {add = true}
        %dma_wait3A = arith.constant 0 : i32
        %dma_wait3A_19 = arith.constant 0 : i32
        %dma_wait3A_20 = tpu.memref_slice %arg8[%dma_wait3A, %dma_wait3A_19] : memref<10112x128xf32, #tpu.memory_space<vmem_shared>> -> memref<10112x128xf32, #tpu.memory_space<vmem_shared>>
        tpu.wait_indirect_dma semaphore(%run_scoped3A : memref<!tpu.dma_semaphore, #tpu.memory_space<semaphore_mem>>) src(%arg7 : memref<128x128xf32, #tpu.memory_space<vmem>>) dst(%dma_wait3A_20 : memref<10112x128xf32, #tpu.memory_space<vmem_shared>>)
        tpu.yield
      }) : () -> ()
    }
    %scan3A_9 = arith.constant 79 : i32
    %barrier3A_10 = arith.constant 0 : index
    tpu.barrier barrier_id(%barrier3A_10)
    %mul3A_11 = arith.constant 632 : i32
    %mul3A_12 = arith.muli %arg1, %mul3A_11 : i32
    "tpu.region"() ({
      %run_scoped3A = tpu.sem_alloc : memref<!tpu.dma_semaphore, #tpu.memory_space<semaphore_mem>>
      %dma_start3A = arith.constant 0 : i32
      %dma_start3A_13 = tpu.memref_slice %arg5[%arg0, %mul3A_12, %dma_start3A] : memref<2x10112x128xf32, #tpu.memory_space<hbm>> -> memref<1x632x128xf32, #tpu.memory_space<hbm>>
      %dma_start3A_14 = tpu.memref_squeeze %dma_start3A_13 : memref<1x632x128xf32, #tpu.memory_space<hbm>> -> memref<632x128xf32, #tpu.memory_space<hbm>>
      %dma_start3A_15 = arith.constant 0 : i32
      %dma_start3A_16 = tpu.memref_slice %arg8[%mul3A_12, %dma_start3A_15] : memref<10112x128xf32, #tpu.memory_space<vmem_shared>> -> memref<632x128xf32, #tpu.memory_space<vmem_shared>>
      tpu.enqueue_dma source(%dma_start3A_16 : memref<632x128xf32, #tpu.memory_space<vmem_shared>>) target(%dma_start3A_14 : memref<632x128xf32, #tpu.memory_space<hbm>>) target_semaphore(%run_scoped3A : memref<!tpu.dma_semaphore, #tpu.memory_space<semaphore_mem>>)
      %dma_wait3A = arith.constant 0 : i32
      %dma_wait3A_17 = tpu.memref_slice %arg5[%arg0, %mul3A_12, %dma_wait3A] : memref<2x10112x128xf32, #tpu.memory_space<hbm>> -> memref<1x632x128xf32, #tpu.memory_space<hbm>>
      %dma_wait3A_18 = tpu.memref_squeeze %dma_wait3A_17 : memref<1x632x128xf32, #tpu.memory_space<hbm>> -> memref<632x128xf32, #tpu.memory_space<hbm>>
      %dma_wait3A_19 = arith.constant 0 : i32
      %dma_wait3A_20 = tpu.memref_slice %arg8[%mul3A_12, %dma_wait3A_19] : memref<10112x128xf32, #tpu.memory_space<vmem_shared>> -> memref<632x128xf32, #tpu.memory_space<vmem_shared>>
      tpu.wait_dma2 semaphore(%run_scoped3A : memref<!tpu.dma_semaphore, #tpu.memory_space<semaphore_mem>>) src(%dma_wait3A_20 : memref<632x128xf32, #tpu.memory_space<vmem_shared>>) dst(%dma_wait3A_18 : memref<632x128xf32, #tpu.memory_space<hbm>>)
      tpu.yield
    }) : () -> ()
    return
  }
}

#map = affine_map<(d0, d1) -> (0, 0)>
#map1 = affine_map<(d0, d1) -> (0)>
#map2 = affine_map<(d0, d1) -> (0, 0, 0)>
module attributes {stable_mosaic.version = 14 : i64} {
  func.func @k(%arg0: i32, %arg1: i32, %arg2: memref<323584x128xf32, #tpu.memory_space<hbm>>, %arg3: memref<323584xi32, #tpu.memory_space<hbm>>, %arg4: memref<10112x128xf32, #tpu.memory_space<hbm>>, %arg5: memref<2x10112x128xf32, #tpu.memory_space<hbm>>, %arg6: memref<128xi32, #tpu.memory_space<vmem>>, %arg7: memref<128x128xf32, #tpu.memory_space<vmem>>, %arg8: memref<10112x128xf32, #tpu.memory_space<vmem_shared>>) attributes {dimension_semantics = [#tpu.dimension_semantics<core_parallel>, #tpu.dimension_semantics<subcore_parallel>], iteration_bounds = array<i64: 2, 16>, scalar_prefetch = 0 : i64, scratch_operands = 3 : i64, tpu.core_type = #tpu.core_type<sc_vector_subcore>, window_params = [{transform_indices = #map}, {transform_indices = #map1}, {transform_indices = #map}, {transform_indices = #map2}]} {
    %mul3A = arith.constant 2 : i32
    %mul3A_0 = arith.muli %arg1, %mul3A : i32
    %add3A = arith.addi %mul3A_0, %arg0 : i32
    %eq3A = arith.constant 0 : i32
    %eq3A_1 = arith.cmpi eq, %arg1, %eq3A : i32
    %convert_element_type3A = arith.extui %eq3A_1 : i1 to i32
    %cond3A = arith.constant 0 : i32
    %cond3A_2 = arith.cmpi ne, %convert_element_type3A, %cond3A : i32
    scf.if %cond3A_2 {
      "tpu.region"() ({
        %run_scoped3A = tpu.sem_alloc : memref<!tpu.dma_semaphore, #tpu.memory_space<semaphore_mem>>
        tpu.enqueue_dma source(%arg4 : memref<10112x128xf32, #tpu.memory_space<hbm>>) target(%arg8 : memref<10112x128xf32, #tpu.memory_space<vmem_shared>>) target_semaphore(%run_scoped3A : memref<!tpu.dma_semaphore, #tpu.memory_space<semaphore_mem>>)
        tpu.wait_dma2 semaphore(%run_scoped3A : memref<!tpu.dma_semaphore, #tpu.memory_space<semaphore_mem>>) src(%arg4 : memref<10112x128xf32, #tpu.memory_space<hbm>>) dst(%arg8 : memref<10112x128xf32, #tpu.memory_space<vmem_shared>>)
        tpu.yield
      }) : () -> ()
    } else {
    }
    %barrier3A = arith.constant 0 : index
    tpu.barrier barrier_id(%barrier3A)
    %mul3A_3 = arith.constant 10112 : i32
    %mul3A_4 = arith.muli %add3A, %mul3A_3 : i32
    %scan3A = arith.constant 0 : i32
    %scan3A_5 = arith.constant 0 : i32
    %scan3A_6 = arith.constant 79 : i32
    %scan3A_7 = arith.addi %scan3A_5, %scan3A_6 : i32
    %scan3A_8 = arith.constant 1 : i32
    scf.for %scan3A_13 = %scan3A_5 to %scan3A_7 step %scan3A_8  : i32 {
      %mul3A_14 = arith.constant 128 : i32
      %mul3A_15 = arith.muli %scan3A_13, %mul3A_14 : i32
      %add3A_16 = arith.addi %mul3A_4, %mul3A_15 : i32
      "tpu.region"() ({
        %run_scoped3A = tpu.sem_alloc : memref<!tpu.dma_semaphore, #tpu.memory_space<semaphore_mem>>
        %dma_start3A = tpu.memref_slice %arg3[%add3A_16] : memref<323584xi32, #tpu.memory_space<hbm>> -> memref<128xi32, #tpu.memory_space<hbm>>
        %dma_start3A_17 = tpu.memref_slice %arg3[%add3A_16] : memref<323584xi32, #tpu.memory_space<hbm>> -> memref<128xi32, #tpu.memory_space<hbm>>
        tpu.enqueue_dma source(%dma_start3A_17 : memref<128xi32, #tpu.memory_space<hbm>>) target(%arg6 : memref<128xi32, #tpu.memory_space<vmem>>) target_semaphore(%run_scoped3A : memref<!tpu.dma_semaphore, #tpu.memory_space<semaphore_mem>>)
        %dma_wait3A = tpu.memref_slice %arg3[%add3A_16] : memref<323584xi32, #tpu.memory_space<hbm>> -> memref<128xi32, #tpu.memory_space<hbm>>
        %dma_wait3A_18 = tpu.memref_slice %arg3[%add3A_16] : memref<323584xi32, #tpu.memory_space<hbm>> -> memref<128xi32, #tpu.memory_space<hbm>>
        tpu.wait_dma2 semaphore(%run_scoped3A : memref<!tpu.dma_semaphore, #tpu.memory_space<semaphore_mem>>) src(%dma_wait3A_18 : memref<128xi32, #tpu.memory_space<hbm>>) dst(%arg6 : memref<128xi32, #tpu.memory_space<vmem>>)
        tpu.yield
      }) : () -> ()
      "tpu.region"() ({
        %run_scoped3A = tpu.sem_alloc : memref<!tpu.dma_semaphore, #tpu.memory_space<semaphore_mem>>
        %dma_start3A = arith.constant 0 : i32
        %dma_start3A_17 = tpu.memref_slice %arg2[%add3A_16, %dma_start3A] : memref<323584x128xf32, #tpu.memory_space<hbm>> -> memref<128x128xf32, #tpu.memory_space<hbm>>
        %dma_start3A_18 = arith.constant 0 : i32
        %dma_start3A_19 = tpu.memref_slice %arg2[%add3A_16, %dma_start3A_18] : memref<323584x128xf32, #tpu.memory_space<hbm>> -> memref<128x128xf32, #tpu.memory_space<hbm>>
        tpu.enqueue_dma source(%dma_start3A_19 : memref<128x128xf32, #tpu.memory_space<hbm>>) target(%arg7 : memref<128x128xf32, #tpu.memory_space<vmem>>) target_semaphore(%run_scoped3A : memref<!tpu.dma_semaphore, #tpu.memory_space<semaphore_mem>>)
        %dma_wait3A = arith.constant 0 : i32
        %dma_wait3A_20 = tpu.memref_slice %arg2[%add3A_16, %dma_wait3A] : memref<323584x128xf32, #tpu.memory_space<hbm>> -> memref<128x128xf32, #tpu.memory_space<hbm>>
        %dma_wait3A_21 = arith.constant 0 : i32
        %dma_wait3A_22 = tpu.memref_slice %arg2[%add3A_16, %dma_wait3A_21] : memref<323584x128xf32, #tpu.memory_space<hbm>> -> memref<128x128xf32, #tpu.memory_space<hbm>>
        tpu.wait_dma2 semaphore(%run_scoped3A : memref<!tpu.dma_semaphore, #tpu.memory_space<semaphore_mem>>) src(%dma_wait3A_22 : memref<128x128xf32, #tpu.memory_space<hbm>>) dst(%arg7 : memref<128x128xf32, #tpu.memory_space<vmem>>)
        tpu.yield
      }) : () -> ()
      "tpu.region"() ({
        %run_scoped3A = tpu.sem_alloc : memref<!tpu.dma_semaphore, #tpu.memory_space<semaphore_mem>>
        %dma_start3A = arith.constant 0 : i32
        %dma_start3A_17 = arith.constant 0 : i32
        %dma_start3A_18 = tpu.memref_slice %arg8[%dma_start3A, %dma_start3A_17] : memref<10112x128xf32, #tpu.memory_space<vmem_shared>> -> memref<10112x128xf32, #tpu.memory_space<vmem_shared>>
        tpu.enqueue_indirect_dma source(%arg7 : memref<128x128xf32, #tpu.memory_space<vmem>>) target(%dma_start3A_18 : memref<10112x128xf32, #tpu.memory_space<vmem_shared>>) offsets(%arg6 : memref<128xi32, #tpu.memory_space<vmem>>) semaphore(%run_scoped3A : memref<!tpu.dma_semaphore, #tpu.memory_space<semaphore_mem>>) {add = true}
        %dma_wait3A = arith.constant 0 : i32
        %dma_wait3A_19 = arith.constant 0 : i32
        %dma_wait3A_20 = tpu.memref_slice %arg8[%dma_wait3A, %dma_wait3A_19] : memref<10112x128xf32, #tpu.memory_space<vmem_shared>> -> memref<10112x128xf32, #tpu.memory_space<vmem_shared>>
        tpu.wait_indirect_dma semaphore(%run_scoped3A : memref<!tpu.dma_semaphore, #tpu.memory_space<semaphore_mem>>) src(%arg7 : memref<128x128xf32, #tpu.memory_space<vmem>>) dst(%dma_wait3A_20 : memref<10112x128xf32, #tpu.memory_space<vmem_shared>>)
        tpu.yield
      }) : () -> ()
    }
    %scan3A_9 = arith.constant 79 : i32
    %barrier3A_10 = arith.constant 0 : index
    tpu.barrier barrier_id(%barrier3A_10)
    %mul3A_11 = arith.constant 632 : i32
    %mul3A_12 = arith.muli %arg1, %mul3A_11 : i32
    "tpu.region"() ({
      %run_scoped3A = tpu.sem_alloc : memref<!tpu.dma_semaphore, #tpu.memory_space<semaphore_mem>>
      %dma_start3A = arith.constant 0 : i32
      %dma_start3A_13 = tpu.memref_slice %arg5[%arg0, %mul3A_12, %dma_start3A] : memref<2x10112x128xf32, #tpu.memory_space<hbm>> -> memref<1x632x128xf32, #tpu.memory_space<hbm>>
      %dma_start3A_14 = tpu.memref_squeeze %dma_start3A_13 : memref<1x632x128xf32, #tpu.memory_space<hbm>> -> memref<632x128xf32, #tpu.memory_space<hbm>>
      %dma_start3A_15 = arith.constant 0 : i32
      %dma_start3A_16 = tpu.memref_slice %arg8[%mul3A_12, %dma_start3A_15] : memref<10112x128xf32, #tpu.memory_space<vmem_shared>> -> memref<632x128xf32, #tpu.memory_space<vmem_shared>>
      tpu.enqueue_dma source(%dma_start3A_16 : memref<632x128xf32, #tpu.memory_space<vmem_shared>>) target(%dma_start3A_14 : memref<632x128xf32, #tpu.memory_space<hbm>>) target_semaphore(%run_scoped3A : memref<!tpu.dma_semaphore, #tpu.memory_space<semaphore_mem>>)
      %dma_wait3A = arith.constant 0 : i32
      %dma_wait3A_17 = tpu.memref_slice %arg5[%arg0, %mul3A_12, %dma_wait3A] : memref<2x10112x128xf32, #tpu.memory_space<hbm>> -> memref<1x632x128xf32, #tpu.memory_space<hbm>>
      %dma_wait3A_18 = tpu.memref_squeeze %dma_wait3A_17 : memref<1x632x128xf32, #tpu.memory_space<hbm>> -> memref<632x128xf32, #tpu.memory_space<hbm>>
      %dma_wait3A_19 = arith.constant 0 : i32
      %dma_wait3A_20 = tpu.memref_slice %arg8[%mul3A_12, %dma_wait3A_19] : memref<10112x128xf32, #tpu.memory_space<vmem_shared>> -> memref<632x128xf32, #tpu.memory_space<vmem_shared>>
      tpu.wait_dma2 semaphore(%run_scoped3A : memref<!tpu.dma_semaphore, #tpu.memory_space<semaphore_mem>>) src(%dma_wait3A_20 : memref<632x128xf32, #tpu.memory_space<vmem_shared>>) dst(%dma_wait3A_18 : memref<632x128xf32, #tpu.memory_space<hbm>>)
      tpu.yield
    }) : () -> ()
    return
  }
}

module attributes {stable_mosaic.version = 14 : i64} {
  func.func @_node_enc_body(%arg0: i32, %arg1: memref<1000x6xf32, #tpu.memory_space<vmem>>, %arg2: memref<1000x1xi32, #tpu.memory_space<vmem>>, %arg3: memref<3x1000x3xf32, #tpu.memory_space<vmem>>, %arg4: memref<20x20xf32, #tpu.memory_space<vmem>>, %arg5: memref<1x26xf32, #tpu.memory_space<vmem>>, %arg6: memref<1x26xf32, #tpu.memory_space<vmem>>, %arg7: memref<3x16xf32, #tpu.memory_space<vmem>>, %arg8: memref<26x128xf32, #tpu.memory_space<vmem>>, %arg9: memref<16x128xf32, #tpu.memory_space<vmem>>, %arg10: memref<1x128xf32, #tpu.memory_space<vmem>>, %arg11: memref<16x16xf32, #tpu.memory_space<vmem>>, %arg12: memref<1000x256xf32, #tpu.memory_space<vmem>>) attributes {dimension_semantics = [#tpu.dimension_semantics<arbitrary>], iteration_bounds = array<i64: 10>, scalar_prefetch = 0 : i64, scratch_operands = 0 : i64, tpu.core_type = #tpu.core_type<tc>, window_params = [{transform_indices = @transform_0, window_bounds = array<i64: 1000, 6>}, {transform_indices = @transform_1, window_bounds = array<i64: 1000, 1>}, {transform_indices = @transform_2, window_bounds = array<i64: 3, 1000, 3>}, {pipeline_mode = #tpu.pipeline_mode<synchronous>, transform_indices = @transform_3, window_bounds = array<i64: 20, 20>}, {pipeline_mode = #tpu.pipeline_mode<synchronous>, transform_indices = @transform_4, window_bounds = array<i64: 1, 26>}, {pipeline_mode = #tpu.pipeline_mode<synchronous>, transform_indices = @transform_5, window_bounds = array<i64: 1, 26>}, {pipeline_mode = #tpu.pipeline_mode<synchronous>, transform_indices = @transform_6, window_bounds = array<i64: 3, 16>}, {pipeline_mode = #tpu.pipeline_mode<synchronous>, transform_indices = @transform_7, window_bounds = array<i64: 26, 128>}, {pipeline_mode = #tpu.pipeline_mode<synchronous>, transform_indices = @transform_8, window_bounds = array<i64: 16, 128>}, {pipeline_mode = #tpu.pipeline_mode<synchronous>, transform_indices = @transform_9, window_bounds = array<i64: 1, 128>}, {pipeline_mode = #tpu.pipeline_mode<synchronous>, transform_indices = @transform_10, window_bounds = array<i64: 16, 16>}, {transform_indices = @transform_11, window_bounds = array<i64: 1000, 256>}]} {
    %get3A = arith.constant 0 : index
    %get3A_0 = arith.constant 0 : index
    %get3A_1 = vector.load %arg2[%get3A, %get3A_0] : memref<1000x1xi32, #tpu.memory_space<vmem>>, vector<1000x1xi32>
    %iota3A = tpu.iota {dimensions = array<i32: 1>} : vector<1000x20xi32>
    %eq3A = vector.broadcast %get3A_1 : vector<1000x1xi32> to vector<1000x20xi32>
    %eq3A_2 = arith.cmpi eq, %iota3A, %eq3A : vector<1000x20xi32>
    %convert_element_type3A = arith.extui %eq3A_2 : vector<1000x20xi1> to vector<1000x20xi32>
    %convert_element_type3A_3 = arith.sitofp %convert_element_type3A : vector<1000x20xi32> to vector<1000x20xf32>
    %get3A_4 = arith.constant 0 : index
    %get3A_5 = arith.constant 0 : index
    %get3A_6 = vector.load %arg4[%get3A_4, %get3A_5] : memref<20x20xf32, #tpu.memory_space<vmem>>, vector<20x20xf32>
    %dot_general3A = arith.constant dense<0.000000e+00> : vector<1000x20xf32>
    %dot_general3A_7 = tpu.matmul %convert_element_type3A_3, %get3A_6, %dot_general3A {dimension_numbers = #tpu.dot_dimension_numbers<[1], [0], [0], [1], [0, 0, 1, 1], [], []>, transpose_lhs_hint = false} : vector<1000x20xf32>, vector<20x20xf32>, vector<1000x20xf32> -> vector<1000x20xf32>
    %get3A_8 = arith.constant 0 : index
    %get3A_9 = arith.constant 0 : index
    %get3A_10 = vector.load %arg1[%get3A_8, %get3A_9] : memref<1000x6xf32, #tpu.memory_space<vmem>>, vector<1000x6xf32>
    %concatenate3A = tpu.concatenate %get3A_10, %dot_general3A_7 in 1 : vector<1000x6xf32>, vector<1000x20xf32> -> vector<1000x26xf32>
    %get3A_11 = arith.constant 0 : index
    %get3A_12 = arith.constant 0 : index
    %get3A_13 = vector.load %arg5[%get3A_11, %get3A_12] : memref<1x26xf32, #tpu.memory_space<vmem>>, vector<1x26xf32>
    %get3A_14 = arith.constant 0 : index
    %get3A_15 = arith.constant 0 : index
    %get3A_16 = vector.load %arg6[%get3A_14, %get3A_15] : memref<1x26xf32, #tpu.memory_space<vmem>>, vector<1x26xf32>
    %reduce_sum3A = arith.constant dense<0.000000e+00> : vector<1000xf32>
    %reduce_sum3A_17 = vector.multi_reduction <add>, %concatenate3A, %reduce_sum3A [1] : vector<1000x26xf32> to vector<1000xf32>
    %broadcast_in_dim3A = vector.shape_cast %reduce_sum3A_17 : vector<1000xf32> to vector<1000x1xf32>
    %div3A = arith.constant 2.600000e+01 : f32
    %div3A_18 = vector.broadcast %div3A : f32 to vector<1000x1xf32>
    %div3A_19 = arith.divf %broadcast_in_dim3A, %div3A_18 : vector<1000x1xf32>
    %sub3A = vector.broadcast %div3A_19 : vector<1000x1xf32> to vector<1000x26xf32>
    %sub3A_20 = arith.subf %concatenate3A, %sub3A : vector<1000x26xf32>
    %integer_pow3A = arith.mulf %sub3A_20, %sub3A_20 : vector<1000x26xf32>
    %reduce_sum3A_21 = arith.constant dense<0.000000e+00> : vector<1000xf32>
    %reduce_sum3A_22 = vector.multi_reduction <add>, %integer_pow3A, %reduce_sum3A_21 [1] : vector<1000x26xf32> to vector<1000xf32>
    %broadcast_in_dim3A_23 = vector.shape_cast %reduce_sum3A_22 : vector<1000xf32> to vector<1000x1xf32>
    %div3A_24 = arith.constant 2.600000e+01 : f32
    %div3A_25 = vector.broadcast %div3A_24 : f32 to vector<1000x1xf32>
    %div3A_26 = arith.divf %broadcast_in_dim3A_23, %div3A_25 : vector<1000x1xf32>
    %sub3A_27 = vector.broadcast %div3A_19 : vector<1000x1xf32> to vector<1000x26xf32>
    %sub3A_28 = arith.subf %concatenate3A, %sub3A_27 : vector<1000x26xf32>
    %add3A = arith.constant 9.99999974E-6 : f32
    %add3A_29 = vector.broadcast %add3A : f32 to vector<1000x1xf32>
    %add3A_30 = arith.addf %div3A_26, %add3A_29 : vector<1000x1xf32>
    %rsqrt3A = math.rsqrt %add3A_30 : vector<1000x1xf32>
    %mul3A = vector.broadcast %rsqrt3A : vector<1000x1xf32> to vector<1000x26xf32>
    %mul3A_31 = arith.mulf %sub3A_28, %mul3A : vector<1000x26xf32>
    %mul3A_32 = vector.broadcast %get3A_13 : vector<1x26xf32> to vector<1000x26xf32>
    %mul3A_33 = arith.mulf %mul3A_31, %mul3A_32 : vector<1000x26xf32>
    %add3A_34 = vector.broadcast %get3A_16 : vector<1x26xf32> to vector<1000x26xf32>
    %add3A_35 = arith.addf %mul3A_33, %add3A_34 : vector<1000x26xf32>
    %get3A_36 = arith.constant 0 : index
    %get3A_37 = arith.constant 0 : index
    %get3A_38 = arith.constant 0 : index
    %get3A_39 = vector.load %arg3[%get3A_36, %get3A_37, %get3A_38] : memref<3x1000x3xf32, #tpu.memory_space<vmem>>, vector<1x1000x3xf32>
    %get3A_40 = vector.shape_cast %get3A_39 : vector<1x1000x3xf32> to vector<1000x3xf32>
    %get3A_41 = arith.constant 1 : index
    %get3A_42 = arith.constant 0 : index
    %get3A_43 = arith.constant 0 : index
    %get3A_44 = vector.load %arg3[%get3A_41, %get3A_42, %get3A_43] : memref<3x1000x3xf32, #tpu.memory_space<vmem>>, vector<1x1000x3xf32>
    %get3A_45 = vector.shape_cast %get3A_44 : vector<1x1000x3xf32> to vector<1000x3xf32>
    %get3A_46 = arith.constant 2 : index
    %get3A_47 = arith.constant 0 : index
    %get3A_48 = arith.constant 0 : index
    %get3A_49 = vector.load %arg3[%get3A_46, %get3A_47, %get3A_48] : memref<3x1000x3xf32, #tpu.memory_space<vmem>>, vector<1x1000x3xf32>
    %get3A_50 = vector.shape_cast %get3A_49 : vector<1x1000x3xf32> to vector<1000x3xf32>
    %mul3A_51 = arith.mulf %get3A_40, %get3A_40 : vector<1000x3xf32>
    %mul3A_52 = arith.mulf %get3A_45, %get3A_45 : vector<1000x3xf32>
    %add3A_53 = arith.addf %mul3A_51, %mul3A_52 : vector<1000x3xf32>
    %mul3A_54 = arith.mulf %get3A_50, %get3A_50 : vector<1000x3xf32>
    %add3A_55 = arith.addf %add3A_53, %mul3A_54 : vector<1000x3xf32>
    %max3A = arith.constant 9.99999993E-9 : f32
    %max3A_56 = vector.broadcast %max3A : f32 to vector<1000x3xf32>
    %max3A_57 = arith.maximumf %add3A_55, %max3A_56 : vector<1000x3xf32>
    %reduce_sum3A_58 = arith.constant dense<0.000000e+00> : vector<1000xf32>
    %reduce_sum3A_59 = vector.multi_reduction <add>, %max3A_57, %reduce_sum3A_58 [1] : vector<1000x3xf32> to vector<1000xf32>
    %broadcast_in_dim3A_60 = vector.shape_cast %reduce_sum3A_59 : vector<1000xf32> to vector<1000x1xf32>
    %div3A_61 = arith.constant 3.000000e+00 : f32
    %div3A_62 = vector.broadcast %div3A_61 : f32 to vector<1000x1xf32>
    %div3A_63 = arith.divf %broadcast_in_dim3A_60, %div3A_62 : vector<1000x1xf32>
    %add3A_64 = arith.constant 9.99999993E-9 : f32
    %add3A_65 = vector.broadcast %add3A_64 : f32 to vector<1000x1xf32>
    %add3A_66 = arith.addf %div3A_63, %add3A_65 : vector<1000x1xf32>
    %sqrt3A = math.sqrt %add3A_66 : vector<1000x1xf32>
    %div3A_67 = vector.broadcast %sqrt3A : vector<1000x1xf32> to vector<1000x3xf32>
    %div3A_68 = arith.divf %get3A_40, %div3A_67 : vector<1000x3xf32>
    %div3A_69 = vector.broadcast %sqrt3A : vector<1000x1xf32> to vector<1000x3xf32>
    %div3A_70 = arith.divf %get3A_45, %div3A_69 : vector<1000x3xf32>
    %div3A_71 = vector.broadcast %sqrt3A : vector<1000x1xf32> to vector<1000x3xf32>
    %div3A_72 = arith.divf %get3A_50, %div3A_71 : vector<1000x3xf32>
    %get3A_73 = arith.constant 0 : index
    %get3A_74 = arith.constant 0 : index
    %get3A_75 = vector.load %arg7[%get3A_73, %get3A_74] : memref<3x16xf32, #tpu.memory_space<vmem>>, vector<3x16xf32>
    %dot_general3A_76 = arith.constant dense<0.000000e+00> : vector<1000x16xf32>
    %dot_general3A_77 = tpu.matmul %div3A_68, %get3A_75, %dot_general3A_76 {dimension_numbers = #tpu.dot_dimension_numbers<[1], [0], [0], [1], [0, 0, 1, 1], [], []>, transpose_lhs_hint = false} : vector<1000x3xf32>, vector<3x16xf32>, vector<1000x16xf32> -> vector<1000x16xf32>
    %dot_general3A_78 = arith.constant dense<0.000000e+00> : vector<1000x16xf32>
    %dot_general3A_79 = tpu.matmul %div3A_70, %get3A_75, %dot_general3A_78 {dimension_numbers = #tpu.dot_dimension_numbers<[1], [0], [0], [1], [0, 0, 1, 1], [], []>, transpose_lhs_hint = false} : vector<1000x3xf32>, vector<3x16xf32>, vector<1000x16xf32> -> vector<1000x16xf32>
    %dot_general3A_80 = arith.constant dense<0.000000e+00> : vector<1000x16xf32>
    %dot_general3A_81 = tpu.matmul %div3A_72, %get3A_75, %dot_general3A_80 {dimension_numbers = #tpu.dot_dimension_numbers<[1], [0], [0], [1], [0, 0, 1, 1], [], []>, transpose_lhs_hint = false} : vector<1000x3xf32>, vector<3x16xf32>, vector<1000x16xf32> -> vector<1000x16xf32>
    %mul3A_82 = arith.mulf %dot_general3A_77, %dot_general3A_77 : vector<1000x16xf32>
    %mul3A_83 = arith.mulf %dot_general3A_79, %dot_general3A_79 : vector<1000x16xf32>
    %add3A_84 = arith.addf %mul3A_82, %mul3A_83 : vector<1000x16xf32>
    %mul3A_85 = arith.mulf %dot_general3A_81, %dot_general3A_81 : vector<1000x16xf32>
    %add3A_86 = arith.addf %add3A_84, %mul3A_85 : vector<1000x16xf32>
    %max3A_87 = arith.constant 9.99999993E-9 : f32
    %max3A_88 = vector.broadcast %max3A_87 : f32 to vector<1000x16xf32>
    %max3A_89 = arith.maximumf %add3A_86, %max3A_88 : vector<1000x16xf32>
    %sqrt3A_90 = math.sqrt %max3A_89 : vector<1000x16xf32>
    %get3A_91 = arith.constant 0 : index
    %get3A_92 = arith.constant 0 : index
    %get3A_93 = vector.load %arg8[%get3A_91, %get3A_92] : memref<26x128xf32, #tpu.memory_space<vmem>>, vector<26x128xf32>
    %dot_general3A_94 = arith.constant dense<0.000000e+00> : vector<1000x128xf32>
    %dot_general3A_95 = tpu.matmul %add3A_35, %get3A_93, %dot_general3A_94 {dimension_numbers = #tpu.dot_dimension_numbers<[1], [0], [0], [1], [0, 0, 1, 1], [], []>, transpose_lhs_hint = false} : vector<1000x26xf32>, vector<26x128xf32>, vector<1000x128xf32> -> vector<1000x128xf32>
    %get3A_96 = arith.constant 0 : index
    %get3A_97 = arith.constant 0 : index
    %get3A_98 = vector.load %arg9[%get3A_96, %get3A_97] : memref<16x128xf32, #tpu.memory_space<vmem>>, vector<16x128xf32>
    %dot_general3A_99 = arith.constant dense<0.000000e+00> : vector<1000x128xf32>
    %dot_general3A_100 = tpu.matmul %sqrt3A_90, %get3A_98, %dot_general3A_99 {dimension_numbers = #tpu.dot_dimension_numbers<[1], [0], [0], [1], [0, 0, 1, 1], [], []>, transpose_lhs_hint = false} : vector<1000x16xf32>, vector<16x128xf32>, vector<1000x128xf32> -> vector<1000x128xf32>
    %add3A_101 = arith.addf %dot_general3A_95, %dot_general3A_100 : vector<1000x128xf32>
    %get3A_102 = arith.constant 0 : index
    %get3A_103 = arith.constant 0 : index
    %get3A_104 = vector.load %arg10[%get3A_102, %get3A_103] : memref<1x128xf32, #tpu.memory_space<vmem>>, vector<1x128xf32>
    %add3A_105 = vector.broadcast %get3A_104 : vector<1x128xf32> to vector<1000x128xf32>
    %add3A_106 = arith.addf %add3A_101, %add3A_105 : vector<1000x128xf32>
    %get3A_107 = arith.constant 0 : index
    %get3A_108 = arith.constant 0 : index
    %get3A_109 = vector.load %arg11[%get3A_107, %get3A_108] : memref<16x16xf32, #tpu.memory_space<vmem>>, vector<16x16xf32>
    %dot_general3A_110 = arith.constant dense<0.000000e+00> : vector<1000x16xf32>
    %dot_general3A_111 = tpu.matmul %dot_general3A_77, %get3A_109, %dot_general3A_110 {dimension_numbers = #tpu.dot_dimension_numbers<[1], [0], [0], [1], [0, 0, 1, 1], [], []>, transpose_lhs_hint = false} : vector<1000x16xf32>, vector<16x16xf32>, vector<1000x16xf32> -> vector<1000x16xf32>
    %dot_general3A_112 = arith.constant dense<0.000000e+00> : vector<1000x16xf32>
    %dot_general3A_113 = tpu.matmul %dot_general3A_79, %get3A_109, %dot_general3A_112 {dimension_numbers = #tpu.dot_dimension_numbers<[1], [0], [0], [1], [0, 0, 1, 1], [], []>, transpose_lhs_hint = false} : vector<1000x16xf32>, vector<16x16xf32>, vector<1000x16xf32> -> vector<1000x16xf32>
    %dot_general3A_114 = arith.constant dense<0.000000e+00> : vector<1000x16xf32>
    %dot_general3A_115 = tpu.matmul %dot_general3A_81, %get3A_109, %dot_general3A_114 {dimension_numbers = #tpu.dot_dimension_numbers<[1], [0], [0], [1], [0, 0, 1, 1], [], []>, transpose_lhs_hint = false} : vector<1000x16xf32>, vector<16x16xf32>, vector<1000x16xf32> -> vector<1000x16xf32>
    %broadcast_in_dim3A_116 = arith.constant 0.000000e+00 : f32
    %broadcast_in_dim3A_117 = vector.broadcast %broadcast_in_dim3A_116 : f32 to vector<1000x80xf32>
    %concatenate3A_118 = tpu.concatenate %add3A_106, %dot_general3A_111, %dot_general3A_113, %dot_general3A_115, %broadcast_in_dim3A_117 in 1 : vector<1000x128xf32>, vector<1000x16xf32>, vector<1000x16xf32>, vector<1000x16xf32>, vector<1000x80xf32> -> vector<1000x256xf32>
    %swap3A = arith.constant 0 : index
    %swap3A_119 = arith.constant 0 : index
    %swap3A_120 = vector.load %arg12[%swap3A, %swap3A_119] : memref<1000x256xf32, #tpu.memory_space<vmem>>, vector<1000x256xf32>
    tpu.vector_store %arg12[%swap3A, %swap3A_119], %concatenate3A_118 {strides = array<i32>} : memref<1000x256xf32, #tpu.memory_space<vmem>>, vector<1000x256xf32>,
    return
  }
  func.func @transform_0(%arg0: i32) -> (i32, i32) {
    %c0_i32 = arith.constant 0 : i32
    %c0_i32_0 = arith.constant 0 : i32
    return %arg0, %c0_i32 : i32, i32
  }
  func.func @transform_1(%arg0: i32) -> (i32, i32) {
    %c0_i32 = arith.constant 0 : i32
    %c0_i32_0 = arith.constant 0 : i32
    return %arg0, %c0_i32 : i32, i32
  }
  func.func @transform_2(%arg0: i32) -> (i32, i32, i32) {
    %c0_i32 = arith.constant 0 : i32
    %c0_i32_0 = arith.constant 0 : i32
    %c0_i32_1 = arith.constant 0 : i32
    return %c0_i32, %arg0, %c0_i32_0 : i32, i32, i32
  }
  func.func @transform_3(%arg0: i32) -> (i32, i32) {
    %c0_i32 = arith.constant 0 : i32
    %c0_i32_0 = arith.constant 0 : i32
    %c0_i32_1 = arith.constant 0 : i32
    return %c0_i32, %c0_i32_0 : i32, i32
  }
  func.func @transform_4(%arg0: i32) -> (i32, i32) {
    %c0_i32 = arith.constant 0 : i32
    %c0_i32_0 = arith.constant 0 : i32
    %c0_i32_1 = arith.constant 0 : i32
    return %c0_i32, %c0_i32_0 : i32, i32
  }
  func.func @transform_5(%arg0: i32) -> (i32, i32) {
    %c0_i32 = arith.constant 0 : i32
    %c0_i32_0 = arith.constant 0 : i32
    %c0_i32_1 = arith.constant 0 : i32
    return %c0_i32, %c0_i32_0 : i32, i32
  }
  func.func @transform_6(%arg0: i32) -> (i32, i32) {
    %c0_i32 = arith.constant 0 : i32
    %c0_i32_0 = arith.constant 0 : i32
    %c0_i32_1 = arith.constant 0 : i32
    return %c0_i32, %c0_i32_0 : i32, i32
  }
  func.func @transform_7(%arg0: i32) -> (i32, i32) {
    %c0_i32 = arith.constant 0 : i32
    %c0_i32_0 = arith.constant 0 : i32
    %c0_i32_1 = arith.constant 0 : i32
    return %c0_i32, %c0_i32_0 : i32, i32
  }
  func.func @transform_8(%arg0: i32) -> (i32, i32) {
    %c0_i32 = arith.constant 0 : i32
    %c0_i32_0 = arith.constant 0 : i32
    %c0_i32_1 = arith.constant 0 : i32
    return %c0_i32, %c0_i32_0 : i32, i32
  }
  func.func @transform_9(%arg0: i32) -> (i32, i32) {
    %c0_i32 = arith.constant 0 : i32
    %c0_i32_0 = arith.constant 0 : i32
    %c0_i32_1 = arith.constant 0 : i32
    return %c0_i32, %c0_i32_0 : i32, i32
  }
  func.func @transform_10(%arg0: i32) -> (i32, i32) {
    %c0_i32 = arith.constant 0 : i32
    %c0_i32_0 = arith.constant 0 : i32
    %c0_i32_1 = arith.constant 0 : i32
    return %c0_i32, %c0_i32_0 : i32, i32
  }
  func.func @transform_11(%arg0: i32) -> (i32, i32) {
    %c0_i32 = arith.constant 0 : i32
    %c0_i32_0 = arith.constant 0 : i32
    return %arg0, %c0_i32 : i32, i32
  }
}

module attributes {stable_mosaic.version = 14 : i64} {
  func.func @_edge_enc_body(%arg0: i32, %arg1: memref<2048x32xf32, #tpu.memory_space<vmem>>, %arg2: memref<2048x3xf32, #tpu.memory_space<vmem>>, %arg3: memref<1x32xf32, #tpu.memory_space<vmem>>, %arg4: memref<1x32xf32, #tpu.memory_space<vmem>>, %arg5: memref<1x1xf32, #tpu.memory_space<vmem>>, %arg6: memref<32x32xf32, #tpu.memory_space<vmem>>, %arg7: memref<1x32xf32, #tpu.memory_space<vmem>>, %arg8: memref<1x32xf32, #tpu.memory_space<vmem>>, %arg9: memref<1x1xf32, #tpu.memory_space<vmem>>, %arg10: memref<2048x32xf32, #tpu.memory_space<vmem>>, %arg11: memref<2048x3xf32, #tpu.memory_space<vmem>>) attributes {dimension_semantics = [#tpu.dimension_semantics<arbitrary>], iteration_bounds = array<i64: 158>, scalar_prefetch = 0 : i64, scratch_operands = 0 : i64, tpu.core_type = #tpu.core_type<tc>, window_params = [{transform_indices = @transform_0, window_bounds = array<i64: 2048, 32>}, {transform_indices = @transform_1, window_bounds = array<i64: 2048, 3>}, {pipeline_mode = #tpu.pipeline_mode<synchronous>, transform_indices = @transform_2, window_bounds = array<i64: 1, 32>}, {pipeline_mode = #tpu.pipeline_mode<synchronous>, transform_indices = @transform_3, window_bounds = array<i64: 1, 32>}, {pipeline_mode = #tpu.pipeline_mode<synchronous>, transform_indices = @transform_4, window_bounds = array<i64: 1, 1>}, {pipeline_mode = #tpu.pipeline_mode<synchronous>, transform_indices = @transform_5, window_bounds = array<i64: 32, 32>}, {pipeline_mode = #tpu.pipeline_mode<synchronous>, transform_indices = @transform_6, window_bounds = array<i64: 1, 32>}, {pipeline_mode = #tpu.pipeline_mode<synchronous>, transform_indices = @transform_7, window_bounds = array<i64: 1, 32>}, {pipeline_mode = #tpu.pipeline_mode<synchronous>, transform_indices = @transform_8, window_bounds = array<i64: 1, 1>}, {transform_indices = @transform_9, window_bounds = array<i64: 2048, 32>}, {transform_indices = @transform_10, window_bounds = array<i64: 2048, 3>}]} {
    %get3A = arith.constant 0 : index
    %get3A_0 = arith.constant 0 : index
    %get3A_1 = vector.load %arg1[%get3A, %get3A_0] : memref<2048x32xf32, #tpu.memory_space<vmem>>, vector<2048x32xf32>
    %get3A_2 = arith.constant 0 : index
    %get3A_3 = arith.constant 0 : index
    %get3A_4 = vector.load %arg3[%get3A_2, %get3A_3] : memref<1x32xf32, #tpu.memory_space<vmem>>, vector<1x32xf32>
    %get3A_5 = arith.constant 0 : index
    %get3A_6 = arith.constant 0 : index
    %get3A_7 = vector.load %arg4[%get3A_5, %get3A_6] : memref<1x32xf32, #tpu.memory_space<vmem>>, vector<1x32xf32>
    %reduce_sum3A = arith.constant dense<0.000000e+00> : vector<2048xf32>
    %reduce_sum3A_8 = vector.multi_reduction <add>, %get3A_1, %reduce_sum3A [1] : vector<2048x32xf32> to vector<2048xf32>
    %broadcast_in_dim3A = vector.shape_cast %reduce_sum3A_8 : vector<2048xf32> to vector<2048x1xf32>
    %div3A = arith.constant 3.200000e+01 : f32
    %div3A_9 = vector.broadcast %div3A : f32 to vector<2048x1xf32>
    %div3A_10 = arith.divf %broadcast_in_dim3A, %div3A_9 : vector<2048x1xf32>
    %sub3A = vector.broadcast %div3A_10 : vector<2048x1xf32> to vector<2048x32xf32>
    %sub3A_11 = arith.subf %get3A_1, %sub3A : vector<2048x32xf32>
    %integer_pow3A = arith.mulf %sub3A_11, %sub3A_11 : vector<2048x32xf32>
    %reduce_sum3A_12 = arith.constant dense<0.000000e+00> : vector<2048xf32>
    %reduce_sum3A_13 = vector.multi_reduction <add>, %integer_pow3A, %reduce_sum3A_12 [1] : vector<2048x32xf32> to vector<2048xf32>
    %broadcast_in_dim3A_14 = vector.shape_cast %reduce_sum3A_13 : vector<2048xf32> to vector<2048x1xf32>
    %div3A_15 = arith.constant 3.200000e+01 : f32
    %div3A_16 = vector.broadcast %div3A_15 : f32 to vector<2048x1xf32>
    %div3A_17 = arith.divf %broadcast_in_dim3A_14, %div3A_16 : vector<2048x1xf32>
    %sub3A_18 = vector.broadcast %div3A_10 : vector<2048x1xf32> to vector<2048x32xf32>
    %sub3A_19 = arith.subf %get3A_1, %sub3A_18 : vector<2048x32xf32>
    %add3A = arith.constant 9.99999974E-6 : f32
    %add3A_20 = vector.broadcast %add3A : f32 to vector<2048x1xf32>
    %add3A_21 = arith.addf %div3A_17, %add3A_20 : vector<2048x1xf32>
    %rsqrt3A = math.rsqrt %add3A_21 : vector<2048x1xf32>
    %mul3A = vector.broadcast %rsqrt3A : vector<2048x1xf32> to vector<2048x32xf32>
    %mul3A_22 = arith.mulf %sub3A_19, %mul3A : vector<2048x32xf32>
    %mul3A_23 = vector.broadcast %get3A_4 : vector<1x32xf32> to vector<2048x32xf32>
    %mul3A_24 = arith.mulf %mul3A_22, %mul3A_23 : vector<2048x32xf32>
    %add3A_25 = vector.broadcast %get3A_7 : vector<1x32xf32> to vector<2048x32xf32>
    %add3A_26 = arith.addf %mul3A_24, %add3A_25 : vector<2048x32xf32>
    %get3A_27 = arith.constant 0 : index
    %get3A_28 = arith.constant 0 : index
    %get3A_29 = vector.load %arg2[%get3A_27, %get3A_28] : memref<2048x3xf32, #tpu.memory_space<vmem>>, vector<2048x3xf32>
    %mul3A_30 = arith.mulf %get3A_29, %get3A_29 : vector<2048x3xf32>
    %reduce_sum3A_31 = arith.constant dense<0.000000e+00> : vector<2048xf32>
    %reduce_sum3A_32 = vector.multi_reduction <add>, %mul3A_30, %reduce_sum3A_31 [1] : vector<2048x3xf32> to vector<2048xf32>
    %broadcast_in_dim3A_33 = vector.shape_cast %reduce_sum3A_32 : vector<2048xf32> to vector<2048x1xf32>
    %max3A = arith.constant 9.99999993E-9 : f32
    %max3A_34 = vector.broadcast %max3A : f32 to vector<2048x1xf32>
    %max3A_35 = arith.maximumf %broadcast_in_dim3A_33, %max3A_34 : vector<2048x1xf32>
    %add3A_36 = arith.constant 9.99999993E-9 : f32
    %add3A_37 = vector.broadcast %add3A_36 : f32 to vector<2048x1xf32>
    %add3A_38 = arith.addf %max3A_35, %add3A_37 : vector<2048x1xf32>
    %sqrt3A = math.sqrt %add3A_38 : vector<2048x1xf32>
    %div3A_39 = vector.broadcast %sqrt3A : vector<2048x1xf32> to vector<2048x3xf32>
    %div3A_40 = arith.divf %get3A_29, %div3A_39 : vector<2048x3xf32>
    %get3A_41 = arith.constant 0 : index
    %get3A_42 = arith.constant 0 : index
    %get3A_43 = vector.load %arg5[%get3A_41, %get3A_42] : memref<1x1xf32, #tpu.memory_space<vmem>>, vector<1x1xf32>
    %mul3A_44 = vector.broadcast %get3A_43 : vector<1x1xf32> to vector<2048x3xf32>
    %mul3A_45 = arith.mulf %div3A_40, %mul3A_44 : vector<2048x3xf32>
    %mul3A_46 = arith.mulf %mul3A_45, %mul3A_45 : vector<2048x3xf32>
    %reduce_sum3A_47 = arith.constant dense<0.000000e+00> : vector<2048xf32>
    %reduce_sum3A_48 = vector.multi_reduction <add>, %mul3A_46, %reduce_sum3A_47 [1] : vector<2048x3xf32> to vector<2048xf32>
    %broadcast_in_dim3A_49 = vector.shape_cast %reduce_sum3A_48 : vector<2048xf32> to vector<2048x1xf32>
    %max3A_50 = arith.constant 9.99999993E-9 : f32
    %max3A_51 = vector.broadcast %max3A_50 : f32 to vector<2048x1xf32>
    %max3A_52 = arith.maximumf %broadcast_in_dim3A_49, %max3A_51 : vector<2048x1xf32>
    %sqrt3A_53 = math.sqrt %max3A_52 : vector<2048x1xf32>
    %get3A_54 = arith.constant 0 : index
    %get3A_55 = arith.constant 0 : index
    %get3A_56 = vector.load %arg6[%get3A_54, %get3A_55] : memref<32x32xf32, #tpu.memory_space<vmem>>, vector<32x32xf32>
    %dot_general3A = arith.constant dense<0.000000e+00> : vector<2048x32xf32>
    %dot_general3A_57 = tpu.matmul %add3A_26, %get3A_56, %dot_general3A {dimension_numbers = #tpu.dot_dimension_numbers<[1], [0], [0], [1], [0, 0, 1, 1], [], []>, transpose_lhs_hint = false} : vector<2048x32xf32>, vector<32x32xf32>, vector<2048x32xf32> -> vector<2048x32xf32>
    %get3A_58 = arith.constant 0 : index
    %get3A_59 = arith.constant 0 : index
    %get3A_60 = vector.load %arg7[%get3A_58, %get3A_59] : memref<1x32xf32, #tpu.memory_space<vmem>>, vector<1x32xf32>
    %mul3A_61 = vector.broadcast %sqrt3A_53 : vector<2048x1xf32> to vector<2048x32xf32>
    %mul3A_62 = vector.broadcast %get3A_60 : vector<1x32xf32> to vector<2048x32xf32>
    %mul3A_63 = arith.mulf %mul3A_61, %mul3A_62 : vector<2048x32xf32>
    %add3A_64 = arith.addf %dot_general3A_57, %mul3A_63 : vector<2048x32xf32>
    %get3A_65 = arith.constant 0 : index
    %get3A_66 = arith.constant 0 : index
    %get3A_67 = vector.load %arg8[%get3A_65, %get3A_66] : memref<1x32xf32, #tpu.memory_space<vmem>>, vector<1x32xf32>
    %add3A_68 = vector.broadcast %get3A_67 : vector<1x32xf32> to vector<2048x32xf32>
    %add3A_69 = arith.addf %add3A_64, %add3A_68 : vector<2048x32xf32>
    %swap3A = arith.constant 0 : index
    %swap3A_70 = arith.constant 0 : index
    %swap3A_71 = vector.load %arg10[%swap3A, %swap3A_70] : memref<2048x32xf32, #tpu.memory_space<vmem>>, vector<2048x32xf32>
    tpu.vector_store %arg10[%swap3A, %swap3A_70], %add3A_69 {strides = array<i32>} : memref<2048x32xf32, #tpu.memory_space<vmem>>, vector<2048x32xf32>,
    %get3A_72 = arith.constant 0 : index
    %get3A_73 = arith.constant 0 : index
    %get3A_74 = vector.load %arg9[%get3A_72, %get3A_73] : memref<1x1xf32, #tpu.memory_space<vmem>>, vector<1x1xf32>
    %mul3A_75 = vector.broadcast %get3A_74 : vector<1x1xf32> to vector<2048x3xf32>
    %mul3A_76 = arith.mulf %mul3A_45, %mul3A_75 : vector<2048x3xf32>
    %swap3A_77 = arith.constant 0 : index
    %swap3A_78 = arith.constant 0 : index
    %swap3A_79 = vector.load %arg11[%swap3A_77, %swap3A_78] : memref<2048x3xf32, #tpu.memory_space<vmem>>, vector<2048x3xf32>
    tpu.vector_store %arg11[%swap3A_77, %swap3A_78], %mul3A_76 {strides = array<i32>} : memref<2048x3xf32, #tpu.memory_space<vmem>>, vector<2048x3xf32>,
    return
  }
  func.func @transform_0(%arg0: i32) -> (i32, i32) {
    %c0_i32 = arith.constant 0 : i32
    %c0_i32_0 = arith.constant 0 : i32
    return %arg0, %c0_i32 : i32, i32
  }
  func.func @transform_1(%arg0: i32) -> (i32, i32) {
    %c0_i32 = arith.constant 0 : i32
    %c0_i32_0 = arith.constant 0 : i32
    return %arg0, %c0_i32 : i32, i32
  }
  func.func @transform_2(%arg0: i32) -> (i32, i32) {
    %c0_i32 = arith.constant 0 : i32
    %c0_i32_0 = arith.constant 0 : i32
    %c0_i32_1 = arith.constant 0 : i32
    return %c0_i32, %c0_i32_0 : i32, i32
  }
  func.func @transform_3(%arg0: i32) -> (i32, i32) {
    %c0_i32 = arith.constant 0 : i32
    %c0_i32_0 = arith.constant 0 : i32
    %c0_i32_1 = arith.constant 0 : i32
    return %c0_i32, %c0_i32_0 : i32, i32
  }
  func.func @transform_4(%arg0: i32) -> (i32, i32) {
    %c0_i32 = arith.constant 0 : i32
    %c0_i32_0 = arith.constant 0 : i32
    %c0_i32_1 = arith.constant 0 : i32
    return %c0_i32, %c0_i32_0 : i32, i32
  }
  func.func @transform_5(%arg0: i32) -> (i32, i32) {
    %c0_i32 = arith.constant 0 : i32
    %c0_i32_0 = arith.constant 0 : i32
    %c0_i32_1 = arith.constant 0 : i32
    return %c0_i32, %c0_i32_0 : i32, i32
  }
  func.func @transform_6(%arg0: i32) -> (i32, i32) {
    %c0_i32 = arith.constant 0 : i32
    %c0_i32_0 = arith.constant 0 : i32
    %c0_i32_1 = arith.constant 0 : i32
    return %c0_i32, %c0_i32_0 : i32, i32
  }
  func.func @transform_7(%arg0: i32) -> (i32, i32) {
    %c0_i32 = arith.constant 0 : i32
    %c0_i32_0 = arith.constant 0 : i32
    %c0_i32_1 = arith.constant 0 : i32
    return %c0_i32, %c0_i32_0 : i32, i32
  }
  func.func @transform_8(%arg0: i32) -> (i32, i32) {
    %c0_i32 = arith.constant 0 : i32
    %c0_i32_0 = arith.constant 0 : i32
    %c0_i32_1 = arith.constant 0 : i32
    return %c0_i32, %c0_i32_0 : i32, i32
  }
  func.func @transform_9(%arg0: i32) -> (i32, i32) {
    %c0_i32 = arith.constant 0 : i32
    %c0_i32_0 = arith.constant 0 : i32
    return %arg0, %c0_i32 : i32, i32
  }
  func.func @transform_10(%arg0: i32) -> (i32, i32) {
    %c0_i32 = arith.constant 0 : i32
    %c0_i32_0 = arith.constant 0 : i32
    return %arg0, %c0_i32 : i32, i32
  }
}

module attributes {stable_mosaic.version = 14 : i64} {
  func.func @_msg_body(%arg0: i32, %arg1: memref<2048x256xf32, #tpu.memory_space<vmem>>, %arg2: memref<2048x256xf32, #tpu.memory_space<vmem>>, %arg3: memref<2048x32xf32, #tpu.memory_space<vmem>>, %arg4: memref<2048x3xf32, #tpu.memory_space<vmem>>, %arg5: memref<16x33xf32, #tpu.memory_space<vmem>>, %arg6: memref<1x33xf32, #tpu.memory_space<vmem>>, %arg7: memref<16x33xf32, #tpu.memory_space<vmem>>, %arg8: memref<128x128xf32, #tpu.memory_space<vmem>>, %arg9: memref<32x128xf32, #tpu.memory_space<vmem>>, %arg10: memref<128x128xf32, #tpu.memory_space<vmem>>, %arg11: memref<33x128xf32, #tpu.memory_space<vmem>>, %arg12: memref<1x128xf32, #tpu.memory_space<vmem>>, %arg13: memref<33x16xf32, #tpu.memory_space<vmem>>, %arg14: memref<16x16xf32, #tpu.memory_space<vmem>>, %arg15: memref<128x128xf32, #tpu.memory_space<vmem>>, %arg16: memref<16x128xf32, #tpu.memory_space<vmem>>, %arg17: memref<1x128xf32, #tpu.memory_space<vmem>>, %arg18: memref<16x16xf32, #tpu.memory_space<vmem>>, %arg19: memref<16x16xf32, #tpu.memory_space<vmem>>, %arg20: memref<128x128xf32, #tpu.memory_space<vmem>>, %arg21: memref<16x128xf32, #tpu.memory_space<vmem>>, %arg22: memref<1x128xf32, #tpu.memory_space<vmem>>, %arg23: memref<16x16xf32, #tpu.memory_space<vmem>>, %arg24: memref<2048x128xf32, #tpu.memory_space<vmem>>, %arg25: memref<2048x128xf32, #tpu.memory_space<vmem>>) attributes {dimension_semantics = [#tpu.dimension_semantics<arbitrary>], iteration_bounds = array<i64: 158>, scalar_prefetch = 0 : i64, scratch_operands = 0 : i64, tpu.core_type = #tpu.core_type<tc>, window_params = [{transform_indices = @transform_0, window_bounds = array<i64: 2048, 256>}, {transform_indices = @transform_1, window_bounds = array<i64: 2048, 256>}, {transform_indices = @transform_2, window_bounds = array<i64: 2048, 32>}, {transform_indices = @transform_3, window_bounds = array<i64: 2048, 3>}, {pipeline_mode = #tpu.pipeline_mode<synchronous>, transform_indices = @transform_4, window_bounds = array<i64: 16, 33>}, {pipeline_mode = #tpu.pipeline_mode<synchronous>, transform_indices = @transform_5, window_bounds = array<i64: 1, 33>}, {pipeline_mode = #tpu.pipeline_mode<synchronous>, transform_indices = @transform_6, window_bounds = array<i64: 16, 33>}, {pipeline_mode = #tpu.pipeline_mode<synchronous>, transform_indices = @transform_7, window_bounds = array<i64: 128, 128>}, {pipeline_mode = #tpu.pipeline_mode<synchronous>, transform_indices = @transform_8, window_bounds = array<i64: 32, 128>}, {pipeline_mode = #tpu.pipeline_mode<synchronous>, transform_indices = @transform_9, window_bounds = array<i64: 128, 128>}, {pipeline_mode = #tpu.pipeline_mode<synchronous>, transform_indices = @transform_10, window_bounds = array<i64: 33, 128>}, {pipeline_mode = #tpu.pipeline_mode<synchronous>, transform_indices = @transform_11, window_bounds = array<i64: 1, 128>}, {pipeline_mode = #tpu.pipeline_mode<synchronous>, transform_indices = @transform_12, window_bounds = array<i64: 33, 16>}, {pipeline_mode = #tpu.pipeline_mode<synchronous>, transform_indices = @transform_13, window_bounds = array<i64: 16, 16>}, {pipeline_mode = #tpu.pipeline_mode<synchronous>, transform_indices = @transform_14, window_bounds = array<i64: 128, 128>}, {pipeline_mode = #tpu.pipeline_mode<synchronous>, transform_indices = @transform_15, window_bounds = array<i64: 16, 128>}, {pipeline_mode = #tpu.pipeline_mode<synchronous>, transform_indices = @transform_16, window_bounds = array<i64: 1, 128>}, {pipeline_mode = #tpu.pipeline_mode<synchronous>, transform_indices = @transform_17, window_bounds = array<i64: 16, 16>}, {pipeline_mode = #tpu.pipeline_mode<synchronous>, transform_indices = @transform_18, window_bounds = array<i64: 16, 16>}, {pipeline_mode = #tpu.pipeline_mode<synchronous>, transform_indices = @transform_19, window_bounds = array<i64: 128, 128>}, {pipeline_mode = #tpu.pipeline_mode<synchronous>, transform_indices = @transform_20, window_bounds = array<i64: 16, 128>}, {pipeline_mode = #tpu.pipeline_mode<synchronous>, transform_indices = @transform_21, window_bounds = array<i64: 1, 128>}, {pipeline_mode = #tpu.pipeline_mode<synchronous>, transform_indices = @transform_22, window_bounds = array<i64: 16, 16>}, {transform_indices = @transform_23, window_bounds = array<i64: 2048, 128>}, {transform_indices = @transform_24, window_bounds = array<i64: 2048, 128>}]} {
    %get3A = arith.constant 0 : index
    %get3A_0 = arith.constant 0 : index
    %get3A_1 = vector.load %arg1[%get3A, %get3A_0] : memref<2048x256xf32, #tpu.memory_space<vmem>>, vector<2048x256xf32>
    %get3A_2 = arith.constant 0 : index
    %get3A_3 = arith.constant 0 : index
    %get3A_4 = vector.load %arg2[%get3A_2, %get3A_3] : memref<2048x256xf32, #tpu.memory_space<vmem>>, vector<2048x256xf32>
    %get3A_5 = arith.constant 0 : index
    %get3A_6 = arith.constant 0 : index
    %get3A_7 = vector.load %arg3[%get3A_5, %get3A_6] : memref<2048x32xf32, #tpu.memory_space<vmem>>, vector<2048x32xf32>
    %get3A_8 = arith.constant 0 : index
    %get3A_9 = arith.constant 0 : index
    %get3A_10 = vector.load %arg4[%get3A_8, %get3A_9] : memref<2048x3xf32, #tpu.memory_space<vmem>>, vector<2048x3xf32>
    %slice3A = vector.extract_strided_slice %get3A_1 {offsets = [0, 0], sizes = [2048, 128], strides = [1, 1]} : vector<2048x256xf32> to vector<2048x128xf32>
    %slice3A_11 = vector.extract_strided_slice %get3A_4 {offsets = [0, 0], sizes = [2048, 128], strides = [1, 1]} : vector<2048x256xf32> to vector<2048x128xf32>
    %get3A_12 = arith.constant 0 : index
    %get3A_13 = arith.constant 0 : index
    %get3A_14 = vector.load %arg5[%get3A_12, %get3A_13] : memref<16x33xf32, #tpu.memory_space<vmem>>, vector<16x33xf32>
    %get3A_15 = arith.constant 0 : index
    %get3A_16 = arith.constant 0 : index
    %get3A_17 = vector.load %arg6[%get3A_15, %get3A_16] : memref<1x33xf32, #tpu.memory_space<vmem>>, vector<1x33xf32>
    %get3A_18 = arith.constant 0 : index
    %get3A_19 = arith.constant 0 : index
    %get3A_20 = vector.load %arg7[%get3A_18, %get3A_19] : memref<16x33xf32, #tpu.memory_space<vmem>>, vector<16x33xf32>
    %slice3A_21 = vector.extract_strided_slice %get3A_1 {offsets = [0, 128], sizes = [2048, 16], strides = [1, 1]} : vector<2048x256xf32> to vector<2048x16xf32>
    %dot_general3A = arith.constant dense<0.000000e+00> : vector<2048x33xf32>
    %dot_general3A_22 = tpu.matmul %slice3A_21, %get3A_14, %dot_general3A {dimension_numbers = #tpu.dot_dimension_numbers<[1], [0], [0], [1], [0, 0, 1, 1], [], []>, transpose_lhs_hint = false} : vector<2048x16xf32>, vector<16x33xf32>, vector<2048x33xf32> -> vector<2048x33xf32>
    %slice3A_23 = vector.extract_strided_slice %get3A_10 {offsets = [0, 0], sizes = [2048, 1], strides = [1, 1]} : vector<2048x3xf32> to vector<2048x1xf32>
    %mul3A = vector.broadcast %slice3A_23 : vector<2048x1xf32> to vector<2048x33xf32>
    %mul3A_24 = vector.broadcast %get3A_17 : vector<1x33xf32> to vector<2048x33xf32>
    %mul3A_25 = arith.mulf %mul3A, %mul3A_24 : vector<2048x33xf32>
    %slice3A_26 = vector.extract_strided_slice %get3A_4 {offsets = [0, 128], sizes = [2048, 16], strides = [1, 1]} : vector<2048x256xf32> to vector<2048x16xf32>
    %dot_general3A_27 = arith.constant dense<0.000000e+00> : vector<2048x33xf32>
    %dot_general3A_28 = tpu.matmul %slice3A_26, %get3A_20, %dot_general3A_27 {dimension_numbers = #tpu.dot_dimension_numbers<[1], [0], [0], [1], [0, 0, 1, 1], [], []>, transpose_lhs_hint = false} : vector<2048x16xf32>, vector<16x33xf32>, vector<2048x33xf32> -> vector<2048x33xf32>
    %add3A = arith.addf %dot_general3A_22, %mul3A_25 : vector<2048x33xf32>
    %add3A_29 = arith.addf %add3A, %dot_general3A_28 : vector<2048x33xf32>
    %slice3A_30 = vector.extract_strided_slice %get3A_1 {offsets = [0, 144], sizes = [2048, 16], strides = [1, 1]} : vector<2048x256xf32> to vector<2048x16xf32>
    %dot_general3A_31 = arith.constant dense<0.000000e+00> : vector<2048x33xf32>
    %dot_general3A_32 = tpu.matmul %slice3A_30, %get3A_14, %dot_general3A_31 {dimension_numbers = #tpu.dot_dimension_numbers<[1], [0], [0], [1], [0, 0, 1, 1], [], []>, transpose_lhs_hint = false} : vector<2048x16xf32>, vector<16x33xf32>, vector<2048x33xf32> -> vector<2048x33xf32>
    %slice3A_33 = vector.extract_strided_slice %get3A_10 {offsets = [0, 1], sizes = [2048, 1], strides = [1, 1]} : vector<2048x3xf32> to vector<2048x1xf32>
    %mul3A_34 = vector.broadcast %slice3A_33 : vector<2048x1xf32> to vector<2048x33xf32>
    %mul3A_35 = vector.broadcast %get3A_17 : vector<1x33xf32> to vector<2048x33xf32>
    %mul3A_36 = arith.mulf %mul3A_34, %mul3A_35 : vector<2048x33xf32>
    %slice3A_37 = vector.extract_strided_slice %get3A_4 {offsets = [0, 144], sizes = [2048, 16], strides = [1, 1]} : vector<2048x256xf32> to vector<2048x16xf32>
    %dot_general3A_38 = arith.constant dense<0.000000e+00> : vector<2048x33xf32>
    %dot_general3A_39 = tpu.matmul %slice3A_37, %get3A_20, %dot_general3A_38 {dimension_numbers = #tpu.dot_dimension_numbers<[1], [0], [0], [1], [0, 0, 1, 1], [], []>, transpose_lhs_hint = false} : vector<2048x16xf32>, vector<16x33xf32>, vector<2048x33xf32> -> vector<2048x33xf32>
    %add3A_40 = arith.addf %dot_general3A_32, %mul3A_36 : vector<2048x33xf32>
    %add3A_41 = arith.addf %add3A_40, %dot_general3A_39 : vector<2048x33xf32>
    %slice3A_42 = vector.extract_strided_slice %get3A_1 {offsets = [0, 160], sizes = [2048, 16], strides = [1, 1]} : vector<2048x256xf32> to vector<2048x16xf32>
    %dot_general3A_43 = arith.constant dense<0.000000e+00> : vector<2048x33xf32>
    %dot_general3A_44 = tpu.matmul %slice3A_42, %get3A_14, %dot_general3A_43 {dimension_numbers = #tpu.dot_dimension_numbers<[1], [0], [0], [1], [0, 0, 1, 1], [], []>, transpose_lhs_hint = false} : vector<2048x16xf32>, vector<16x33xf32>, vector<2048x33xf32> -> vector<2048x33xf32>
    %slice3A_45 = vector.extract_strided_slice %get3A_10 {offsets = [0, 2], sizes = [2048, 1], strides = [1, 1]} : vector<2048x3xf32> to vector<2048x1xf32>
    %mul3A_46 = vector.broadcast %slice3A_45 : vector<2048x1xf32> to vector<2048x33xf32>
    %mul3A_47 = vector.broadcast %get3A_17 : vector<1x33xf32> to vector<2048x33xf32>
    %mul3A_48 = arith.mulf %mul3A_46, %mul3A_47 : vector<2048x33xf32>
    %slice3A_49 = vector.extract_strided_slice %get3A_4 {offsets = [0, 160], sizes = [2048, 16], strides = [1, 1]} : vector<2048x256xf32> to vector<2048x16xf32>
    %dot_general3A_50 = arith.constant dense<0.000000e+00> : vector<2048x33xf32>
    %dot_general3A_51 = tpu.matmul %slice3A_49, %get3A_20, %dot_general3A_50 {dimension_numbers = #tpu.dot_dimension_numbers<[1], [0], [0], [1], [0, 0, 1, 1], [], []>, transpose_lhs_hint = false} : vector<2048x16xf32>, vector<16x33xf32>, vector<2048x33xf32> -> vector<2048x33xf32>
    %add3A_52 = arith.addf %dot_general3A_44, %mul3A_48 : vector<2048x33xf32>
    %add3A_53 = arith.addf %add3A_52, %dot_general3A_51 : vector<2048x33xf32>
    %mul3A_54 = arith.mulf %add3A_29, %add3A_29 : vector<2048x33xf32>
    %mul3A_55 = arith.mulf %add3A_41, %add3A_41 : vector<2048x33xf32>
    %add3A_56 = arith.addf %mul3A_54, %mul3A_55 : vector<2048x33xf32>
    %mul3A_57 = arith.mulf %add3A_53, %add3A_53 : vector<2048x33xf32>
    %add3A_58 = arith.addf %add3A_56, %mul3A_57 : vector<2048x33xf32>
    %max3A = arith.constant 9.99999993E-9 : f32
    %max3A_59 = vector.broadcast %max3A : f32 to vector<2048x33xf32>
    %max3A_60 = arith.maximumf %add3A_58, %max3A_59 : vector<2048x33xf32>
    %sqrt3A = math.sqrt %max3A_60 : vector<2048x33xf32>
    %get3A_61 = arith.constant 0 : index
    %get3A_62 = arith.constant 0 : index
    %get3A_63 = vector.load %arg8[%get3A_61, %get3A_62] : memref<128x128xf32, #tpu.memory_space<vmem>>, vector<128x128xf32>
    %dot_general3A_64 = arith.constant dense<0.000000e+00> : vector<2048x128xf32>
    %dot_general3A_65 = tpu.matmul %slice3A, %get3A_63, %dot_general3A_64 {dimension_numbers = #tpu.dot_dimension_numbers<[1], [0], [0], [1], [0, 0, 1, 1], [], []>, transpose_lhs_hint = false} : vector<2048x128xf32>, vector<128x128xf32>, vector<2048x128xf32> -> vector<2048x128xf32>
    %get3A_66 = arith.constant 0 : index
    %get3A_67 = arith.constant 0 : index
    %get3A_68 = vector.load %arg9[%get3A_66, %get3A_67] : memref<32x128xf32, #tpu.memory_space<vmem>>, vector<32x128xf32>
    %dot_general3A_69 = arith.constant dense<0.000000e+00> : vector<2048x128xf32>
    %dot_general3A_70 = tpu.matmul %get3A_7, %get3A_68, %dot_general3A_69 {dimension_numbers = #tpu.dot_dimension_numbers<[1], [0], [0], [1], [0, 0, 1, 1], [], []>, transpose_lhs_hint = false} : vector<2048x32xf32>, vector<32x128xf32>, vector<2048x128xf32> -> vector<2048x128xf32>
    %add3A_71 = arith.addf %dot_general3A_65, %dot_general3A_70 : vector<2048x128xf32>
    %get3A_72 = arith.constant 0 : index
    %get3A_73 = arith.constant 0 : index
    %get3A_74 = vector.load %arg10[%get3A_72, %get3A_73] : memref<128x128xf32, #tpu.memory_space<vmem>>, vector<128x128xf32>
    %dot_general3A_75 = arith.constant dense<0.000000e+00> : vector<2048x128xf32>
    %dot_general3A_76 = tpu.matmul %slice3A_11, %get3A_74, %dot_general3A_75 {dimension_numbers = #tpu.dot_dimension_numbers<[1], [0], [0], [1], [0, 0, 1, 1], [], []>, transpose_lhs_hint = false} : vector<2048x128xf32>, vector<128x128xf32>, vector<2048x128xf32> -> vector<2048x128xf32>
    %add3A_77 = arith.addf %add3A_71, %dot_general3A_76 : vector<2048x128xf32>
    %get3A_78 = arith.constant 0 : index
    %get3A_79 = arith.constant 0 : index
    %get3A_80 = vector.load %arg11[%get3A_78, %get3A_79] : memref<33x128xf32, #tpu.memory_space<vmem>>, vector<33x128xf32>
    %dot_general3A_81 = arith.constant dense<0.000000e+00> : vector<2048x128xf32>
    %dot_general3A_82 = tpu.matmul %sqrt3A, %get3A_80, %dot_general3A_81 {dimension_numbers = #tpu.dot_dimension_numbers<[1], [0], [0], [1], [0, 0, 1, 1], [], []>, transpose_lhs_hint = false} : vector<2048x33xf32>, vector<33x128xf32>, vector<2048x128xf32> -> vector<2048x128xf32>
    %add3A_83 = arith.addf %add3A_77, %dot_general3A_82 : vector<2048x128xf32>
    %get3A_84 = arith.constant 0 : index
    %get3A_85 = arith.constant 0 : index
    %get3A_86 = vector.load %arg12[%get3A_84, %get3A_85] : memref<1x128xf32, #tpu.memory_space<vmem>>, vector<1x128xf32>
    %add3A_87 = vector.broadcast %get3A_86 : vector<1x128xf32> to vector<2048x128xf32>
    %add3A_88 = arith.addf %add3A_83, %add3A_87 : vector<2048x128xf32>
    %max3A_89 = arith.constant 0.000000e+00 : f32
    %max3A_90 = vector.broadcast %max3A_89 : f32 to vector<2048x128xf32>
    %max3A_91 = arith.maximumf %add3A_88, %max3A_90 : vector<2048x128xf32>
    %get3A_92 = arith.constant 0 : index
    %get3A_93 = arith.constant 0 : index
    %get3A_94 = vector.load %arg13[%get3A_92, %get3A_93] : memref<33x16xf32, #tpu.memory_space<vmem>>, vector<33x16xf32>
    %dot_general3A_95 = arith.constant dense<0.000000e+00> : vector<2048x16xf32>
    %dot_general3A_96 = tpu.matmul %add3A_29, %get3A_94, %dot_general3A_95 {dimension_numbers = #tpu.dot_dimension_numbers<[1], [0], [0], [1], [0, 0, 1, 1], [], []>, transpose_lhs_hint = false} : vector<2048x33xf32>, vector<33x16xf32>, vector<2048x16xf32> -> vector<2048x16xf32>
    %dot_general3A_97 = arith.constant dense<0.000000e+00> : vector<2048x16xf32>
    %dot_general3A_98 = tpu.matmul %add3A_41, %get3A_94, %dot_general3A_97 {dimension_numbers = #tpu.dot_dimension_numbers<[1], [0], [0], [1], [0, 0, 1, 1], [], []>, transpose_lhs_hint = false} : vector<2048x33xf32>, vector<33x16xf32>, vector<2048x16xf32> -> vector<2048x16xf32>
    %dot_general3A_99 = arith.constant dense<0.000000e+00> : vector<2048x16xf32>
    %dot_general3A_100 = tpu.matmul %add3A_53, %get3A_94, %dot_general3A_99 {dimension_numbers = #tpu.dot_dimension_numbers<[1], [0], [0], [1], [0, 0, 1, 1], [], []>, transpose_lhs_hint = false} : vector<2048x33xf32>, vector<33x16xf32>, vector<2048x16xf32> -> vector<2048x16xf32>
    %mul3A_101 = arith.mulf %dot_general3A_96, %dot_general3A_96 : vector<2048x16xf32>
    %mul3A_102 = arith.mulf %dot_general3A_98, %dot_general3A_98 : vector<2048x16xf32>
    %add3A_103 = arith.addf %mul3A_101, %mul3A_102 : vector<2048x16xf32>
    %mul3A_104 = arith.mulf %dot_general3A_100, %dot_general3A_100 : vector<2048x16xf32>
    %add3A_105 = arith.addf %add3A_103, %mul3A_104 : vector<2048x16xf32>
    %max3A_106 = arith.constant 9.99999993E-9 : f32
    %max3A_107 = vector.broadcast %max3A_106 : f32 to vector<2048x16xf32>
    %max3A_108 = arith.maximumf %add3A_105, %max3A_107 : vector<2048x16xf32>
    %sqrt3A_109 = math.sqrt %max3A_108 : vector<2048x16xf32>
    %logistic3A = arith.negf %sqrt3A_109 : vector<2048x16xf32>
    %logistic3A_110 = math.exp %logistic3A : vector<2048x16xf32>
    %logistic3A_111 = arith.constant 1.000000e+00 : f32
    %logistic3A_112 = vector.broadcast %logistic3A_111 : f32 to vector<2048x16xf32>
    %logistic3A_113 = arith.addf %logistic3A_112, %logistic3A_110 : vector<2048x16xf32>
    %logistic3A_114 = arith.divf %logistic3A_112, %logistic3A_113 : vector<2048x16xf32>
    %mul3A_115 = arith.mulf %dot_general3A_96, %logistic3A_114 : vector<2048x16xf32>
    %mul3A_116 = arith.mulf %dot_general3A_98, %logistic3A_114 : vector<2048x16xf32>
    %mul3A_117 = arith.mulf %dot_general3A_100, %logistic3A_114 : vector<2048x16xf32>
    %get3A_118 = arith.constant 0 : index
    %get3A_119 = arith.constant 0 : index
    %get3A_120 = vector.load %arg14[%get3A_118, %get3A_119] : memref<16x16xf32, #tpu.memory_space<vmem>>, vector<16x16xf32>
    %dot_general3A_121 = arith.constant dense<0.000000e+00> : vector<2048x16xf32>
    %dot_general3A_122 = tpu.matmul %mul3A_115, %get3A_120, %dot_general3A_121 {dimension_numbers = #tpu.dot_dimension_numbers<[1], [0], [0], [1], [0, 0, 1, 1], [], []>, transpose_lhs_hint = false} : vector<2048x16xf32>, vector<16x16xf32>, vector<2048x16xf32> -> vector<2048x16xf32>
    %dot_general3A_123 = arith.constant dense<0.000000e+00> : vector<2048x16xf32>
    %dot_general3A_124 = tpu.matmul %mul3A_116, %get3A_120, %dot_general3A_123 {dimension_numbers = #tpu.dot_dimension_numbers<[1], [0], [0], [1], [0, 0, 1, 1], [], []>, transpose_lhs_hint = false} : vector<2048x16xf32>, vector<16x16xf32>, vector<2048x16xf32> -> vector<2048x16xf32>
    %dot_general3A_125 = arith.constant dense<0.000000e+00> : vector<2048x16xf32>
    %dot_general3A_126 = tpu.matmul %mul3A_117, %get3A_120, %dot_general3A_125 {dimension_numbers = #tpu.dot_dimension_numbers<[1], [0], [0], [1], [0, 0, 1, 1], [], []>, transpose_lhs_hint = false} : vector<2048x16xf32>, vector<16x16xf32>, vector<2048x16xf32> -> vector<2048x16xf32>
    %mul3A_127 = arith.mulf %dot_general3A_122, %dot_general3A_122 : vector<2048x16xf32>
    %mul3A_128 = arith.mulf %dot_general3A_124, %dot_general3A_124 : vector<2048x16xf32>
    %add3A_129 = arith.addf %mul3A_127, %mul3A_128 : vector<2048x16xf32>
    %mul3A_130 = arith.mulf %dot_general3A_126, %dot_general3A_126 : vector<2048x16xf32>
    %add3A_131 = arith.addf %add3A_129, %mul3A_130 : vector<2048x16xf32>
    %max3A_132 = arith.constant 9.99999993E-9 : f32
    %max3A_133 = vector.broadcast %max3A_132 : f32 to vector<2048x16xf32>
    %max3A_134 = arith.maximumf %add3A_131, %max3A_133 : vector<2048x16xf32>
    %sqrt3A_135 = math.sqrt %max3A_134 : vector<2048x16xf32>
    %get3A_136 = arith.constant 0 : index
    %get3A_137 = arith.constant 0 : index
    %get3A_138 = vector.load %arg15[%get3A_136, %get3A_137] : memref<128x128xf32, #tpu.memory_space<vmem>>, vector<128x128xf32>
    %dot_general3A_139 = arith.constant dense<0.000000e+00> : vector<2048x128xf32>
    %dot_general3A_140 = tpu.matmul %max3A_91, %get3A_138, %dot_general3A_139 {dimension_numbers = #tpu.dot_dimension_numbers<[1], [0], [0], [1], [0, 0, 1, 1], [], []>, transpose_lhs_hint = false} : vector<2048x128xf32>, vector<128x128xf32>, vector<2048x128xf32> -> vector<2048x128xf32>
    %get3A_141 = arith.constant 0 : index
    %get3A_142 = arith.constant 0 : index
    %get3A_143 = vector.load %arg16[%get3A_141, %get3A_142] : memref<16x128xf32, #tpu.memory_space<vmem>>, vector<16x128xf32>
    %dot_general3A_144 = arith.constant dense<0.000000e+00> : vector<2048x128xf32>
    %dot_general3A_145 = tpu.matmul %sqrt3A_135, %get3A_143, %dot_general3A_144 {dimension_numbers = #tpu.dot_dimension_numbers<[1], [0], [0], [1], [0, 0, 1, 1], [], []>, transpose_lhs_hint = false} : vector<2048x16xf32>, vector<16x128xf32>, vector<2048x128xf32> -> vector<2048x128xf32>
    %add3A_146 = arith.addf %dot_general3A_140, %dot_general3A_145 : vector<2048x128xf32>
    %get3A_147 = arith.constant 0 : index
    %get3A_148 = arith.constant 0 : index
    %get3A_149 = vector.load %arg17[%get3A_147, %get3A_148] : memref<1x128xf32, #tpu.memory_space<vmem>>, vector<1x128xf32>
    %add3A_150 = vector.broadcast %get3A_149 : vector<1x128xf32> to vector<2048x128xf32>
    %add3A_151 = arith.addf %add3A_146, %add3A_150 : vector<2048x128xf32>
    %get3A_152 = arith.constant 0 : index
    %get3A_153 = arith.constant 0 : index
    %get3A_154 = vector.load %arg18[%get3A_152, %get3A_153] : memref<16x16xf32, #tpu.memory_space<vmem>>, vector<16x16xf32>
    %dot_general3A_155 = arith.constant dense<0.000000e+00> : vector<2048x16xf32>
    %dot_general3A_156 = tpu.matmul %dot_general3A_122, %get3A_154, %dot_general3A_155 {dimension_numbers = #tpu.dot_dimension_numbers<[1], [0], [0], [1], [0, 0, 1, 1], [], []>, transpose_lhs_hint = false} : vector<2048x16xf32>, vector<16x16xf32>, vector<2048x16xf32> -> vector<2048x16xf32>
    %dot_general3A_157 = arith.constant dense<0.000000e+00> : vector<2048x16xf32>
    %dot_general3A_158 = tpu.matmul %dot_general3A_124, %get3A_154, %dot_general3A_157 {dimension_numbers = #tpu.dot_dimension_numbers<[1], [0], [0], [1], [0, 0, 1, 1], [], []>, transpose_lhs_hint = false} : vector<2048x16xf32>, vector<16x16xf32>, vector<2048x16xf32> -> vector<2048x16xf32>
    %dot_general3A_159 = arith.constant dense<0.000000e+00> : vector<2048x16xf32>
    %dot_general3A_160 = tpu.matmul %dot_general3A_126, %get3A_154, %dot_general3A_159 {dimension_numbers = #tpu.dot_dimension_numbers<[1], [0], [0], [1], [0, 0, 1, 1], [], []>, transpose_lhs_hint = false} : vector<2048x16xf32>, vector<16x16xf32>, vector<2048x16xf32> -> vector<2048x16xf32>
    %max3A_161 = arith.constant 0.000000e+00 : f32
    %max3A_162 = vector.broadcast %max3A_161 : f32 to vector<2048x128xf32>
    %max3A_163 = arith.maximumf %add3A_151, %max3A_162 : vector<2048x128xf32>
    %mul3A_164 = arith.mulf %dot_general3A_156, %dot_general3A_156 : vector<2048x16xf32>
    %mul3A_165 = arith.mulf %dot_general3A_158, %dot_general3A_158 : vector<2048x16xf32>
    %add3A_166 = arith.addf %mul3A_164, %mul3A_165 : vector<2048x16xf32>
    %mul3A_167 = arith.mulf %dot_general3A_160, %dot_general3A_160 : vector<2048x16xf32>
    %add3A_168 = arith.addf %add3A_166, %mul3A_167 : vector<2048x16xf32>
    %max3A_169 = arith.constant 9.99999993E-9 : f32
    %max3A_170 = vector.broadcast %max3A_169 : f32 to vector<2048x16xf32>
    %max3A_171 = arith.maximumf %add3A_168, %max3A_170 : vector<2048x16xf32>
    %sqrt3A_172 = math.sqrt %max3A_171 : vector<2048x16xf32>
    %logistic3A_173 = arith.negf %sqrt3A_172 : vector<2048x16xf32>
    %logistic3A_174 = math.exp %logistic3A_173 : vector<2048x16xf32>
    %logistic3A_175 = arith.constant 1.000000e+00 : f32
    %logistic3A_176 = vector.broadcast %logistic3A_175 : f32 to vector<2048x16xf32>
    %logistic3A_177 = arith.addf %logistic3A_176, %logistic3A_174 : vector<2048x16xf32>
    %logistic3A_178 = arith.divf %logistic3A_176, %logistic3A_177 : vector<2048x16xf32>
    %mul3A_179 = arith.mulf %dot_general3A_156, %logistic3A_178 : vector<2048x16xf32>
    %mul3A_180 = arith.mulf %dot_general3A_158, %logistic3A_178 : vector<2048x16xf32>
    %mul3A_181 = arith.mulf %dot_general3A_160, %logistic3A_178 : vector<2048x16xf32>
    %get3A_182 = arith.constant 0 : index
    %get3A_183 = arith.constant 0 : index
    %get3A_184 = vector.load %arg19[%get3A_182, %get3A_183] : memref<16x16xf32, #tpu.memory_space<vmem>>, vector<16x16xf32>
    %dot_general3A_185 = arith.constant dense<0.000000e+00> : vector<2048x16xf32>
    %dot_general3A_186 = tpu.matmul %mul3A_179, %get3A_184, %dot_general3A_185 {dimension_numbers = #tpu.dot_dimension_numbers<[1], [0], [0], [1], [0, 0, 1, 1], [], []>, transpose_lhs_hint = false} : vector<2048x16xf32>, vector<16x16xf32>, vector<2048x16xf32> -> vector<2048x16xf32>
    %dot_general3A_187 = arith.constant dense<0.000000e+00> : vector<2048x16xf32>
    %dot_general3A_188 = tpu.matmul %mul3A_180, %get3A_184, %dot_general3A_187 {dimension_numbers = #tpu.dot_dimension_numbers<[1], [0], [0], [1], [0, 0, 1, 1], [], []>, transpose_lhs_hint = false} : vector<2048x16xf32>, vector<16x16xf32>, vector<2048x16xf32> -> vector<2048x16xf32>
    %dot_general3A_189 = arith.constant dense<0.000000e+00> : vector<2048x16xf32>
    %dot_general3A_190 = tpu.matmul %mul3A_181, %get3A_184, %dot_general3A_189 {dimension_numbers = #tpu.dot_dimension_numbers<[1], [0], [0], [1], [0, 0, 1, 1], [], []>, transpose_lhs_hint = false} : vector<2048x16xf32>, vector<16x16xf32>, vector<2048x16xf32> -> vector<2048x16xf32>
    %mul3A_191 = arith.mulf %dot_general3A_186, %dot_general3A_186 : vector<2048x16xf32>
    %mul3A_192 = arith.mulf %dot_general3A_188, %dot_general3A_188 : vector<2048x16xf32>
    %add3A_193 = arith.addf %mul3A_191, %mul3A_192 : vector<2048x16xf32>
    %mul3A_194 = arith.mulf %dot_general3A_190, %dot_general3A_190 : vector<2048x16xf32>
    %add3A_195 = arith.addf %add3A_193, %mul3A_194 : vector<2048x16xf32>
    %max3A_196 = arith.constant 9.99999993E-9 : f32
    %max3A_197 = vector.broadcast %max3A_196 : f32 to vector<2048x16xf32>
    %max3A_198 = arith.maximumf %add3A_195, %max3A_197 : vector<2048x16xf32>
    %sqrt3A_199 = math.sqrt %max3A_198 : vector<2048x16xf32>
    %get3A_200 = arith.constant 0 : index
    %get3A_201 = arith.constant 0 : index
    %get3A_202 = vector.load %arg20[%get3A_200, %get3A_201] : memref<128x128xf32, #tpu.memory_space<vmem>>, vector<128x128xf32>
    %dot_general3A_203 = arith.constant dense<0.000000e+00> : vector<2048x128xf32>
    %dot_general3A_204 = tpu.matmul %max3A_163, %get3A_202, %dot_general3A_203 {dimension_numbers = #tpu.dot_dimension_numbers<[1], [0], [0], [1], [0, 0, 1, 1], [], []>, transpose_lhs_hint = false} : vector<2048x128xf32>, vector<128x128xf32>, vector<2048x128xf32> -> vector<2048x128xf32>
    %get3A_205 = arith.constant 0 : index
    %get3A_206 = arith.constant 0 : index
    %get3A_207 = vector.load %arg21[%get3A_205, %get3A_206] : memref<16x128xf32, #tpu.memory_space<vmem>>, vector<16x128xf32>
    %dot_general3A_208 = arith.constant dense<0.000000e+00> : vector<2048x128xf32>
    %dot_general3A_209 = tpu.matmul %sqrt3A_199, %get3A_207, %dot_general3A_208 {dimension_numbers = #tpu.dot_dimension_numbers<[1], [0], [0], [1], [0, 0, 1, 1], [], []>, transpose_lhs_hint = false} : vector<2048x16xf32>, vector<16x128xf32>, vector<2048x128xf32> -> vector<2048x128xf32>
    %add3A_210 = arith.addf %dot_general3A_204, %dot_general3A_209 : vector<2048x128xf32>
    %get3A_211 = arith.constant 0 : index
    %get3A_212 = arith.constant 0 : index
    %get3A_213 = vector.load %arg22[%get3A_211, %get3A_212] : memref<1x128xf32, #tpu.memory_space<vmem>>, vector<1x128xf32>
    %add3A_214 = vector.broadcast %get3A_213 : vector<1x128xf32> to vector<2048x128xf32>
    %add3A_215 = arith.addf %add3A_210, %add3A_214 : vector<2048x128xf32>
    %get3A_216 = arith.constant 0 : index
    %get3A_217 = arith.constant 0 : index
    %get3A_218 = vector.load %arg23[%get3A_216, %get3A_217] : memref<16x16xf32, #tpu.memory_space<vmem>>, vector<16x16xf32>
    %dot_general3A_219 = arith.constant dense<0.000000e+00> : vector<2048x16xf32>
    %dot_general3A_220 = tpu.matmul %dot_general3A_186, %get3A_218, %dot_general3A_219 {dimension_numbers = #tpu.dot_dimension_numbers<[1], [0], [0], [1], [0, 0, 1, 1], [], []>, transpose_lhs_hint = false} : vector<2048x16xf32>, vector<16x16xf32>, vector<2048x16xf32> -> vector<2048x16xf32>
    %dot_general3A_221 = arith.constant dense<0.000000e+00> : vector<2048x16xf32>
    %dot_general3A_222 = tpu.matmul %dot_general3A_188, %get3A_218, %dot_general3A_221 {dimension_numbers = #tpu.dot_dimension_numbers<[1], [0], [0], [1], [0, 0, 1, 1], [], []>, transpose_lhs_hint = false} : vector<2048x16xf32>, vector<16x16xf32>, vector<2048x16xf32> -> vector<2048x16xf32>
    %dot_general3A_223 = arith.constant dense<0.000000e+00> : vector<2048x16xf32>
    %dot_general3A_224 = tpu.matmul %dot_general3A_190, %get3A_218, %dot_general3A_223 {dimension_numbers = #tpu.dot_dimension_numbers<[1], [0], [0], [1], [0, 0, 1, 1], [], []>, transpose_lhs_hint = false} : vector<2048x16xf32>, vector<16x16xf32>, vector<2048x16xf32> -> vector<2048x16xf32>
    %swap3A = arith.constant 0 : index
    %swap3A_225 = arith.constant 0 : index
    %swap3A_226 = vector.load %arg24[%swap3A, %swap3A_225] : memref<2048x128xf32, #tpu.memory_space<vmem>>, vector<2048x128xf32>
    tpu.vector_store %arg24[%swap3A, %swap3A_225], %add3A_215 {strides = array<i32>} : memref<2048x128xf32, #tpu.memory_space<vmem>>, vector<2048x128xf32>,
    %broadcast_in_dim3A = arith.constant 1.000000e+00 : f32
    %broadcast_in_dim3A_227 = vector.broadcast %broadcast_in_dim3A : f32 to vector<2048x1xf32>
    %broadcast_in_dim3A_228 = arith.constant 0.000000e+00 : f32
    %broadcast_in_dim3A_229 = vector.broadcast %broadcast_in_dim3A_228 : f32 to vector<2048x79xf32>
    %concatenate3A = tpu.concatenate %dot_general3A_220, %dot_general3A_222, %dot_general3A_224, %broadcast_in_dim3A_227, %broadcast_in_dim3A_229 in 1 : vector<2048x16xf32>, vector<2048x16xf32>, vector<2048x16xf32>, vector<2048x1xf32>, vector<2048x79xf32> -> vector<2048x128xf32>
    %swap3A_230 = arith.constant 0 : index
    %swap3A_231 = arith.constant 0 : index
    %swap3A_232 = vector.load %arg25[%swap3A_230, %swap3A_231] : memref<2048x128xf32, #tpu.memory_space<vmem>>, vector<2048x128xf32>
    tpu.vector_store %arg25[%swap3A_230, %swap3A_231], %concatenate3A {strides = array<i32>} : memref<2048x128xf32, #tpu.memory_space<vmem>>, vector<2048x128xf32>,
    return
  }
  func.func @transform_0(%arg0: i32) -> (i32, i32) {
    %c0_i32 = arith.constant 0 : i32
    %c0_i32_0 = arith.constant 0 : i32
    return %arg0, %c0_i32 : i32, i32
  }
  func.func @transform_1(%arg0: i32) -> (i32, i32) {
    %c0_i32 = arith.constant 0 : i32
    %c0_i32_0 = arith.constant 0 : i32
    return %arg0, %c0_i32 : i32, i32
  }
  func.func @transform_2(%arg0: i32) -> (i32, i32) {
    %c0_i32 = arith.constant 0 : i32
    %c0_i32_0 = arith.constant 0 : i32
    return %arg0, %c0_i32 : i32, i32
  }
  func.func @transform_3(%arg0: i32) -> (i32, i32) {
    %c0_i32 = arith.constant 0 : i32
    %c0_i32_0 = arith.constant 0 : i32
    return %arg0, %c0_i32 : i32, i32
  }
  func.func @transform_4(%arg0: i32) -> (i32, i32) {
    %c0_i32 = arith.constant 0 : i32
    %c0_i32_0 = arith.constant 0 : i32
    %c0_i32_1 = arith.constant 0 : i32
    return %c0_i32, %c0_i32_0 : i32, i32
  }
  func.func @transform_5(%arg0: i32) -> (i32, i32) {
    %c0_i32 = arith.constant 0 : i32
    %c0_i32_0 = arith.constant 0 : i32
    %c0_i32_1 = arith.constant 0 : i32
    return %c0_i32, %c0_i32_0 : i32, i32
  }
  func.func @transform_6(%arg0: i32) -> (i32, i32) {
    %c0_i32 = arith.constant 0 : i32
    %c0_i32_0 = arith.constant 0 : i32
    %c0_i32_1 = arith.constant 0 : i32
    return %c0_i32, %c0_i32_0 : i32, i32
  }
  func.func @transform_7(%arg0: i32) -> (i32, i32) {
    %c0_i32 = arith.constant 0 : i32
    %c0_i32_0 = arith.constant 0 : i32
    %c0_i32_1 = arith.constant 0 : i32
    return %c0_i32, %c0_i32_0 : i32, i32
  }
  func.func @transform_8(%arg0: i32) -> (i32, i32) {
    %c0_i32 = arith.constant 0 : i32
    %c0_i32_0 = arith.constant 0 : i32
    %c0_i32_1 = arith.constant 0 : i32
    return %c0_i32, %c0_i32_0 : i32, i32
  }
  func.func @transform_9(%arg0: i32) -> (i32, i32) {
    %c0_i32 = arith.constant 0 : i32
    %c0_i32_0 = arith.constant 0 : i32
    %c0_i32_1 = arith.constant 0 : i32
    return %c0_i32, %c0_i32_0 : i32, i32
  }
  func.func @transform_10(%arg0: i32) -> (i32, i32) {
    %c0_i32 = arith.constant 0 : i32
    %c0_i32_0 = arith.constant 0 : i32
    %c0_i32_1 = arith.constant 0 : i32
    return %c0_i32, %c0_i32_0 : i32, i32
  }
  func.func @transform_11(%arg0: i32) -> (i32, i32) {
    %c0_i32 = arith.constant 0 : i32
    %c0_i32_0 = arith.constant 0 : i32
    %c0_i32_1 = arith.constant 0 : i32
    return %c0_i32, %c0_i32_0 : i32, i32
  }
  func.func @transform_12(%arg0: i32) -> (i32, i32) {
    %c0_i32 = arith.constant 0 : i32
    %c0_i32_0 = arith.constant 0 : i32
    %c0_i32_1 = arith.constant 0 : i32
    return %c0_i32, %c0_i32_0 : i32, i32
  }
  func.func @transform_13(%arg0: i32) -> (i32, i32) {
    %c0_i32 = arith.constant 0 : i32
    %c0_i32_0 = arith.constant 0 : i32
    %c0_i32_1 = arith.constant 0 : i32
    return %c0_i32, %c0_i32_0 : i32, i32
  }
  func.func @transform_14(%arg0: i32) -> (i32, i32) {
    %c0_i32 = arith.constant 0 : i32
    %c0_i32_0 = arith.constant 0 : i32
    %c0_i32_1 = arith.constant 0 : i32
    return %c0_i32, %c0_i32_0 : i32, i32
  }
  func.func @transform_15(%arg0: i32) -> (i32, i32) {
    %c0_i32 = arith.constant 0 : i32
    %c0_i32_0 = arith.constant 0 : i32
    %c0_i32_1 = arith.constant 0 : i32
    return %c0_i32, %c0_i32_0 : i32, i32
  }
  func.func @transform_16(%arg0: i32) -> (i32, i32) {
    %c0_i32 = arith.constant 0 : i32
    %c0_i32_0 = arith.constant 0 : i32
    %c0_i32_1 = arith.constant 0 : i32
    return %c0_i32, %c0_i32_0 : i32, i32
  }
  func.func @transform_17(%arg0: i32) -> (i32, i32) {
    %c0_i32 = arith.constant 0 : i32
    %c0_i32_0 = arith.constant 0 : i32
    %c0_i32_1 = arith.constant 0 : i32
    return %c0_i32, %c0_i32_0 : i32, i32
  }
  func.func @transform_18(%arg0: i32) -> (i32, i32) {
    %c0_i32 = arith.constant 0 : i32
    %c0_i32_0 = arith.constant 0 : i32
    %c0_i32_1 = arith.constant 0 : i32
    return %c0_i32, %c0_i32_0 : i32, i32
  }
  func.func @transform_19(%arg0: i32) -> (i32, i32) {
    %c0_i32 = arith.constant 0 : i32
    %c0_i32_0 = arith.constant 0 : i32
    %c0_i32_1 = arith.constant 0 : i32
    return %c0_i32, %c0_i32_0 : i32, i32
  }
  func.func @transform_20(%arg0: i32) -> (i32, i32) {
    %c0_i32 = arith.constant 0 : i32
    %c0_i32_0 = arith.constant 0 : i32
    %c0_i32_1 = arith.constant 0 : i32
    return %c0_i32, %c0_i32_0 : i32, i32
  }
  func.func @transform_21(%arg0: i32) -> (i32, i32) {
    %c0_i32 = arith.constant 0 : i32
    %c0_i32_0 = arith.constant 0 : i32
    %c0_i32_1 = arith.constant 0 : i32
    return %c0_i32, %c0_i32_0 : i32, i32
  }
  func.func @transform_22(%arg0: i32) -> (i32, i32) {
    %c0_i32 = arith.constant 0 : i32
    %c0_i32_0 = arith.constant 0 : i32
    %c0_i32_1 = arith.constant 0 : i32
    return %c0_i32, %c0_i32_0 : i32, i32
  }
  func.func @transform_23(%arg0: i32) -> (i32, i32) {
    %c0_i32 = arith.constant 0 : i32
    %c0_i32_0 = arith.constant 0 : i32
    return %arg0, %c0_i32 : i32, i32
  }
  func.func @transform_24(%arg0: i32) -> (i32, i32) {
    %c0_i32 = arith.constant 0 : i32
    %c0_i32_0 = arith.constant 0 : i32
    return %arg0, %c0_i32 : i32, i32
  }
}

module attributes {stable_mosaic.version = 14 : i64} {
  func.func @_node_upd_body(%arg0: i32, %arg1: memref<1000x256xf32, #tpu.memory_space<vmem>>, %arg2: memref<2x1000x128xf32, #tpu.memory_space<vmem>>, %arg3: memref<2x1000x128xf32, #tpu.memory_space<vmem>>, %arg4: memref<1x128xf32, #tpu.memory_space<vmem>>, %arg5: memref<1x128xf32, #tpu.memory_space<vmem>>, %arg6: memref<16x32xf32, #tpu.memory_space<vmem>>, %arg7: memref<128x512xf32, #tpu.memory_space<vmem>>, %arg8: memref<32x512xf32, #tpu.memory_space<vmem>>, %arg9: memref<1x512xf32, #tpu.memory_space<vmem>>, %arg10: memref<32x32xf32, #tpu.memory_space<vmem>>, %arg11: memref<32x32xf32, #tpu.memory_space<vmem>>, %arg12: memref<512x128xf32, #tpu.memory_space<vmem>>, %arg13: memref<32x128xf32, #tpu.memory_space<vmem>>, %arg14: memref<1x128xf32, #tpu.memory_space<vmem>>, %arg15: memref<32x16xf32, #tpu.memory_space<vmem>>, %arg16: memref<1x128xf32, #tpu.memory_space<vmem>>, %arg17: memref<1x128xf32, #tpu.memory_space<vmem>>, %arg18: memref<1000x256xf32, #tpu.memory_space<vmem>>) attributes {dimension_semantics = [#tpu.dimension_semantics<arbitrary>], iteration_bounds = array<i64: 10>, scalar_prefetch = 0 : i64, scratch_operands = 0 : i64, tpu.core_type = #tpu.core_type<tc>, window_params = [{transform_indices = @transform_0, window_bounds = array<i64: 1000, 256>}, {transform_indices = @transform_1, window_bounds = array<i64: 2, 1000, 128>}, {transform_indices = @transform_2, window_bounds = array<i64: 2, 1000, 128>}, {pipeline_mode = #tpu.pipeline_mode<synchronous>, transform_indices = @transform_3, window_bounds = array<i64: 1, 128>}, {pipeline_mode = #tpu.pipeline_mode<synchronous>, transform_indices = @transform_4, window_bounds = array<i64: 1, 128>}, {pipeline_mode = #tpu.pipeline_mode<synchronous>, transform_indices = @transform_5, window_bounds = array<i64: 16, 32>}, {pipeline_mode = #tpu.pipeline_mode<synchronous>, transform_indices = @transform_6, window_bounds = array<i64: 128, 512>}, {pipeline_mode = #tpu.pipeline_mode<synchronous>, transform_indices = @transform_7, window_bounds = array<i64: 32, 512>}, {pipeline_mode = #tpu.pipeline_mode<synchronous>, transform_indices = @transform_8, window_bounds = array<i64: 1, 512>}, {pipeline_mode = #tpu.pipeline_mode<synchronous>, transform_indices = @transform_9, window_bounds = array<i64: 32, 32>}, {pipeline_mode = #tpu.pipeline_mode<synchronous>, transform_indices = @transform_10, window_bounds = array<i64: 32, 32>}, {pipeline_mode = #tpu.pipeline_mode<synchronous>, transform_indices = @transform_11, window_bounds = array<i64: 512, 128>}, {pipeline_mode = #tpu.pipeline_mode<synchronous>, transform_indices = @transform_12, window_bounds = array<i64: 32, 128>}, {pipeline_mode = #tpu.pipeline_mode<synchronous>, transform_indices = @transform_13, window_bounds = array<i64: 1, 128>}, {pipeline_mode = #tpu.pipeline_mode<synchronous>, transform_indices = @transform_14, window_bounds = array<i64: 32, 16>}, {pipeline_mode = #tpu.pipeline_mode<synchronous>, transform_indices = @transform_15, window_bounds = array<i64: 1, 128>}, {pipeline_mode = #tpu.pipeline_mode<synchronous>, transform_indices = @transform_16, window_bounds = array<i64: 1, 128>}, {transform_indices = @transform_17, window_bounds = array<i64: 1000, 256>}]} {
    %get3A = arith.constant 0 : index
    %get3A_0 = arith.constant 0 : index
    %get3A_1 = vector.load %arg1[%get3A, %get3A_0] : memref<1000x256xf32, #tpu.memory_space<vmem>>, vector<1000x256xf32>
    %get3A_2 = arith.constant 0 : index
    %get3A_3 = arith.constant 0 : index
    %get3A_4 = arith.constant 0 : index
    %get3A_5 = vector.load %arg2[%get3A_2, %get3A_3, %get3A_4] : memref<2x1000x128xf32, #tpu.memory_space<vmem>>, vector<1x1000x128xf32>
    %get3A_6 = vector.shape_cast %get3A_5 : vector<1x1000x128xf32> to vector<1000x128xf32>
    %get3A_7 = arith.constant 1 : index
    %get3A_8 = arith.constant 0 : index
    %get3A_9 = arith.constant 0 : index
    %get3A_10 = vector.load %arg2[%get3A_7, %get3A_8, %get3A_9] : memref<2x1000x128xf32, #tpu.memory_space<vmem>>, vector<1x1000x128xf32>
    %get3A_11 = vector.shape_cast %get3A_10 : vector<1x1000x128xf32> to vector<1000x128xf32>
    %add3A = arith.addf %get3A_6, %get3A_11 : vector<1000x128xf32>
    %get3A_12 = arith.constant 0 : index
    %get3A_13 = arith.constant 0 : index
    %get3A_14 = arith.constant 0 : index
    %get3A_15 = vector.load %arg3[%get3A_12, %get3A_13, %get3A_14] : memref<2x1000x128xf32, #tpu.memory_space<vmem>>, vector<1x1000x128xf32>
    %get3A_16 = vector.shape_cast %get3A_15 : vector<1x1000x128xf32> to vector<1000x128xf32>
    %get3A_17 = arith.constant 1 : index
    %get3A_18 = arith.constant 0 : index
    %get3A_19 = arith.constant 0 : index
    %get3A_20 = vector.load %arg3[%get3A_17, %get3A_18, %get3A_19] : memref<2x1000x128xf32, #tpu.memory_space<vmem>>, vector<1x1000x128xf32>
    %get3A_21 = vector.shape_cast %get3A_20 : vector<1x1000x128xf32> to vector<1000x128xf32>
    %add3A_22 = arith.addf %get3A_16, %get3A_21 : vector<1000x128xf32>
    %slice3A = vector.extract_strided_slice %add3A_22 {offsets = [0, 48], sizes = [1000, 1], strides = [1, 1]} : vector<1000x128xf32> to vector<1000x1xf32>
    %max3A = arith.constant 1.000000e+00 : f32
    %max3A_23 = vector.broadcast %max3A : f32 to vector<1000x1xf32>
    %max3A_24 = arith.maximumf %slice3A, %max3A_23 : vector<1000x1xf32>
    %div3A = arith.constant 1.000000e+00 : f32
    %div3A_25 = vector.broadcast %div3A : f32 to vector<1000x1xf32>
    %div3A_26 = arith.divf %div3A_25, %max3A_24 : vector<1000x1xf32>
    %slice3A_27 = vector.extract_strided_slice %get3A_1 {offsets = [0, 0], sizes = [1000, 128], strides = [1, 1]} : vector<1000x256xf32> to vector<1000x128xf32>
    %mul3A = vector.broadcast %div3A_26 : vector<1000x1xf32> to vector<1000x128xf32>
    %mul3A_28 = arith.mulf %add3A, %mul3A : vector<1000x128xf32>
    %add3A_29 = arith.addf %slice3A_27, %mul3A_28 : vector<1000x128xf32>
    %slice3A_30 = vector.extract_strided_slice %get3A_1 {offsets = [0, 128], sizes = [1000, 16], strides = [1, 1]} : vector<1000x256xf32> to vector<1000x16xf32>
    %slice3A_31 = vector.extract_strided_slice %add3A_22 {offsets = [0, 0], sizes = [1000, 16], strides = [1, 1]} : vector<1000x128xf32> to vector<1000x16xf32>
    %mul3A_32 = vector.broadcast %div3A_26 : vector<1000x1xf32> to vector<1000x16xf32>
    %mul3A_33 = arith.mulf %slice3A_31, %mul3A_32 : vector<1000x16xf32>
    %add3A_34 = arith.addf %slice3A_30, %mul3A_33 : vector<1000x16xf32>
    %slice3A_35 = vector.extract_strided_slice %get3A_1 {offsets = [0, 144], sizes = [1000, 16], strides = [1, 1]} : vector<1000x256xf32> to vector<1000x16xf32>
    %slice3A_36 = vector.extract_strided_slice %add3A_22 {offsets = [0, 16], sizes = [1000, 16], strides = [1, 1]} : vector<1000x128xf32> to vector<1000x16xf32>
    %mul3A_37 = vector.broadcast %div3A_26 : vector<1000x1xf32> to vector<1000x16xf32>
    %mul3A_38 = arith.mulf %slice3A_36, %mul3A_37 : vector<1000x16xf32>
    %add3A_39 = arith.addf %slice3A_35, %mul3A_38 : vector<1000x16xf32>
    %slice3A_40 = vector.extract_strided_slice %get3A_1 {offsets = [0, 160], sizes = [1000, 16], strides = [1, 1]} : vector<1000x256xf32> to vector<1000x16xf32>
    %slice3A_41 = vector.extract_strided_slice %add3A_22 {offsets = [0, 32], sizes = [1000, 16], strides = [1, 1]} : vector<1000x128xf32> to vector<1000x16xf32>
    %mul3A_42 = vector.broadcast %div3A_26 : vector<1000x1xf32> to vector<1000x16xf32>
    %mul3A_43 = arith.mulf %slice3A_41, %mul3A_42 : vector<1000x16xf32>
    %add3A_44 = arith.addf %slice3A_40, %mul3A_43 : vector<1000x16xf32>
    %get3A_45 = arith.constant 0 : index
    %get3A_46 = arith.constant 0 : index
    %get3A_47 = vector.load %arg4[%get3A_45, %get3A_46] : memref<1x128xf32, #tpu.memory_space<vmem>>, vector<1x128xf32>
    %get3A_48 = arith.constant 0 : index
    %get3A_49 = arith.constant 0 : index
    %get3A_50 = vector.load %arg5[%get3A_48, %get3A_49] : memref<1x128xf32, #tpu.memory_space<vmem>>, vector<1x128xf32>
    %reduce_sum3A = arith.constant dense<0.000000e+00> : vector<1000xf32>
    %reduce_sum3A_51 = vector.multi_reduction <add>, %add3A_29, %reduce_sum3A [1] : vector<1000x128xf32> to vector<1000xf32>
    %broadcast_in_dim3A = vector.shape_cast %reduce_sum3A_51 : vector<1000xf32> to vector<1000x1xf32>
    %div3A_52 = arith.constant 1.280000e+02 : f32
    %div3A_53 = vector.broadcast %div3A_52 : f32 to vector<1000x1xf32>
    %div3A_54 = arith.divf %broadcast_in_dim3A, %div3A_53 : vector<1000x1xf32>
    %sub3A = vector.broadcast %div3A_54 : vector<1000x1xf32> to vector<1000x128xf32>
    %sub3A_55 = arith.subf %add3A_29, %sub3A : vector<1000x128xf32>
    %integer_pow3A = arith.mulf %sub3A_55, %sub3A_55 : vector<1000x128xf32>
    %reduce_sum3A_56 = arith.constant dense<0.000000e+00> : vector<1000xf32>
    %reduce_sum3A_57 = vector.multi_reduction <add>, %integer_pow3A, %reduce_sum3A_56 [1] : vector<1000x128xf32> to vector<1000xf32>
    %broadcast_in_dim3A_58 = vector.shape_cast %reduce_sum3A_57 : vector<1000xf32> to vector<1000x1xf32>
    %div3A_59 = arith.constant 1.280000e+02 : f32
    %div3A_60 = vector.broadcast %div3A_59 : f32 to vector<1000x1xf32>
    %div3A_61 = arith.divf %broadcast_in_dim3A_58, %div3A_60 : vector<1000x1xf32>
    %sub3A_62 = vector.broadcast %div3A_54 : vector<1000x1xf32> to vector<1000x128xf32>
    %sub3A_63 = arith.subf %add3A_29, %sub3A_62 : vector<1000x128xf32>
    %add3A_64 = arith.constant 9.99999974E-6 : f32
    %add3A_65 = vector.broadcast %add3A_64 : f32 to vector<1000x1xf32>
    %add3A_66 = arith.addf %div3A_61, %add3A_65 : vector<1000x1xf32>
    %rsqrt3A = math.rsqrt %add3A_66 : vector<1000x1xf32>
    %mul3A_67 = vector.broadcast %rsqrt3A : vector<1000x1xf32> to vector<1000x128xf32>
    %mul3A_68 = arith.mulf %sub3A_63, %mul3A_67 : vector<1000x128xf32>
    %mul3A_69 = vector.broadcast %get3A_47 : vector<1x128xf32> to vector<1000x128xf32>
    %mul3A_70 = arith.mulf %mul3A_68, %mul3A_69 : vector<1000x128xf32>
    %add3A_71 = vector.broadcast %get3A_50 : vector<1x128xf32> to vector<1000x128xf32>
    %add3A_72 = arith.addf %mul3A_70, %add3A_71 : vector<1000x128xf32>
    %mul3A_73 = arith.mulf %add3A_34, %add3A_34 : vector<1000x16xf32>
    %mul3A_74 = arith.mulf %add3A_39, %add3A_39 : vector<1000x16xf32>
    %add3A_75 = arith.addf %mul3A_73, %mul3A_74 : vector<1000x16xf32>
    %mul3A_76 = arith.mulf %add3A_44, %add3A_44 : vector<1000x16xf32>
    %add3A_77 = arith.addf %add3A_75, %mul3A_76 : vector<1000x16xf32>
    %max3A_78 = arith.constant 9.99999993E-9 : f32
    %max3A_79 = vector.broadcast %max3A_78 : f32 to vector<1000x16xf32>
    %max3A_80 = arith.maximumf %add3A_77, %max3A_79 : vector<1000x16xf32>
    %reduce_sum3A_81 = arith.constant dense<0.000000e+00> : vector<1000xf32>
    %reduce_sum3A_82 = vector.multi_reduction <add>, %max3A_80, %reduce_sum3A_81 [1] : vector<1000x16xf32> to vector<1000xf32>
    %broadcast_in_dim3A_83 = vector.shape_cast %reduce_sum3A_82 : vector<1000xf32> to vector<1000x1xf32>
    %div3A_84 = arith.constant 1.600000e+01 : f32
    %div3A_85 = vector.broadcast %div3A_84 : f32 to vector<1000x1xf32>
    %div3A_86 = arith.divf %broadcast_in_dim3A_83, %div3A_85 : vector<1000x1xf32>
    %add3A_87 = arith.constant 9.99999993E-9 : f32
    %add3A_88 = vector.broadcast %add3A_87 : f32 to vector<1000x1xf32>
    %add3A_89 = arith.addf %div3A_86, %add3A_88 : vector<1000x1xf32>
    %sqrt3A = math.sqrt %add3A_89 : vector<1000x1xf32>
    %div3A_90 = vector.broadcast %sqrt3A : vector<1000x1xf32> to vector<1000x16xf32>
    %div3A_91 = arith.divf %add3A_34, %div3A_90 : vector<1000x16xf32>
    %div3A_92 = vector.broadcast %sqrt3A : vector<1000x1xf32> to vector<1000x16xf32>
    %div3A_93 = arith.divf %add3A_39, %div3A_92 : vector<1000x16xf32>
    %div3A_94 = vector.broadcast %sqrt3A : vector<1000x1xf32> to vector<1000x16xf32>
    %div3A_95 = arith.divf %add3A_44, %div3A_94 : vector<1000x16xf32>
    %get3A_96 = arith.constant 0 : index
    %get3A_97 = arith.constant 0 : index
    %get3A_98 = vector.load %arg6[%get3A_96, %get3A_97] : memref<16x32xf32, #tpu.memory_space<vmem>>, vector<16x32xf32>
    %dot_general3A = arith.constant dense<0.000000e+00> : vector<1000x32xf32>
    %dot_general3A_99 = tpu.matmul %div3A_91, %get3A_98, %dot_general3A {dimension_numbers = #tpu.dot_dimension_numbers<[1], [0], [0], [1], [0, 0, 1, 1], [], []>, transpose_lhs_hint = false} : vector<1000x16xf32>, vector<16x32xf32>, vector<1000x32xf32> -> vector<1000x32xf32>
    %dot_general3A_100 = arith.constant dense<0.000000e+00> : vector<1000x32xf32>
    %dot_general3A_101 = tpu.matmul %div3A_93, %get3A_98, %dot_general3A_100 {dimension_numbers = #tpu.dot_dimension_numbers<[1], [0], [0], [1], [0, 0, 1, 1], [], []>, transpose_lhs_hint = false} : vector<1000x16xf32>, vector<16x32xf32>, vector<1000x32xf32> -> vector<1000x32xf32>
    %dot_general3A_102 = arith.constant dense<0.000000e+00> : vector<1000x32xf32>
    %dot_general3A_103 = tpu.matmul %div3A_95, %get3A_98, %dot_general3A_102 {dimension_numbers = #tpu.dot_dimension_numbers<[1], [0], [0], [1], [0, 0, 1, 1], [], []>, transpose_lhs_hint = false} : vector<1000x16xf32>, vector<16x32xf32>, vector<1000x32xf32> -> vector<1000x32xf32>
    %mul3A_104 = arith.mulf %dot_general3A_99, %dot_general3A_99 : vector<1000x32xf32>
    %mul3A_105 = arith.mulf %dot_general3A_101, %dot_general3A_101 : vector<1000x32xf32>
    %add3A_106 = arith.addf %mul3A_104, %mul3A_105 : vector<1000x32xf32>
    %mul3A_107 = arith.mulf %dot_general3A_103, %dot_general3A_103 : vector<1000x32xf32>
    %add3A_108 = arith.addf %add3A_106, %mul3A_107 : vector<1000x32xf32>
    %max3A_109 = arith.constant 9.99999993E-9 : f32
    %max3A_110 = vector.broadcast %max3A_109 : f32 to vector<1000x32xf32>
    %max3A_111 = arith.maximumf %add3A_108, %max3A_110 : vector<1000x32xf32>
    %sqrt3A_112 = math.sqrt %max3A_111 : vector<1000x32xf32>
    %get3A_113 = arith.constant 0 : index
    %get3A_114 = arith.constant 0 : index
    %get3A_115 = vector.load %arg7[%get3A_113, %get3A_114] : memref<128x512xf32, #tpu.memory_space<vmem>>, vector<128x512xf32>
    %dot_general3A_116 = arith.constant dense<0.000000e+00> : vector<1000x512xf32>
    %dot_general3A_117 = tpu.matmul %add3A_72, %get3A_115, %dot_general3A_116 {dimension_numbers = #tpu.dot_dimension_numbers<[1], [0], [0], [1], [0, 0, 1, 1], [], []>, transpose_lhs_hint = false} : vector<1000x128xf32>, vector<128x512xf32>, vector<1000x512xf32> -> vector<1000x512xf32>
    %get3A_118 = arith.constant 0 : index
    %get3A_119 = arith.constant 0 : index
    %get3A_120 = vector.load %arg8[%get3A_118, %get3A_119] : memref<32x512xf32, #tpu.memory_space<vmem>>, vector<32x512xf32>
    %dot_general3A_121 = arith.constant dense<0.000000e+00> : vector<1000x512xf32>
    %dot_general3A_122 = tpu.matmul %sqrt3A_112, %get3A_120, %dot_general3A_121 {dimension_numbers = #tpu.dot_dimension_numbers<[1], [0], [0], [1], [0, 0, 1, 1], [], []>, transpose_lhs_hint = false} : vector<1000x32xf32>, vector<32x512xf32>, vector<1000x512xf32> -> vector<1000x512xf32>
    %add3A_123 = arith.addf %dot_general3A_117, %dot_general3A_122 : vector<1000x512xf32>
    %get3A_124 = arith.constant 0 : index
    %get3A_125 = arith.constant 0 : index
    %get3A_126 = vector.load %arg9[%get3A_124, %get3A_125] : memref<1x512xf32, #tpu.memory_space<vmem>>, vector<1x512xf32>
    %add3A_127 = vector.broadcast %get3A_126 : vector<1x512xf32> to vector<1000x512xf32>
    %add3A_128 = arith.addf %add3A_123, %add3A_127 : vector<1000x512xf32>
    %max3A_129 = arith.constant 0.000000e+00 : f32
    %max3A_130 = vector.broadcast %max3A_129 : f32 to vector<1000x512xf32>
    %max3A_131 = arith.maximumf %add3A_128, %max3A_130 : vector<1000x512xf32>
    %get3A_132 = arith.constant 0 : index
    %get3A_133 = arith.constant 0 : index
    %get3A_134 = vector.load %arg10[%get3A_132, %get3A_133] : memref<32x32xf32, #tpu.memory_space<vmem>>, vector<32x32xf32>
    %dot_general3A_135 = arith.constant dense<0.000000e+00> : vector<1000x32xf32>
    %dot_general3A_136 = tpu.matmul %dot_general3A_99, %get3A_134, %dot_general3A_135 {dimension_numbers = #tpu.dot_dimension_numbers<[1], [0], [0], [1], [0, 0, 1, 1], [], []>, transpose_lhs_hint = false} : vector<1000x32xf32>, vector<32x32xf32>, vector<1000x32xf32> -> vector<1000x32xf32>
    %dot_general3A_137 = arith.constant dense<0.000000e+00> : vector<1000x32xf32>
    %dot_general3A_138 = tpu.matmul %dot_general3A_101, %get3A_134, %dot_general3A_137 {dimension_numbers = #tpu.dot_dimension_numbers<[1], [0], [0], [1], [0, 0, 1, 1], [], []>, transpose_lhs_hint = false} : vector<1000x32xf32>, vector<32x32xf32>, vector<1000x32xf32> -> vector<1000x32xf32>
    %dot_general3A_139 = arith.constant dense<0.000000e+00> : vector<1000x32xf32>
    %dot_general3A_140 = tpu.matmul %dot_general3A_103, %get3A_134, %dot_general3A_139 {dimension_numbers = #tpu.dot_dimension_numbers<[1], [0], [0], [1], [0, 0, 1, 1], [], []>, transpose_lhs_hint = false} : vector<1000x32xf32>, vector<32x32xf32>, vector<1000x32xf32> -> vector<1000x32xf32>
    %mul3A_141 = arith.mulf %dot_general3A_136, %dot_general3A_136 : vector<1000x32xf32>
    %mul3A_142 = arith.mulf %dot_general3A_138, %dot_general3A_138 : vector<1000x32xf32>
    %add3A_143 = arith.addf %mul3A_141, %mul3A_142 : vector<1000x32xf32>
    %mul3A_144 = arith.mulf %dot_general3A_140, %dot_general3A_140 : vector<1000x32xf32>
    %add3A_145 = arith.addf %add3A_143, %mul3A_144 : vector<1000x32xf32>
    %max3A_146 = arith.constant 9.99999993E-9 : f32
    %max3A_147 = vector.broadcast %max3A_146 : f32 to vector<1000x32xf32>
    %max3A_148 = arith.maximumf %add3A_145, %max3A_147 : vector<1000x32xf32>
    %sqrt3A_149 = math.sqrt %max3A_148 : vector<1000x32xf32>
    %logistic3A = arith.negf %sqrt3A_149 : vector<1000x32xf32>
    %logistic3A_150 = math.exp %logistic3A : vector<1000x32xf32>
    %logistic3A_151 = arith.constant 1.000000e+00 : f32
    %logistic3A_152 = vector.broadcast %logistic3A_151 : f32 to vector<1000x32xf32>
    %logistic3A_153 = arith.addf %logistic3A_152, %logistic3A_150 : vector<1000x32xf32>
    %logistic3A_154 = arith.divf %logistic3A_152, %logistic3A_153 : vector<1000x32xf32>
    %mul3A_155 = arith.mulf %dot_general3A_136, %logistic3A_154 : vector<1000x32xf32>
    %mul3A_156 = arith.mulf %dot_general3A_138, %logistic3A_154 : vector<1000x32xf32>
    %mul3A_157 = arith.mulf %dot_general3A_140, %logistic3A_154 : vector<1000x32xf32>
    %get3A_158 = arith.constant 0 : index
    %get3A_159 = arith.constant 0 : index
    %get3A_160 = vector.load %arg11[%get3A_158, %get3A_159] : memref<32x32xf32, #tpu.memory_space<vmem>>, vector<32x32xf32>
    %dot_general3A_161 = arith.constant dense<0.000000e+00> : vector<1000x32xf32>
    %dot_general3A_162 = tpu.matmul %mul3A_155, %get3A_160, %dot_general3A_161 {dimension_numbers = #tpu.dot_dimension_numbers<[1], [0], [0], [1], [0, 0, 1, 1], [], []>, transpose_lhs_hint = false} : vector<1000x32xf32>, vector<32x32xf32>, vector<1000x32xf32> -> vector<1000x32xf32>
    %dot_general3A_163 = arith.constant dense<0.000000e+00> : vector<1000x32xf32>
    %dot_general3A_164 = tpu.matmul %mul3A_156, %get3A_160, %dot_general3A_163 {dimension_numbers = #tpu.dot_dimension_numbers<[1], [0], [0], [1], [0, 0, 1, 1], [], []>, transpose_lhs_hint = false} : vector<1000x32xf32>, vector<32x32xf32>, vector<1000x32xf32> -> vector<1000x32xf32>
    %dot_general3A_165 = arith.constant dense<0.000000e+00> : vector<1000x32xf32>
    %dot_general3A_166 = tpu.matmul %mul3A_157, %get3A_160, %dot_general3A_165 {dimension_numbers = #tpu.dot_dimension_numbers<[1], [0], [0], [1], [0, 0, 1, 1], [], []>, transpose_lhs_hint = false} : vector<1000x32xf32>, vector<32x32xf32>, vector<1000x32xf32> -> vector<1000x32xf32>
    %mul3A_167 = arith.mulf %dot_general3A_162, %dot_general3A_162 : vector<1000x32xf32>
    %mul3A_168 = arith.mulf %dot_general3A_164, %dot_general3A_164 : vector<1000x32xf32>
    %add3A_169 = arith.addf %mul3A_167, %mul3A_168 : vector<1000x32xf32>
    %mul3A_170 = arith.mulf %dot_general3A_166, %dot_general3A_166 : vector<1000x32xf32>
    %add3A_171 = arith.addf %add3A_169, %mul3A_170 : vector<1000x32xf32>
    %max3A_172 = arith.constant 9.99999993E-9 : f32
    %max3A_173 = vector.broadcast %max3A_172 : f32 to vector<1000x32xf32>
    %max3A_174 = arith.maximumf %add3A_171, %max3A_173 : vector<1000x32xf32>
    %sqrt3A_175 = math.sqrt %max3A_174 : vector<1000x32xf32>
    %get3A_176 = arith.constant 0 : index
    %get3A_177 = arith.constant 0 : index
    %get3A_178 = vector.load %arg12[%get3A_176, %get3A_177] : memref<512x128xf32, #tpu.memory_space<vmem>>, vector<512x128xf32>
    %dot_general3A_179 = arith.constant dense<0.000000e+00> : vector<1000x128xf32>
    %dot_general3A_180 = tpu.matmul %max3A_131, %get3A_178, %dot_general3A_179 {dimension_numbers = #tpu.dot_dimension_numbers<[1], [0], [0], [1], [0, 0, 1, 1], [], []>, transpose_lhs_hint = false} : vector<1000x512xf32>, vector<512x128xf32>, vector<1000x128xf32> -> vector<1000x128xf32>
    %get3A_181 = arith.constant 0 : index
    %get3A_182 = arith.constant 0 : index
    %get3A_183 = vector.load %arg13[%get3A_181, %get3A_182] : memref<32x128xf32, #tpu.memory_space<vmem>>, vector<32x128xf32>
    %dot_general3A_184 = arith.constant dense<0.000000e+00> : vector<1000x128xf32>
    %dot_general3A_185 = tpu.matmul %sqrt3A_175, %get3A_183, %dot_general3A_184 {dimension_numbers = #tpu.dot_dimension_numbers<[1], [0], [0], [1], [0, 0, 1, 1], [], []>, transpose_lhs_hint = false} : vector<1000x32xf32>, vector<32x128xf32>, vector<1000x128xf32> -> vector<1000x128xf32>
    %add3A_186 = arith.addf %dot_general3A_180, %dot_general3A_185 : vector<1000x128xf32>
    %get3A_187 = arith.constant 0 : index
    %get3A_188 = arith.constant 0 : index
    %get3A_189 = vector.load %arg14[%get3A_187, %get3A_188] : memref<1x128xf32, #tpu.memory_space<vmem>>, vector<1x128xf32>
    %add3A_190 = vector.broadcast %get3A_189 : vector<1x128xf32> to vector<1000x128xf32>
    %add3A_191 = arith.addf %add3A_186, %add3A_190 : vector<1000x128xf32>
    %get3A_192 = arith.constant 0 : index
    %get3A_193 = arith.constant 0 : index
    %get3A_194 = vector.load %arg15[%get3A_192, %get3A_193] : memref<32x16xf32, #tpu.memory_space<vmem>>, vector<32x16xf32>
    %dot_general3A_195 = arith.constant dense<0.000000e+00> : vector<1000x16xf32>
    %dot_general3A_196 = tpu.matmul %dot_general3A_162, %get3A_194, %dot_general3A_195 {dimension_numbers = #tpu.dot_dimension_numbers<[1], [0], [0], [1], [0, 0, 1, 1], [], []>, transpose_lhs_hint = false} : vector<1000x32xf32>, vector<32x16xf32>, vector<1000x16xf32> -> vector<1000x16xf32>
    %dot_general3A_197 = arith.constant dense<0.000000e+00> : vector<1000x16xf32>
    %dot_general3A_198 = tpu.matmul %dot_general3A_164, %get3A_194, %dot_general3A_197 {dimension_numbers = #tpu.dot_dimension_numbers<[1], [0], [0], [1], [0, 0, 1, 1], [], []>, transpose_lhs_hint = false} : vector<1000x32xf32>, vector<32x16xf32>, vector<1000x16xf32> -> vector<1000x16xf32>
    %dot_general3A_199 = arith.constant dense<0.000000e+00> : vector<1000x16xf32>
    %dot_general3A_200 = tpu.matmul %dot_general3A_166, %get3A_194, %dot_general3A_199 {dimension_numbers = #tpu.dot_dimension_numbers<[1], [0], [0], [1], [0, 0, 1, 1], [], []>, transpose_lhs_hint = false} : vector<1000x32xf32>, vector<32x16xf32>, vector<1000x16xf32> -> vector<1000x16xf32>
    %add3A_201 = arith.addf %add3A_72, %add3A_191 : vector<1000x128xf32>
    %get3A_202 = arith.constant 0 : index
    %get3A_203 = arith.constant 0 : index
    %get3A_204 = vector.load %arg16[%get3A_202, %get3A_203] : memref<1x128xf32, #tpu.memory_space<vmem>>, vector<1x128xf32>
    %get3A_205 = arith.constant 0 : index
    %get3A_206 = arith.constant 0 : index
    %get3A_207 = vector.load %arg17[%get3A_205, %get3A_206] : memref<1x128xf32, #tpu.memory_space<vmem>>, vector<1x128xf32>
    %reduce_sum3A_208 = arith.constant dense<0.000000e+00> : vector<1000xf32>
    %reduce_sum3A_209 = vector.multi_reduction <add>, %add3A_201, %reduce_sum3A_208 [1] : vector<1000x128xf32> to vector<1000xf32>
    %broadcast_in_dim3A_210 = vector.shape_cast %reduce_sum3A_209 : vector<1000xf32> to vector<1000x1xf32>
    %div3A_211 = arith.constant 1.280000e+02 : f32
    %div3A_212 = vector.broadcast %div3A_211 : f32 to vector<1000x1xf32>
    %div3A_213 = arith.divf %broadcast_in_dim3A_210, %div3A_212 : vector<1000x1xf32>
    %sub3A_214 = vector.broadcast %div3A_213 : vector<1000x1xf32> to vector<1000x128xf32>
    %sub3A_215 = arith.subf %add3A_201, %sub3A_214 : vector<1000x128xf32>
    %integer_pow3A_216 = arith.mulf %sub3A_215, %sub3A_215 : vector<1000x128xf32>
    %reduce_sum3A_217 = arith.constant dense<0.000000e+00> : vector<1000xf32>
    %reduce_sum3A_218 = vector.multi_reduction <add>, %integer_pow3A_216, %reduce_sum3A_217 [1] : vector<1000x128xf32> to vector<1000xf32>
    %broadcast_in_dim3A_219 = vector.shape_cast %reduce_sum3A_218 : vector<1000xf32> to vector<1000x1xf32>
    %div3A_220 = arith.constant 1.280000e+02 : f32
    %div3A_221 = vector.broadcast %div3A_220 : f32 to vector<1000x1xf32>
    %div3A_222 = arith.divf %broadcast_in_dim3A_219, %div3A_221 : vector<1000x1xf32>
    %sub3A_223 = vector.broadcast %div3A_213 : vector<1000x1xf32> to vector<1000x128xf32>
    %sub3A_224 = arith.subf %add3A_201, %sub3A_223 : vector<1000x128xf32>
    %add3A_225 = arith.constant 9.99999974E-6 : f32
    %add3A_226 = vector.broadcast %add3A_225 : f32 to vector<1000x1xf32>
    %add3A_227 = arith.addf %div3A_222, %add3A_226 : vector<1000x1xf32>
    %rsqrt3A_228 = math.rsqrt %add3A_227 : vector<1000x1xf32>
    %mul3A_229 = vector.broadcast %rsqrt3A_228 : vector<1000x1xf32> to vector<1000x128xf32>
    %mul3A_230 = arith.mulf %sub3A_224, %mul3A_229 : vector<1000x128xf32>
    %mul3A_231 = vector.broadcast %get3A_204 : vector<1x128xf32> to vector<1000x128xf32>
    %mul3A_232 = arith.mulf %mul3A_230, %mul3A_231 : vector<1000x128xf32>
    %add3A_233 = vector.broadcast %get3A_207 : vector<1x128xf32> to vector<1000x128xf32>
    %add3A_234 = arith.addf %mul3A_232, %add3A_233 : vector<1000x128xf32>
    %add3A_235 = arith.addf %div3A_91, %dot_general3A_196 : vector<1000x16xf32>
    %add3A_236 = arith.addf %div3A_93, %dot_general3A_198 : vector<1000x16xf32>
    %add3A_237 = arith.addf %div3A_95, %dot_general3A_200 : vector<1000x16xf32>
    %mul3A_238 = arith.mulf %add3A_235, %add3A_235 : vector<1000x16xf32>
    %mul3A_239 = arith.mulf %add3A_236, %add3A_236 : vector<1000x16xf32>
    %add3A_240 = arith.addf %mul3A_238, %mul3A_239 : vector<1000x16xf32>
    %mul3A_241 = arith.mulf %add3A_237, %add3A_237 : vector<1000x16xf32>
    %add3A_242 = arith.addf %add3A_240, %mul3A_241 : vector<1000x16xf32>
    %max3A_243 = arith.constant 9.99999993E-9 : f32
    %max3A_244 = vector.broadcast %max3A_243 : f32 to vector<1000x16xf32>
    %max3A_245 = arith.maximumf %add3A_242, %max3A_244 : vector<1000x16xf32>
    %reduce_sum3A_246 = arith.constant dense<0.000000e+00> : vector<1000xf32>
    %reduce_sum3A_247 = vector.multi_reduction <add>, %max3A_245, %reduce_sum3A_246 [1] : vector<1000x16xf32> to vector<1000xf32>
    %broadcast_in_dim3A_248 = vector.shape_cast %reduce_sum3A_247 : vector<1000xf32> to vector<1000x1xf32>
    %div3A_249 = arith.constant 1.600000e+01 : f32
    %div3A_250 = vector.broadcast %div3A_249 : f32 to vector<1000x1xf32>
    %div3A_251 = arith.divf %broadcast_in_dim3A_248, %div3A_250 : vector<1000x1xf32>
    %add3A_252 = arith.constant 9.99999993E-9 : f32
    %add3A_253 = vector.broadcast %add3A_252 : f32 to vector<1000x1xf32>
    %add3A_254 = arith.addf %div3A_251, %add3A_253 : vector<1000x1xf32>
    %sqrt3A_255 = math.sqrt %add3A_254 : vector<1000x1xf32>
    %div3A_256 = vector.broadcast %sqrt3A_255 : vector<1000x1xf32> to vector<1000x16xf32>
    %div3A_257 = arith.divf %add3A_235, %div3A_256 : vector<1000x16xf32>
    %div3A_258 = vector.broadcast %sqrt3A_255 : vector<1000x1xf32> to vector<1000x16xf32>
    %div3A_259 = arith.divf %add3A_236, %div3A_258 : vector<1000x16xf32>
    %div3A_260 = vector.broadcast %sqrt3A_255 : vector<1000x1xf32> to vector<1000x16xf32>
    %div3A_261 = arith.divf %add3A_237, %div3A_260 : vector<1000x16xf32>
    %broadcast_in_dim3A_262 = arith.constant 0.000000e+00 : f32
    %broadcast_in_dim3A_263 = vector.broadcast %broadcast_in_dim3A_262 : f32 to vector<1000x80xf32>
    %concatenate3A = tpu.concatenate %add3A_234, %div3A_257, %div3A_259, %div3A_261, %broadcast_in_dim3A_263 in 1 : vector<1000x128xf32>, vector<1000x16xf32>, vector<1000x16xf32>, vector<1000x16xf32>, vector<1000x80xf32> -> vector<1000x256xf32>
    %swap3A = arith.constant 0 : index
    %swap3A_264 = arith.constant 0 : index
    %swap3A_265 = vector.load %arg18[%swap3A, %swap3A_264] : memref<1000x256xf32, #tpu.memory_space<vmem>>, vector<1000x256xf32>
    tpu.vector_store %arg18[%swap3A, %swap3A_264], %concatenate3A {strides = array<i32>} : memref<1000x256xf32, #tpu.memory_space<vmem>>, vector<1000x256xf32>,
    return
  }
  func.func @transform_0(%arg0: i32) -> (i32, i32) {
    %c0_i32 = arith.constant 0 : i32
    %c0_i32_0 = arith.constant 0 : i32
    return %arg0, %c0_i32 : i32, i32
  }
  func.func @transform_1(%arg0: i32) -> (i32, i32, i32) {
    %c0_i32 = arith.constant 0 : i32
    %c0_i32_0 = arith.constant 0 : i32
    %c0_i32_1 = arith.constant 0 : i32
    return %c0_i32, %arg0, %c0_i32_0 : i32, i32, i32
  }
  func.func @transform_2(%arg0: i32) -> (i32, i32, i32) {
    %c0_i32 = arith.constant 0 : i32
    %c0_i32_0 = arith.constant 0 : i32
    %c0_i32_1 = arith.constant 0 : i32
    return %c0_i32, %arg0, %c0_i32_0 : i32, i32, i32
  }
  func.func @transform_3(%arg0: i32) -> (i32, i32) {
    %c0_i32 = arith.constant 0 : i32
    %c0_i32_0 = arith.constant 0 : i32
    %c0_i32_1 = arith.constant 0 : i32
    return %c0_i32, %c0_i32_0 : i32, i32
  }
  func.func @transform_4(%arg0: i32) -> (i32, i32) {
    %c0_i32 = arith.constant 0 : i32
    %c0_i32_0 = arith.constant 0 : i32
    %c0_i32_1 = arith.constant 0 : i32
    return %c0_i32, %c0_i32_0 : i32, i32
  }
  func.func @transform_5(%arg0: i32) -> (i32, i32) {
    %c0_i32 = arith.constant 0 : i32
    %c0_i32_0 = arith.constant 0 : i32
    %c0_i32_1 = arith.constant 0 : i32
    return %c0_i32, %c0_i32_0 : i32, i32
  }
  func.func @transform_6(%arg0: i32) -> (i32, i32) {
    %c0_i32 = arith.constant 0 : i32
    %c0_i32_0 = arith.constant 0 : i32
    %c0_i32_1 = arith.constant 0 : i32
    return %c0_i32, %c0_i32_0 : i32, i32
  }
  func.func @transform_7(%arg0: i32) -> (i32, i32) {
    %c0_i32 = arith.constant 0 : i32
    %c0_i32_0 = arith.constant 0 : i32
    %c0_i32_1 = arith.constant 0 : i32
    return %c0_i32, %c0_i32_0 : i32, i32
  }
  func.func @transform_8(%arg0: i32) -> (i32, i32) {
    %c0_i32 = arith.constant 0 : i32
    %c0_i32_0 = arith.constant 0 : i32
    %c0_i32_1 = arith.constant 0 : i32
    return %c0_i32, %c0_i32_0 : i32, i32
  }
  func.func @transform_9(%arg0: i32) -> (i32, i32) {
    %c0_i32 = arith.constant 0 : i32
    %c0_i32_0 = arith.constant 0 : i32
    %c0_i32_1 = arith.constant 0 : i32
    return %c0_i32, %c0_i32_0 : i32, i32
  }
  func.func @transform_10(%arg0: i32) -> (i32, i32) {
    %c0_i32 = arith.constant 0 : i32
    %c0_i32_0 = arith.constant 0 : i32
    %c0_i32_1 = arith.constant 0 : i32
    return %c0_i32, %c0_i32_0 : i32, i32
  }
  func.func @transform_11(%arg0: i32) -> (i32, i32) {
    %c0_i32 = arith.constant 0 : i32
    %c0_i32_0 = arith.constant 0 : i32
    %c0_i32_1 = arith.constant 0 : i32
    return %c0_i32, %c0_i32_0 : i32, i32
  }
  func.func @transform_12(%arg0: i32) -> (i32, i32) {
    %c0_i32 = arith.constant 0 : i32
    %c0_i32_0 = arith.constant 0 : i32
    %c0_i32_1 = arith.constant 0 : i32
    return %c0_i32, %c0_i32_0 : i32, i32
  }
  func.func @transform_13(%arg0: i32) -> (i32, i32) {
    %c0_i32 = arith.constant 0 : i32
    %c0_i32_0 = arith.constant 0 : i32
    %c0_i32_1 = arith.constant 0 : i32
    return %c0_i32, %c0_i32_0 : i32, i32
  }
  func.func @transform_14(%arg0: i32) -> (i32, i32) {
    %c0_i32 = arith.constant 0 : i32
    %c0_i32_0 = arith.constant 0 : i32
    %c0_i32_1 = arith.constant 0 : i32
    return %c0_i32, %c0_i32_0 : i32, i32
  }
  func.func @transform_15(%arg0: i32) -> (i32, i32) {
    %c0_i32 = arith.constant 0 : i32
    %c0_i32_0 = arith.constant 0 : i32
    %c0_i32_1 = arith.constant 0 : i32
    return %c0_i32, %c0_i32_0 : i32, i32
  }
  func.func @transform_16(%arg0: i32) -> (i32, i32) {
    %c0_i32 = arith.constant 0 : i32
    %c0_i32_0 = arith.constant 0 : i32
    %c0_i32_1 = arith.constant 0 : i32
    return %c0_i32, %c0_i32_0 : i32, i32
  }
  func.func @transform_17(%arg0: i32) -> (i32, i32) {
    %c0_i32 = arith.constant 0 : i32
    %c0_i32_0 = arith.constant 0 : i32
    return %arg0, %c0_i32 : i32, i32
  }
}

module attributes {stable_mosaic.version = 14 : i64} {
  func.func @_out_body(%arg0: i32, %arg1: memref<1000x256xf32, #tpu.memory_space<vmem>>, %arg2: memref<1x128xf32, #tpu.memory_space<vmem>>, %arg3: memref<1x128xf32, #tpu.memory_space<vmem>>, %arg4: memref<16x16xf32, #tpu.memory_space<vmem>>, %arg5: memref<128x128xf32, #tpu.memory_space<vmem>>, %arg6: memref<16x128xf32, #tpu.memory_space<vmem>>, %arg7: memref<1x128xf32, #tpu.memory_space<vmem>>, %arg8: memref<1000x128xf32, #tpu.memory_space<vmem>>) attributes {dimension_semantics = [#tpu.dimension_semantics<arbitrary>], iteration_bounds = array<i64: 10>, scalar_prefetch = 0 : i64, scratch_operands = 0 : i64, tpu.core_type = #tpu.core_type<tc>, window_params = [{transform_indices = @transform_0, window_bounds = array<i64: 1000, 256>}, {pipeline_mode = #tpu.pipeline_mode<synchronous>, transform_indices = @transform_1, window_bounds = array<i64: 1, 128>}, {pipeline_mode = #tpu.pipeline_mode<synchronous>, transform_indices = @transform_2, window_bounds = array<i64: 1, 128>}, {pipeline_mode = #tpu.pipeline_mode<synchronous>, transform_indices = @transform_3, window_bounds = array<i64: 16, 16>}, {pipeline_mode = #tpu.pipeline_mode<synchronous>, transform_indices = @transform_4, window_bounds = array<i64: 128, 128>}, {pipeline_mode = #tpu.pipeline_mode<synchronous>, transform_indices = @transform_5, window_bounds = array<i64: 16, 128>}, {pipeline_mode = #tpu.pipeline_mode<synchronous>, transform_indices = @transform_6, window_bounds = array<i64: 1, 128>}, {transform_indices = @transform_7, window_bounds = array<i64: 1000, 128>}]} {
    %get3A = arith.constant 0 : index
    %get3A_0 = arith.constant 0 : index
    %get3A_1 = vector.load %arg1[%get3A, %get3A_0] : memref<1000x256xf32, #tpu.memory_space<vmem>>, vector<1000x256xf32>
    %slice3A = vector.extract_strided_slice %get3A_1 {offsets = [0, 0], sizes = [1000, 128], strides = [1, 1]} : vector<1000x256xf32> to vector<1000x128xf32>
    %get3A_2 = arith.constant 0 : index
    %get3A_3 = arith.constant 0 : index
    %get3A_4 = vector.load %arg2[%get3A_2, %get3A_3] : memref<1x128xf32, #tpu.memory_space<vmem>>, vector<1x128xf32>
    %get3A_5 = arith.constant 0 : index
    %get3A_6 = arith.constant 0 : index
    %get3A_7 = vector.load %arg3[%get3A_5, %get3A_6] : memref<1x128xf32, #tpu.memory_space<vmem>>, vector<1x128xf32>
    %reduce_sum3A = arith.constant dense<0.000000e+00> : vector<1000xf32>
    %reduce_sum3A_8 = vector.multi_reduction <add>, %slice3A, %reduce_sum3A [1] : vector<1000x128xf32> to vector<1000xf32>
    %broadcast_in_dim3A = vector.shape_cast %reduce_sum3A_8 : vector<1000xf32> to vector<1000x1xf32>
    %div3A = arith.constant 1.280000e+02 : f32
    %div3A_9 = vector.broadcast %div3A : f32 to vector<1000x1xf32>
    %div3A_10 = arith.divf %broadcast_in_dim3A, %div3A_9 : vector<1000x1xf32>
    %sub3A = vector.broadcast %div3A_10 : vector<1000x1xf32> to vector<1000x128xf32>
    %sub3A_11 = arith.subf %slice3A, %sub3A : vector<1000x128xf32>
    %integer_pow3A = arith.mulf %sub3A_11, %sub3A_11 : vector<1000x128xf32>
    %reduce_sum3A_12 = arith.constant dense<0.000000e+00> : vector<1000xf32>
    %reduce_sum3A_13 = vector.multi_reduction <add>, %integer_pow3A, %reduce_sum3A_12 [1] : vector<1000x128xf32> to vector<1000xf32>
    %broadcast_in_dim3A_14 = vector.shape_cast %reduce_sum3A_13 : vector<1000xf32> to vector<1000x1xf32>
    %div3A_15 = arith.constant 1.280000e+02 : f32
    %div3A_16 = vector.broadcast %div3A_15 : f32 to vector<1000x1xf32>
    %div3A_17 = arith.divf %broadcast_in_dim3A_14, %div3A_16 : vector<1000x1xf32>
    %sub3A_18 = vector.broadcast %div3A_10 : vector<1000x1xf32> to vector<1000x128xf32>
    %sub3A_19 = arith.subf %slice3A, %sub3A_18 : vector<1000x128xf32>
    %add3A = arith.constant 9.99999974E-6 : f32
    %add3A_20 = vector.broadcast %add3A : f32 to vector<1000x1xf32>
    %add3A_21 = arith.addf %div3A_17, %add3A_20 : vector<1000x1xf32>
    %rsqrt3A = math.rsqrt %add3A_21 : vector<1000x1xf32>
    %mul3A = vector.broadcast %rsqrt3A : vector<1000x1xf32> to vector<1000x128xf32>
    %mul3A_22 = arith.mulf %sub3A_19, %mul3A : vector<1000x128xf32>
    %mul3A_23 = vector.broadcast %get3A_4 : vector<1x128xf32> to vector<1000x128xf32>
    %mul3A_24 = arith.mulf %mul3A_22, %mul3A_23 : vector<1000x128xf32>
    %add3A_25 = vector.broadcast %get3A_7 : vector<1x128xf32> to vector<1000x128xf32>
    %add3A_26 = arith.addf %mul3A_24, %add3A_25 : vector<1000x128xf32>
    %slice3A_27 = vector.extract_strided_slice %get3A_1 {offsets = [0, 128], sizes = [1000, 16], strides = [1, 1]} : vector<1000x256xf32> to vector<1000x16xf32>
    %slice3A_28 = vector.extract_strided_slice %get3A_1 {offsets = [0, 144], sizes = [1000, 16], strides = [1, 1]} : vector<1000x256xf32> to vector<1000x16xf32>
    %slice3A_29 = vector.extract_strided_slice %get3A_1 {offsets = [0, 160], sizes = [1000, 16], strides = [1, 1]} : vector<1000x256xf32> to vector<1000x16xf32>
    %mul3A_30 = arith.mulf %slice3A_27, %slice3A_27 : vector<1000x16xf32>
    %mul3A_31 = arith.mulf %slice3A_28, %slice3A_28 : vector<1000x16xf32>
    %add3A_32 = arith.addf %mul3A_30, %mul3A_31 : vector<1000x16xf32>
    %mul3A_33 = arith.mulf %slice3A_29, %slice3A_29 : vector<1000x16xf32>
    %add3A_34 = arith.addf %add3A_32, %mul3A_33 : vector<1000x16xf32>
    %max3A = arith.constant 9.99999993E-9 : f32
    %max3A_35 = vector.broadcast %max3A : f32 to vector<1000x16xf32>
    %max3A_36 = arith.maximumf %add3A_34, %max3A_35 : vector<1000x16xf32>
    %reduce_sum3A_37 = arith.constant dense<0.000000e+00> : vector<1000xf32>
    %reduce_sum3A_38 = vector.multi_reduction <add>, %max3A_36, %reduce_sum3A_37 [1] : vector<1000x16xf32> to vector<1000xf32>
    %broadcast_in_dim3A_39 = vector.shape_cast %reduce_sum3A_38 : vector<1000xf32> to vector<1000x1xf32>
    %div3A_40 = arith.constant 1.600000e+01 : f32
    %div3A_41 = vector.broadcast %div3A_40 : f32 to vector<1000x1xf32>
    %div3A_42 = arith.divf %broadcast_in_dim3A_39, %div3A_41 : vector<1000x1xf32>
    %add3A_43 = arith.constant 9.99999993E-9 : f32
    %add3A_44 = vector.broadcast %add3A_43 : f32 to vector<1000x1xf32>
    %add3A_45 = arith.addf %div3A_42, %add3A_44 : vector<1000x1xf32>
    %sqrt3A = math.sqrt %add3A_45 : vector<1000x1xf32>
    %div3A_46 = vector.broadcast %sqrt3A : vector<1000x1xf32> to vector<1000x16xf32>
    %div3A_47 = arith.divf %slice3A_27, %div3A_46 : vector<1000x16xf32>
    %div3A_48 = vector.broadcast %sqrt3A : vector<1000x1xf32> to vector<1000x16xf32>
    %div3A_49 = arith.divf %slice3A_28, %div3A_48 : vector<1000x16xf32>
    %div3A_50 = vector.broadcast %sqrt3A : vector<1000x1xf32> to vector<1000x16xf32>
    %div3A_51 = arith.divf %slice3A_29, %div3A_50 : vector<1000x16xf32>
    %get3A_52 = arith.constant 0 : index
    %get3A_53 = arith.constant 0 : index
    %get3A_54 = vector.load %arg4[%get3A_52, %get3A_53] : memref<16x16xf32, #tpu.memory_space<vmem>>, vector<16x16xf32>
    %dot_general3A = arith.constant dense<0.000000e+00> : vector<1000x16xf32>
    %dot_general3A_55 = tpu.matmul %div3A_47, %get3A_54, %dot_general3A {dimension_numbers = #tpu.dot_dimension_numbers<[1], [0], [0], [1], [0, 0, 1, 1], [], []>, transpose_lhs_hint = false} : vector<1000x16xf32>, vector<16x16xf32>, vector<1000x16xf32> -> vector<1000x16xf32>
    %dot_general3A_56 = arith.constant dense<0.000000e+00> : vector<1000x16xf32>
    %dot_general3A_57 = tpu.matmul %div3A_49, %get3A_54, %dot_general3A_56 {dimension_numbers = #tpu.dot_dimension_numbers<[1], [0], [0], [1], [0, 0, 1, 1], [], []>, transpose_lhs_hint = false} : vector<1000x16xf32>, vector<16x16xf32>, vector<1000x16xf32> -> vector<1000x16xf32>
    %dot_general3A_58 = arith.constant dense<0.000000e+00> : vector<1000x16xf32>
    %dot_general3A_59 = tpu.matmul %div3A_51, %get3A_54, %dot_general3A_58 {dimension_numbers = #tpu.dot_dimension_numbers<[1], [0], [0], [1], [0, 0, 1, 1], [], []>, transpose_lhs_hint = false} : vector<1000x16xf32>, vector<16x16xf32>, vector<1000x16xf32> -> vector<1000x16xf32>
    %mul3A_60 = arith.mulf %dot_general3A_55, %dot_general3A_55 : vector<1000x16xf32>
    %mul3A_61 = arith.mulf %dot_general3A_57, %dot_general3A_57 : vector<1000x16xf32>
    %add3A_62 = arith.addf %mul3A_60, %mul3A_61 : vector<1000x16xf32>
    %mul3A_63 = arith.mulf %dot_general3A_59, %dot_general3A_59 : vector<1000x16xf32>
    %add3A_64 = arith.addf %add3A_62, %mul3A_63 : vector<1000x16xf32>
    %max3A_65 = arith.constant 9.99999993E-9 : f32
    %max3A_66 = vector.broadcast %max3A_65 : f32 to vector<1000x16xf32>
    %max3A_67 = arith.maximumf %add3A_64, %max3A_66 : vector<1000x16xf32>
    %sqrt3A_68 = math.sqrt %max3A_67 : vector<1000x16xf32>
    %get3A_69 = arith.constant 0 : index
    %get3A_70 = arith.constant 0 : index
    %get3A_71 = vector.load %arg5[%get3A_69, %get3A_70] : memref<128x128xf32, #tpu.memory_space<vmem>>, vector<128x128xf32>
    %dot_general3A_72 = arith.constant dense<0.000000e+00> : vector<1000x128xf32>
    %dot_general3A_73 = tpu.matmul %add3A_26, %get3A_71, %dot_general3A_72 {dimension_numbers = #tpu.dot_dimension_numbers<[1], [0], [0], [1], [0, 0, 1, 1], [], []>, transpose_lhs_hint = false} : vector<1000x128xf32>, vector<128x128xf32>, vector<1000x128xf32> -> vector<1000x128xf32>
    %get3A_74 = arith.constant 0 : index
    %get3A_75 = arith.constant 0 : index
    %get3A_76 = vector.load %arg6[%get3A_74, %get3A_75] : memref<16x128xf32, #tpu.memory_space<vmem>>, vector<16x128xf32>
    %dot_general3A_77 = arith.constant dense<0.000000e+00> : vector<1000x128xf32>
    %dot_general3A_78 = tpu.matmul %sqrt3A_68, %get3A_76, %dot_general3A_77 {dimension_numbers = #tpu.dot_dimension_numbers<[1], [0], [0], [1], [0, 0, 1, 1], [], []>, transpose_lhs_hint = false} : vector<1000x16xf32>, vector<16x128xf32>, vector<1000x128xf32> -> vector<1000x128xf32>
    %add3A_79 = arith.addf %dot_general3A_73, %dot_general3A_78 : vector<1000x128xf32>
    %get3A_80 = arith.constant 0 : index
    %get3A_81 = arith.constant 0 : index
    %get3A_82 = vector.load %arg7[%get3A_80, %get3A_81] : memref<1x128xf32, #tpu.memory_space<vmem>>, vector<1x128xf32>
    %add3A_83 = vector.broadcast %get3A_82 : vector<1x128xf32> to vector<1000x128xf32>
    %add3A_84 = arith.addf %add3A_79, %add3A_83 : vector<1000x128xf32>
    %max3A_85 = arith.constant 0.000000e+00 : f32
    %max3A_86 = vector.broadcast %max3A_85 : f32 to vector<1000x128xf32>
    %max3A_87 = arith.maximumf %add3A_84, %max3A_86 : vector<1000x128xf32>
    %swap3A = arith.constant 0 : index
    %swap3A_88 = arith.constant 0 : index
    %swap3A_89 = vector.load %arg8[%swap3A, %swap3A_88] : memref<1000x128xf32, #tpu.memory_space<vmem>>, vector<1000x128xf32>
    tpu.vector_store %arg8[%swap3A, %swap3A_88], %max3A_87 {strides = array<i32>} : memref<1000x128xf32, #tpu.memory_space<vmem>>, vector<1000x128xf32>,
    return
  }
  func.func @transform_0(%arg0: i32) -> (i32, i32) {
    %c0_i32 = arith.constant 0 : i32
    %c0_i32_0 = arith.constant 0 : i32
    return %arg0, %c0_i32 : i32, i32
  }
  func.func @transform_1(%arg0: i32) -> (i32, i32) {
    %c0_i32 = arith.constant 0 : i32
    %c0_i32_0 = arith.constant 0 : i32
    %c0_i32_1 = arith.constant 0 : i32
    return %c0_i32, %c0_i32_0 : i32, i32
  }
  func.func @transform_2(%arg0: i32) -> (i32, i32) {
    %c0_i32 = arith.constant 0 : i32
    %c0_i32_0 = arith.constant 0 : i32
    %c0_i32_1 = arith.constant 0 : i32
    return %c0_i32, %c0_i32_0 : i32, i32
  }
  func.func @transform_3(%arg0: i32) -> (i32, i32) {
    %c0_i32 = arith.constant 0 : i32
    %c0_i32_0 = arith.constant 0 : i32
    %c0_i32_1 = arith.constant 0 : i32
    return %c0_i32, %c0_i32_0 : i32, i32
  }
  func.func @transform_4(%arg0: i32) -> (i32, i32) {
    %c0_i32 = arith.constant 0 : i32
    %c0_i32_0 = arith.constant 0 : i32
    %c0_i32_1 = arith.constant 0 : i32
    return %c0_i32, %c0_i32_0 : i32, i32
  }
  func.func @transform_5(%arg0: i32) -> (i32, i32) {
    %c0_i32 = arith.constant 0 : i32
    %c0_i32_0 = arith.constant 0 : i32
    %c0_i32_1 = arith.constant 0 : i32
    return %c0_i32, %c0_i32_0 : i32, i32
  }
  func.func @transform_6(%arg0: i32) -> (i32, i32) {
    %c0_i32 = arith.constant 0 : i32
    %c0_i32_0 = arith.constant 0 : i32
    %c0_i32_1 = arith.constant 0 : i32
    return %c0_i32, %c0_i32_0 : i32, i32
  }
  func.func @transform_7(%arg0: i32) -> (i32, i32) {
    %c0_i32 = arith.constant 0 : i32
    %c0_i32_0 = arith.constant 0 : i32
    return %arg0, %c0_i32 : i32, i32
  }
}

</mosaic_0001>

<sc_bundles>
// kernel: kernel.20.cloned.1.call-start
scs
__scs_entry_jumppad:
0x0: {  	(pc) =	sbr.rel $0x88, $3  }
0x1: {  	(tag) =	ssettag $0x0;
	lr =	simm.s32 $0x1  }
0x2: {  	[smem:$0x3F41] =	sst lr;
	_ =	strace $0xD0000000  }
0x3: {  	_ = 	snop  }
0x4: {  	_ = 	snop  }
0x5: {  	_ = 	snop  }
0x6: {  	_ = 	snop  }
0x7: {  	_ = 	snop  }
__scs_overlays_trampoline_lowered:
0x8: {  	[smem:$0x3F50] =	sst s0  }
0x9: {  	[smem:$0x3F51] =	sst s1  }
0xa: {  	[smem:$0x3F52] =	sst s2  }
0xb: {  	[smem:$0x3F53] =	sst s3  }
0xc: {  	[smem:$0x3F54] =	sst s4  }
0xd: {  	[smem:$0x3F55] =	sst s5  }
0xe: {  	[smem:$0x3F56] =	sst s6  }
0xf: {  	[smem:$0x3F57] =	sst s7  }
0x10: {  	[smem:$0x3F58] =	sst s8  }
0x11: {  	[smem:$0x3F59] =	sst s9;
	s0 =	simm.s32 @!p0 $0x0  }
0x12: {  	s1 =	sld [smem:$0x3F3F];
	s0 =	simm.s32 @p0 $0x1  }
0x13: {  	[smem:$0x3F5A] =	sst s0;
	s0 =	simm.s32 @!p1 $0x0  }
0x14: {  	s2 =	sld [smem:$0x3F3E];
	s0 =	simm.s32 @p1 $0x1  }
0x15: {  	[smem:$0x3F5B] =	sst s0;
	s0 =	simm.s32 @!p2 $0x0  }
0x16: {  	s3 =	sld [smem:$0x3FDB];
	s0 =	simm.s32 @p2 $0x1  }
0x17: {  	s4 =	simm.s32 $0x1BF5;
	[smem:$0x3F5D] =	sst s0  }
0x18: {  	s0 =	sld [smem:$0x3F40];
	_ =	swait.ge [sflag:s4], $0x0  }
0x19: {  	s7 =	sld [smem:$0x3F41]  }
0x1a: {  	s8 =	sadd.s32 $0xFFFFE003, lr  }
0x1b: {  	s9 =	sadd.s32 $0xFFFFFEF7, lr;
	s5 =	simm.s32 $0xFFFFFFFF;
	p2 =	slt.u32 s8, $0xFFFFF086  }
0x1c: {  	p1 =	slt.u32 s9, $0xF7A;
	s5 =	simm.s32 @!p2 $0x0  }
0x1d: {  	s5 =	simm.s32 @p1 $0x1;
	p0 =	seq.s32 s7, s2  }
0x1e: {  	s7 =	smul.u32 @!p0 $0xF7A, s2;
	p2 =	seq.s32 @!p0 s5, $0x0  }
0x1f: {  	s9 =	smul.u32 $0xF7A, s1;
	s8 =	simm.s32 @!p0 $0x1BF5;
	p2 =	por !p2, p0  }
0x20: {  	[sflag:s8] =	ssyncset.s32 @!p0 $0xFFFFF086;
	s6 =	sadd.s32 @!p0 s3, s7;
	s7 =	simm.s32 @!p0 $0x108  }
0x21: {  	s3 =	sadd.s32 s3, s9;
	s6 =	sadd.s32 @!p0 $0x88, s6;
	s7 =	simm.s32 @p2 $0x1082  }
0x22: {  	[simem:s7], [sflag:s8] =	dma.local @!p0 [hbm:s6], $0xF7A  }
0x23: {  	s9 =	sor.u32 $0xD0000000, s2;
	s6 =	simm.s32 $0x108;
	_ =	swait.ge @!p0 [sflag:s8], $0x0  }
0x24: {  	s3 =	sadd.s32 $0x88, s3;
	s6 =	simm.s32 @!p1 $0x1082;
	[sflag:s4] =	ssyncset.s32 $0xFFFFF086  }
0x25: {  	[simem:s6], [sflag:s4] =	dma.local [hbm:s3], $0xF7A  }
0x26: {  	[smem:$0x3F41] =	sst s1;
	(tag) =	ssettag s2;
	_ =	strace s9  }
0x27: {  	s1 =	sld [smem:$0x3F51]  }
0x28: {  	s2 =	sld [smem:$0x3F52]  }
0x29: {  	s4 =	sld [smem:$0x3F54]  }
0x2a: {  	p0 =	seq.s32 s5, $0x0;
	s5 =	sld [smem:$0x3F55]  }
0x2b: {  	s6 =	sld [smem:$0x3F56]  }
0x2c: {  	s7 =	sld [smem:$0x3F57]  }
0x2d: {  	s3 =	simm.s32 $0x108;
	s8 =	sld [smem:$0x3F58]  }
0x2e: {  	s3 =	simm.s32 @!p0 $0x1082;
	s9 =	sld [smem:$0x3F59]  }
0x2f: {  	lr =	sadd.s32 s0, s3;
	s0 =	sld [smem:$0x3F50]  }
0x30: {  	s3 =	sld [smem:$0x3F53]  }
0x31: {  	[smem:$0x3F5C] =	sst s10  }
0x32: {  	s10 =	sld [smem:$0x3F5A];
	_ =	sdelay $0x3  }
0x33: {  	p0 =	seq.s32 s10, $0x1;
	s10 =	sld [smem:$0x3F5C];
	_ =	sdelay $0x3  }
0x34: {  	[smem:$0x3F5C] =	sst s10  }
0x35: {  	s10 =	sld [smem:$0x3F5B];
	_ =	sdelay $0x3  }
0x36: {  	p1 =	seq.s32 s10, $0x1;
	s10 =	sld [smem:$0x3F5C];
	_ =	sdelay $0x3  }
0x37: {  	[smem:$0x3F5C] =	sst s10  }
0x38: {  	s10 =	sld [smem:$0x3F5D]  }
0x39: {  	_ = 	snop;
	(pc) =	sbr.ind lr, $3  }
0x3a: {  	_ = 	snop  }
0x3b: {  	_ = 	snop  }
0x3c: {  	p2 =	seq.s32 s10, $0x1;
	s10 =	sld [smem:$0x3F5C]  }
0x3d: {  	_ =	shalt  }
0x3e: {  	_ =	shalt  }
0x3f: {  	_ =	shalt  }
0x40: {  	_ =	shalt  }
0x41: {  	_ =	shalt  }
0x42: {  	_ =	shalt  }
0x43: {  	_ =	shalt  }
0x44: {  	_ =	shalt  }
0x45: {  	_ =	shalt  }
0x46: {  	_ =	shalt  }
0x47: {  	_ =	shalt  }
0x48: {  	_ =	shalt  }
0x49: {  	_ =	shalt  }
0x4a: {  	_ =	shalt  }
0x4b: {  	_ =	shalt  }
0x4c: {  	_ =	shalt  }
0x4d: {  	_ =	shalt  }
0x4e: {  	_ =	shalt  }
0x4f: {  	_ =	shalt  }
0x50: {  	_ =	shalt  }
0x51: {  	_ =	shalt  }
0x52: {  	_ =	shalt  }
0x53: {  	_ =	shalt  }
0x54: {  	_ =	shalt  }
0x55: {  	_ =	shalt  }
0x56: {  	_ =	shalt  }
0x57: {  	_ =	shalt  }
0x58: {  	_ =	shalt  }
0x59: {  	_ =	shalt  }
0x5a: {  	_ =	shalt  }
0x5b: {  	_ =	shalt  }
0x5c: {  	_ =	shalt  }
0x5d: {  	_ =	shalt  }
0x5e: {  	_ =	shalt  }
0x5f: {  	_ =	shalt  }
0x60: {  	_ =	shalt  }
0x61: {  	_ =	shalt  }
0x62: {  	_ =	shalt  }
0x63: {  	_ =	shalt  }
0x64: {  	_ =	shalt  }
0x65: {  	_ =	shalt  }
0x66: {  	_ =	shalt  }
0x67: {  	_ =	shalt  }
0x68: {  	_ =	shalt  }
0x69: {  	_ =	shalt  }
0x6a: {  	_ =	shalt  }
0x6b: {  	_ =	shalt  }
0x6c: {  	_ =	shalt  }
0x6d: {  	_ =	shalt  }
0x6e: {  	_ =	shalt  }
0x6f: {  	_ =	shalt  }
0x70: {  	_ =	shalt  }
0x71: {  	_ =	shalt  }
0x72: {  	_ =	shalt  }
0x73: {  	_ =	shalt  }
0x74: {  	_ =	shalt  }
0x75: {  	_ =	shalt  }
0x76: {  	_ =	shalt  }
0x77: {  	_ =	shalt  }
0x78: {  	_ =	shalt  }
0x79: {  	_ =	shalt  }
0x7a: {  	_ =	shalt  }
0x7b: {  	_ =	shalt  }
0x7c: {  	_ =	shalt  }
0x7d: {  	_ =	shalt  }
0x7e: {  	_ =	shalt  }
0x7f: {  	_ =	shalt  }
0x80: {  	_ =	shalt  }
0x81: {  	_ =	shalt  }
0x82: {  	_ =	shalt  }
0x83: {  	_ =	shalt  }
0x84: {  	_ =	shalt  }
0x85: {  	_ =	shalt  }
0x86: {  	_ =	shalt  }
0x87: {  	_ =	shalt  }
.Lfunc_end0:
.L_simem_size_0:
called_computation_lowered:
.L_overlay_start_0:
0x88: {  	s2 =	sld [smem:$0x3FD9]  }
0x89: {  	s3 =	sld [smem:$0x3FFE];
	_ =	sdelay $0x1  }
0x8a: {  	s1 =	srdreg.scid  }
0x8b: {  	s0 =	sand.u32 $0x1, s1  }
0x8c: {  	s17 =	sshll.u32 s0, $0xA;
	s2 =	sadd.s32 s3, s2  }
0x8d: {  	s2 =	sadd.s32 s2, s17  }
0x8e: {  	[smem:$0x3F68] =	sst s2  }
0x8f: {  	_ = 	snop  }
0x90: {  	s2 =	sld [smem:$0x3FD0];
	(tm) =	ssettm $0x1  }
0x91: {  	s18 =	sld [smem:$0x3FFB];
	_ =	sdelay $0x3  }
0x92: {  	_ =	strace s18  }
0x93: {  	s3 =	sld [smem:$0x3FFC];
	_ =	sdelay $0x3  }
0x94: {  	_ =	strace s3  }
0x95: {  	s3 =	sld [smem:$0x3FFD];
	_ =	sdelay $0x3  }
0x96: {  	_ =	strace s3  }
0x97: {  	_ =	strace $0x8FFFFFFF  }
0x98: {  	s19 =	sld [smem:$0x3FDB];
	_ =	sdelay $0x1  }
0x99: {  	s4 =	simm.s32 $_scs_section_size  }
0x9a: {  	s5 =	simm.s32 $_size__tile_overlayer_lowered;
	s6 =	simm.s32 $_tile_overlayer_lowered  }
0x9b: {  	s22 =	simm.s32 $0x1BFF;
	s21 =	sshll.u32 s6, $0x1;
	s3 =	sadd.s32 s4, s19  }
0x9c: {  	s7 =	simm.s32 $0x0;
	s20 =	sshll.u32 s5, $0x1;
	s5 =	sadd.s32 s21, s3  }
0x9d: {  	[timem:s7], [sflag:s22] =	dma.local [hbm:s5], s20  }
0x9e: {  	_ =	swait.ge [sflag:s22], s20  }
0x9f: {  	s4 =	ssub.s32 $0x0, s20;
	[sflag:s22] =	ssyncset.done $0x0  }
0xa0: {  	[sflag:s22] =	ssyncadd.s32 s4;
	_ =	sdelay $0x1  }
0xa1: {  	s23 =	simm.s32 $0x1B8B  }
0xa2: {  	_ =	swait.ge [sflag:s23], $0x1  }
0xa3: {  	[sflag:s23] =	ssyncset.done $0x0  }
0xa4: {  	s25 =	simm.s32 $0x1B8E;
	s24 =	sld [smem:$0x3FFE];
	[sflag:s23] =	ssyncadd.s32 $0xFFFFFFFF  }
0xa5: {  	s26 =	simm.s32 $execute0_lowered;
	[smem:$0x3FD2] =	sst s25  }
0xa6: {  	s5 =	sshll.u32 s26, $0x1;
	_ =	strace $0x80000046;
	[dreg:$0x1] =	wrdreg $0xFFFFFFFF  }
0xa7: {  	s28 =	simm.s32 $_size_execute0_lowered;
	s3 =	sadd.s32 s3, s5;
	[dreg:$0x0] =	wrdreg $0x0  }
0xa8: {  	s5 =	sshll.u32 s28, $0x1;
	[dreg:$0x2] =	wrdreg s3  }
0xa9: {  	[dreg:$0x3] =	wrdreg s5  }
0xaa: {  	[dreg:$0x4] =	wrdreg $0xC0  }
0xab: {  	_ =	task [dreg:s7], $0x5FFFF  }
0xac: {  	[dreg:$0x1] =	wrdreg $0xFFFFFFFF  }
0xad: {  	[dreg:$0x0] =	wrdreg $0x60  }
0xae: {  	[dreg:$0x2] =	wrdreg s24  }
0xaf: {  	[dreg:$0x3] =	wrdreg s2  }
0xb0: {  	[dreg:$0x4] =	wrdreg $0x9  }
0xb1: {  	_ =	task.clear_ibuf [dreg:s7], $0x5FFFF;
	_ =	strace $0x90000046  }
0xb2: {  	s29 =	simm.s32 $0x9;
	_ =	strace $0x80000048  }
0xb3: {  	_ =	swait.ge [sflag:s29], $0x1  }
0xb4: {  	[sflag:s29] =	ssyncadd.s32 $0xFFFFFFFF  }
0xb5: {  	_ =	strace $0x90000048  }
0xb6: {  	_ =	sfence  }
0xb7: {  	s30 =	sld [smem:$0x0];
	_ =	sdelay $0x2  }
0xb8: {  	s31 =	sshll.u32 s1, $0xD;
	s1 =	sshrl.u32 s1, $0x2  }
0xb9: {  	s3 =	sand.u32 $0x4000, s31;
	s1 =	sadd.s32 s1, s30  }
0xba: {  	s0 =	sor.u32 s3, s0;
	s1 =	sshll.u32 s1, $0x11  }
0xbb: {  	s0 =	sor.u32 s1, s0  }
0xbc: {  	s0 =	sadd.s32 $0x8F2B, s0  }
0xbd: {  	[sflag:s0] =	ssyncadd.remote.s32 $0x1  }
0xbe: {  	_ =	sfence.sel $0xFFFF  }
0xbf: {  	[dreg:$0x0] =	wrdreg $0xFFFFFFFF;
	(pc) =	sbr.abs _section_cstart, $3  }
0xc0: {  	[dreg:$0x1] =	wrdreg $0xFFFFFFFF  }
0xc1: {  	_ =	task.clear_ibuf [dreg:s7], $0x2FFFF;
	_ =	strace $0x9FFFFFFF  }
0xc2: {  	(tm) =	ssettm $0x7FFFFFFF  }
0xc3: {  	_ =	shalt  }
tec
execute0_lowered:
.L_overlay_start_1:
0x0: {  	(tag) =	ssettag $0x1  }
0x1: {  	s1 =	srdreg.scid;
	s0 =	stileid.u32  }
0x2: {  	s1 =	sand.u32 $0x1, s1;
	s2 =	smul.u32 $0x4F00, s0  }
0x3: {  	s3 =	smul.u32 $0x2780, s1  }
0x4: {  	s4 =	rddreg [dreg:$0x0]  }
0x5: {  	s5 =	rddreg [dreg:$0x1];
	s3 =	sadd.s32 s3, s2;
	s2 =	simm.s32 $0x0  }
0x6: {  	s11 =	simm.s32 $0x8080;
	[smem:$0x7FF] =	sst s2  }
0x7: {  	s12 =	simm.s32 $0x880;
	_ =	strace $0x80000047;
	[dreg:$0x5] =	wrdreg s11  }
0x8: {  	s14 =	simm.s32 $0x1080;
	[dreg:$0x6] =	wrdreg s12  }
0x9: {  	s15 =	simm.s32 $0x1880;
	[dreg:$0x7] =	wrdreg s14  }
0xa: {  	s16 =	simm.s32 $0x2080;
	s18 =	simm.s32 $0x2880;
	[dreg:$0x8] =	wrdreg s15  }
0xb: {  	s19 =	simm.s32 $0x3080;
	s20 =	simm.s32 $0x3880;
	[dreg:$0x9] =	wrdreg s16  }
0xc: {  	s21 =	simm.s32 $0x4080;
	s23 =	simm.s32 $0x4880;
	[dreg:$0xa] =	wrdreg s18  }
0xd: {  	s24 =	simm.s32 $0x5080;
	s25 =	simm.s32 $0x5880;
	[dreg:$0xb] =	wrdreg s19  }
0xe: {  	s26 =	simm.s32 $0x6080;
	s30 =	simm.s32 $0x6880;
	[dreg:$0xc] =	wrdreg s20  }
0xf: {  	s8 =	simm.s32 $0x80;
	s31 =	simm.s32 $0x7080;
	[dreg:$0xd] =	wrdreg s21  }
0x10: {  	s9 =	simm.s32 $0x7880;
	s10 =	simm.s32 $0x8100;
	[dreg:$0xe] =	wrdreg s23  }
0x11: {  	s28 =	simm.s32 $0x2;
	s29 =	simm.s32 $0x0;
	[dreg:$0xf] =	wrdreg s24  }
0x12: {  	s13 =	smul.u32 $0x9E000, s0;
	s17 =	ssub.s32 $0x2, s1;
	[dreg:$0x10] =	wrdreg s25  }
0x13: {  	s1 =	smul.u32 $0x4F000, s1;
	s3 =	sshrl.u32 s3, $0x3;
	[dreg:$0x11] =	wrdreg s26  }
0x14: {  	s7 =	sshrl.u32 s17, $0x1;
	s6 =	sadd.s32 s3, s4;
	[dreg:$0x12] =	wrdreg s30  }
0x15: {  	s3 =	sadd.s32 s3, s5;
	s5 =	sadd.s32 s13, s4;
	[dreg:$0x13] =	wrdreg s31  }
0x16: {  	s11 =	simm.s32 $0x8900;
	s12 =	simm.s32 $0x9100;
	s13 =	simm.s32 $0x9900  }
0x17: {  	s14 =	simm.s32 $0xA100;
	s15 =	simm.s32 $0xA900;
	s16 =	simm.s32 $0xB100  }
0x18: {  	s18 =	simm.s32 $0xC100;
	s19 =	simm.s32 $0xC900;
	s20 =	simm.s32 $0xD100  }
0x19: {  	s21 =	simm.s32 $0xD900;
	s23 =	simm.s32 $0xE900;
	s24 =	simm.s32 $0xF100  }
0x1a: {  	s25 =	simm.s32 $0xF900;
	s26 =	simm.s32 $0x1;
	s6 =	sadd.s32 $0x85C00, s6  }
0x1b: {  	[dreg:$0x4] =	wrdreg s3;
	s3 =	sadd.s32 $0x10800, s4;
	s1 =	sadd.s32 s1, s5  }
0x1c: {  	v2 =	vlaneseq.u32;
	[dreg:$0x3] =	wrdreg s6;
	s6 =	ssub.s32 s17, s7;
	s5 =	sadd.s32 $0x8FA00, s1  }
0x1d: {  	vm0 =	vmmov $0xffff;
	v1 =	vshrl.u32 v2, $0x3;
	s7 =	simm.s32 $0x3;
	s17 =	simm.s32 $0xB900;
	s22 =	smax.u32 s6, $0x1  }
0x1e: {  	v0 =	vand.u32 $0x7, v2;
	v2 =	vor.u32 $0x8, v2;
	v1 =	vmul.u32 $0x8, v1;
	s6 =	sadd.s32 $0xA6FA00, s1;
	[dreg:$0x14] =	wrdreg s22;
	s22 =	simm.s32 $0xE100  }
.LBB2_1:
0x1f: {  	s30 =	smov.u32 s6;
	s31 =	smov.u32 s5;
	s1 =	simm.s32 $0x0  }
.LBB2_2:
0x20: {  	s0 =	rddreg [dreg:$0x4]  }
0x21: {  	s0 =	sadd.s32 s1, s0  }
0x22: {  	[tilespmem:s2], [sflag:$0x3] =	stream.linear.gather [hbm4b:s0+s2], $0x80, $0x38;
	[tilespmem:$0x10100] =	vst v63  }
0x23: {  	_ =	swait.ge [sflag:s7], $0x80  }
0x24: {  	s0 =	rddreg [dreg:$0x3];
	[sflag:s7] =	ssyncset.done $0x0  }
0x25: {  	s4 =	rddreg [dreg:$0x5];
	[sflag:s7] =	ssyncadd.s32 $0xFFFFFF80;
	s0 =	sadd.s32 s1, s0  }
0x26: {  	[tilespmem:s4], [sflag:$0x3] =	stream.linear.gather [hbm4b:s0+s2], $0x80, $0x38;
	[tilespmem:$0x10100] =	vst v63  }
0x27: {  	_ =	swait.ge [sflag:s7], $0x80  }
0x28: {  	[sflag:s7] =	ssyncset.done $0x0  }
0x29: {  	[sflag:s7] =	ssyncadd.s32 $0xFFFFFF80  }
0x2a: {  	v3 =	vld [tilespmem:$0x0];
	_ =	sdelay $0x4  }
0x2b: {  	v4 =	vshll.u32 v3, $0x1  }
0x2c: {  	v3 =	vand.u32 $0x7, v3;
	v4 =	vand.u32 $0xFFFFFFF0, v4  }
0x2d: {  	v3 =	vor.u32 v3, v4  }
0x2e: {  	v4 =	vperm.xlane v3, v0;
	_ =	sdelay $0x1  }
0x2f: {  	v3 =	vperm.xlane v3, v2;
	v4 =	vadd.s32 v1, v4;
	_ =	sdelay $0x1  }
0x30: {  	v3 =	vadd.s32 v1, v3;
	_ =	sdelay $0x2  }
0x31: {  	[tilespmem:s8], [sflag:$0x1] =	stream.indirect_vreg.gather [hbm4b:s3+s2], $0x80, v4, vm0, $0xb8;
	[tilespmem:$0x10100] =	vst v63  }
0x32: {  	s4 =	rddreg [dreg:$0x6]  }
0x33: {  	[tilespmem:s4], [sflag:$0x1] =	stream.indirect_vreg.gather [hbm4b:s3+s2], $0x80, v3, vm0, $0xb8;
	[tilespmem:$0x10100] =	vst v63  }
0x34: {  	v3 =	vld [tilespmem:$0x10];
	_ =	sdelay $0x4  }
0x35: {  	v49 =	vshll.u32 v3, $0x1  }
0x36: {  	v3 =	vand.u32 $0x7, v3;
	v4 =	vand.u32 $0xFFFFFFF0, v49  }
0x37: {  	v3 =	vor.u32 v3, v4  }
0x38: {  	v4 =	vperm.xlane v3, v0;
	_ =	sdelay $0x1  }
0x39: {  	v3 =	vperm.xlane v3, v2;
	v4 =	vadd.s32 v1, v4;
	_ =	sdelay $0x1  }
0x3a: {  	v3 =	vadd.s32 v1, v3;
	_ =	sdelay $0x1  }
0x3b: {  	s0 =	rddreg [dreg:$0x7]  }
0x3c: {  	[tilespmem:s0], [sflag:$0x1] =	stream.indirect_vreg.gather [hbm4b:s3+s2], $0x80, v4, vm0, $0xb8;
	[tilespmem:$0x10100] =	vst v63  }
0x3d: {  	s4 =	rddreg [dreg:$0x8]  }
0x3e: {  	[tilespmem:s4], [sflag:$0x1] =	stream.indirect_vreg.gather [hbm4b:s3+s2], $0x80, v3, vm0, $0xb8;
	[tilespmem:$0x10100] =	vst v63  }
0x3f: {  	v3 =	vld [tilespmem:$0x20];
	_ =	sdelay $0x4  }
0x40: {  	v50 =	vshll.u32 v3, $0x1  }
0x41: {  	v3 =	vand.u32 $0x7, v3;
	v4 =	vand.u32 $0xFFFFFFF0, v50  }
0x42: {  	v3 =	vor.u32 v3, v4  }
0x43: {  	v4 =	vperm.xlane v3, v0;
	_ =	sdelay $0x1  }
0x44: {  	v3 =	vperm.xlane v3, v2;
	v4 =	vadd.s32 v1, v4;
	_ =	sdelay $0x1  }
0x45: {  	v3 =	vadd.s32 v1, v3;
	_ =	sdelay $0x1  }
0x46: {  	s0 =	rddreg [dreg:$0x9]  }
0x47: {  	[tilespmem:s0], [sflag:$0x1] =	stream.indirect_vreg.gather [hbm4b:s3+s2], $0x80, v4, vm0, $0xb8;
	[tilespmem:$0x10100] =	vst v63  }
0x48: {  	s4 =	rddreg [dreg:$0xa]  }
0x49: {  	[tilespmem:s4], [sflag:$0x1] =	stream.indirect_vreg.gather [hbm4b:s3+s2], $0x80, v3, vm0, $0xb8;
	[tilespmem:$0x10100] =	vst v63  }
0x4a: {  	v3 =	vld [tilespmem:$0x30];
	_ =	sdelay $0x4  }
0x4b: {  	v51 =	vshll.u32 v3, $0x1  }
0x4c: {  	v3 =	vand.u32 $0x7, v3;
	v4 =	vand.u32 $0xFFFFFFF0, v51  }
0x4d: {  	v3 =	vor.u32 v3, v4  }
0x4e: {  	v4 =	vperm.xlane v3, v0;
	_ =	sdelay $0x1  }
0x4f: {  	v3 =	vperm.xlane v3, v2;
	v4 =	vadd.s32 v1, v4;
	_ =	sdelay $0x1  }
0x50: {  	v3 =	vadd.s32 v1, v3;
	_ =	sdelay $0x1  }
0x51: {  	s0 =	rddreg [dreg:$0xb]  }
0x52: {  	[tilespmem:s0], [sflag:$0x1] =	stream.indirect_vreg.gather [hbm4b:s3+s2], $0x80, v4, vm0, $0xb8;
	[tilespmem:$0x10100] =	vst v63  }
0x53: {  	s4 =	rddreg [dreg:$0xc]  }
0x54: {  	[tilespmem:s4], [sflag:$0x1] =	stream.indirect_vreg.gather [hbm4b:s3+s2], $0x80, v3, vm0, $0xb8;
	[tilespmem:$0x10100] =	vst v63  }
0x55: {  	v3 =	vld [tilespmem:$0x40];
	_ =	sdelay $0x4  }
0x56: {  	v52 =	vshll.u32 v3, $0x1  }
0x57: {  	v3 =	vand.u32 $0x7, v3;
	v4 =	vand.u32 $0xFFFFFFF0, v52  }
0x58: {  	v3 =	vor.u32 v3, v4  }
0x59: {  	v4 =	vperm.xlane v3, v0;
	_ =	sdelay $0x1  }
0x5a: {  	v3 =	vperm.xlane v3, v2;
	v4 =	vadd.s32 v1, v4;
	_ =	sdelay $0x1  }
0x5b: {  	v3 =	vadd.s32 v1, v3;
	_ =	sdelay $0x1  }
0x5c: {  	s0 =	rddreg [dreg:$0xd]  }
0x5d: {  	[tilespmem:s0], [sflag:$0x1] =	stream.indirect_vreg.gather [hbm4b:s3+s2], $0x80, v4, vm0, $0xb8;
	[tilespmem:$0x10100] =	vst v63  }
0x5e: {  	s4 =	rddreg [dreg:$0xe]  }
0x5f: {  	[tilespmem:s4], [sflag:$0x1] =	stream.indirect_vreg.gather [hbm4b:s3+s2], $0x80, v3, vm0, $0xb8;
	[tilespmem:$0x10100] =	vst v63  }
0x60: {  	v3 =	vld [tilespmem:$0x50];
	_ =	sdelay $0x4  }
0x61: {  	v53 =	vshll.u32 v3, $0x1  }
0x62: {  	v3 =	vand.u32 $0x7, v3;
	v4 =	vand.u32 $0xFFFFFFF0, v53  }
0x63: {  	v3 =	vor.u32 v3, v4  }
0x64: {  	v4 =	vperm.xlane v3, v0;
	_ =	sdelay $0x1  }
0x65: {  	v3 =	vperm.xlane v3, v2;
	v4 =	vadd.s32 v1, v4;
	_ =	sdelay $0x1  }
0x66: {  	v3 =	vadd.s32 v1, v3;
	_ =	sdelay $0x1  }
0x67: {  	s0 =	rddreg [dreg:$0xf]  }
0x68: {  	[tilespmem:s0], [sflag:$0x1] =	stream.indirect_vreg.gather [hbm4b:s3+s2], $0x80, v4, vm0, $0xb8;
	[tilespmem:$0x10100] =	vst v63  }
0x69: {  	s4 =	rddreg [dreg:$0x10]  }
0x6a: {  	[tilespmem:s4], [sflag:$0x1] =	stream.indirect_vreg.gather [hbm4b:s3+s2], $0x80, v3, vm0, $0xb8;
	[tilespmem:$0x10100] =	vst v63  }
0x6b: {  	v3 =	vld [tilespmem:$0x60];
	_ =	sdelay $0x4  }
0x6c: {  	v54 =	vshll.u32 v3, $0x1  }
0x6d: {  	v3 =	vand.u32 $0x7, v3;
	v4 =	vand.u32 $0xFFFFFFF0, v54  }
0x6e: {  	v3 =	vor.u32 v3, v4  }
0x6f: {  	v4 =	vperm.xlane v3, v0;
	_ =	sdelay $0x1  }
0x70: {  	v3 =	vperm.xlane v3, v2;
	v4 =	vadd.s32 v1, v4;
	_ =	sdelay $0x1  }
0x71: {  	v3 =	vadd.s32 v1, v3;
	_ =	sdelay $0x1  }
0x72: {  	s0 =	rddreg [dreg:$0x11]  }
0x73: {  	[tilespmem:s0], [sflag:$0x1] =	stream.indirect_vreg.gather [hbm4b:s3+s2], $0x80, v4, vm0, $0xb8;
	[tilespmem:$0x10100] =	vst v63  }
0x74: {  	s4 =	rddreg [dreg:$0x12]  }
0x75: {  	[tilespmem:s4], [sflag:$0x1] =	stream.indirect_vreg.gather [hbm4b:s3+s2], $0x80, v3, vm0, $0xb8;
	[tilespmem:$0x10100] =	vst v63  }
0x76: {  	v3 =	vld [tilespmem:$0x70];
	_ =	sdelay $0x4  }
0x77: {  	v55 =	vshll.u32 v3, $0x1  }
0x78: {  	v3 =	vand.u32 $0x7, v3;
	v4 =	vand.u32 $0xFFFFFFF0, v55  }
0x79: {  	v3 =	vor.u32 v3, v4  }
0x7a: {  	v4 =	vperm.xlane v3, v0;
	_ =	sdelay $0x1  }
0x7b: {  	v3 =	vperm.xlane v3, v2;
	v4 =	vadd.s32 v1, v4;
	_ =	sdelay $0x1  }
0x7c: {  	v3 =	vadd.s32 v1, v3;
	_ =	sdelay $0x1  }
0x7d: {  	s4 =	rddreg [dreg:$0x13]  }
0x7e: {  	[tilespmem:s4], [sflag:$0x1] =	stream.indirect_vreg.gather [hbm4b:s3+s2], $0x80, v4, vm0, $0xb8;
	[tilespmem:$0x10100] =	vst v63  }
0x7f: {  	_ = 	snop  }
0x80: {  	[tilespmem:s9], [sflag:$0x1] =	stream.indirect_vreg.gather [hbm4b:s3+s2], $0x80, v3, vm0, $0xb8;
	[tilespmem:$0x10100] =	vst v63  }
0x81: {  	v3 =	vld [tilespmem:$0x8080];
	_ =	sdelay $0x4  }
0x82: {  	v56 =	vshll.u32 v3, $0x1  }
0x83: {  	v3 =	vand.u32 $0x7, v3;
	v4 =	vand.u32 $0xFFFFFFF0, v56  }
0x84: {  	v3 =	vor.u32 v3, v4  }
0x85: {  	v4 =	vperm.xlane v3, v0;
	_ =	sdelay $0x1  }
0x86: {  	v3 =	vperm.xlane v3, v2;
	v4 =	vadd.s32 v1, v4;
	_ =	sdelay $0x1  }
0x87: {  	v3 =	vadd.s32 v1, v3;
	_ =	sdelay $0x2  }
0x88: {  	[tilespmem:s10], [sflag:$0x2] =	stream.indirect_vreg.gather [hbm4b:s3+s2], $0x80, v4, vm0, $0xb8;
	[tilespmem:$0x10100] =	vst v63  }
0x89: {  	_ = 	snop  }
0x8a: {  	[tilespmem:s11], [sflag:$0x2] =	stream.indirect_vreg.gather [hbm4b:s3+s2], $0x80, v3, vm0, $0xb8;
	[tilespmem:$0x10100] =	vst v63  }
0x8b: {  	v3 =	vld [tilespmem:$0x8090];
	_ =	sdelay $0x4  }
0x8c: {  	v57 =	vshll.u32 v3, $0x1  }
0x8d: {  	v3 =	vand.u32 $0x7, v3;
	v4 =	vand.u32 $0xFFFFFFF0, v57  }
0x8e: {  	v3 =	vor.u32 v3, v4  }
0x8f: {  	v4 =	vperm.xlane v3, v0;
	_ =	sdelay $0x1  }
0x90: {  	v3 =	vperm.xlane v3, v2;
	v4 =	vadd.s32 v1, v4;
	_ =	sdelay $0x1  }
0x91: {  	v3 =	vadd.s32 v1, v3;
	_ =	sdelay $0x2  }
0x92: {  	[tilespmem:s12], [sflag:$0x2] =	stream.indirect_vreg.gather [hbm4b:s3+s2], $0x80, v4, vm0, $0xb8;
	[tilespmem:$0x10100] =	vst v63  }
0x93: {  	_ = 	snop  }
0x94: {  	[tilespmem:s13], [sflag:$0x2] =	stream.indirect_vreg.gather [hbm4b:s3+s2], $0x80, v3, vm0, $0xb8;
	[tilespmem:$0x10100] =	vst v63  }
0x95: {  	v3 =	vld [tilespmem:$0x80A0];
	_ =	sdelay $0x4  }
0x96: {  	v58 =	vshll.u32 v3, $0x1  }
0x97: {  	v3 =	vand.u32 $0x7, v3;
	v4 =	vand.u32 $0xFFFFFFF0, v58  }
0x98: {  	v3 =	vor.u32 v3, v4  }
0x99: {  	v4 =	vperm.xlane v3, v0;
	_ =	sdelay $0x1  }
0x9a: {  	v3 =	vperm.xlane v3, v2;
	v4 =	vadd.s32 v1, v4;
	_ =	sdelay $0x1  }
0x9b: {  	v3 =	vadd.s32 v1, v3;
	_ =	sdelay $0x2  }
0x9c: {  	[tilespmem:s14], [sflag:$0x2] =	stream.indirect_vreg.gather [hbm4b:s3+s2], $0x80, v4, vm0, $0xb8;
	[tilespmem:$0x10100] =	vst v63  }
0x9d: {  	_ = 	snop  }
0x9e: {  	[tilespmem:s15], [sflag:$0x2] =	stream.indirect_vreg.gather [hbm4b:s3+s2], $0x80, v3, vm0, $0xb8;
	[tilespmem:$0x10100] =	vst v63  }
0x9f: {  	v3 =	vld [tilespmem:$0x80B0];
	_ =	sdelay $0x4  }
0xa0: {  	v59 =	vshll.u32 v3, $0x1  }
0xa1: {  	v3 =	vand.u32 $0x7, v3;
	v4 =	vand.u32 $0xFFFFFFF0, v59  }
0xa2: {  	v3 =	vor.u32 v3, v4  }
0xa3: {  	v4 =	vperm.xlane v3, v0;
	_ =	sdelay $0x1  }
0xa4: {  	v3 =	vperm.xlane v3, v2;
	v4 =	vadd.s32 v1, v4;
	_ =	sdelay $0x1  }
0xa5: {  	v3 =	vadd.s32 v1, v3;
	_ =	sdelay $0x2  }
0xa6: {  	[tilespmem:s16], [sflag:$0x2] =	stream.indirect_vreg.gather [hbm4b:s3+s2], $0x80, v4, vm0, $0xb8;
	[tilespmem:$0x10100] =	vst v63  }
0xa7: {  	_ = 	snop  }
0xa8: {  	[tilespmem:s17], [sflag:$0x2] =	stream.indirect_vreg.gather [hbm4b:s3+s2], $0x80, v3, vm0, $0xb8;
	[tilespmem:$0x10100] =	vst v63  }
0xa9: {  	v3 =	vld [tilespmem:$0x80C0];
	_ =	sdelay $0x4  }
0xaa: {  	v60 =	vshll.u32 v3, $0x1  }
0xab: {  	v3 =	vand.u32 $0x7, v3;
	v4 =	vand.u32 $0xFFFFFFF0, v60  }
0xac: {  	v3 =	vor.u32 v3, v4  }
0xad: {  	v4 =	vperm.xlane v3, v0;
	_ =	sdelay $0x1  }
0xae: {  	v3 =	vperm.xlane v3, v2;
	v4 =	vadd.s32 v1, v4;
	_ =	sdelay $0x1  }
0xaf: {  	v3 =	vadd.s32 v1, v3;
	_ =	sdelay $0x2  }
0xb0: {  	[tilespmem:s18], [sflag:$0x2] =	stream.indirect_vreg.gather [hbm4b:s3+s2], $0x80, v4, vm0, $0xb8;
	[tilespmem:$0x10100] =	vst v63  }
0xb1: {  	_ = 	snop  }
0xb2: {  	[tilespmem:s19], [sflag:$0x2] =	stream.indirect_vreg.gather [hbm4b:s3+s2], $0x80, v3, vm0, $0xb8;
	[tilespmem:$0x10100] =	vst v63  }
0xb3: {  	v3 =	vld [tilespmem:$0x80D0];
	_ =	sdelay $0x4  }
0xb4: {  	v61 =	vshll.u32 v3, $0x1  }
0xb5: {  	v3 =	vand.u32 $0x7, v3;
	v4 =	vand.u32 $0xFFFFFFF0, v61  }
0xb6: {  	v3 =	vor.u32 v3, v4  }
0xb7: {  	v4 =	vperm.xlane v3, v0;
	_ =	sdelay $0x1  }
0xb8: {  	v3 =	vperm.xlane v3, v2;
	v4 =	vadd.s32 v1, v4;
	_ =	sdelay $0x1  }
0xb9: {  	v3 =	vadd.s32 v1, v3;
	_ =	sdelay $0x2  }
0xba: {  	[tilespmem:s20], [sflag:$0x2] =	stream.indirect_vreg.gather [hbm4b:s3+s2], $0x80, v4, vm0, $0xb8;
	[tilespmem:$0x10100] =	vst v63  }
0xbb: {  	_ = 	snop  }
0xbc: {  	[tilespmem:s21], [sflag:$0x2] =	stream.indirect_vreg.gather [hbm4b:s3+s2], $0x80, v3, vm0, $0xb8;
	[tilespmem:$0x10100] =	vst v63  }
0xbd: {  	v3 =	vld [tilespmem:$0x80E0];
	_ =	sdelay $0x4  }
0xbe: {  	v62 =	vshll.u32 v3, $0x1  }
0xbf: {  	v3 =	vand.u32 $0x7, v3;
	v4 =	vand.u32 $0xFFFFFFF0, v62  }
0xc0: {  	v3 =	vor.u32 v3, v4  }
0xc1: {  	v4 =	vperm.xlane v3, v0;
	_ =	sdelay $0x1  }
0xc2: {  	v3 =	vperm.xlane v3, v2;
	v4 =	vadd.s32 v1, v4;
	_ =	sdelay $0x1  }
0xc3: {  	v3 =	vadd.s32 v1, v3;
	_ =	sdelay $0x2  }
0xc4: {  	[tilespmem:s22], [sflag:$0x2] =	stream.indirect_vreg.gather [hbm4b:s3+s2], $0x80, v4, vm0, $0xb8;
	[tilespmem:$0x10100] =	vst v63  }
0xc5: {  	_ = 	snop  }
0xc6: {  	[tilespmem:s23], [sflag:$0x2] =	stream.indirect_vreg.gather [hbm4b:s3+s2], $0x80, v3, vm0, $0xb8;
	[tilespmem:$0x10100] =	vst v63  }
0xc7: {  	v3 =	vld [tilespmem:$0x80F0];
	_ =	sdelay $0x4  }
0xc8: {  	v63 =	vshll.u32 v3, $0x1  }
0xc9: {  	v3 =	vand.u32 $0x7, v3;
	v4 =	vand.u32 $0xFFFFFFF0, v63  }
0xca: {  	v3 =	vor.u32 v3, v4  }
0xcb: {  	v4 =	vperm.xlane v3, v0;
	_ =	sdelay $0x1  }
0xcc: {  	v3 =	vperm.xlane v3, v2;
	v4 =	vadd.s32 v1, v4;
	_ =	sdelay $0x1  }
0xcd: {  	v3 =	vadd.s32 v1, v3;
	_ =	sdelay $0x2  }
0xce: {  	[tilespmem:s24], [sflag:$0x2] =	stream.indirect_vreg.gather [hbm4b:s3+s2], $0x80, v4, vm0, $0xb8;
	[tilespmem:$0x10100] =	vst v63  }
0xcf: {  	_ = 	snop  }
0xd0: {  	[tilespmem:s25], [sflag:$0x2] =	stream.indirect_vreg.gather [hbm4b:s3+s2], $0x80, v3, vm0, $0xb8;
	[tilespmem:$0x10100] =	vst v63  }
0xd1: {  	_ =	swait.ge [sflag:s26], $0x8000  }
0xd2: {  	[sflag:s26] =	ssyncset.done $0x0  }
0xd3: {  	[sflag:s26] =	ssyncadd.s32 $0xFFFF8000  }
0xd4: {  	[hbm4b:s31+s2] =	stream.linear.scatter [tilespmem:s8], [sflag:$0x3], $0x8000, $0x38;
	[tilespmem:$0x10100] =	vst v63  }
0xd5: {  	_ =	swait.ge [sflag:s7], $0x8000  }
0xd6: {  	[sflag:s7] =	ssyncset.done $0x0  }
0xd7: {  	[sflag:s7] =	ssyncadd.s32 $0xFFFF8000  }
0xd8: {  	_ =	swait.ge [sflag:s28], $0x8000  }
0xd9: {  	p0 =	sne.s32 s1, $0x4E0;
	[sflag:s28] =	ssyncset.done $0x0  }
.Ltmp0:
0xda: {  	[sflag:s28] =	ssyncadd.s32 $0xFFFF8000;
	(pc) =	sbr.rel @p0 .LBB2_2-.Ltmp0, $4  }
0xdb: {  	[hbm4b:s30+s2] =	stream.linear.scatter [tilespmem:s10], [sflag:$0x3], $0x8000, $0x38;
	[tilespmem:$0x10100] =	vst v63  }
0xdc: {  	_ =	swait.ge [sflag:s7], $0x8000  }
0xdd: {  	s1 =	sadd.s32 $0x10, s1;
	[sflag:s7] =	ssyncset.done $0x0  }
0xde: {  	s31 =	sadd.s32 $0x1000, s31;
	s30 =	sadd.s32 $0x1000, s30;
	[sflag:s7] =	ssyncadd.s32 $0xFFFF8000  }
0xdf: {  	s29 =	sadd.s32 $0x1, s29;
	s0 =	rddreg [dreg:$0x14]  }
0xe0: {  	p0 =	sne.s32 s29, s0  }
.Ltmp1:
0xe1: {  	_ = 	snop;
	(pc) =	sbr.rel @p0 .LBB2_1-.Ltmp1, $1  }
0xe2: {  	_ =	sdelay $0x3  }
0xe3: {  	_ =	sfence.sel $0x180000  }
0xe4: {  	[bflag:$0x0] =	sbarrier.arrive $0xFFFF  }
0xe5: {  	_ =	strace $0x90000047  }
0xe6: {  	s0 =	stileid.u32;
	[bflag:$0x2] =	sbarrier.arrive $0xFFFF  }
0xe7: {  	p0 =	sne.s32 s0, $0x0;
	s0 =	rddreg [dreg:$0x2]  }
0xe8: {  	s0 =	sadd.s32 @!p0 $0x100000, s0  }
0xe9: {  	[sflag:s0] =	ssyncadd.tile.s32 @!p0 $0x1;
	_ =	shalt  }
.Lfunc_end2:
_tile_overlayer_lowered:
.L_overlay_start_2:
0xea: {  	(tag) =	ssettag $0x2  }
0xeb: {  	s0 =	rddreg [dreg:$0x0];
	s2 =	stileid.u32  }
0xec: {  	s1 =	rddreg [dreg:$0x1];
	p0 =	sne.s32 s2, $0x0  }
0xed: {  	s3 =	rddreg [dreg:$0x2];
	[bflag:$0x3] =	sbarrier.arrive $0xFFFF;
	s2 =	simm.s32 @!p0 $0x1C03  }
0xee: {  	[timem:s3], [sflag:s2] =	dma.local @!p0 [hbm:s0], s1  }
0xef: {  	s0 =	simm.s32 @!p0 $0x3  }
0xf0: {  	_ =	swait.ge @!p0 [sflag:s0], s1  }
0xf1: {  	s1 =	ssub.s32 @!p0 $0x0, s1;
	[sflag:s0] =	ssyncset.done @!p0 $0x0  }
0xf2: {  	[sflag:s0] =	ssyncadd.s32 @!p0 s1  }
0xf3: {  	[bflag:$0x3] =	sbarrier.arrive $0xFFFF  }
0xf4: {  	_ =	shalt  }

// kernel: kernel.23.cloned.1.call-start
scs
__scs_entry_jumppad:
0x0: {  	(pc) =	sbr.rel $0x88, $3  }
0x1: {  	(tag) =	ssettag $0x0;
	lr =	simm.s32 $0x1  }
0x2: {  	[smem:$0x3F41] =	sst lr;
	_ =	strace $0xD0000000  }
0x3: {  	_ = 	snop  }
0x4: {  	_ = 	snop  }
0x5: {  	_ = 	snop  }
0x6: {  	_ = 	snop  }
0x7: {  	_ = 	snop  }
__scs_overlays_trampoline_lowered:
0x8: {  	[smem:$0x3F50] =	sst s0  }
0x9: {  	[smem:$0x3F51] =	sst s1  }
0xa: {  	[smem:$0x3F52] =	sst s2  }
0xb: {  	[smem:$0x3F53] =	sst s3  }
0xc: {  	[smem:$0x3F54] =	sst s4  }
0xd: {  	[smem:$0x3F55] =	sst s5  }
0xe: {  	[smem:$0x3F56] =	sst s6  }
0xf: {  	[smem:$0x3F57] =	sst s7  }
0x10: {  	[smem:$0x3F58] =	sst s8  }
0x11: {  	[smem:$0x3F59] =	sst s9;
	s0 =	simm.s32 @!p0 $0x0  }
0x12: {  	s1 =	sld [smem:$0x3F3F];
	s0 =	simm.s32 @p0 $0x1  }
0x13: {  	[smem:$0x3F5A] =	sst s0;
	s0 =	simm.s32 @!p1 $0x0  }
0x14: {  	s2 =	sld [smem:$0x3F3E];
	s0 =	simm.s32 @p1 $0x1  }
0x15: {  	[smem:$0x3F5B] =	sst s0;
	s0 =	simm.s32 @!p2 $0x0  }
0x16: {  	s3 =	sld [smem:$0x3FDB];
	s0 =	simm.s32 @p2 $0x1  }
0x17: {  	s4 =	simm.s32 $0x1BF5;
	[smem:$0x3F5D] =	sst s0  }
0x18: {  	s0 =	sld [smem:$0x3F40];
	_ =	swait.ge [sflag:s4], $0x0  }
0x19: {  	s7 =	sld [smem:$0x3F41]  }
0x1a: {  	s8 =	sadd.s32 $0xFFFFE003, lr  }
0x1b: {  	s9 =	sadd.s32 $0xFFFFFEF7, lr;
	s5 =	simm.s32 $0xFFFFFFFF;
	p2 =	slt.u32 s8, $0xFFFFF086  }
0x1c: {  	p1 =	slt.u32 s9, $0xF7A;
	s5 =	simm.s32 @!p2 $0x0  }
0x1d: {  	s5 =	simm.s32 @p1 $0x1;
	p0 =	seq.s32 s7, s2  }
0x1e: {  	s7 =	smul.u32 @!p0 $0xF7A, s2;
	p2 =	seq.s32 @!p0 s5, $0x0  }
0x1f: {  	s9 =	smul.u32 $0xF7A, s1;
	s8 =	simm.s32 @!p0 $0x1BF5;
	p2 =	por !p2, p0  }
0x20: {  	[sflag:s8] =	ssyncset.s32 @!p0 $0xFFFFF086;
	s6 =	sadd.s32 @!p0 s3, s7;
	s7 =	simm.s32 @!p0 $0x108  }
0x21: {  	s3 =	sadd.s32 s3, s9;
	s6 =	sadd.s32 @!p0 $0x88, s6;
	s7 =	simm.s32 @p2 $0x1082  }
0x22: {  	[simem:s7], [sflag:s8] =	dma.local @!p0 [hbm:s6], $0xF7A  }
0x23: {  	s9 =	sor.u32 $0xD0000000, s2;
	s6 =	simm.s32 $0x108;
	_ =	swait.ge @!p0 [sflag:s8], $0x0  }
0x24: {  	s3 =	sadd.s32 $0x88, s3;
	s6 =	simm.s32 @!p1 $0x1082;
	[sflag:s4] =	ssyncset.s32 $0xFFFFF086  }
0x25: {  	[simem:s6], [sflag:s4] =	dma.local [hbm:s3], $0xF7A  }
0x26: {  	[smem:$0x3F41] =	sst s1;
	(tag) =	ssettag s2;
	_ =	strace s9  }
0x27: {  	s1 =	sld [smem:$0x3F51]  }
0x28: {  	s2 =	sld [smem:$0x3F52]  }
0x29: {  	s4 =	sld [smem:$0x3F54]  }
0x2a: {  	p0 =	seq.s32 s5, $0x0;
	s5 =	sld [smem:$0x3F55]  }
0x2b: {  	s6 =	sld [smem:$0x3F56]  }
0x2c: {  	s7 =	sld [smem:$0x3F57]  }
0x2d: {  	s3 =	simm.s32 $0x108;
	s8 =	sld [smem:$0x3F58]  }
0x2e: {  	s3 =	simm.s32 @!p0 $0x1082;
	s9 =	sld [smem:$0x3F59]  }
0x2f: {  	lr =	sadd.s32 s0, s3;
	s0 =	sld [smem:$0x3F50]  }
0x30: {  	s3 =	sld [smem:$0x3F53]  }
0x31: {  	[smem:$0x3F5C] =	sst s10  }
0x32: {  	s10 =	sld [smem:$0x3F5A];
	_ =	sdelay $0x3  }
0x33: {  	p0 =	seq.s32 s10, $0x1;
	s10 =	sld [smem:$0x3F5C];
	_ =	sdelay $0x3  }
0x34: {  	[smem:$0x3F5C] =	sst s10  }
0x35: {  	s10 =	sld [smem:$0x3F5B];
	_ =	sdelay $0x3  }
0x36: {  	p1 =	seq.s32 s10, $0x1;
	s10 =	sld [smem:$0x3F5C];
	_ =	sdelay $0x3  }
0x37: {  	[smem:$0x3F5C] =	sst s10  }
0x38: {  	s10 =	sld [smem:$0x3F5D]  }
0x39: {  	_ = 	snop;
	(pc) =	sbr.ind lr, $3  }
0x3a: {  	_ = 	snop  }
0x3b: {  	_ = 	snop  }
0x3c: {  	p2 =	seq.s32 s10, $0x1;
	s10 =	sld [smem:$0x3F5C]  }
0x3d: {  	_ =	shalt  }
0x3e: {  	_ =	shalt  }
0x3f: {  	_ =	shalt  }
0x40: {  	_ =	shalt  }
0x41: {  	_ =	shalt  }
0x42: {  	_ =	shalt  }
0x43: {  	_ =	shalt  }
0x44: {  	_ =	shalt  }
0x45: {  	_ =	shalt  }
0x46: {  	_ =	shalt  }
0x47: {  	_ =	shalt  }
0x48: {  	_ =	shalt  }
0x49: {  	_ =	shalt  }
0x4a: {  	_ =	shalt  }
0x4b: {  	_ =	shalt  }
0x4c: {  	_ =	shalt  }
0x4d: {  	_ =	shalt  }
0x4e: {  	_ =	shalt  }
0x4f: {  	_ =	shalt  }
0x50: {  	_ =	shalt  }
0x51: {  	_ =	shalt  }
0x52: {  	_ =	shalt  }
0x53: {  	_ =	shalt  }
0x54: {  	_ =	shalt  }
0x55: {  	_ =	shalt  }
0x56: {  	_ =	shalt  }
0x57: {  	_ =	shalt  }
0x58: {  	_ =	shalt  }
0x59: {  	_ =	shalt  }
0x5a: {  	_ =	shalt  }
0x5b: {  	_ =	shalt  }
0x5c: {  	_ =	shalt  }
0x5d: {  	_ =	shalt  }
0x5e: {  	_ =	shalt  }
0x5f: {  	_ =	shalt  }
0x60: {  	_ =	shalt  }
0x61: {  	_ =	shalt  }
0x62: {  	_ =	shalt  }
0x63: {  	_ =	shalt  }
0x64: {  	_ =	shalt  }
0x65: {  	_ =	shalt  }
0x66: {  	_ =	shalt  }
0x67: {  	_ =	shalt  }
0x68: {  	_ =	shalt  }
0x69: {  	_ =	shalt  }
0x6a: {  	_ =	shalt  }
0x6b: {  	_ =	shalt  }
0x6c: {  	_ =	shalt  }
0x6d: {  	_ =	shalt  }
0x6e: {  	_ =	shalt  }
0x6f: {  	_ =	shalt  }
0x70: {  	_ =	shalt  }
0x71: {  	_ =	shalt  }
0x72: {  	_ =	shalt  }
0x73: {  	_ =	shalt  }
0x74: {  	_ =	shalt  }
0x75: {  	_ =	shalt  }
0x76: {  	_ =	shalt  }
0x77: {  	_ =	shalt  }
0x78: {  	_ =	shalt  }
0x79: {  	_ =	shalt  }
0x7a: {  	_ =	shalt  }
0x7b: {  	_ =	shalt  }
0x7c: {  	_ =	shalt  }
0x7d: {  	_ =	shalt  }
0x7e: {  	_ =	shalt  }
0x7f: {  	_ =	shalt  }
0x80: {  	_ =	shalt  }
0x81: {  	_ =	shalt  }
0x82: {  	_ =	shalt  }
0x83: {  	_ =	shalt  }
0x84: {  	_ =	shalt  }
0x85: {  	_ =	shalt  }
0x86: {  	_ =	shalt  }
0x87: {  	_ =	shalt  }
.Lfunc_end0:
.L_simem_size_0:
called_computation.1_lowered:
.L_overlay_start_0:
0x88: {  	s2 =	sld [smem:$0x3FD9]  }
0x89: {  	s3 =	sld [smem:$0x3FFE];
	_ =	sdelay $0x1  }
0x8a: {  	s1 =	srdreg.scid  }
0x8b: {  	s0 =	sand.u32 $0x1, s1  }
0x8c: {  	s17 =	sshll.u32 s0, $0xA;
	s2 =	sadd.s32 s3, s2  }
0x8d: {  	s2 =	sadd.s32 s2, s17  }
0x8e: {  	[smem:$0x3F68] =	sst s2  }
0x8f: {  	_ = 	snop  }
0x90: {  	(tm) =	ssettm $0x1  }
0x91: {  	s18 =	sld [smem:$0x3FFB];
	_ =	sdelay $0x3  }
0x92: {  	_ =	strace s18  }
0x93: {  	s2 =	sld [smem:$0x3FFC];
	_ =	sdelay $0x3  }
0x94: {  	_ =	strace s2  }
0x95: {  	s2 =	sld [smem:$0x3FFD];
	_ =	sdelay $0x3  }
0x96: {  	_ =	strace s2  }
0x97: {  	_ =	strace $0x8FFFFFFF  }
0x98: {  	s19 =	sld [smem:$0x3FDB];
	_ =	sdelay $0x1  }
0x99: {  	s20 =	simm.s32 $_scs_section_size  }
0x9a: {  	s4 =	simm.s32 $_size__tile_overlayer_lowered;
	s5 =	simm.s32 $_tile_overlayer_lowered  }
0x9b: {  	s6 =	simm.s32 $0x1BFF;
	s21 =	sshll.u32 s5, $0x1;
	s3 =	sadd.s32 s20, s19  }
0x9c: {  	s22 =	simm.s32 $0x0;
	s4 =	sshll.u32 s4, $0x1;
	s5 =	sadd.s32 s21, s3  }
0x9d: {  	[timem:s22], [sflag:s6] =	dma.local [hbm:s5], s4  }
0x9e: {  	_ =	swait.ge [sflag:s6], s4  }
0x9f: {  	s4 =	ssub.s32 $0x0, s4;
	[sflag:s6] =	ssyncset.done $0x0  }
0xa0: {  	[sflag:s6] =	ssyncadd.s32 s4;
	_ =	sdelay $0x1  }
0xa1: {  	s23 =	simm.s32 $0x1B8B  }
0xa2: {  	_ =	swait.ge [sflag:s23], $0x1  }
0xa3: {  	[sflag:s23] =	ssyncset.done $0x0  }
0xa4: {  	[sflag:s23] =	ssyncadd.s32 $0xFFFFFFFF  }
0xa5: {  	s4 =	sld [smem:$0x0]  }
0xa6: {  	s5 =	sand.u32 $0xFFFFFFFE, s1  }
0xa7: {  	p0 =	sne.s32 s1, s5  }
0xa8: {  	s5 =	sshll.u32 @p0 s5, $0xE  }
0xa9: {  	s5 =	sadd.s32 @p0 $0x11B8D, s5;
	s6 =	sshll.u32 @p0 s4, $0x11  }
0xaa: {  	s5 =	sor.u32 @p0 s6, s5  }
0xab: {  	[sflag:s5] =	ssyncadd.remote.s32 @p0 $0x1;
	_ =	sdelay $0x1  }
0xac: {  	s5 =	simm.s32 @p0 $0x1B8D  }
0xad: {  	_ =	swait.eq @p0 [sflag:s5], $0x1  }
0xae: {  	[sflag:s5] =	ssyncadd.s32 @p0 $0xFFFFFFFF  }
0xaf: {  	s6 =	sshll.u32 @!p0 s1, $0xE  }
0xb0: {  	s6 =	sor.u32 @!p0 $0x4000, s6;
	s5 =	simm.s32 @!p0 $0x1B8D  }
0xb1: {  	s4 =	sshll.u32 @!p0 s4, $0x11;
	s6 =	sadd.s32 @!p0 $0x11B8D, s6;
	_ =	swait.eq @!p0 [sflag:s5], $0x1  }
0xb2: {  	s4 =	sor.u32 @!p0 s4, s6;
	[sflag:s5] =	ssyncadd.s32 @!p0 $0xFFFFFFFF  }
0xb3: {  	s25 =	simm.s32 $0x1B8E;
	s24 =	sld [smem:$0x3FFE];
	[sflag:s4] =	ssyncadd.remote.s32 @!p0 $0x1  }
0xb4: {  	s26 =	simm.s32 $execute0_lowered;
	[smem:$0x3FD2] =	sst s25  }
0xb5: {  	s5 =	sshll.u32 s26, $0x1;
	_ =	strace $0x8000004C;
	[dreg:$0x1] =	wrdreg $0xFFFFFFFF  }
0xb6: {  	s28 =	simm.s32 $_size_execute0_lowered;
	s3 =	sadd.s32 s3, s5;
	[dreg:$0x0] =	wrdreg $0x0  }
0xb7: {  	s5 =	sshll.u32 s28, $0x1;
	[dreg:$0x2] =	wrdreg s3  }
0xb8: {  	[dreg:$0x3] =	wrdreg s5  }
0xb9: {  	[dreg:$0x4] =	wrdreg $0xC0  }
0xba: {  	_ =	task [dreg:s22], $0x5FFFF  }
0xbb: {  	[dreg:$0x1] =	wrdreg $0xFFFFFFFF  }
0xbc: {  	[dreg:$0x0] =	wrdreg $0x60  }
0xbd: {  	[dreg:$0x2] =	wrdreg s24  }
0xbe: {  	[dreg:$0x3] =	wrdreg $0x40800  }
0xbf: {  	[dreg:$0x4] =	wrdreg $0x9  }
0xc0: {  	_ =	task.clear_ibuf [dreg:s22], $0x5FFFF;
	_ =	strace $0x9000004C  }
0xc1: {  	s29 =	simm.s32 $0x9;
	_ =	strace $0x8000004E  }
0xc2: {  	_ =	swait.ge [sflag:s29], $0x1  }
0xc3: {  	[sflag:s29] =	ssyncadd.s32 $0xFFFFFFFF  }
0xc4: {  	_ =	strace $0x9000004E  }
0xc5: {  	_ =	sfence  }
0xc6: {  	s30 =	sld [smem:$0x0];
	_ =	sdelay $0x2  }
0xc7: {  	s31 =	sshll.u32 s1, $0xD;
	s1 =	sshrl.u32 s1, $0x2  }
0xc8: {  	s4 =	sand.u32 $0x4000, s31;
	s1 =	sadd.s32 s1, s30  }
0xc9: {  	s0 =	sor.u32 s4, s0;
	s1 =	sshll.u32 s1, $0x11  }
0xca: {  	s0 =	sor.u32 s1, s0  }
0xcb: {  	s0 =	sadd.s32 $0x8F2B, s0  }
0xcc: {  	[sflag:s0] =	ssyncadd.remote.s32 $0x1  }
0xcd: {  	_ =	sfence.sel $0xFFFF  }
0xce: {  	[dreg:$0x0] =	wrdreg $0xFFFFFFFF;
	(pc) =	sbr.abs _section_cstart, $3  }
0xcf: {  	[dreg:$0x1] =	wrdreg $0xFFFFFFFF  }
0xd0: {  	_ =	task.clear_ibuf [dreg:s22], $0x2FFFF;
	_ =	strace $0x9FFFFFFF  }
0xd1: {  	(tm) =	ssettm $0x7FFFFFFF  }
tec
execute0_lowered:
.L_overlay_start_1:
0x0: {  	(tag) =	ssettag $0x1  }
0x1: {  	s11 =	stileid.u32  }
0x2: {  	s0 =	srdreg.scid;
	s5 =	rddreg [dreg:$0x0]  }
0x3: {  	s1 =	rddreg [dreg:$0x1];
	s2 =	simm.s32 $0x0;
	s3 =	smul.u32 $0x4F00, s11  }
0x4: {  	s4 =	sand.u32 $0x1, s0;
	s0 =	rddreg [dreg:$0x2];
	s8 =	smul.u32 $0x13C00, s11  }
0x5: {  	[smem:$0x7FF] =	sst s2;
	s9 =	smul.u32 $0x4F000, s11  }
0x6: {  	p0 =	sne.s32 s11, $0x0;
	s11 =	sshll.u32 s11, $0x6;
	s6 =	smul.u32 $0x2780, s4  }
0x7: {  	s7 =	smul.u32 $0x13C000, s4;
	_ =	strace $0x8000004D;
	s30 =	ssub.s32 $0x2, s4  }
0x8: {  	s12 =	smul.u32 $0x27800, s4;
	s11 =	sor.u32 $0x1C01, s11;
	s28 =	sadd.s32 s9, s5  }
0x9: {  	s10 =	sshrl.u32 s30, $0x1;
	s9 =	sshrl.u32 s9, $0x2;
	s3 =	sadd.s32 s6, s3  }
0xa: {  	s26 =	sadd.s32 s8, s7;
	s13 =	sadd.s32 s9, s1;
	s31 =	sadd.s32 s12, s28  }
0xb: {  	s8 =	sshrl.u32 @!p0 s1, $0x3;
	s9 =	simm.s32 $0x1;
	s3 =	sshrl.u32 s3, $0x3  }
0xc: {  	s6 =	sshrl.u32 s26, $0x3;
	s12 =	sshrl.u32 s13, $0x3;
	s13 =	simm.s32 $0x0  }
0xd: {  	s29 =	sadd.s32 s3, s5;
	s3 =	sadd.s32 $0x231FA00, s5;
	s5 =	sadd.s32 s6, s5  }
0xe: {  	s6 =	ssub.s32 s30, s10;
	s10 =	simm.s32 $0x80;
	s4 =	sadd.s32 $0x2396200, s5  }
0xf: {  	s5 =	smax.u32 s6, $0x1;
	s6 =	sadd.s32 $0x1E2FA00, s31;
	s7 =	sadd.s32 $0x85C00, s29  }
.LBB2_1:
0x10: {  	s14 =	simm.s32 @!p0 $0x1C01  }
0x11: {  	[spmem:s8], [sflag:s14] =	dma.local @!p0 [hbm:s3], $0x27800  }
0x12: {  	s14 =	simm.s32 @!p0 $0x1  }
0x13: {  	_ =	swait.ge @!p0 [sflag:s14], $0x27800  }
0x14: {  	[sflag:s14] =	ssyncset.done @!p0 $0x0  }
0x15: {  	[sflag:s14] =	ssyncadd.s32 @!p0 $0xFFFD8800  }
0x16: {  	s31 =	sadd.s32 $0x0, s7;
	[bflag:$0x0] =	sbarrier.arrive $0xFFFF  }
0x17: {  	[tilespmem:s2], [sflag:$0x1] =	stream.linear.gather [hbm4b:s31+s2], $0x80, $0x38;
	[tilespmem:$0x17C80] =	vst v63  }
0x18: {  	_ =	swait.ge [sflag:s9], $0x80  }
0x19: {  	[sflag:s9] =	ssyncset.done $0x0  }
0x1a: {  	[sflag:s9] =	ssyncadd.s32 $0xFFFFFF80  }
0x1b: {  	[tilespmem:s10], [sflag:$0x1] =	stream.linear.gather [hbm4b:s6+s2], $0x4000, $0x38;
	[tilespmem:$0x17C80] =	vst v63  }
0x1c: {  	_ =	swait.ge [sflag:s9], $0x4000  }
0x1d: {  	[sflag:s9] =	ssyncset.done $0x0  }
0x1e: {  	[sflag:s9] =	ssyncadd.s32 $0xFFFFC000  }
0x1f: {  	[spmem:s1] =	stream.indirect.scatter.add.f32 [tilespmem:s10], [sflag:$0x1], $0x80, s2, s10, $0xb8;
	[tilespmem:$0x17C80] =	vst v63  }
0x20: {  	s15 =	simm.s32 $0x10;
	_ =	swait.ge [sflag:s9], $0x4000  }
0x21: {  	s16 =	simm.s32 $0x20;
	s14 =	sadd.s32 $0x800, s6;
	[sflag:s9] =	ssyncset.done $0x0  }
.LBB2_2:
0x22: {  	s17 =	sadd.s32 s15, s7  }
0x23: {  	[sflag:s9] =	ssyncadd.s32 $0xFFFFC000;
	s15 =	smov.u32 s16;
	s18 =	sadd.s32 $0x10, s16  }
0x24: {  	[tilespmem:s2], [sflag:$0x1] =	stream.linear.gather [hbm4b:s17+s2], $0x80, $0x38;
	[tilespmem:$0x17C80] =	vst v63  }
0x25: {  	p1 =	sne.s32 s16, $0x4E0;
	_ =	swait.ge [sflag:s9], $0x80  }
0x26: {  	[sflag:s9] =	ssyncset.done $0x0  }
0x27: {  	[sflag:s9] =	ssyncadd.s32 $0xFFFFFF80  }
0x28: {  	[tilespmem:s10], [sflag:$0x1] =	stream.linear.gather [hbm4b:s14+s2], $0x4000, $0x38;
	[tilespmem:$0x17C80] =	vst v63  }
0x29: {  	_ =	swait.ge [sflag:s9], $0x4000  }
.Ltmp0:
0x2a: {  	[sflag:s9] =	ssyncset.done $0x0;
	(pc) =	sbr.rel @p1 .LBB2_2-.Ltmp0, $4  }
0x2b: {  	[sflag:s9] =	ssyncadd.s32 $0xFFFFC000  }
0x2c: {  	[spmem:s1] =	stream.indirect.scatter.add.f32 [tilespmem:s10], [sflag:$0x1], $0x80, s2, s10, $0xb8;
	[tilespmem:$0x17C80] =	vst v63  }
0x2d: {  	_ =	swait.ge [sflag:s9], $0x4000  }
0x2e: {  	s16 =	smov.u32 s18;
	s14 =	sadd.s32 $0x800, s14;
	[sflag:s9] =	ssyncset.done $0x0  }
0x2f: {  	s15 =	sadd.s32 s15, s7;
	[sflag:s9] =	ssyncadd.s32 $0xFFFFC000  }
0x30: {  	[tilespmem:s2], [sflag:$0x1] =	stream.linear.gather [hbm4b:s15+s2], $0x80, $0x38;
	[tilespmem:$0x17C80] =	vst v63  }
0x31: {  	_ =	swait.ge [sflag:s9], $0x80  }
0x32: {  	[sflag:s9] =	ssyncset.done $0x0  }
0x33: {  	[sflag:s9] =	ssyncadd.s32 $0xFFFFFF80  }
0x34: {  	[tilespmem:s10], [sflag:$0x1] =	stream.linear.gather [hbm4b:s14+s2], $0x4000, $0x38;
	[tilespmem:$0x17C80] =	vst v63  }
0x35: {  	_ =	swait.ge [sflag:s9], $0x4000  }
0x36: {  	[sflag:s9] =	ssyncset.done $0x0  }
0x37: {  	[sflag:s9] =	ssyncadd.s32 $0xFFFFC000  }
0x38: {  	[spmem:s1] =	stream.indirect.scatter.add.f32 [tilespmem:s10], [sflag:$0x1], $0x80, s2, s10, $0xb8;
	[tilespmem:$0x17C80] =	vst v63  }
0x39: {  	_ =	swait.ge [sflag:s9], $0x4000  }
0x3a: {  	s13 =	sadd.s32 $0x1, s13;
	[sflag:s9] =	ssyncset.done $0x0  }
0x3b: {  	p1 =	sne.s32 s13, s5;
	[sflag:s9] =	ssyncadd.s32 $0xFFFFC000  }
.Ltmp1:
0x3c: {  	[bflag:$0x0] =	sbarrier.arrive $0xFFFF;
	(pc) =	sbr.rel @p1 .LBB2_1-.Ltmp1, $4  }
0x3d: {  	[hbm:s4], [sflag:s11] =	dma.local [spmem:s12], $0x2780  }
0x3e: {  	_ =	swait.ge [sflag:s9], $0x2780  }
0x3f: {  	[sflag:s9] =	ssyncset.done $0x0  }
0x40: {  	[sflag:s9] =	ssyncadd.s32 $0xFFFFD880  }
0x41: {  	_ =	sfence.sel $0x180000  }
0x42: {  	[bflag:$0x0] =	sbarrier.arrive $0xFFFF  }
0x43: {  	_ =	strace $0x9000004D  }
0x44: {  	s0 =	sadd.s32 @!p0 $0x100000, s0;
	[bflag:$0x2] =	sbarrier.arrive $0xFFFF  }
0x45: {  	[sflag:s0] =	ssyncadd.tile.s32 @!p0 $0x1;
	_ =	shalt  }
.Lfunc_end2:
_tile_overlayer_lowered:
.L_overlay_start_2:
0x46: {  	(tag) =	ssettag $0x2  }
0x47: {  	s0 =	rddreg [dreg:$0x0];
	s2 =	stileid.u32  }
0x48: {  	s1 =	rddreg [dreg:$0x1];
	p0 =	sne.s32 s2, $0x0  }
0x49: {  	s3 =	rddreg [dreg:$0x2];
	[bflag:$0x3] =	sbarrier.arrive $0xFFFF;
	s2 =	simm.s32 @!p0 $0x1C01  }
0x4a: {  	[timem:s3], [sflag:s2] =	dma.local @!p0 [hbm:s0], s1  }
0x4b: {  	s0 =	simm.s32 @!p0 $0x1  }
0x4c: {  	_ =	swait.ge @!p0 [sflag:s0], s1  }
0x4d: {  	s1 =	ssub.s32 @!p0 $0x0, s1;
	[sflag:s0] =	ssyncset.done @!p0 $0x0  }
0x4e: {  	[sflag:s0] =	ssyncadd.s32 @!p0 s1  }
0x4f: {  	[bflag:$0x3] =	sbarrier.arrive $0xFFFF  }
0x50: {  	_ =	shalt  }

// kernel: kernel.26.cloned.1.call-start
scs
__scs_entry_jumppad:
0x0: {  	(pc) =	sbr.rel $0x88, $3  }
0x1: {  	(tag) =	ssettag $0x0;
	lr =	simm.s32 $0x1  }
0x2: {  	[smem:$0x3F41] =	sst lr;
	_ =	strace $0xD0000000  }
0x3: {  	_ = 	snop  }
0x4: {  	_ = 	snop  }
0x5: {  	_ = 	snop  }
0x6: {  	_ = 	snop  }
0x7: {  	_ = 	snop  }
__scs_overlays_trampoline_lowered:
0x8: {  	[smem:$0x3F50] =	sst s0  }
0x9: {  	[smem:$0x3F51] =	sst s1  }
0xa: {  	[smem:$0x3F52] =	sst s2  }
0xb: {  	[smem:$0x3F53] =	sst s3  }
0xc: {  	[smem:$0x3F54] =	sst s4  }
0xd: {  	[smem:$0x3F55] =	sst s5  }
0xe: {  	[smem:$0x3F56] =	sst s6  }
0xf: {  	[smem:$0x3F57] =	sst s7  }
0x10: {  	[smem:$0x3F58] =	sst s8  }
0x11: {  	[smem:$0x3F59] =	sst s9;
	s0 =	simm.s32 @!p0 $0x0  }
0x12: {  	s1 =	sld [smem:$0x3F3F];
	s0 =	simm.s32 @p0 $0x1  }
0x13: {  	[smem:$0x3F5A] =	sst s0;
	s0 =	simm.s32 @!p1 $0x0  }
0x14: {  	s2 =	sld [smem:$0x3F3E];
	s0 =	simm.s32 @p1 $0x1  }
0x15: {  	[smem:$0x3F5B] =	sst s0;
	s0 =	simm.s32 @!p2 $0x0  }
0x16: {  	s3 =	sld [smem:$0x3FDB];
	s0 =	simm.s32 @p2 $0x1  }
0x17: {  	s4 =	simm.s32 $0x1BF5;
	[smem:$0x3F5D] =	sst s0  }
0x18: {  	s0 =	sld [smem:$0x3F40];
	_ =	swait.ge [sflag:s4], $0x0  }
0x19: {  	s7 =	sld [smem:$0x3F41]  }
0x1a: {  	s8 =	sadd.s32 $0xFFFFE003, lr  }
0x1b: {  	s9 =	sadd.s32 $0xFFFFFEF7, lr;
	s5 =	simm.s32 $0xFFFFFFFF;
	p2 =	slt.u32 s8, $0xFFFFF086  }
0x1c: {  	p1 =	slt.u32 s9, $0xF7A;
	s5 =	simm.s32 @!p2 $0x0  }
0x1d: {  	s5 =	simm.s32 @p1 $0x1;
	p0 =	seq.s32 s7, s2  }
0x1e: {  	s7 =	smul.u32 @!p0 $0xF7A, s2;
	p2 =	seq.s32 @!p0 s5, $0x0  }
0x1f: {  	s9 =	smul.u32 $0xF7A, s1;
	s8 =	simm.s32 @!p0 $0x1BF5;
	p2 =	por !p2, p0  }
0x20: {  	[sflag:s8] =	ssyncset.s32 @!p0 $0xFFFFF086;
	s6 =	sadd.s32 @!p0 s3, s7;
	s7 =	simm.s32 @!p0 $0x108  }
0x21: {  	s3 =	sadd.s32 s3, s9;
	s6 =	sadd.s32 @!p0 $0x88, s6;
	s7 =	simm.s32 @p2 $0x1082  }
0x22: {  	[simem:s7], [sflag:s8] =	dma.local @!p0 [hbm:s6], $0xF7A  }
0x23: {  	s9 =	sor.u32 $0xD0000000, s2;
	s6 =	simm.s32 $0x108;
	_ =	swait.ge @!p0 [sflag:s8], $0x0  }
0x24: {  	s3 =	sadd.s32 $0x88, s3;
	s6 =	simm.s32 @!p1 $0x1082;
	[sflag:s4] =	ssyncset.s32 $0xFFFFF086  }
0x25: {  	[simem:s6], [sflag:s4] =	dma.local [hbm:s3], $0xF7A  }
0x26: {  	[smem:$0x3F41] =	sst s1;
	(tag) =	ssettag s2;
	_ =	strace s9  }
0x27: {  	s1 =	sld [smem:$0x3F51]  }
0x28: {  	s2 =	sld [smem:$0x3F52]  }
0x29: {  	s4 =	sld [smem:$0x3F54]  }
0x2a: {  	p0 =	seq.s32 s5, $0x0;
	s5 =	sld [smem:$0x3F55]  }
0x2b: {  	s6 =	sld [smem:$0x3F56]  }
0x2c: {  	s7 =	sld [smem:$0x3F57]  }
0x2d: {  	s3 =	simm.s32 $0x108;
	s8 =	sld [smem:$0x3F58]  }
0x2e: {  	s3 =	simm.s32 @!p0 $0x1082;
	s9 =	sld [smem:$0x3F59]  }
0x2f: {  	lr =	sadd.s32 s0, s3;
	s0 =	sld [smem:$0x3F50]  }
0x30: {  	s3 =	sld [smem:$0x3F53]  }
0x31: {  	[smem:$0x3F5C] =	sst s10  }
0x32: {  	s10 =	sld [smem:$0x3F5A];
	_ =	sdelay $0x3  }
0x33: {  	p0 =	seq.s32 s10, $0x1;
	s10 =	sld [smem:$0x3F5C];
	_ =	sdelay $0x3  }
0x34: {  	[smem:$0x3F5C] =	sst s10  }
0x35: {  	s10 =	sld [smem:$0x3F5B];
	_ =	sdelay $0x3  }
0x36: {  	p1 =	seq.s32 s10, $0x1;
	s10 =	sld [smem:$0x3F5C];
	_ =	sdelay $0x3  }
0x37: {  	[smem:$0x3F5C] =	sst s10  }
0x38: {  	s10 =	sld [smem:$0x3F5D]  }
0x39: {  	_ = 	snop;
	(pc) =	sbr.ind lr, $3  }
0x3a: {  	_ = 	snop  }
0x3b: {  	_ = 	snop  }
0x3c: {  	p2 =	seq.s32 s10, $0x1;
	s10 =	sld [smem:$0x3F5C]  }
0x3d: {  	_ =	shalt  }
0x3e: {  	_ =	shalt  }
0x3f: {  	_ =	shalt  }
0x40: {  	_ =	shalt  }
0x41: {  	_ =	shalt  }
0x42: {  	_ =	shalt  }
0x43: {  	_ =	shalt  }
0x44: {  	_ =	shalt  }
0x45: {  	_ =	shalt  }
0x46: {  	_ =	shalt  }
0x47: {  	_ =	shalt  }
0x48: {  	_ =	shalt  }
0x49: {  	_ =	shalt  }
0x4a: {  	_ =	shalt  }
0x4b: {  	_ =	shalt  }
0x4c: {  	_ =	shalt  }
0x4d: {  	_ =	shalt  }
0x4e: {  	_ =	shalt  }
0x4f: {  	_ =	shalt  }
0x50: {  	_ =	shalt  }
0x51: {  	_ =	shalt  }
0x52: {  	_ =	shalt  }
0x53: {  	_ =	shalt  }
0x54: {  	_ =	shalt  }
0x55: {  	_ =	shalt  }
0x56: {  	_ =	shalt  }
0x57: {  	_ =	shalt  }
0x58: {  	_ =	shalt  }
0x59: {  	_ =	shalt  }
0x5a: {  	_ =	shalt  }
0x5b: {  	_ =	shalt  }
0x5c: {  	_ =	shalt  }
0x5d: {  	_ =	shalt  }
0x5e: {  	_ =	shalt  }
0x5f: {  	_ =	shalt  }
0x60: {  	_ =	shalt  }
0x61: {  	_ =	shalt  }
0x62: {  	_ =	shalt  }
0x63: {  	_ =	shalt  }
0x64: {  	_ =	shalt  }
0x65: {  	_ =	shalt  }
0x66: {  	_ =	shalt  }
0x67: {  	_ =	shalt  }
0x68: {  	_ =	shalt  }
0x69: {  	_ =	shalt  }
0x6a: {  	_ =	shalt  }
0x6b: {  	_ =	shalt  }
0x6c: {  	_ =	shalt  }
0x6d: {  	_ =	shalt  }
0x6e: {  	_ =	shalt  }
0x6f: {  	_ =	shalt  }
0x70: {  	_ =	shalt  }
0x71: {  	_ =	shalt  }
0x72: {  	_ =	shalt  }
0x73: {  	_ =	shalt  }
0x74: {  	_ =	shalt  }
0x75: {  	_ =	shalt  }
0x76: {  	_ =	shalt  }
0x77: {  	_ =	shalt  }
0x78: {  	_ =	shalt  }
0x79: {  	_ =	shalt  }
0x7a: {  	_ =	shalt  }
0x7b: {  	_ =	shalt  }
0x7c: {  	_ =	shalt  }
0x7d: {  	_ =	shalt  }
0x7e: {  	_ =	shalt  }
0x7f: {  	_ =	shalt  }
0x80: {  	_ =	shalt  }
0x81: {  	_ =	shalt  }
0x82: {  	_ =	shalt  }
0x83: {  	_ =	shalt  }
0x84: {  	_ =	shalt  }
0x85: {  	_ =	shalt  }
0x86: {  	_ =	shalt  }
0x87: {  	_ =	shalt  }
.Lfunc_end0:
.L_simem_size_0:
called_computation.2_lowered:
.L_overlay_start_0:
0x88: {  	s2 =	sld [smem:$0x3FD9]  }
0x89: {  	s3 =	sld [smem:$0x3FFE];
	_ =	sdelay $0x1  }
0x8a: {  	s1 =	srdreg.scid  }
0x8b: {  	s0 =	sand.u32 $0x1, s1  }
0x8c: {  	s16 =	sshll.u32 s0, $0xA;
	s2 =	sadd.s32 s3, s2  }
0x8d: {  	s2 =	sadd.s32 s2, s16  }
0x8e: {  	[smem:$0x3F68] =	sst s2  }
0x8f: {  	_ = 	snop  }
0x90: {  	(tm) =	ssettm $0x1  }
0x91: {  	s17 =	sld [smem:$0x3FFB];
	_ =	sdelay $0x3  }
0x92: {  	_ =	strace s17  }
0x93: {  	s2 =	sld [smem:$0x3FFC];
	_ =	sdelay $0x3  }
0x94: {  	_ =	strace s2  }
0x95: {  	s2 =	sld [smem:$0x3FFD];
	_ =	sdelay $0x3  }
0x96: {  	_ =	strace s2  }
0x97: {  	_ =	strace $0x8FFFFFFF  }
0x98: {  	s18 =	sld [smem:$0x3FDB];
	_ =	sdelay $0x1  }
0x99: {  	s19 =	simm.s32 $_scs_section_size  }
0x9a: {  	s4 =	simm.s32 $_size__tile_overlayer_lowered;
	s5 =	simm.s32 $_tile_overlayer_lowered  }
0x9b: {  	s22 =	simm.s32 $0x1BFF;
	s21 =	sshll.u32 s5, $0x1;
	s2 =	sadd.s32 s19, s18  }
0x9c: {  	s6 =	simm.s32 $0x0;
	s20 =	sshll.u32 s4, $0x1;
	s4 =	sadd.s32 s21, s2  }
0x9d: {  	[timem:s6], [sflag:s22] =	dma.local [hbm:s4], s20  }
0x9e: {  	_ =	swait.ge [sflag:s22], s20  }
0x9f: {  	s3 =	ssub.s32 $0x0, s20;
	[sflag:s22] =	ssyncset.done $0x0  }
0xa0: {  	[sflag:s22] =	ssyncadd.s32 s3;
	_ =	sdelay $0x1  }
0xa1: {  	s23 =	simm.s32 $0x1B8B  }
0xa2: {  	_ =	swait.ge [sflag:s23], $0x1  }
0xa3: {  	[sflag:s23] =	ssyncset.done $0x0  }
0xa4: {  	s25 =	simm.s32 $0x1B8E;
	s24 =	sld [smem:$0x3FFE];
	[sflag:s23] =	ssyncadd.s32 $0xFFFFFFFF  }
0xa5: {  	s26 =	simm.s32 $execute0_lowered;
	[smem:$0x3FD2] =	sst s25  }
0xa6: {  	s4 =	sshll.u32 s26, $0x1;
	_ =	strace $0x80000049;
	[dreg:$0x1] =	wrdreg $0xFFFFFFFF  }
0xa7: {  	s28 =	simm.s32 $_size_execute0_lowered;
	s2 =	sadd.s32 s2, s4;
	[dreg:$0x0] =	wrdreg $0x0  }
0xa8: {  	s4 =	sshll.u32 s28, $0x1;
	[dreg:$0x2] =	wrdreg s2  }
0xa9: {  	[dreg:$0x3] =	wrdreg s4  }
0xaa: {  	[dreg:$0x4] =	wrdreg $0xC0  }
0xab: {  	_ =	task [dreg:s6], $0x5FFFF  }
0xac: {  	[dreg:$0x1] =	wrdreg $0xFFFFFFFF  }
0xad: {  	[dreg:$0x0] =	wrdreg $0x60  }
0xae: {  	[dreg:$0x2] =	wrdreg s24  }
0xaf: {  	[dreg:$0x3] =	wrdreg $0x40800  }
0xb0: {  	[dreg:$0x4] =	wrdreg $0xA  }
0xb1: {  	_ =	task.clear_ibuf [dreg:s6], $0x5FFFF;
	_ =	strace $0x90000049  }
0xb2: {  	s29 =	simm.s32 $0xA;
	_ =	strace $0x8000004B  }
0xb3: {  	_ =	swait.ge [sflag:s29], $0x1  }
0xb4: {  	[sflag:s29] =	ssyncadd.s32 $0xFFFFFFFF  }
0xb5: {  	_ =	strace $0x9000004B  }
0xb6: {  	_ =	sfence  }
0xb7: {  	s30 =	sld [smem:$0x0];
	_ =	sdelay $0x2  }
0xb8: {  	s31 =	sshll.u32 s1, $0xD;
	s1 =	sshrl.u32 s1, $0x2  }
0xb9: {  	s3 =	sand.u32 $0x4000, s31;
	s1 =	sadd.s32 s1, s30  }
0xba: {  	s0 =	sor.u32 s3, s0;
	s1 =	sshll.u32 s1, $0x11  }
0xbb: {  	s0 =	sor.u32 s1, s0  }
0xbc: {  	s0 =	sadd.s32 $0x8F2B, s0  }
0xbd: {  	[sflag:s0] =	ssyncadd.remote.s32 $0x1  }
0xbe: {  	_ =	sfence.sel $0xFFFF  }
0xbf: {  	[dreg:$0x0] =	wrdreg $0xFFFFFFFF;
	(pc) =	sbr.abs _section_cstart, $3  }
0xc0: {  	[dreg:$0x1] =	wrdreg $0xFFFFFFFF  }
0xc1: {  	_ =	task.clear_ibuf [dreg:s6], $0x2FFFF;
	_ =	strace $0x9FFFFFFF  }
0xc2: {  	(tm) =	ssettm $0x7FFFFFFF  }
0xc3: {  	_ =	shalt  }
tec
execute0_lowered:
.L_overlay_start_1:
0x0: {  	(tag) =	ssettag $0x1  }
0x1: {  	s11 =	stileid.u32  }
0x2: {  	s0 =	srdreg.scid;
	s5 =	rddreg [dreg:$0x0]  }
0x3: {  	s1 =	rddreg [dreg:$0x1];
	s2 =	simm.s32 $0x0;
	s3 =	smul.u32 $0x4F00, s11  }
0x4: {  	s4 =	sand.u32 $0x1, s0;
	s0 =	rddreg [dreg:$0x2];
	s8 =	smul.u32 $0x13C00, s11  }
0x5: {  	[smem:$0x7FF] =	sst s2;
	s9 =	smul.u32 $0x4F000, s11  }
0x6: {  	p0 =	sne.s32 s11, $0x0;
	s11 =	sshll.u32 s11, $0x6;
	s6 =	smul.u32 $0x2780, s4  }
0x7: {  	s7 =	smul.u32 $0x13C000, s4;
	_ =	strace $0x8000004A;
	s30 =	ssub.s32 $0x2, s4  }
0x8: {  	s12 =	smul.u32 $0x27800, s4;
	s11 =	sor.u32 $0x1C01, s11;
	s28 =	sadd.s32 s9, s5  }
0x9: {  	s10 =	sshrl.u32 s30, $0x1;
	s9 =	sshrl.u32 s9, $0x2;
	s3 =	sadd.s32 s6, s3  }
0xa: {  	s26 =	sadd.s32 s8, s7;
	s13 =	sadd.s32 s9, s1;
	s31 =	sadd.s32 s12, s28  }
0xb: {  	s8 =	sshrl.u32 @!p0 s1, $0x3;
	s9 =	simm.s32 $0x1;
	s3 =	sshrl.u32 s3, $0x3  }
0xc: {  	s6 =	sshrl.u32 s26, $0x3;
	s12 =	sshrl.u32 s13, $0x3;
	s13 =	simm.s32 $0x0  }
0xd: {  	s29 =	sadd.s32 s3, s5;
	s3 =	sadd.s32 $0x231FA00, s5;
	s5 =	sadd.s32 s6, s5  }
0xe: {  	s6 =	ssub.s32 s30, s10;
	s10 =	simm.s32 $0x80;
	s4 =	sadd.s32 $0x2347200, s5  }
0xf: {  	s5 =	smax.u32 s6, $0x1;
	s6 =	sadd.s32 $0x193FA00, s31;
	s7 =	sadd.s32 $0x85C00, s29  }
.LBB2_1:
0x10: {  	s14 =	simm.s32 @!p0 $0x1C01  }
0x11: {  	[spmem:s8], [sflag:s14] =	dma.local @!p0 [hbm:s3], $0x27800  }
0x12: {  	s14 =	simm.s32 @!p0 $0x1  }
0x13: {  	_ =	swait.ge @!p0 [sflag:s14], $0x27800  }
0x14: {  	[sflag:s14] =	ssyncset.done @!p0 $0x0  }
0x15: {  	[sflag:s14] =	ssyncadd.s32 @!p0 $0xFFFD8800  }
0x16: {  	s31 =	sadd.s32 $0x0, s7;
	[bflag:$0x0] =	sbarrier.arrive $0xFFFF  }
0x17: {  	[tilespmem:s2], [sflag:$0x1] =	stream.linear.gather [hbm4b:s31+s2], $0x80, $0x38;
	[tilespmem:$0x17C80] =	vst v63  }
0x18: {  	_ =	swait.ge [sflag:s9], $0x80  }
0x19: {  	[sflag:s9] =	ssyncset.done $0x0  }
0x1a: {  	[sflag:s9] =	ssyncadd.s32 $0xFFFFFF80  }
0x1b: {  	[tilespmem:s10], [sflag:$0x1] =	stream.linear.gather [hbm4b:s6+s2], $0x4000, $0x38;
	[tilespmem:$0x17C80] =	vst v63  }
0x1c: {  	_ =	swait.ge [sflag:s9], $0x4000  }
0x1d: {  	[sflag:s9] =	ssyncset.done $0x0  }
0x1e: {  	[sflag:s9] =	ssyncadd.s32 $0xFFFFC000  }
0x1f: {  	[spmem:s1] =	stream.indirect.scatter.add.f32 [tilespmem:s10], [sflag:$0x1], $0x80, s2, s10, $0xb8;
	[tilespmem:$0x17C80] =	vst v63  }
0x20: {  	s15 =	simm.s32 $0x10;
	_ =	swait.ge [sflag:s9], $0x4000  }
0x21: {  	s16 =	simm.s32 $0x20;
	s14 =	sadd.s32 $0x800, s6;
	[sflag:s9] =	ssyncset.done $0x0  }
.LBB2_2:
0x22: {  	s17 =	sadd.s32 s15, s7  }
0x23: {  	[sflag:s9] =	ssyncadd.s32 $0xFFFFC000;
	s15 =	smov.u32 s16;
	s18 =	sadd.s32 $0x10, s16  }
0x24: {  	[tilespmem:s2], [sflag:$0x1] =	stream.linear.gather [hbm4b:s17+s2], $0x80, $0x38;
	[tilespmem:$0x17C80] =	vst v63  }
0x25: {  	p1 =	sne.s32 s16, $0x4E0;
	_ =	swait.ge [sflag:s9], $0x80  }
0x26: {  	[sflag:s9] =	ssyncset.done $0x0  }
0x27: {  	[sflag:s9] =	ssyncadd.s32 $0xFFFFFF80  }
0x28: {  	[tilespmem:s10], [sflag:$0x1] =	stream.linear.gather [hbm4b:s14+s2], $0x4000, $0x38;
	[tilespmem:$0x17C80] =	vst v63  }
0x29: {  	_ =	swait.ge [sflag:s9], $0x4000  }
.Ltmp0:
0x2a: {  	[sflag:s9] =	ssyncset.done $0x0;
	(pc) =	sbr.rel @p1 .LBB2_2-.Ltmp0, $4  }
0x2b: {  	[sflag:s9] =	ssyncadd.s32 $0xFFFFC000  }
0x2c: {  	[spmem:s1] =	stream.indirect.scatter.add.f32 [tilespmem:s10], [sflag:$0x1], $0x80, s2, s10, $0xb8;
	[tilespmem:$0x17C80] =	vst v63  }
0x2d: {  	_ =	swait.ge [sflag:s9], $0x4000  }
0x2e: {  	s16 =	smov.u32 s18;
	s14 =	sadd.s32 $0x800, s14;
	[sflag:s9] =	ssyncset.done $0x0  }
0x2f: {  	s15 =	sadd.s32 s15, s7;
	[sflag:s9] =	ssyncadd.s32 $0xFFFFC000  }
0x30: {  	[tilespmem:s2], [sflag:$0x1] =	stream.linear.gather [hbm4b:s15+s2], $0x80, $0x38;
	[tilespmem:$0x17C80] =	vst v63  }
0x31: {  	_ =	swait.ge [sflag:s9], $0x80  }
0x32: {  	[sflag:s9] =	ssyncset.done $0x0  }
0x33: {  	[sflag:s9] =	ssyncadd.s32 $0xFFFFFF80  }
0x34: {  	[tilespmem:s10], [sflag:$0x1] =	stream.linear.gather [hbm4b:s14+s2], $0x4000, $0x38;
	[tilespmem:$0x17C80] =	vst v63  }
0x35: {  	_ =	swait.ge [sflag:s9], $0x4000  }
0x36: {  	[sflag:s9] =	ssyncset.done $0x0  }
0x37: {  	[sflag:s9] =	ssyncadd.s32 $0xFFFFC000  }
0x38: {  	[spmem:s1] =	stream.indirect.scatter.add.f32 [tilespmem:s10], [sflag:$0x1], $0x80, s2, s10, $0xb8;
	[tilespmem:$0x17C80] =	vst v63  }
0x39: {  	_ =	swait.ge [sflag:s9], $0x4000  }
0x3a: {  	s13 =	sadd.s32 $0x1, s13;
	[sflag:s9] =	ssyncset.done $0x0  }
0x3b: {  	p1 =	sne.s32 s13, s5;
	[sflag:s9] =	ssyncadd.s32 $0xFFFFC000  }
.Ltmp1:
0x3c: {  	[bflag:$0x0] =	sbarrier.arrive $0xFFFF;
	(pc) =	sbr.rel @p1 .LBB2_1-.Ltmp1, $4  }
0x3d: {  	[hbm:s4], [sflag:s11] =	dma.local [spmem:s12], $0x2780  }
0x3e: {  	_ =	swait.ge [sflag:s9], $0x2780  }
0x3f: {  	[sflag:s9] =	ssyncset.done $0x0  }
0x40: {  	[sflag:s9] =	ssyncadd.s32 $0xFFFFD880  }
0x41: {  	_ =	sfence.sel $0x180000  }
0x42: {  	[bflag:$0x0] =	sbarrier.arrive $0xFFFF  }
0x43: {  	_ =	strace $0x9000004A  }
0x44: {  	s0 =	sadd.s32 @!p0 $0x100000, s0;
	[bflag:$0x2] =	sbarrier.arrive $0xFFFF  }
0x45: {  	[sflag:s0] =	ssyncadd.tile.s32 @!p0 $0x1;
	_ =	shalt  }
.Lfunc_end2:
_tile_overlayer_lowered:
.L_overlay_start_2:
0x46: {  	(tag) =	ssettag $0x2  }
0x47: {  	s0 =	rddreg [dreg:$0x0];
	s2 =	stileid.u32  }
0x48: {  	s1 =	rddreg [dreg:$0x1];
	p0 =	sne.s32 s2, $0x0  }
0x49: {  	s3 =	rddreg [dreg:$0x2];
	[bflag:$0x3] =	sbarrier.arrive $0xFFFF;
	s2 =	simm.s32 @!p0 $0x1C01  }
0x4a: {  	[timem:s3], [sflag:s2] =	dma.local @!p0 [hbm:s0], s1  }
0x4b: {  	s0 =	simm.s32 @!p0 $0x1  }
0x4c: {  	_ =	swait.ge @!p0 [sflag:s0], s1  }
0x4d: {  	s1 =	ssub.s32 @!p0 $0x0, s1;
	[sflag:s0] =	ssyncset.done @!p0 $0x0  }
0x4e: {  	[sflag:s0] =	ssyncadd.s32 @!p0 s1  }
0x4f: {  	[bflag:$0x3] =	sbarrier.arrive $0xFFFF  }
0x50: {  	_ =	shalt  }

// kernel: kernel.29.cloned.1.call-start
scs
__scs_entry_jumppad:
0x0: {  	(pc) =	sbr.rel $0x88, $3  }
0x1: {  	(tag) =	ssettag $0x0;
	lr =	simm.s32 $0x1  }
0x2: {  	[smem:$0x3F41] =	sst lr;
	_ =	strace $0xD0000000  }
0x3: {  	_ = 	snop  }
0x4: {  	_ = 	snop  }
0x5: {  	_ = 	snop  }
0x6: {  	_ = 	snop  }
0x7: {  	_ = 	snop  }
__scs_overlays_trampoline_lowered:
0x8: {  	[smem:$0x3F50] =	sst s0  }
0x9: {  	[smem:$0x3F51] =	sst s1  }
0xa: {  	[smem:$0x3F52] =	sst s2  }
0xb: {  	[smem:$0x3F53] =	sst s3  }
0xc: {  	[smem:$0x3F54] =	sst s4  }
0xd: {  	[smem:$0x3F55] =	sst s5  }
0xe: {  	[smem:$0x3F56] =	sst s6  }
0xf: {  	[smem:$0x3F57] =	sst s7  }
0x10: {  	[smem:$0x3F58] =	sst s8  }
0x11: {  	[smem:$0x3F59] =	sst s9;
	s0 =	simm.s32 @!p0 $0x0  }
0x12: {  	s1 =	sld [smem:$0x3F3F];
	s0 =	simm.s32 @p0 $0x1  }
0x13: {  	[smem:$0x3F5A] =	sst s0;
	s0 =	simm.s32 @!p1 $0x0  }
0x14: {  	s2 =	sld [smem:$0x3F3E];
	s0 =	simm.s32 @p1 $0x1  }
0x15: {  	[smem:$0x3F5B] =	sst s0;
	s0 =	simm.s32 @!p2 $0x0  }
0x16: {  	s3 =	sld [smem:$0x3FDB];
	s0 =	simm.s32 @p2 $0x1  }
0x17: {  	s4 =	simm.s32 $0x1BF5;
	[smem:$0x3F5D] =	sst s0  }
0x18: {  	s0 =	sld [smem:$0x3F40];
	_ =	swait.ge [sflag:s4], $0x0  }
0x19: {  	s7 =	sld [smem:$0x3F41]  }
0x1a: {  	s8 =	sadd.s32 $0xFFFFE003, lr  }
0x1b: {  	s9 =	sadd.s32 $0xFFFFFEF7, lr;
	s5 =	simm.s32 $0xFFFFFFFF;
	p2 =	slt.u32 s8, $0xFFFFF086  }
0x1c: {  	p1 =	slt.u32 s9, $0xF7A;
	s5 =	simm.s32 @!p2 $0x0  }
0x1d: {  	s5 =	simm.s32 @p1 $0x1;
	p0 =	seq.s32 s7, s2  }
0x1e: {  	s7 =	smul.u32 @!p0 $0xF7A, s2;
	p2 =	seq.s32 @!p0 s5, $0x0  }
0x1f: {  	s9 =	smul.u32 $0xF7A, s1;
	s8 =	simm.s32 @!p0 $0x1BF5;
	p2 =	por !p2, p0  }
0x20: {  	[sflag:s8] =	ssyncset.s32 @!p0 $0xFFFFF086;
	s6 =	sadd.s32 @!p0 s3, s7;
	s7 =	simm.s32 @!p0 $0x108  }
0x21: {  	s3 =	sadd.s32 s3, s9;
	s6 =	sadd.s32 @!p0 $0x88, s6;
	s7 =	simm.s32 @p2 $0x1082  }
0x22: {  	[simem:s7], [sflag:s8] =	dma.local @!p0 [hbm:s6], $0xF7A  }
0x23: {  	s9 =	sor.u32 $0xD0000000, s2;
	s6 =	simm.s32 $0x108;
	_ =	swait.ge @!p0 [sflag:s8], $0x0  }
0x24: {  	s3 =	sadd.s32 $0x88, s3;
	s6 =	simm.s32 @!p1 $0x1082;
	[sflag:s4] =	ssyncset.s32 $0xFFFFF086  }
0x25: {  	[simem:s6], [sflag:s4] =	dma.local [hbm:s3], $0xF7A  }
0x26: {  	[smem:$0x3F41] =	sst s1;
	(tag) =	ssettag s2;
	_ =	strace s9  }
0x27: {  	s1 =	sld [smem:$0x3F51]  }
0x28: {  	s2 =	sld [smem:$0x3F52]  }
0x29: {  	s4 =	sld [smem:$0x3F54]  }
0x2a: {  	p0 =	seq.s32 s5, $0x0;
	s5 =	sld [smem:$0x3F55]  }
0x2b: {  	s6 =	sld [smem:$0x3F56]  }
0x2c: {  	s7 =	sld [smem:$0x3F57]  }
0x2d: {  	s3 =	simm.s32 $0x108;
	s8 =	sld [smem:$0x3F58]  }
0x2e: {  	s3 =	simm.s32 @!p0 $0x1082;
	s9 =	sld [smem:$0x3F59]  }
0x2f: {  	lr =	sadd.s32 s0, s3;
	s0 =	sld [smem:$0x3F50]  }
0x30: {  	s3 =	sld [smem:$0x3F53]  }
0x31: {  	[smem:$0x3F5C] =	sst s10  }
0x32: {  	s10 =	sld [smem:$0x3F5A];
	_ =	sdelay $0x3  }
0x33: {  	p0 =	seq.s32 s10, $0x1;
	s10 =	sld [smem:$0x3F5C];
	_ =	sdelay $0x3  }
0x34: {  	[smem:$0x3F5C] =	sst s10  }
0x35: {  	s10 =	sld [smem:$0x3F5B];
	_ =	sdelay $0x3  }
0x36: {  	p1 =	seq.s32 s10, $0x1;
	s10 =	sld [smem:$0x3F5C];
	_ =	sdelay $0x3  }
0x37: {  	[smem:$0x3F5C] =	sst s10  }
0x38: {  	s10 =	sld [smem:$0x3F5D]  }
0x39: {  	_ = 	snop;
	(pc) =	sbr.ind lr, $3  }
0x3a: {  	_ = 	snop  }
0x3b: {  	_ = 	snop  }
0x3c: {  	p2 =	seq.s32 s10, $0x1;
	s10 =	sld [smem:$0x3F5C]  }
0x3d: {  	_ =	shalt  }
0x3e: {  	_ =	shalt  }
0x3f: {  	_ =	shalt  }
0x40: {  	_ =	shalt  }
0x41: {  	_ =	shalt  }
0x42: {  	_ =	shalt  }
0x43: {  	_ =	shalt  }
0x44: {  	_ =	shalt  }
0x45: {  	_ =	shalt  }
0x46: {  	_ =	shalt  }
0x47: {  	_ =	shalt  }
0x48: {  	_ =	shalt  }
0x49: {  	_ =	shalt  }
0x4a: {  	_ =	shalt  }
0x4b: {  	_ =	shalt  }
0x4c: {  	_ =	shalt  }
0x4d: {  	_ =	shalt  }
0x4e: {  	_ =	shalt  }
0x4f: {  	_ =	shalt  }
0x50: {  	_ =	shalt  }
0x51: {  	_ =	shalt  }
0x52: {  	_ =	shalt  }
0x53: {  	_ =	shalt  }
0x54: {  	_ =	shalt  }
0x55: {  	_ =	shalt  }
0x56: {  	_ =	shalt  }
0x57: {  	_ =	shalt  }
0x58: {  	_ =	shalt  }
0x59: {  	_ =	shalt  }
0x5a: {  	_ =	shalt  }
0x5b: {  	_ =	shalt  }
0x5c: {  	_ =	shalt  }
0x5d: {  	_ =	shalt  }
0x5e: {  	_ =	shalt  }
0x5f: {  	_ =	shalt  }
0x60: {  	_ =	shalt  }
0x61: {  	_ =	shalt  }
0x62: {  	_ =	shalt  }
0x63: {  	_ =	shalt  }
0x64: {  	_ =	shalt  }
0x65: {  	_ =	shalt  }
0x66: {  	_ =	shalt  }
0x67: {  	_ =	shalt  }
0x68: {  	_ =	shalt  }
0x69: {  	_ =	shalt  }
0x6a: {  	_ =	shalt  }
0x6b: {  	_ =	shalt  }
0x6c: {  	_ =	shalt  }
0x6d: {  	_ =	shalt  }
0x6e: {  	_ =	shalt  }
0x6f: {  	_ =	shalt  }
0x70: {  	_ =	shalt  }
0x71: {  	_ =	shalt  }
0x72: {  	_ =	shalt  }
0x73: {  	_ =	shalt  }
0x74: {  	_ =	shalt  }
0x75: {  	_ =	shalt  }
0x76: {  	_ =	shalt  }
0x77: {  	_ =	shalt  }
0x78: {  	_ =	shalt  }
0x79: {  	_ =	shalt  }
0x7a: {  	_ =	shalt  }
0x7b: {  	_ =	shalt  }
0x7c: {  	_ =	shalt  }
0x7d: {  	_ =	shalt  }
0x7e: {  	_ =	shalt  }
0x7f: {  	_ =	shalt  }
0x80: {  	_ =	shalt  }
0x81: {  	_ =	shalt  }
0x82: {  	_ =	shalt  }
0x83: {  	_ =	shalt  }
0x84: {  	_ =	shalt  }
0x85: {  	_ =	shalt  }
0x86: {  	_ =	shalt  }
0x87: {  	_ =	shalt  }
.Lfunc_end0:
.L_simem_size_0:
called_computation.3_lowered:
.L_overlay_start_0:
0x88: {  	s2 =	sld [smem:$0x3FD9]  }
0x89: {  	s3 =	sld [smem:$0x3FFE];
	_ =	sdelay $0x1  }
0x8a: {  	s1 =	srdreg.scid  }
0x8b: {  	s0 =	sand.u32 $0x1, s1  }
0x8c: {  	s17 =	sshll.u32 s0, $0xA;
	s2 =	sadd.s32 s3, s2  }
0x8d: {  	s2 =	sadd.s32 s2, s17  }
0x8e: {  	[smem:$0x3F68] =	sst s2  }
0x8f: {  	_ = 	snop  }
0x90: {  	s2 =	sld [smem:$0x3FD0];
	(tm) =	ssettm $0x1  }
0x91: {  	s18 =	sld [smem:$0x3FFB];
	_ =	sdelay $0x3  }
0x92: {  	_ =	strace s18  }
0x93: {  	s3 =	sld [smem:$0x3FFC];
	_ =	sdelay $0x3  }
0x94: {  	_ =	strace s3  }
0x95: {  	s3 =	sld [smem:$0x3FFD];
	_ =	sdelay $0x3  }
0x96: {  	_ =	strace s3  }
0x97: {  	_ =	strace $0x8FFFFFFF  }
0x98: {  	s19 =	sld [smem:$0x3FDB];
	_ =	sdelay $0x1  }
0x99: {  	s4 =	simm.s32 $_scs_section_size  }
0x9a: {  	s5 =	simm.s32 $_size__tile_overlayer_lowered;
	s6 =	simm.s32 $_tile_overlayer_lowered  }
0x9b: {  	s22 =	simm.s32 $0x1BFF;
	s21 =	sshll.u32 s6, $0x1;
	s3 =	sadd.s32 s4, s19  }
0x9c: {  	s7 =	simm.s32 $0x0;
	s20 =	sshll.u32 s5, $0x1;
	s5 =	sadd.s32 s21, s3  }
0x9d: {  	[timem:s7], [sflag:s22] =	dma.local [hbm:s5], s20  }
0x9e: {  	_ =	swait.ge [sflag:s22], s20  }
0x9f: {  	s4 =	ssub.s32 $0x0, s20;
	[sflag:s22] =	ssyncset.done $0x0  }
0xa0: {  	[sflag:s22] =	ssyncadd.s32 s4;
	_ =	sdelay $0x1  }
0xa1: {  	s23 =	simm.s32 $0x1B8B  }
0xa2: {  	_ =	swait.ge [sflag:s23], $0x1  }
0xa3: {  	[sflag:s23] =	ssyncset.done $0x0  }
0xa4: {  	s25 =	simm.s32 $0x1B8E;
	s24 =	sld [smem:$0x3FFE];
	[sflag:s23] =	ssyncadd.s32 $0xFFFFFFFF  }
0xa5: {  	s26 =	simm.s32 $execute0_lowered;
	[smem:$0x3FD2] =	sst s25  }
0xa6: {  	s5 =	sshll.u32 s26, $0x1;
	_ =	strace $0x8000004F;
	[dreg:$0x1] =	wrdreg $0xFFFFFFFF  }
0xa7: {  	s28 =	simm.s32 $_size_execute0_lowered;
	s3 =	sadd.s32 s3, s5;
	[dreg:$0x0] =	wrdreg $0x0  }
0xa8: {  	s5 =	sshll.u32 s28, $0x1;
	[dreg:$0x2] =	wrdreg s3  }
0xa9: {  	[dreg:$0x3] =	wrdreg s5  }
0xaa: {  	[dreg:$0x4] =	wrdreg $0xC0  }
0xab: {  	_ =	task [dreg:s7], $0x5FFFF  }
0xac: {  	[dreg:$0x1] =	wrdreg $0xFFFFFFFF  }
0xad: {  	[dreg:$0x0] =	wrdreg $0x60  }
0xae: {  	[dreg:$0x2] =	wrdreg s24  }
0xaf: {  	[dreg:$0x3] =	wrdreg s2  }
0xb0: {  	[dreg:$0x4] =	wrdreg $0x9  }
0xb1: {  	_ =	task.clear_ibuf [dreg:s7], $0x5FFFF;
	_ =	strace $0x9000004F  }
0xb2: {  	s29 =	simm.s32 $0x9;
	_ =	strace $0x80000051  }
0xb3: {  	_ =	swait.ge [sflag:s29], $0x1  }
0xb4: {  	[sflag:s29] =	ssyncadd.s32 $0xFFFFFFFF  }
0xb5: {  	_ =	strace $0x90000051  }
0xb6: {  	_ =	sfence  }
0xb7: {  	s30 =	sld [smem:$0x0];
	_ =	sdelay $0x2  }
0xb8: {  	s31 =	sshll.u32 s1, $0xD;
	s1 =	sshrl.u32 s1, $0x2  }
0xb9: {  	s3 =	sand.u32 $0x4000, s31;
	s1 =	sadd.s32 s1, s30  }
0xba: {  	s0 =	sor.u32 s3, s0;
	s1 =	sshll.u32 s1, $0x11  }
0xbb: {  	s0 =	sor.u32 s1, s0  }
0xbc: {  	s0 =	sadd.s32 $0x8F2B, s0  }
0xbd: {  	[sflag:s0] =	ssyncadd.remote.s32 $0x1  }
0xbe: {  	_ =	sfence.sel $0xFFFF  }
0xbf: {  	[dreg:$0x0] =	wrdreg $0xFFFFFFFF;
	(pc) =	sbr.abs _section_cstart, $3  }
0xc0: {  	[dreg:$0x1] =	wrdreg $0xFFFFFFFF  }
0xc1: {  	_ =	task.clear_ibuf [dreg:s7], $0x2FFFF;
	_ =	strace $0x9FFFFFFF  }
0xc2: {  	(tm) =	ssettm $0x7FFFFFFF  }
0xc3: {  	_ =	shalt  }
tec
execute0_lowered:
.L_overlay_start_1:
0x0: {  	(tag) =	ssettag $0x1  }
0x1: {  	s1 =	srdreg.scid;
	s0 =	stileid.u32  }
0x2: {  	s1 =	sand.u32 $0x1, s1;
	s2 =	smul.u32 $0x4F00, s0  }
0x3: {  	s3 =	smul.u32 $0x2780, s1  }
0x4: {  	s4 =	rddreg [dreg:$0x0]  }
0x5: {  	s5 =	rddreg [dreg:$0x1];
	s3 =	sadd.s32 s3, s2;
	s2 =	simm.s32 $0x0  }
0x6: {  	s11 =	simm.s32 $0x8080;
	[smem:$0x7FF] =	sst s2  }
0x7: {  	s12 =	simm.s32 $0x880;
	_ =	strace $0x80000050;
	[dreg:$0x5] =	wrdreg s11  }
0x8: {  	s14 =	simm.s32 $0x1080;
	[dreg:$0x6] =	wrdreg s12  }
0x9: {  	s15 =	simm.s32 $0x1880;
	[dreg:$0x7] =	wrdreg s14  }
0xa: {  	s16 =	simm.s32 $0x2080;
	s18 =	simm.s32 $0x2880;
	[dreg:$0x8] =	wrdreg s15  }
0xb: {  	s19 =	simm.s32 $0x3080;
	s20 =	simm.s32 $0x3880;
	[dreg:$0x9] =	wrdreg s16  }
0xc: {  	s21 =	simm.s32 $0x4080;
	s23 =	simm.s32 $0x4880;
	[dreg:$0xa] =	wrdreg s18  }
0xd: {  	s24 =	simm.s32 $0x5080;
	s25 =	simm.s32 $0x5880;
	[dreg:$0xb] =	wrdreg s19  }
0xe: {  	s26 =	simm.s32 $0x6080;
	s30 =	simm.s32 $0x6880;
	[dreg:$0xc] =	wrdreg s20  }
0xf: {  	s8 =	simm.s32 $0x80;
	s31 =	simm.s32 $0x7080;
	[dreg:$0xd] =	wrdreg s21  }
0x10: {  	s9 =	simm.s32 $0x7880;
	s10 =	simm.s32 $0x8100;
	[dreg:$0xe] =	wrdreg s23  }
0x11: {  	s28 =	simm.s32 $0x2;
	s29 =	simm.s32 $0x0;
	[dreg:$0xf] =	wrdreg s24  }
0x12: {  	s13 =	smul.u32 $0x9E000, s0;
	s17 =	ssub.s32 $0x2, s1;
	[dreg:$0x10] =	wrdreg s25  }
0x13: {  	s1 =	smul.u32 $0x4F000, s1;
	s3 =	sshrl.u32 s3, $0x3;
	[dreg:$0x11] =	wrdreg s26  }
0x14: {  	s7 =	sshrl.u32 s17, $0x1;
	s6 =	sadd.s32 s3, s4;
	[dreg:$0x12] =	wrdreg s30  }
0x15: {  	s3 =	sadd.s32 s3, s5;
	s5 =	sadd.s32 s13, s4;
	[dreg:$0x13] =	wrdreg s31  }
0x16: {  	s11 =	simm.s32 $0x8900;
	s12 =	simm.s32 $0x9100;
	s13 =	simm.s32 $0x9900  }
0x17: {  	s14 =	simm.s32 $0xA100;
	s15 =	simm.s32 $0xA900;
	s16 =	simm.s32 $0xB100  }
0x18: {  	s18 =	simm.s32 $0xC100;
	s19 =	simm.s32 $0xC900;
	s20 =	simm.s32 $0xD100  }
0x19: {  	s21 =	simm.s32 $0xD900;
	s23 =	simm.s32 $0xE900;
	s24 =	simm.s32 $0xF100  }
0x1a: {  	s25 =	simm.s32 $0xF900;
	s26 =	simm.s32 $0x1;
	s6 =	sadd.s32 $0x85C00, s6  }
0x1b: {  	[dreg:$0x4] =	wrdreg s3;
	s3 =	sadd.s32 $0x10800, s4;
	s1 =	sadd.s32 s1, s5  }
0x1c: {  	v2 =	vlaneseq.u32;
	[dreg:$0x3] =	wrdreg s6;
	s6 =	ssub.s32 s17, s7;
	s5 =	sadd.s32 $0x193FA00, s1  }
0x1d: {  	vm0 =	vmmov $0xffff;
	v1 =	vshrl.u32 v2, $0x3;
	s7 =	simm.s32 $0x3;
	s17 =	simm.s32 $0xB900;
	s22 =	smax.u32 s6, $0x1  }
0x1e: {  	v0 =	vand.u32 $0x7, v2;
	v2 =	vor.u32 $0x8, v2;
	v1 =	vmul.u32 $0x8, v1;
	s6 =	sadd.s32 $0x8FA00, s1;
	[dreg:$0x14] =	wrdreg s22;
	s22 =	simm.s32 $0xE100  }
.LBB2_1:
0x1f: {  	s30 =	smov.u32 s6;
	s31 =	smov.u32 s5;
	s1 =	simm.s32 $0x0  }
.LBB2_2:
0x20: {  	s0 =	rddreg [dreg:$0x4]  }
0x21: {  	s0 =	sadd.s32 s1, s0  }
0x22: {  	[tilespmem:s2], [sflag:$0x3] =	stream.linear.gather [hbm4b:s0+s2], $0x80, $0x38;
	[tilespmem:$0x10100] =	vst v63  }
0x23: {  	_ =	swait.ge [sflag:s7], $0x80  }
0x24: {  	s0 =	rddreg [dreg:$0x3];
	[sflag:s7] =	ssyncset.done $0x0  }
0x25: {  	s4 =	rddreg [dreg:$0x5];
	[sflag:s7] =	ssyncadd.s32 $0xFFFFFF80;
	s0 =	sadd.s32 s1, s0  }
0x26: {  	[tilespmem:s4], [sflag:$0x3] =	stream.linear.gather [hbm4b:s0+s2], $0x80, $0x38;
	[tilespmem:$0x10100] =	vst v63  }
0x27: {  	_ =	swait.ge [sflag:s7], $0x80  }
0x28: {  	[sflag:s7] =	ssyncset.done $0x0  }
0x29: {  	[sflag:s7] =	ssyncadd.s32 $0xFFFFFF80  }
0x2a: {  	v3 =	vld [tilespmem:$0x0];
	_ =	sdelay $0x4  }
0x2b: {  	v4 =	vshll.u32 v3, $0x1  }
0x2c: {  	v3 =	vand.u32 $0x7, v3;
	v4 =	vand.u32 $0xFFFFFFF0, v4  }
0x2d: {  	v3 =	vor.u32 v3, v4  }
0x2e: {  	v4 =	vperm.xlane v3, v0;
	_ =	sdelay $0x1  }
0x2f: {  	v3 =	vperm.xlane v3, v2;
	v4 =	vadd.s32 v1, v4;
	_ =	sdelay $0x1  }
0x30: {  	v3 =	vadd.s32 v1, v3;
	_ =	sdelay $0x2  }
0x31: {  	[tilespmem:s8], [sflag:$0x1] =	stream.indirect_vreg.gather [hbm4b:s3+s2], $0x80, v4, vm0, $0xb8;
	[tilespmem:$0x10100] =	vst v63  }
0x32: {  	s4 =	rddreg [dreg:$0x6]  }
0x33: {  	[tilespmem:s4], [sflag:$0x1] =	stream.indirect_vreg.gather [hbm4b:s3+s2], $0x80, v3, vm0, $0xb8;
	[tilespmem:$0x10100] =	vst v63  }
0x34: {  	v3 =	vld [tilespmem:$0x10];
	_ =	sdelay $0x4  }
0x35: {  	v49 =	vshll.u32 v3, $0x1  }
0x36: {  	v3 =	vand.u32 $0x7, v3;
	v4 =	vand.u32 $0xFFFFFFF0, v49  }
0x37: {  	v3 =	vor.u32 v3, v4  }
0x38: {  	v4 =	vperm.xlane v3, v0;
	_ =	sdelay $0x1  }
0x39: {  	v3 =	vperm.xlane v3, v2;
	v4 =	vadd.s32 v1, v4;
	_ =	sdelay $0x1  }
0x3a: {  	v3 =	vadd.s32 v1, v3;
	_ =	sdelay $0x1  }
0x3b: {  	s0 =	rddreg [dreg:$0x7]  }
0x3c: {  	[tilespmem:s0], [sflag:$0x1] =	stream.indirect_vreg.gather [hbm4b:s3+s2], $0x80, v4, vm0, $0xb8;
	[tilespmem:$0x10100] =	vst v63  }
0x3d: {  	s4 =	rddreg [dreg:$0x8]  }
0x3e: {  	[tilespmem:s4], [sflag:$0x1] =	stream.indirect_vreg.gather [hbm4b:s3+s2], $0x80, v3, vm0, $0xb8;
	[tilespmem:$0x10100] =	vst v63  }
0x3f: {  	v3 =	vld [tilespmem:$0x20];
	_ =	sdelay $0x4  }
0x40: {  	v50 =	vshll.u32 v3, $0x1  }
0x41: {  	v3 =	vand.u32 $0x7, v3;
	v4 =	vand.u32 $0xFFFFFFF0, v50  }
0x42: {  	v3 =	vor.u32 v3, v4  }
0x43: {  	v4 =	vperm.xlane v3, v0;
	_ =	sdelay $0x1  }
0x44: {  	v3 =	vperm.xlane v3, v2;
	v4 =	vadd.s32 v1, v4;
	_ =	sdelay $0x1  }
0x45: {  	v3 =	vadd.s32 v1, v3;
	_ =	sdelay $0x1  }
0x46: {  	s0 =	rddreg [dreg:$0x9]  }
0x47: {  	[tilespmem:s0], [sflag:$0x1] =	stream.indirect_vreg.gather [hbm4b:s3+s2], $0x80, v4, vm0, $0xb8;
	[tilespmem:$0x10100] =	vst v63  }
0x48: {  	s4 =	rddreg [dreg:$0xa]  }
0x49: {  	[tilespmem:s4], [sflag:$0x1] =	stream.indirect_vreg.gather [hbm4b:s3+s2], $0x80, v3, vm0, $0xb8;
	[tilespmem:$0x10100] =	vst v63  }
0x4a: {  	v3 =	vld [tilespmem:$0x30];
	_ =	sdelay $0x4  }
0x4b: {  	v51 =	vshll.u32 v3, $0x1  }
0x4c: {  	v3 =	vand.u32 $0x7, v3;
	v4 =	vand.u32 $0xFFFFFFF0, v51  }
0x4d: {  	v3 =	vor.u32 v3, v4  }
0x4e: {  	v4 =	vperm.xlane v3, v0;
	_ =	sdelay $0x1  }
0x4f: {  	v3 =	vperm.xlane v3, v2;
	v4 =	vadd.s32 v1, v4;
	_ =	sdelay $0x1  }
0x50: {  	v3 =	vadd.s32 v1, v3;
	_ =	sdelay $0x1  }
0x51: {  	s0 =	rddreg [dreg:$0xb]  }
0x52: {  	[tilespmem:s0], [sflag:$0x1] =	stream.indirect_vreg.gather [hbm4b:s3+s2], $0x80, v4, vm0, $0xb8;
	[tilespmem:$0x10100] =	vst v63  }
0x53: {  	s4 =	rddreg [dreg:$0xc]  }
0x54: {  	[tilespmem:s4], [sflag:$0x1] =	stream.indirect_vreg.gather [hbm4b:s3+s2], $0x80, v3, vm0, $0xb8;
	[tilespmem:$0x10100] =	vst v63  }
0x55: {  	v3 =	vld [tilespmem:$0x40];
	_ =	sdelay $0x4  }
0x56: {  	v52 =	vshll.u32 v3, $0x1  }
0x57: {  	v3 =	vand.u32 $0x7, v3;
	v4 =	vand.u32 $0xFFFFFFF0, v52  }
0x58: {  	v3 =	vor.u32 v3, v4  }
0x59: {  	v4 =	vperm.xlane v3, v0;
	_ =	sdelay $0x1  }
0x5a: {  	v3 =	vperm.xlane v3, v2;
	v4 =	vadd.s32 v1, v4;
	_ =	sdelay $0x1  }
0x5b: {  	v3 =	vadd.s32 v1, v3;
	_ =	sdelay $0x1  }
0x5c: {  	s0 =	rddreg [dreg:$0xd]  }
0x5d: {  	[tilespmem:s0], [sflag:$0x1] =	stream.indirect_vreg.gather [hbm4b:s3+s2], $0x80, v4, vm0, $0xb8;
	[tilespmem:$0x10100] =	vst v63  }
0x5e: {  	s4 =	rddreg [dreg:$0xe]  }
0x5f: {  	[tilespmem:s4], [sflag:$0x1] =	stream.indirect_vreg.gather [hbm4b:s3+s2], $0x80, v3, vm0, $0xb8;
	[tilespmem:$0x10100] =	vst v63  }
0x60: {  	v3 =	vld [tilespmem:$0x50];
	_ =	sdelay $0x4  }
0x61: {  	v53 =	vshll.u32 v3, $0x1  }
0x62: {  	v3 =	vand.u32 $0x7, v3;
	v4 =	vand.u32 $0xFFFFFFF0, v53  }
0x63: {  	v3 =	vor.u32 v3, v4  }
0x64: {  	v4 =	vperm.xlane v3, v0;
	_ =	sdelay $0x1  }
0x65: {  	v3 =	vperm.xlane v3, v2;
	v4 =	vadd.s32 v1, v4;
	_ =	sdelay $0x1  }
0x66: {  	v3 =	vadd.s32 v1, v3;
	_ =	sdelay $0x1  }
0x67: {  	s0 =	rddreg [dreg:$0xf]  }
0x68: {  	[tilespmem:s0], [sflag:$0x1] =	stream.indirect_vreg.gather [hbm4b:s3+s2], $0x80, v4, vm0, $0xb8;
	[tilespmem:$0x10100] =	vst v63  }
0x69: {  	s4 =	rddreg [dreg:$0x10]  }
0x6a: {  	[tilespmem:s4], [sflag:$0x1] =	stream.indirect_vreg.gather [hbm4b:s3+s2], $0x80, v3, vm0, $0xb8;
	[tilespmem:$0x10100] =	vst v63  }
0x6b: {  	v3 =	vld [tilespmem:$0x60];
	_ =	sdelay $0x4  }
0x6c: {  	v54 =	vshll.u32 v3, $0x1  }
0x6d: {  	v3 =	vand.u32 $0x7, v3;
	v4 =	vand.u32 $0xFFFFFFF0, v54  }
0x6e: {  	v3 =	vor.u32 v3, v4  }
0x6f: {  	v4 =	vperm.xlane v3, v0;
	_ =	sdelay $0x1  }
0x70: {  	v3 =	vperm.xlane v3, v2;
	v4 =	vadd.s32 v1, v4;
	_ =	sdelay $0x1  }
0x71: {  	v3 =	vadd.s32 v1, v3;
	_ =	sdelay $0x1  }
0x72: {  	s0 =	rddreg [dreg:$0x11]  }
0x73: {  	[tilespmem:s0], [sflag:$0x1] =	stream.indirect_vreg.gather [hbm4b:s3+s2], $0x80, v4, vm0, $0xb8;
	[tilespmem:$0x10100] =	vst v63  }
0x74: {  	s4 =	rddreg [dreg:$0x12]  }
0x75: {  	[tilespmem:s4], [sflag:$0x1] =	stream.indirect_vreg.gather [hbm4b:s3+s2], $0x80, v3, vm0, $0xb8;
	[tilespmem:$0x10100] =	vst v63  }
0x76: {  	v3 =	vld [tilespmem:$0x70];
	_ =	sdelay $0x4  }
0x77: {  	v55 =	vshll.u32 v3, $0x1  }
0x78: {  	v3 =	vand.u32 $0x7, v3;
	v4 =	vand.u32 $0xFFFFFFF0, v55  }
0x79: {  	v3 =	vor.u32 v3, v4  }
0x7a: {  	v4 =	vperm.xlane v3, v0;
	_ =	sdelay $0x1  }
0x7b: {  	v3 =	vperm.xlane v3, v2;
	v4 =	vadd.s32 v1, v4;
	_ =	sdelay $0x1  }
0x7c: {  	v3 =	vadd.s32 v1, v3;
	_ =	sdelay $0x1  }
0x7d: {  	s4 =	rddreg [dreg:$0x13]  }
0x7e: {  	[tilespmem:s4], [sflag:$0x1] =	stream.indirect_vreg.gather [hbm4b:s3+s2], $0x80, v4, vm0, $0xb8;
	[tilespmem:$0x10100] =	vst v63  }
0x7f: {  	_ = 	snop  }
0x80: {  	[tilespmem:s9], [sflag:$0x1] =	stream.indirect_vreg.gather [hbm4b:s3+s2], $0x80, v3, vm0, $0xb8;
	[tilespmem:$0x10100] =	vst v63  }
0x81: {  	v3 =	vld [tilespmem:$0x8080];
	_ =	sdelay $0x4  }
0x82: {  	v56 =	vshll.u32 v3, $0x1  }
0x83: {  	v3 =	vand.u32 $0x7, v3;
	v4 =	vand.u32 $0xFFFFFFF0, v56  }
0x84: {  	v3 =	vor.u32 v3, v4  }
0x85: {  	v4 =	vperm.xlane v3, v0;
	_ =	sdelay $0x1  }
0x86: {  	v3 =	vperm.xlane v3, v2;
	v4 =	vadd.s32 v1, v4;
	_ =	sdelay $0x1  }
0x87: {  	v3 =	vadd.s32 v1, v3;
	_ =	sdelay $0x2  }
0x88: {  	[tilespmem:s10], [sflag:$0x2] =	stream.indirect_vreg.gather [hbm4b:s3+s2], $0x80, v4, vm0, $0xb8;
	[tilespmem:$0x10100] =	vst v63  }
0x89: {  	_ = 	snop  }
0x8a: {  	[tilespmem:s11], [sflag:$0x2] =	stream.indirect_vreg.gather [hbm4b:s3+s2], $0x80, v3, vm0, $0xb8;
	[tilespmem:$0x10100] =	vst v63  }
0x8b: {  	v3 =	vld [tilespmem:$0x8090];
	_ =	sdelay $0x4  }
0x8c: {  	v57 =	vshll.u32 v3, $0x1  }
0x8d: {  	v3 =	vand.u32 $0x7, v3;
	v4 =	vand.u32 $0xFFFFFFF0, v57  }
0x8e: {  	v3 =	vor.u32 v3, v4  }
0x8f: {  	v4 =	vperm.xlane v3, v0;
	_ =	sdelay $0x1  }
0x90: {  	v3 =	vperm.xlane v3, v2;
	v4 =	vadd.s32 v1, v4;
	_ =	sdelay $0x1  }
0x91: {  	v3 =	vadd.s32 v1, v3;
	_ =	sdelay $0x2  }
0x92: {  	[tilespmem:s12], [sflag:$0x2] =	stream.indirect_vreg.gather [hbm4b:s3+s2], $0x80, v4, vm0, $0xb8;
	[tilespmem:$0x10100] =	vst v63  }
0x93: {  	_ = 	snop  }
0x94: {  	[tilespmem:s13], [sflag:$0x2] =	stream.indirect_vreg.gather [hbm4b:s3+s2], $0x80, v3, vm0, $0xb8;
	[tilespmem:$0x10100] =	vst v63  }
0x95: {  	v3 =	vld [tilespmem:$0x80A0];
	_ =	sdelay $0x4  }
0x96: {  	v58 =	vshll.u32 v3, $0x1  }
0x97: {  	v3 =	vand.u32 $0x7, v3;
	v4 =	vand.u32 $0xFFFFFFF0, v58  }
0x98: {  	v3 =	vor.u32 v3, v4  }
0x99: {  	v4 =	vperm.xlane v3, v0;
	_ =	sdelay $0x1  }
0x9a: {  	v3 =	vperm.xlane v3, v2;
	v4 =	vadd.s32 v1, v4;
	_ =	sdelay $0x1  }
0x9b: {  	v3 =	vadd.s32 v1, v3;
	_ =	sdelay $0x2  }
0x9c: {  	[tilespmem:s14], [sflag:$0x2] =	stream.indirect_vreg.gather [hbm4b:s3+s2], $0x80, v4, vm0, $0xb8;
	[tilespmem:$0x10100] =	vst v63  }
0x9d: {  	_ = 	snop  }
0x9e: {  	[tilespmem:s15], [sflag:$0x2] =	stream.indirect_vreg.gather [hbm4b:s3+s2], $0x80, v3, vm0, $0xb8;
	[tilespmem:$0x10100] =	vst v63  }
0x9f: {  	v3 =	vld [tilespmem:$0x80B0];
	_ =	sdelay $0x4  }
0xa0: {  	v59 =	vshll.u32 v3, $0x1  }
0xa1: {  	v3 =	vand.u32 $0x7, v3;
	v4 =	vand.u32 $0xFFFFFFF0, v59  }
0xa2: {  	v3 =	vor.u32 v3, v4  }
0xa3: {  	v4 =	vperm.xlane v3, v0;
	_ =	sdelay $0x1  }
0xa4: {  	v3 =	vperm.xlane v3, v2;
	v4 =	vadd.s32 v1, v4;
	_ =	sdelay $0x1  }
0xa5: {  	v3 =	vadd.s32 v1, v3;
	_ =	sdelay $0x2  }
0xa6: {  	[tilespmem:s16], [sflag:$0x2] =	stream.indirect_vreg.gather [hbm4b:s3+s2], $0x80, v4, vm0, $0xb8;
	[tilespmem:$0x10100] =	vst v63  }
0xa7: {  	_ = 	snop  }
0xa8: {  	[tilespmem:s17], [sflag:$0x2] =	stream.indirect_vreg.gather [hbm4b:s3+s2], $0x80, v3, vm0, $0xb8;
	[tilespmem:$0x10100] =	vst v63  }
0xa9: {  	v3 =	vld [tilespmem:$0x80C0];
	_ =	sdelay $0x4  }
0xaa: {  	v60 =	vshll.u32 v3, $0x1  }
0xab: {  	v3 =	vand.u32 $0x7, v3;
	v4 =	vand.u32 $0xFFFFFFF0, v60  }
0xac: {  	v3 =	vor.u32 v3, v4  }
0xad: {  	v4 =	vperm.xlane v3, v0;
	_ =	sdelay $0x1  }
0xae: {  	v3 =	vperm.xlane v3, v2;
	v4 =	vadd.s32 v1, v4;
	_ =	sdelay $0x1  }
0xaf: {  	v3 =	vadd.s32 v1, v3;
	_ =	sdelay $0x2  }
0xb0: {  	[tilespmem:s18], [sflag:$0x2] =	stream.indirect_vreg.gather [hbm4b:s3+s2], $0x80, v4, vm0, $0xb8;
	[tilespmem:$0x10100] =	vst v63  }
0xb1: {  	_ = 	snop  }
0xb2: {  	[tilespmem:s19], [sflag:$0x2] =	stream.indirect_vreg.gather [hbm4b:s3+s2], $0x80, v3, vm0, $0xb8;
	[tilespmem:$0x10100] =	vst v63  }
0xb3: {  	v3 =	vld [tilespmem:$0x80D0];
	_ =	sdelay $0x4  }
0xb4: {  	v61 =	vshll.u32 v3, $0x1  }
0xb5: {  	v3 =	vand.u32 $0x7, v3;
	v4 =	vand.u32 $0xFFFFFFF0, v61  }
0xb6: {  	v3 =	vor.u32 v3, v4  }
0xb7: {  	v4 =	vperm.xlane v3, v0;
	_ =	sdelay $0x1  }
0xb8: {  	v3 =	vperm.xlane v3, v2;
	v4 =	vadd.s32 v1, v4;
	_ =	sdelay $0x1  }
0xb9: {  	v3 =	vadd.s32 v1, v3;
	_ =	sdelay $0x2  }
0xba: {  	[tilespmem:s20], [sflag:$0x2] =	stream.indirect_vreg.gather [hbm4b:s3+s2], $0x80, v4, vm0, $0xb8;
	[tilespmem:$0x10100] =	vst v63  }
0xbb: {  	_ = 	snop  }
0xbc: {  	[tilespmem:s21], [sflag:$0x2] =	stream.indirect_vreg.gather [hbm4b:s3+s2], $0x80, v3, vm0, $0xb8;
	[tilespmem:$0x10100] =	vst v63  }
0xbd: {  	v3 =	vld [tilespmem:$0x80E0];
	_ =	sdelay $0x4  }
0xbe: {  	v62 =	vshll.u32 v3, $0x1  }
0xbf: {  	v3 =	vand.u32 $0x7, v3;
	v4 =	vand.u32 $0xFFFFFFF0, v62  }
0xc0: {  	v3 =	vor.u32 v3, v4  }
0xc1: {  	v4 =	vperm.xlane v3, v0;
	_ =	sdelay $0x1  }
0xc2: {  	v3 =	vperm.xlane v3, v2;
	v4 =	vadd.s32 v1, v4;
	_ =	sdelay $0x1  }
0xc3: {  	v3 =	vadd.s32 v1, v3;
	_ =	sdelay $0x2  }
0xc4: {  	[tilespmem:s22], [sflag:$0x2] =	stream.indirect_vreg.gather [hbm4b:s3+s2], $0x80, v4, vm0, $0xb8;
	[tilespmem:$0x10100] =	vst v63  }
0xc5: {  	_ = 	snop  }
0xc6: {  	[tilespmem:s23], [sflag:$0x2] =	stream.indirect_vreg.gather [hbm4b:s3+s2], $0x80, v3, vm0, $0xb8;
	[tilespmem:$0x10100] =	vst v63  }
0xc7: {  	v3 =	vld [tilespmem:$0x80F0];
	_ =	sdelay $0x4  }
0xc8: {  	v63 =	vshll.u32 v3, $0x1  }
0xc9: {  	v3 =	vand.u32 $0x7, v3;
	v4 =	vand.u32 $0xFFFFFFF0, v63  }
0xca: {  	v3 =	vor.u32 v3, v4  }
0xcb: {  	v4 =	vperm.xlane v3, v0;
	_ =	sdelay $0x1  }
0xcc: {  	v3 =	vperm.xlane v3, v2;
	v4 =	vadd.s32 v1, v4;
	_ =	sdelay $0x1  }
0xcd: {  	v3 =	vadd.s32 v1, v3;
	_ =	sdelay $0x2  }
0xce: {  	[tilespmem:s24], [sflag:$0x2] =	stream.indirect_vreg.gather [hbm4b:s3+s2], $0x80, v4, vm0, $0xb8;
	[tilespmem:$0x10100] =	vst v63  }
0xcf: {  	_ = 	snop  }
0xd0: {  	[tilespmem:s25], [sflag:$0x2] =	stream.indirect_vreg.gather [hbm4b:s3+s2], $0x80, v3, vm0, $0xb8;
	[tilespmem:$0x10100] =	vst v63  }
0xd1: {  	_ =	swait.ge [sflag:s26], $0x8000  }
0xd2: {  	[sflag:s26] =	ssyncset.done $0x0  }
0xd3: {  	[sflag:s26] =	ssyncadd.s32 $0xFFFF8000  }
0xd4: {  	[hbm4b:s31+s2] =	stream.linear.scatter [tilespmem:s8], [sflag:$0x3], $0x8000, $0x38;
	[tilespmem:$0x10100] =	vst v63  }
0xd5: {  	_ =	swait.ge [sflag:s7], $0x8000  }
0xd6: {  	[sflag:s7] =	ssyncset.done $0x0  }
0xd7: {  	[sflag:s7] =	ssyncadd.s32 $0xFFFF8000  }
0xd8: {  	_ =	swait.ge [sflag:s28], $0x8000  }
0xd9: {  	p0 =	sne.s32 s1, $0x4E0;
	[sflag:s28] =	ssyncset.done $0x0  }
.Ltmp0:
0xda: {  	[sflag:s28] =	ssyncadd.s32 $0xFFFF8000;
	(pc) =	sbr.rel @p0 .LBB2_2-.Ltmp0, $4  }
0xdb: {  	[hbm4b:s30+s2] =	stream.linear.scatter [tilespmem:s10], [sflag:$0x3], $0x8000, $0x38;
	[tilespmem:$0x10100] =	vst v63  }
0xdc: {  	_ =	swait.ge [sflag:s7], $0x8000  }
0xdd: {  	s1 =	sadd.s32 $0x10, s1;
	[sflag:s7] =	ssyncset.done $0x0  }
0xde: {  	s31 =	sadd.s32 $0x1000, s31;
	s30 =	sadd.s32 $0x1000, s30;
	[sflag:s7] =	ssyncadd.s32 $0xFFFF8000  }
0xdf: {  	s29 =	sadd.s32 $0x1, s29;
	s0 =	rddreg [dreg:$0x14]  }
0xe0: {  	p0 =	sne.s32 s29, s0  }
.Ltmp1:
0xe1: {  	_ = 	snop;
	(pc) =	sbr.rel @p0 .LBB2_1-.Ltmp1, $1  }
0xe2: {  	_ =	sdelay $0x3  }
0xe3: {  	_ =	sfence.sel $0x180000  }
0xe4: {  	[bflag:$0x0] =	sbarrier.arrive $0xFFFF  }
0xe5: {  	_ =	strace $0x90000050  }
0xe6: {  	s0 =	stileid.u32;
	[bflag:$0x2] =	sbarrier.arrive $0xFFFF  }
0xe7: {  	p0 =	sne.s32 s0, $0x0;
	s0 =	rddreg [dreg:$0x2]  }
0xe8: {  	s0 =	sadd.s32 @!p0 $0x100000, s0  }
0xe9: {  	[sflag:s0] =	ssyncadd.tile.s32 @!p0 $0x1;
	_ =	shalt  }
.Lfunc_end2:
_tile_overlayer_lowered:
.L_overlay_start_2:
0xea: {  	(tag) =	ssettag $0x2  }
0xeb: {  	s0 =	rddreg [dreg:$0x0];
	s2 =	stileid.u32  }
0xec: {  	s1 =	rddreg [dreg:$0x1];
	p0 =	sne.s32 s2, $0x0  }
0xed: {  	s3 =	rddreg [dreg:$0x2];
	[bflag:$0x3] =	sbarrier.arrive $0xFFFF;
	s2 =	simm.s32 @!p0 $0x1C03  }
0xee: {  	[timem:s3], [sflag:s2] =	dma.local @!p0 [hbm:s0], s1  }
0xef: {  	s0 =	simm.s32 @!p0 $0x3  }
0xf0: {  	_ =	swait.ge @!p0 [sflag:s0], s1  }
0xf1: {  	s1 =	ssub.s32 @!p0 $0x0, s1;
	[sflag:s0] =	ssyncset.done @!p0 $0x0  }
0xf2: {  	[sflag:s0] =	ssyncadd.s32 @!p0 s1  }
0xf3: {  	[bflag:$0x3] =	sbarrier.arrive $0xFFFF  }
0xf4: {  	_ =	shalt  }

// kernel: kernel.32.cloned.1.call-start
scs
__scs_entry_jumppad:
0x0: {  	(pc) =	sbr.rel $0x88, $3  }
0x1: {  	(tag) =	ssettag $0x0;
	lr =	simm.s32 $0x1  }
0x2: {  	[smem:$0x3F41] =	sst lr;
	_ =	strace $0xD0000000  }
0x3: {  	_ = 	snop  }
0x4: {  	_ = 	snop  }
0x5: {  	_ = 	snop  }
0x6: {  	_ = 	snop  }
0x7: {  	_ = 	snop  }
__scs_overlays_trampoline_lowered:
0x8: {  	[smem:$0x3F50] =	sst s0  }
0x9: {  	[smem:$0x3F51] =	sst s1  }
0xa: {  	[smem:$0x3F52] =	sst s2  }
0xb: {  	[smem:$0x3F53] =	sst s3  }
0xc: {  	[smem:$0x3F54] =	sst s4  }
0xd: {  	[smem:$0x3F55] =	sst s5  }
0xe: {  	[smem:$0x3F56] =	sst s6  }
0xf: {  	[smem:$0x3F57] =	sst s7  }
0x10: {  	[smem:$0x3F58] =	sst s8  }
0x11: {  	[smem:$0x3F59] =	sst s9;
	s0 =	simm.s32 @!p0 $0x0  }
0x12: {  	s1 =	sld [smem:$0x3F3F];
	s0 =	simm.s32 @p0 $0x1  }
0x13: {  	[smem:$0x3F5A] =	sst s0;
	s0 =	simm.s32 @!p1 $0x0  }
0x14: {  	s2 =	sld [smem:$0x3F3E];
	s0 =	simm.s32 @p1 $0x1  }
0x15: {  	[smem:$0x3F5B] =	sst s0;
	s0 =	simm.s32 @!p2 $0x0  }
0x16: {  	s3 =	sld [smem:$0x3FDB];
	s0 =	simm.s32 @p2 $0x1  }
0x17: {  	s4 =	simm.s32 $0x1BF5;
	[smem:$0x3F5D] =	sst s0  }
0x18: {  	s0 =	sld [smem:$0x3F40];
	_ =	swait.ge [sflag:s4], $0x0  }
0x19: {  	s7 =	sld [smem:$0x3F41]  }
0x1a: {  	s8 =	sadd.s32 $0xFFFFE003, lr  }
0x1b: {  	s9 =	sadd.s32 $0xFFFFFEF7, lr;
	s5 =	simm.s32 $0xFFFFFFFF;
	p2 =	slt.u32 s8, $0xFFFFF086  }
0x1c: {  	p1 =	slt.u32 s9, $0xF7A;
	s5 =	simm.s32 @!p2 $0x0  }
0x1d: {  	s5 =	simm.s32 @p1 $0x1;
	p0 =	seq.s32 s7, s2  }
0x1e: {  	s7 =	smul.u32 @!p0 $0xF7A, s2;
	p2 =	seq.s32 @!p0 s5, $0x0  }
0x1f: {  	s9 =	smul.u32 $0xF7A, s1;
	s8 =	simm.s32 @!p0 $0x1BF5;
	p2 =	por !p2, p0  }
0x20: {  	[sflag:s8] =	ssyncset.s32 @!p0 $0xFFFFF086;
	s6 =	sadd.s32 @!p0 s3, s7;
	s7 =	simm.s32 @!p0 $0x108  }
0x21: {  	s3 =	sadd.s32 s3, s9;
	s6 =	sadd.s32 @!p0 $0x88, s6;
	s7 =	simm.s32 @p2 $0x1082  }
0x22: {  	[simem:s7], [sflag:s8] =	dma.local @!p0 [hbm:s6], $0xF7A  }
0x23: {  	s9 =	sor.u32 $0xD0000000, s2;
	s6 =	simm.s32 $0x108;
	_ =	swait.ge @!p0 [sflag:s8], $0x0  }
0x24: {  	s3 =	sadd.s32 $0x88, s3;
	s6 =	simm.s32 @!p1 $0x1082;
	[sflag:s4] =	ssyncset.s32 $0xFFFFF086  }
0x25: {  	[simem:s6], [sflag:s4] =	dma.local [hbm:s3], $0xF7A  }
0x26: {  	[smem:$0x3F41] =	sst s1;
	(tag) =	ssettag s2;
	_ =	strace s9  }
0x27: {  	s1 =	sld [smem:$0x3F51]  }
0x28: {  	s2 =	sld [smem:$0x3F52]  }
0x29: {  	s4 =	sld [smem:$0x3F54]  }
0x2a: {  	p0 =	seq.s32 s5, $0x0;
	s5 =	sld [smem:$0x3F55]  }
0x2b: {  	s6 =	sld [smem:$0x3F56]  }
0x2c: {  	s7 =	sld [smem:$0x3F57]  }
0x2d: {  	s3 =	simm.s32 $0x108;
	s8 =	sld [smem:$0x3F58]  }
0x2e: {  	s3 =	simm.s32 @!p0 $0x1082;
	s9 =	sld [smem:$0x3F59]  }
0x2f: {  	lr =	sadd.s32 s0, s3;
	s0 =	sld [smem:$0x3F50]  }
0x30: {  	s3 =	sld [smem:$0x3F53]  }
0x31: {  	[smem:$0x3F5C] =	sst s10  }
0x32: {  	s10 =	sld [smem:$0x3F5A];
	_ =	sdelay $0x3  }
0x33: {  	p0 =	seq.s32 s10, $0x1;
	s10 =	sld [smem:$0x3F5C];
	_ =	sdelay $0x3  }
0x34: {  	[smem:$0x3F5C] =	sst s10  }
0x35: {  	s10 =	sld [smem:$0x3F5B];
	_ =	sdelay $0x3  }
0x36: {  	p1 =	seq.s32 s10, $0x1;
	s10 =	sld [smem:$0x3F5C];
	_ =	sdelay $0x3  }
0x37: {  	[smem:$0x3F5C] =	sst s10  }
0x38: {  	s10 =	sld [smem:$0x3F5D]  }
0x39: {  	_ = 	snop;
	(pc) =	sbr.ind lr, $3  }
0x3a: {  	_ = 	snop  }
0x3b: {  	_ = 	snop  }
0x3c: {  	p2 =	seq.s32 s10, $0x1;
	s10 =	sld [smem:$0x3F5C]  }
0x3d: {  	_ =	shalt  }
0x3e: {  	_ =	shalt  }
0x3f: {  	_ =	shalt  }
0x40: {  	_ =	shalt  }
0x41: {  	_ =	shalt  }
0x42: {  	_ =	shalt  }
0x43: {  	_ =	shalt  }
0x44: {  	_ =	shalt  }
0x45: {  	_ =	shalt  }
0x46: {  	_ =	shalt  }
0x47: {  	_ =	shalt  }
0x48: {  	_ =	shalt  }
0x49: {  	_ =	shalt  }
0x4a: {  	_ =	shalt  }
0x4b: {  	_ =	shalt  }
0x4c: {  	_ =	shalt  }
0x4d: {  	_ =	shalt  }
0x4e: {  	_ =	shalt  }
0x4f: {  	_ =	shalt  }
0x50: {  	_ =	shalt  }
0x51: {  	_ =	shalt  }
0x52: {  	_ =	shalt  }
0x53: {  	_ =	shalt  }
0x54: {  	_ =	shalt  }
0x55: {  	_ =	shalt  }
0x56: {  	_ =	shalt  }
0x57: {  	_ =	shalt  }
0x58: {  	_ =	shalt  }
0x59: {  	_ =	shalt  }
0x5a: {  	_ =	shalt  }
0x5b: {  	_ =	shalt  }
0x5c: {  	_ =	shalt  }
0x5d: {  	_ =	shalt  }
0x5e: {  	_ =	shalt  }
0x5f: {  	_ =	shalt  }
0x60: {  	_ =	shalt  }
0x61: {  	_ =	shalt  }
0x62: {  	_ =	shalt  }
0x63: {  	_ =	shalt  }
0x64: {  	_ =	shalt  }
0x65: {  	_ =	shalt  }
0x66: {  	_ =	shalt  }
0x67: {  	_ =	shalt  }
0x68: {  	_ =	shalt  }
0x69: {  	_ =	shalt  }
0x6a: {  	_ =	shalt  }
0x6b: {  	_ =	shalt  }
0x6c: {  	_ =	shalt  }
0x6d: {  	_ =	shalt  }
0x6e: {  	_ =	shalt  }
0x6f: {  	_ =	shalt  }
0x70: {  	_ =	shalt  }
0x71: {  	_ =	shalt  }
0x72: {  	_ =	shalt  }
0x73: {  	_ =	shalt  }
0x74: {  	_ =	shalt  }
0x75: {  	_ =	shalt  }
0x76: {  	_ =	shalt  }
0x77: {  	_ =	shalt  }
0x78: {  	_ =	shalt  }
0x79: {  	_ =	shalt  }
0x7a: {  	_ =	shalt  }
0x7b: {  	_ =	shalt  }
0x7c: {  	_ =	shalt  }
0x7d: {  	_ =	shalt  }
0x7e: {  	_ =	shalt  }
0x7f: {  	_ =	shalt  }
0x80: {  	_ =	shalt  }
0x81: {  	_ =	shalt  }
0x82: {  	_ =	shalt  }
0x83: {  	_ =	shalt  }
0x84: {  	_ =	shalt  }
0x85: {  	_ =	shalt  }
0x86: {  	_ =	shalt  }
0x87: {  	_ =	shalt  }
.Lfunc_end0:
.L_simem_size_0:
called_computation.4_lowered:
.L_overlay_start_0:
0x88: {  	s2 =	sld [smem:$0x3FD9]  }
0x89: {  	s3 =	sld [smem:$0x3FFE];
	_ =	sdelay $0x1  }
0x8a: {  	s1 =	srdreg.scid  }
0x8b: {  	s0 =	sand.u32 $0x1, s1  }
0x8c: {  	s17 =	sshll.u32 s0, $0xA;
	s2 =	sadd.s32 s3, s2  }
0x8d: {  	s2 =	sadd.s32 s2, s17  }
0x8e: {  	[smem:$0x3F68] =	sst s2  }
0x8f: {  	_ = 	snop  }
0x90: {  	(tm) =	ssettm $0x1  }
0x91: {  	s18 =	sld [smem:$0x3FFB];
	_ =	sdelay $0x3  }
0x92: {  	_ =	strace s18  }
0x93: {  	s2 =	sld [smem:$0x3FFC];
	_ =	sdelay $0x3  }
0x94: {  	_ =	strace s2  }
0x95: {  	s2 =	sld [smem:$0x3FFD];
	_ =	sdelay $0x3  }
0x96: {  	_ =	strace s2  }
0x97: {  	_ =	strace $0x8FFFFFFF  }
0x98: {  	s19 =	sld [smem:$0x3FDB];
	_ =	sdelay $0x1  }
0x99: {  	s20 =	simm.s32 $_scs_section_size  }
0x9a: {  	s4 =	simm.s32 $_size__tile_overlayer_lowered;
	s5 =	simm.s32 $_tile_overlayer_lowered  }
0x9b: {  	s6 =	simm.s32 $0x1BFF;
	s21 =	sshll.u32 s5, $0x1;
	s3 =	sadd.s32 s20, s19  }
0x9c: {  	s22 =	simm.s32 $0x0;
	s4 =	sshll.u32 s4, $0x1;
	s5 =	sadd.s32 s21, s3  }
0x9d: {  	[timem:s22], [sflag:s6] =	dma.local [hbm:s5], s4  }
0x9e: {  	_ =	swait.ge [sflag:s6], s4  }
0x9f: {  	s4 =	ssub.s32 $0x0, s4;
	[sflag:s6] =	ssyncset.done $0x0  }
0xa0: {  	[sflag:s6] =	ssyncadd.s32 s4;
	_ =	sdelay $0x1  }
0xa1: {  	s23 =	simm.s32 $0x1B8B  }
0xa2: {  	_ =	swait.ge [sflag:s23], $0x1  }
0xa3: {  	[sflag:s23] =	ssyncset.done $0x0  }
0xa4: {  	[sflag:s23] =	ssyncadd.s32 $0xFFFFFFFF  }
0xa5: {  	s4 =	sld [smem:$0x0]  }
0xa6: {  	s5 =	sand.u32 $0xFFFFFFFE, s1  }
0xa7: {  	p0 =	sne.s32 s1, s5  }
0xa8: {  	s5 =	sshll.u32 @p0 s5, $0xE  }
0xa9: {  	s5 =	sadd.s32 @p0 $0x11B8D, s5;
	s6 =	sshll.u32 @p0 s4, $0x11  }
0xaa: {  	s5 =	sor.u32 @p0 s6, s5  }
0xab: {  	[sflag:s5] =	ssyncadd.remote.s32 @p0 $0x1;
	_ =	sdelay $0x1  }
0xac: {  	s5 =	simm.s32 @p0 $0x1B8D  }
0xad: {  	_ =	swait.eq @p0 [sflag:s5], $0x1  }
0xae: {  	[sflag:s5] =	ssyncadd.s32 @p0 $0xFFFFFFFF  }
0xaf: {  	s6 =	sshll.u32 @!p0 s1, $0xE  }
0xb0: {  	s6 =	sor.u32 @!p0 $0x4000, s6;
	s5 =	simm.s32 @!p0 $0x1B8D  }
0xb1: {  	s4 =	sshll.u32 @!p0 s4, $0x11;
	s6 =	sadd.s32 @!p0 $0x11B8D, s6;
	_ =	swait.eq @!p0 [sflag:s5], $0x1  }
0xb2: {  	s4 =	sor.u32 @!p0 s4, s6;
	[sflag:s5] =	ssyncadd.s32 @!p0 $0xFFFFFFFF  }
0xb3: {  	s25 =	simm.s32 $0x1B8E;
	s24 =	sld [smem:$0x3FFE];
	[sflag:s4] =	ssyncadd.remote.s32 @!p0 $0x1  }
0xb4: {  	s26 =	simm.s32 $execute0_lowered;
	[smem:$0x3FD2] =	sst s25  }
0xb5: {  	s5 =	sshll.u32 s26, $0x1;
	_ =	strace $0x80000055;
	[dreg:$0x1] =	wrdreg $0xFFFFFFFF  }
0xb6: {  	s28 =	simm.s32 $_size_execute0_lowered;
	s3 =	sadd.s32 s3, s5;
	[dreg:$0x0] =	wrdreg $0x0  }
0xb7: {  	s5 =	sshll.u32 s28, $0x1;
	[dreg:$0x2] =	wrdreg s3  }
0xb8: {  	[dreg:$0x3] =	wrdreg s5  }
0xb9: {  	[dreg:$0x4] =	wrdreg $0xC0  }
0xba: {  	_ =	task [dreg:s22], $0x5FFFF  }
0xbb: {  	[dreg:$0x1] =	wrdreg $0xFFFFFFFF  }
0xbc: {  	[dreg:$0x0] =	wrdreg $0x60  }
0xbd: {  	[dreg:$0x2] =	wrdreg s24  }
0xbe: {  	[dreg:$0x3] =	wrdreg $0x40800  }
0xbf: {  	[dreg:$0x4] =	wrdreg $0x9  }
0xc0: {  	_ =	task.clear_ibuf [dreg:s22], $0x5FFFF;
	_ =	strace $0x90000055  }
0xc1: {  	s29 =	simm.s32 $0x9;
	_ =	strace $0x80000057  }
0xc2: {  	_ =	swait.ge [sflag:s29], $0x1  }
0xc3: {  	[sflag:s29] =	ssyncadd.s32 $0xFFFFFFFF  }
0xc4: {  	_ =	strace $0x90000057  }
0xc5: {  	_ =	sfence  }
0xc6: {  	s30 =	sld [smem:$0x0];
	_ =	sdelay $0x2  }
0xc7: {  	s31 =	sshll.u32 s1, $0xD;
	s1 =	sshrl.u32 s1, $0x2  }
0xc8: {  	s4 =	sand.u32 $0x4000, s31;
	s1 =	sadd.s32 s1, s30  }
0xc9: {  	s0 =	sor.u32 s4, s0;
	s1 =	sshll.u32 s1, $0x11  }
0xca: {  	s0 =	sor.u32 s1, s0  }
0xcb: {  	s0 =	sadd.s32 $0x8F2B, s0  }
0xcc: {  	[sflag:s0] =	ssyncadd.remote.s32 $0x1  }
0xcd: {  	_ =	sfence.sel $0xFFFF  }
0xce: {  	[dreg:$0x0] =	wrdreg $0xFFFFFFFF;
	(pc) =	sbr.abs _section_cstart, $3  }
0xcf: {  	[dreg:$0x1] =	wrdreg $0xFFFFFFFF  }
0xd0: {  	_ =	task.clear_ibuf [dreg:s22], $0x2FFFF;
	_ =	strace $0x9FFFFFFF  }
0xd1: {  	(tm) =	ssettm $0x7FFFFFFF  }
tec
execute0_lowered:
.L_overlay_start_1:
0x0: {  	(tag) =	ssettag $0x1  }
0x1: {  	s11 =	stileid.u32  }
0x2: {  	s0 =	srdreg.scid;
	s5 =	rddreg [dreg:$0x0]  }
0x3: {  	s1 =	rddreg [dreg:$0x1];
	s2 =	simm.s32 $0x0;
	s3 =	smul.u32 $0x4F00, s11  }
0x4: {  	s4 =	sand.u32 $0x1, s0;
	s0 =	rddreg [dreg:$0x2];
	s8 =	smul.u32 $0x13C00, s11  }
0x5: {  	[smem:$0x7FF] =	sst s2;
	s9 =	smul.u32 $0x4F000, s11  }
0x6: {  	p0 =	sne.s32 s11, $0x0;
	s11 =	sshll.u32 s11, $0x6;
	s6 =	smul.u32 $0x2780, s4  }
0x7: {  	s7 =	smul.u32 $0x13C000, s4;
	_ =	strace $0x80000056;
	s30 =	ssub.s32 $0x2, s4  }
0x8: {  	s12 =	smul.u32 $0x27800, s4;
	s11 =	sor.u32 $0x1C01, s11;
	s28 =	sadd.s32 s9, s5  }
0x9: {  	s10 =	sshrl.u32 s30, $0x1;
	s9 =	sshrl.u32 s9, $0x2;
	s3 =	sadd.s32 s6, s3  }
0xa: {  	s26 =	sadd.s32 s8, s7;
	s13 =	sadd.s32 s9, s1;
	s31 =	sadd.s32 s12, s28  }
0xb: {  	s8 =	sshrl.u32 @!p0 s1, $0x3;
	s9 =	simm.s32 $0x1;
	s3 =	sshrl.u32 s3, $0x3  }
0xc: {  	s6 =	sshrl.u32 s26, $0x3;
	s12 =	sshrl.u32 s13, $0x3;
	s13 =	simm.s32 $0x0  }
0xd: {  	s29 =	sadd.s32 s3, s5;
	s3 =	sadd.s32 $0x231FA00, s5;
	s5 =	sadd.s32 s6, s5  }
0xe: {  	s6 =	ssub.s32 s30, s10;
	s10 =	simm.s32 $0x80;
	s4 =	sadd.s32 $0x2396200, s5  }
0xf: {  	s5 =	smax.u32 s6, $0x1;
	s6 =	sadd.s32 $0xF5FA00, s31;
	s7 =	sadd.s32 $0x85C00, s29  }
.LBB2_1:
0x10: {  	s14 =	simm.s32 @!p0 $0x1C01  }
0x11: {  	[spmem:s8], [sflag:s14] =	dma.local @!p0 [hbm:s3], $0x27800  }
0x12: {  	s14 =	simm.s32 @!p0 $0x1  }
0x13: {  	_ =	swait.ge @!p0 [sflag:s14], $0x27800  }
0x14: {  	[sflag:s14] =	ssyncset.done @!p0 $0x0  }
0x15: {  	[sflag:s14] =	ssyncadd.s32 @!p0 $0xFFFD8800  }
0x16: {  	s31 =	sadd.s32 $0x0, s7;
	[bflag:$0x0] =	sbarrier.arrive $0xFFFF  }
0x17: {  	[tilespmem:s2], [sflag:$0x1] =	stream.linear.gather [hbm4b:s31+s2], $0x80, $0x38;
	[tilespmem:$0x17C80] =	vst v63  }
0x18: {  	_ =	swait.ge [sflag:s9], $0x80  }
0x19: {  	[sflag:s9] =	ssyncset.done $0x0  }
0x1a: {  	[sflag:s9] =	ssyncadd.s32 $0xFFFFFF80  }
0x1b: {  	[tilespmem:s10], [sflag:$0x1] =	stream.linear.gather [hbm4b:s6+s2], $0x4000, $0x38;
	[tilespmem:$0x17C80] =	vst v63  }
0x1c: {  	_ =	swait.ge [sflag:s9], $0x4000  }
0x1d: {  	[sflag:s9] =	ssyncset.done $0x0  }
0x1e: {  	[sflag:s9] =	ssyncadd.s32 $0xFFFFC000  }
0x1f: {  	[spmem:s1] =	stream.indirect.scatter.add.f32 [tilespmem:s10], [sflag:$0x1], $0x80, s2, s10, $0xb8;
	[tilespmem:$0x17C80] =	vst v63  }
0x20: {  	s15 =	simm.s32 $0x10;
	_ =	swait.ge [sflag:s9], $0x4000  }
0x21: {  	s16 =	simm.s32 $0x20;
	s14 =	sadd.s32 $0x800, s6;
	[sflag:s9] =	ssyncset.done $0x0  }
.LBB2_2:
0x22: {  	s17 =	sadd.s32 s15, s7  }
0x23: {  	[sflag:s9] =	ssyncadd.s32 $0xFFFFC000;
	s15 =	smov.u32 s16;
	s18 =	sadd.s32 $0x10, s16  }
0x24: {  	[tilespmem:s2], [sflag:$0x1] =	stream.linear.gather [hbm4b:s17+s2], $0x80, $0x38;
	[tilespmem:$0x17C80] =	vst v63  }
0x25: {  	p1 =	sne.s32 s16, $0x4E0;
	_ =	swait.ge [sflag:s9], $0x80  }
0x26: {  	[sflag:s9] =	ssyncset.done $0x0  }
0x27: {  	[sflag:s9] =	ssyncadd.s32 $0xFFFFFF80  }
0x28: {  	[tilespmem:s10], [sflag:$0x1] =	stream.linear.gather [hbm4b:s14+s2], $0x4000, $0x38;
	[tilespmem:$0x17C80] =	vst v63  }
0x29: {  	_ =	swait.ge [sflag:s9], $0x4000  }
.Ltmp0:
0x2a: {  	[sflag:s9] =	ssyncset.done $0x0;
	(pc) =	sbr.rel @p1 .LBB2_2-.Ltmp0, $4  }
0x2b: {  	[sflag:s9] =	ssyncadd.s32 $0xFFFFC000  }
0x2c: {  	[spmem:s1] =	stream.indirect.scatter.add.f32 [tilespmem:s10], [sflag:$0x1], $0x80, s2, s10, $0xb8;
	[tilespmem:$0x17C80] =	vst v63  }
0x2d: {  	_ =	swait.ge [sflag:s9], $0x4000  }
0x2e: {  	s16 =	smov.u32 s18;
	s14 =	sadd.s32 $0x800, s14;
	[sflag:s9] =	ssyncset.done $0x0  }
0x2f: {  	s15 =	sadd.s32 s15, s7;
	[sflag:s9] =	ssyncadd.s32 $0xFFFFC000  }
0x30: {  	[tilespmem:s2], [sflag:$0x1] =	stream.linear.gather [hbm4b:s15+s2], $0x80, $0x38;
	[tilespmem:$0x17C80] =	vst v63  }
0x31: {  	_ =	swait.ge [sflag:s9], $0x80  }
0x32: {  	[sflag:s9] =	ssyncset.done $0x0  }
0x33: {  	[sflag:s9] =	ssyncadd.s32 $0xFFFFFF80  }
0x34: {  	[tilespmem:s10], [sflag:$0x1] =	stream.linear.gather [hbm4b:s14+s2], $0x4000, $0x38;
	[tilespmem:$0x17C80] =	vst v63  }
0x35: {  	_ =	swait.ge [sflag:s9], $0x4000  }
0x36: {  	[sflag:s9] =	ssyncset.done $0x0  }
0x37: {  	[sflag:s9] =	ssyncadd.s32 $0xFFFFC000  }
0x38: {  	[spmem:s1] =	stream.indirect.scatter.add.f32 [tilespmem:s10], [sflag:$0x1], $0x80, s2, s10, $0xb8;
	[tilespmem:$0x17C80] =	vst v63  }
0x39: {  	_ =	swait.ge [sflag:s9], $0x4000  }
0x3a: {  	s13 =	sadd.s32 $0x1, s13;
	[sflag:s9] =	ssyncset.done $0x0  }
0x3b: {  	p1 =	sne.s32 s13, s5;
	[sflag:s9] =	ssyncadd.s32 $0xFFFFC000  }
.Ltmp1:
0x3c: {  	[bflag:$0x0] =	sbarrier.arrive $0xFFFF;
	(pc) =	sbr.rel @p1 .LBB2_1-.Ltmp1, $4  }
0x3d: {  	[hbm:s4], [sflag:s11] =	dma.local [spmem:s12], $0x2780  }
0x3e: {  	_ =	swait.ge [sflag:s9], $0x2780  }
0x3f: {  	[sflag:s9] =	ssyncset.done $0x0  }
0x40: {  	[sflag:s9] =	ssyncadd.s32 $0xFFFFD880  }
0x41: {  	_ =	sfence.sel $0x180000  }
0x42: {  	[bflag:$0x0] =	sbarrier.arrive $0xFFFF  }
0x43: {  	_ =	strace $0x90000056  }
0x44: {  	s0 =	sadd.s32 @!p0 $0x100000, s0;
	[bflag:$0x2] =	sbarrier.arrive $0xFFFF  }
0x45: {  	[sflag:s0] =	ssyncadd.tile.s32 @!p0 $0x1;
	_ =	shalt  }
.Lfunc_end2:
_tile_overlayer_lowered:
.L_overlay_start_2:
0x46: {  	(tag) =	ssettag $0x2  }
0x47: {  	s0 =	rddreg [dreg:$0x0];
	s2 =	stileid.u32  }
0x48: {  	s1 =	rddreg [dreg:$0x1];
	p0 =	sne.s32 s2, $0x0  }
0x49: {  	s3 =	rddreg [dreg:$0x2];
	[bflag:$0x3] =	sbarrier.arrive $0xFFFF;
	s2 =	simm.s32 @!p0 $0x1C01  }
0x4a: {  	[timem:s3], [sflag:s2] =	dma.local @!p0 [hbm:s0], s1  }
0x4b: {  	s0 =	simm.s32 @!p0 $0x1  }
0x4c: {  	_ =	swait.ge @!p0 [sflag:s0], s1  }
0x4d: {  	s1 =	ssub.s32 @!p0 $0x0, s1;
	[sflag:s0] =	ssyncset.done @!p0 $0x0  }
0x4e: {  	[sflag:s0] =	ssyncadd.s32 @!p0 s1  }
0x4f: {  	[bflag:$0x3] =	sbarrier.arrive $0xFFFF  }
0x50: {  	_ =	shalt  }

// kernel: kernel.35.cloned.1.call-start
scs
__scs_entry_jumppad:
0x0: {  	(pc) =	sbr.rel $0x88, $3  }
0x1: {  	(tag) =	ssettag $0x0;
	lr =	simm.s32 $0x1  }
0x2: {  	[smem:$0x3F41] =	sst lr;
	_ =	strace $0xD0000000  }
0x3: {  	_ = 	snop  }
0x4: {  	_ = 	snop  }
0x5: {  	_ = 	snop  }
0x6: {  	_ = 	snop  }
0x7: {  	_ = 	snop  }
__scs_overlays_trampoline_lowered:
0x8: {  	[smem:$0x3F50] =	sst s0  }
0x9: {  	[smem:$0x3F51] =	sst s1  }
0xa: {  	[smem:$0x3F52] =	sst s2  }
0xb: {  	[smem:$0x3F53] =	sst s3  }
0xc: {  	[smem:$0x3F54] =	sst s4  }
0xd: {  	[smem:$0x3F55] =	sst s5  }
0xe: {  	[smem:$0x3F56] =	sst s6  }
0xf: {  	[smem:$0x3F57] =	sst s7  }
0x10: {  	[smem:$0x3F58] =	sst s8  }
0x11: {  	[smem:$0x3F59] =	sst s9;
	s0 =	simm.s32 @!p0 $0x0  }
0x12: {  	s1 =	sld [smem:$0x3F3F];
	s0 =	simm.s32 @p0 $0x1  }
0x13: {  	[smem:$0x3F5A] =	sst s0;
	s0 =	simm.s32 @!p1 $0x0  }
0x14: {  	s2 =	sld [smem:$0x3F3E];
	s0 =	simm.s32 @p1 $0x1  }
0x15: {  	[smem:$0x3F5B] =	sst s0;
	s0 =	simm.s32 @!p2 $0x0  }
0x16: {  	s3 =	sld [smem:$0x3FDB];
	s0 =	simm.s32 @p2 $0x1  }
0x17: {  	s4 =	simm.s32 $0x1BF5;
	[smem:$0x3F5D] =	sst s0  }
0x18: {  	s0 =	sld [smem:$0x3F40];
	_ =	swait.ge [sflag:s4], $0x0  }
0x19: {  	s7 =	sld [smem:$0x3F41]  }
0x1a: {  	s8 =	sadd.s32 $0xFFFFE003, lr  }
0x1b: {  	s9 =	sadd.s32 $0xFFFFFEF7, lr;
	s5 =	simm.s32 $0xFFFFFFFF;
	p2 =	slt.u32 s8, $0xFFFFF086  }
0x1c: {  	p1 =	slt.u32 s9, $0xF7A;
	s5 =	simm.s32 @!p2 $0x0  }
0x1d: {  	s5 =	simm.s32 @p1 $0x1;
	p0 =	seq.s32 s7, s2  }
0x1e: {  	s7 =	smul.u32 @!p0 $0xF7A, s2;
	p2 =	seq.s32 @!p0 s5, $0x0  }
0x1f: {  	s9 =	smul.u32 $0xF7A, s1;
	s8 =	simm.s32 @!p0 $0x1BF5;
	p2 =	por !p2, p0  }
0x20: {  	[sflag:s8] =	ssyncset.s32 @!p0 $0xFFFFF086;
	s6 =	sadd.s32 @!p0 s3, s7;
	s7 =	simm.s32 @!p0 $0x108  }
0x21: {  	s3 =	sadd.s32 s3, s9;
	s6 =	sadd.s32 @!p0 $0x88, s6;
	s7 =	simm.s32 @p2 $0x1082  }
0x22: {  	[simem:s7], [sflag:s8] =	dma.local @!p0 [hbm:s6], $0xF7A  }
0x23: {  	s9 =	sor.u32 $0xD0000000, s2;
	s6 =	simm.s32 $0x108;
	_ =	swait.ge @!p0 [sflag:s8], $0x0  }
0x24: {  	s3 =	sadd.s32 $0x88, s3;
	s6 =	simm.s32 @!p1 $0x1082;
	[sflag:s4] =	ssyncset.s32 $0xFFFFF086  }
0x25: {  	[simem:s6], [sflag:s4] =	dma.local [hbm:s3], $0xF7A  }
0x26: {  	[smem:$0x3F41] =	sst s1;
	(tag) =	ssettag s2;
	_ =	strace s9  }
0x27: {  	s1 =	sld [smem:$0x3F51]  }
0x28: {  	s2 =	sld [smem:$0x3F52]  }
0x29: {  	s4 =	sld [smem:$0x3F54]  }
0x2a: {  	p0 =	seq.s32 s5, $0x0;
	s5 =	sld [smem:$0x3F55]  }
0x2b: {  	s6 =	sld [smem:$0x3F56]  }
0x2c: {  	s7 =	sld [smem:$0x3F57]  }
0x2d: {  	s3 =	simm.s32 $0x108;
	s8 =	sld [smem:$0x3F58]  }
0x2e: {  	s3 =	simm.s32 @!p0 $0x1082;
	s9 =	sld [smem:$0x3F59]  }
0x2f: {  	lr =	sadd.s32 s0, s3;
	s0 =	sld [smem:$0x3F50]  }
0x30: {  	s3 =	sld [smem:$0x3F53]  }
0x31: {  	[smem:$0x3F5C] =	sst s10  }
0x32: {  	s10 =	sld [smem:$0x3F5A];
	_ =	sdelay $0x3  }
0x33: {  	p0 =	seq.s32 s10, $0x1;
	s10 =	sld [smem:$0x3F5C];
	_ =	sdelay $0x3  }
0x34: {  	[smem:$0x3F5C] =	sst s10  }
0x35: {  	s10 =	sld [smem:$0x3F5B];
	_ =	sdelay $0x3  }
0x36: {  	p1 =	seq.s32 s10, $0x1;
	s10 =	sld [smem:$0x3F5C];
	_ =	sdelay $0x3  }
0x37: {  	[smem:$0x3F5C] =	sst s10  }
0x38: {  	s10 =	sld [smem:$0x3F5D]  }
0x39: {  	_ = 	snop;
	(pc) =	sbr.ind lr, $3  }
0x3a: {  	_ = 	snop  }
0x3b: {  	_ = 	snop  }
0x3c: {  	p2 =	seq.s32 s10, $0x1;
	s10 =	sld [smem:$0x3F5C]  }
0x3d: {  	_ =	shalt  }
0x3e: {  	_ =	shalt  }
0x3f: {  	_ =	shalt  }
0x40: {  	_ =	shalt  }
0x41: {  	_ =	shalt  }
0x42: {  	_ =	shalt  }
0x43: {  	_ =	shalt  }
0x44: {  	_ =	shalt  }
0x45: {  	_ =	shalt  }
0x46: {  	_ =	shalt  }
0x47: {  	_ =	shalt  }
0x48: {  	_ =	shalt  }
0x49: {  	_ =	shalt  }
0x4a: {  	_ =	shalt  }
0x4b: {  	_ =	shalt  }
0x4c: {  	_ =	shalt  }
0x4d: {  	_ =	shalt  }
0x4e: {  	_ =	shalt  }
0x4f: {  	_ =	shalt  }
0x50: {  	_ =	shalt  }
0x51: {  	_ =	shalt  }
0x52: {  	_ =	shalt  }
0x53: {  	_ =	shalt  }
0x54: {  	_ =	shalt  }
0x55: {  	_ =	shalt  }
0x56: {  	_ =	shalt  }
0x57: {  	_ =	shalt  }
0x58: {  	_ =	shalt  }
0x59: {  	_ =	shalt  }
0x5a: {  	_ =	shalt  }
0x5b: {  	_ =	shalt  }
0x5c: {  	_ =	shalt  }
0x5d: {  	_ =	shalt  }
0x5e: {  	_ =	shalt  }
0x5f: {  	_ =	shalt  }
0x60: {  	_ =	shalt  }
0x61: {  	_ =	shalt  }
0x62: {  	_ =	shalt  }
0x63: {  	_ =	shalt  }
0x64: {  	_ =	shalt  }
0x65: {  	_ =	shalt  }
0x66: {  	_ =	shalt  }
0x67: {  	_ =	shalt  }
0x68: {  	_ =	shalt  }
0x69: {  	_ =	shalt  }
0x6a: {  	_ =	shalt  }
0x6b: {  	_ =	shalt  }
0x6c: {  	_ =	shalt  }
0x6d: {  	_ =	shalt  }
0x6e: {  	_ =	shalt  }
0x6f: {  	_ =	shalt  }
0x70: {  	_ =	shalt  }
0x71: {  	_ =	shalt  }
0x72: {  	_ =	shalt  }
0x73: {  	_ =	shalt  }
0x74: {  	_ =	shalt  }
0x75: {  	_ =	shalt  }
0x76: {  	_ =	shalt  }
0x77: {  	_ =	shalt  }
0x78: {  	_ =	shalt  }
0x79: {  	_ =	shalt  }
0x7a: {  	_ =	shalt  }
0x7b: {  	_ =	shalt  }
0x7c: {  	_ =	shalt  }
0x7d: {  	_ =	shalt  }
0x7e: {  	_ =	shalt  }
0x7f: {  	_ =	shalt  }
0x80: {  	_ =	shalt  }
0x81: {  	_ =	shalt  }
0x82: {  	_ =	shalt  }
0x83: {  	_ =	shalt  }
0x84: {  	_ =	shalt  }
0x85: {  	_ =	shalt  }
0x86: {  	_ =	shalt  }
0x87: {  	_ =	shalt  }
.Lfunc_end0:
.L_simem_size_0:
called_computation.5_lowered:
.L_overlay_start_0:
0x88: {  	s2 =	sld [smem:$0x3FD9]  }
0x89: {  	s3 =	sld [smem:$0x3FFE];
	_ =	sdelay $0x1  }
0x8a: {  	s1 =	srdreg.scid  }
0x8b: {  	s0 =	sand.u32 $0x1, s1  }
0x8c: {  	s16 =	sshll.u32 s0, $0xA;
	s2 =	sadd.s32 s3, s2  }
0x8d: {  	s2 =	sadd.s32 s2, s16  }
0x8e: {  	[smem:$0x3F68] =	sst s2  }
0x8f: {  	_ = 	snop  }
0x90: {  	(tm) =	ssettm $0x1  }
0x91: {  	s17 =	sld [smem:$0x3FFB];
	_ =	sdelay $0x3  }
0x92: {  	_ =	strace s17  }
0x93: {  	s2 =	sld [smem:$0x3FFC];
	_ =	sdelay $0x3  }
0x94: {  	_ =	strace s2  }
0x95: {  	s2 =	sld [smem:$0x3FFD];
	_ =	sdelay $0x3  }
0x96: {  	_ =	strace s2  }
0x97: {  	_ =	strace $0x8FFFFFFF  }
0x98: {  	s18 =	sld [smem:$0x3FDB];
	_ =	sdelay $0x1  }
0x99: {  	s19 =	simm.s32 $_scs_section_size  }
0x9a: {  	s4 =	simm.s32 $_size__tile_overlayer_lowered;
	s5 =	simm.s32 $_tile_overlayer_lowered  }
0x9b: {  	s22 =	simm.s32 $0x1BFF;
	s21 =	sshll.u32 s5, $0x1;
	s2 =	sadd.s32 s19, s18  }
0x9c: {  	s6 =	simm.s32 $0x0;
	s20 =	sshll.u32 s4, $0x1;
	s4 =	sadd.s32 s21, s2  }
0x9d: {  	[timem:s6], [sflag:s22] =	dma.local [hbm:s4], s20  }
0x9e: {  	_ =	swait.ge [sflag:s22], s20  }
0x9f: {  	s3 =	ssub.s32 $0x0, s20;
	[sflag:s22] =	ssyncset.done $0x0  }
0xa0: {  	[sflag:s22] =	ssyncadd.s32 s3;
	_ =	sdelay $0x1  }
0xa1: {  	s23 =	simm.s32 $0x1B8B  }
0xa2: {  	_ =	swait.ge [sflag:s23], $0x1  }
0xa3: {  	[sflag:s23] =	ssyncset.done $0x0  }
0xa4: {  	s25 =	simm.s32 $0x1B8E;
	s24 =	sld [smem:$0x3FFE];
	[sflag:s23] =	ssyncadd.s32 $0xFFFFFFFF  }
0xa5: {  	s26 =	simm.s32 $execute0_lowered;
	[smem:$0x3FD2] =	sst s25  }
0xa6: {  	s4 =	sshll.u32 s26, $0x1;
	_ =	strace $0x80000052;
	[dreg:$0x1] =	wrdreg $0xFFFFFFFF  }
0xa7: {  	s28 =	simm.s32 $_size_execute0_lowered;
	s2 =	sadd.s32 s2, s4;
	[dreg:$0x0] =	wrdreg $0x0  }
0xa8: {  	s4 =	sshll.u32 s28, $0x1;
	[dreg:$0x2] =	wrdreg s2  }
0xa9: {  	[dreg:$0x3] =	wrdreg s4  }
0xaa: {  	[dreg:$0x4] =	wrdreg $0xC0  }
0xab: {  	_ =	task [dreg:s6], $0x5FFFF  }
0xac: {  	[dreg:$0x1] =	wrdreg $0xFFFFFFFF  }
0xad: {  	[dreg:$0x0] =	wrdreg $0x60  }
0xae: {  	[dreg:$0x2] =	wrdreg s24  }
0xaf: {  	[dreg:$0x3] =	wrdreg $0x40800  }
0xb0: {  	[dreg:$0x4] =	wrdreg $0xA  }
0xb1: {  	_ =	task.clear_ibuf [dreg:s6], $0x5FFFF;
	_ =	strace $0x90000052  }
0xb2: {  	s29 =	simm.s32 $0xA;
	_ =	strace $0x80000054  }
0xb3: {  	_ =	swait.ge [sflag:s29], $0x1  }
0xb4: {  	[sflag:s29] =	ssyncadd.s32 $0xFFFFFFFF  }
0xb5: {  	_ =	strace $0x90000054  }
0xb6: {  	_ =	sfence  }
0xb7: {  	s30 =	sld [smem:$0x0];
	_ =	sdelay $0x2  }
0xb8: {  	s31 =	sshll.u32 s1, $0xD;
	s1 =	sshrl.u32 s1, $0x2  }
0xb9: {  	s3 =	sand.u32 $0x4000, s31;
	s1 =	sadd.s32 s1, s30  }
0xba: {  	s0 =	sor.u32 s3, s0;
	s1 =	sshll.u32 s1, $0x11  }
0xbb: {  	s0 =	sor.u32 s1, s0  }
0xbc: {  	s0 =	sadd.s32 $0x8F2B, s0  }
0xbd: {  	[sflag:s0] =	ssyncadd.remote.s32 $0x1  }
0xbe: {  	_ =	sfence.sel $0xFFFF  }
0xbf: {  	[dreg:$0x0] =	wrdreg $0xFFFFFFFF;
	(pc) =	sbr.abs _section_cstart, $3  }
0xc0: {  	[dreg:$0x1] =	wrdreg $0xFFFFFFFF  }
0xc1: {  	_ =	task.clear_ibuf [dreg:s6], $0x2FFFF;
	_ =	strace $0x9FFFFFFF  }
0xc2: {  	(tm) =	ssettm $0x7FFFFFFF  }
0xc3: {  	_ =	shalt  }
tec
execute0_lowered:
.L_overlay_start_1:
0x0: {  	(tag) =	ssettag $0x1  }
0x1: {  	s11 =	stileid.u32  }
0x2: {  	s0 =	srdreg.scid;
	s5 =	rddreg [dreg:$0x0]  }
0x3: {  	s1 =	rddreg [dreg:$0x1];
	s2 =	simm.s32 $0x0;
	s3 =	smul.u32 $0x4F00, s11  }
0x4: {  	s4 =	sand.u32 $0x1, s0;
	s0 =	rddreg [dreg:$0x2];
	s8 =	smul.u32 $0x13C00, s11  }
0x5: {  	[smem:$0x7FF] =	sst s2;
	s9 =	smul.u32 $0x4F000, s11  }
0x6: {  	p0 =	sne.s32 s11, $0x0;
	s11 =	sshll.u32 s11, $0x6;
	s6 =	smul.u32 $0x2780, s4  }
0x7: {  	s7 =	smul.u32 $0x13C000, s4;
	_ =	strace $0x80000053;
	s30 =	ssub.s32 $0x2, s4  }
0x8: {  	s12 =	smul.u32 $0x27800, s4;
	s11 =	sor.u32 $0x1C01, s11;
	s28 =	sadd.s32 s9, s5  }
0x9: {  	s10 =	sshrl.u32 s30, $0x1;
	s9 =	sshrl.u32 s9, $0x2;
	s3 =	sadd.s32 s6, s3  }
0xa: {  	s26 =	sadd.s32 s8, s7;
	s13 =	sadd.s32 s9, s1;
	s31 =	sadd.s32 s12, s28  }
0xb: {  	s8 =	sshrl.u32 @!p0 s1, $0x3;
	s9 =	simm.s32 $0x1;
	s3 =	sshrl.u32 s3, $0x3  }
0xc: {  	s6 =	sshrl.u32 s26, $0x3;
	s12 =	sshrl.u32 s13, $0x3;
	s13 =	simm.s32 $0x0  }
0xd: {  	s29 =	sadd.s32 s3, s5;
	s3 =	sadd.s32 $0x231FA00, s5;
	s5 =	sadd.s32 s6, s5  }
0xe: {  	s6 =	ssub.s32 s30, s10;
	s10 =	simm.s32 $0x80;
	s4 =	sadd.s32 $0x2347200, s5  }
0xf: {  	s5 =	smax.u32 s6, $0x1;
	s6 =	sadd.s32 $0xA6FA00, s31;
	s7 =	sadd.s32 $0x85C00, s29  }
.LBB2_1:
0x10: {  	s14 =	simm.s32 @!p0 $0x1C01  }
0x11: {  	[spmem:s8], [sflag:s14] =	dma.local @!p0 [hbm:s3], $0x27800  }
0x12: {  	s14 =	simm.s32 @!p0 $0x1  }
0x13: {  	_ =	swait.ge @!p0 [sflag:s14], $0x27800  }
0x14: {  	[sflag:s14] =	ssyncset.done @!p0 $0x0  }
0x15: {  	[sflag:s14] =	ssyncadd.s32 @!p0 $0xFFFD8800  }
0x16: {  	s31 =	sadd.s32 $0x0, s7;
	[bflag:$0x0] =	sbarrier.arrive $0xFFFF  }
0x17: {  	[tilespmem:s2], [sflag:$0x1] =	stream.linear.gather [hbm4b:s31+s2], $0x80, $0x38;
	[tilespmem:$0x17C80] =	vst v63  }
0x18: {  	_ =	swait.ge [sflag:s9], $0x80  }
0x19: {  	[sflag:s9] =	ssyncset.done $0x0  }
0x1a: {  	[sflag:s9] =	ssyncadd.s32 $0xFFFFFF80  }
0x1b: {  	[tilespmem:s10], [sflag:$0x1] =	stream.linear.gather [hbm4b:s6+s2], $0x4000, $0x38;
	[tilespmem:$0x17C80] =	vst v63  }
0x1c: {  	_ =	swait.ge [sflag:s9], $0x4000  }
0x1d: {  	[sflag:s9] =	ssyncset.done $0x0  }
0x1e: {  	[sflag:s9] =	ssyncadd.s32 $0xFFFFC000  }
0x1f: {  	[spmem:s1] =	stream.indirect.scatter.add.f32 [tilespmem:s10], [sflag:$0x1], $0x80, s2, s10, $0xb8;
	[tilespmem:$0x17C80] =	vst v63  }
0x20: {  	s15 =	simm.s32 $0x10;
	_ =	swait.ge [sflag:s9], $0x4000  }
0x21: {  	s16 =	simm.s32 $0x20;
	s14 =	sadd.s32 $0x800, s6;
	[sflag:s9] =	ssyncset.done $0x0  }
.LBB2_2:
0x22: {  	s17 =	sadd.s32 s15, s7  }
0x23: {  	[sflag:s9] =	ssyncadd.s32 $0xFFFFC000;
	s15 =	smov.u32 s16;
	s18 =	sadd.s32 $0x10, s16  }
0x24: {  	[tilespmem:s2], [sflag:$0x1] =	stream.linear.gather [hbm4b:s17+s2], $0x80, $0x38;
	[tilespmem:$0x17C80] =	vst v63  }
0x25: {  	p1 =	sne.s32 s16, $0x4E0;
	_ =	swait.ge [sflag:s9], $0x80  }
0x26: {  	[sflag:s9] =	ssyncset.done $0x0  }
0x27: {  	[sflag:s9] =	ssyncadd.s32 $0xFFFFFF80  }
0x28: {  	[tilespmem:s10], [sflag:$0x1] =	stream.linear.gather [hbm4b:s14+s2], $0x4000, $0x38;
	[tilespmem:$0x17C80] =	vst v63  }
0x29: {  	_ =	swait.ge [sflag:s9], $0x4000  }
.Ltmp0:
0x2a: {  	[sflag:s9] =	ssyncset.done $0x0;
	(pc) =	sbr.rel @p1 .LBB2_2-.Ltmp0, $4  }
0x2b: {  	[sflag:s9] =	ssyncadd.s32 $0xFFFFC000  }
0x2c: {  	[spmem:s1] =	stream.indirect.scatter.add.f32 [tilespmem:s10], [sflag:$0x1], $0x80, s2, s10, $0xb8;
	[tilespmem:$0x17C80] =	vst v63  }
0x2d: {  	_ =	swait.ge [sflag:s9], $0x4000  }
0x2e: {  	s16 =	smov.u32 s18;
	s14 =	sadd.s32 $0x800, s14;
	[sflag:s9] =	ssyncset.done $0x0  }
0x2f: {  	s15 =	sadd.s32 s15, s7;
	[sflag:s9] =	ssyncadd.s32 $0xFFFFC000  }
0x30: {  	[tilespmem:s2], [sflag:$0x1] =	stream.linear.gather [hbm4b:s15+s2], $0x80, $0x38;
	[tilespmem:$0x17C80] =	vst v63  }
0x31: {  	_ =	swait.ge [sflag:s9], $0x80  }
0x32: {  	[sflag:s9] =	ssyncset.done $0x0  }
0x33: {  	[sflag:s9] =	ssyncadd.s32 $0xFFFFFF80  }
0x34: {  	[tilespmem:s10], [sflag:$0x1] =	stream.linear.gather [hbm4b:s14+s2], $0x4000, $0x38;
	[tilespmem:$0x17C80] =	vst v63  }
0x35: {  	_ =	swait.ge [sflag:s9], $0x4000  }
0x36: {  	[sflag:s9] =	ssyncset.done $0x0  }
0x37: {  	[sflag:s9] =	ssyncadd.s32 $0xFFFFC000  }
0x38: {  	[spmem:s1] =	stream.indirect.scatter.add.f32 [tilespmem:s10], [sflag:$0x1], $0x80, s2, s10, $0xb8;
	[tilespmem:$0x17C80] =	vst v63  }
0x39: {  	_ =	swait.ge [sflag:s9], $0x4000  }
0x3a: {  	s13 =	sadd.s32 $0x1, s13;
	[sflag:s9] =	ssyncset.done $0x0  }
0x3b: {  	p1 =	sne.s32 s13, s5;
	[sflag:s9] =	ssyncadd.s32 $0xFFFFC000  }
.Ltmp1:
0x3c: {  	[bflag:$0x0] =	sbarrier.arrive $0xFFFF;
	(pc) =	sbr.rel @p1 .LBB2_1-.Ltmp1, $4  }
0x3d: {  	[hbm:s4], [sflag:s11] =	dma.local [spmem:s12], $0x2780  }
0x3e: {  	_ =	swait.ge [sflag:s9], $0x2780  }
0x3f: {  	[sflag:s9] =	ssyncset.done $0x0  }
0x40: {  	[sflag:s9] =	ssyncadd.s32 $0xFFFFD880  }
0x41: {  	_ =	sfence.sel $0x180000  }
0x42: {  	[bflag:$0x0] =	sbarrier.arrive $0xFFFF  }
0x43: {  	_ =	strace $0x90000053  }
0x44: {  	s0 =	sadd.s32 @!p0 $0x100000, s0;
	[bflag:$0x2] =	sbarrier.arrive $0xFFFF  }
0x45: {  	[sflag:s0] =	ssyncadd.tile.s32 @!p0 $0x1;
	_ =	shalt  }
.Lfunc_end2:
_tile_overlayer_lowered:
.L_overlay_start_2:
0x46: {  	(tag) =	ssettag $0x2  }
0x47: {  	s0 =	rddreg [dreg:$0x0];
	s2 =	stileid.u32  }
0x48: {  	s1 =	rddreg [dreg:$0x1];
	p0 =	sne.s32 s2, $0x0  }
0x49: {  	s3 =	rddreg [dreg:$0x2];
	[bflag:$0x3] =	sbarrier.arrive $0xFFFF;
	s2 =	simm.s32 @!p0 $0x1C01  }
0x4a: {  	[timem:s3], [sflag:s2] =	dma.local @!p0 [hbm:s0], s1  }
0x4b: {  	s0 =	simm.s32 @!p0 $0x1  }
0x4c: {  	_ =	swait.ge @!p0 [sflag:s0], s1  }
0x4d: {  	s1 =	ssub.s32 @!p0 $0x0, s1;
	[sflag:s0] =	ssyncset.done @!p0 $0x0  }
0x4e: {  	[sflag:s0] =	ssyncadd.s32 @!p0 s1  }
0x4f: {  	[bflag:$0x3] =	sbarrier.arrive $0xFFFF  }
0x50: {  	_ =	shalt  }

// kernel: kernel.38.cloned.1.call-start
scs
__scs_entry_jumppad:
0x0: {  	(pc) =	sbr.rel $0x88, $3  }
0x1: {  	(tag) =	ssettag $0x0;
	lr =	simm.s32 $0x1  }
0x2: {  	[smem:$0x3F41] =	sst lr;
	_ =	strace $0xD0000000  }
0x3: {  	_ = 	snop  }
0x4: {  	_ = 	snop  }
0x5: {  	_ = 	snop  }
0x6: {  	_ = 	snop  }
0x7: {  	_ = 	snop  }
__scs_overlays_trampoline_lowered:
0x8: {  	[smem:$0x3F50] =	sst s0  }
0x9: {  	[smem:$0x3F51] =	sst s1  }
0xa: {  	[smem:$0x3F52] =	sst s2  }
0xb: {  	[smem:$0x3F53] =	sst s3  }
0xc: {  	[smem:$0x3F54] =	sst s4  }
0xd: {  	[smem:$0x3F55] =	sst s5  }
0xe: {  	[smem:$0x3F56] =	sst s6  }
0xf: {  	[smem:$0x3F57] =	sst s7  }
0x10: {  	[smem:$0x3F58] =	sst s8  }
0x11: {  	[smem:$0x3F59] =	sst s9;
	s0 =	simm.s32 @!p0 $0x0  }
0x12: {  	s1 =	sld [smem:$0x3F3F];
	s0 =	simm.s32 @p0 $0x1  }
0x13: {  	[smem:$0x3F5A] =	sst s0;
	s0 =	simm.s32 @!p1 $0x0  }
0x14: {  	s2 =	sld [smem:$0x3F3E];
	s0 =	simm.s32 @p1 $0x1  }
0x15: {  	[smem:$0x3F5B] =	sst s0;
	s0 =	simm.s32 @!p2 $0x0  }
0x16: {  	s3 =	sld [smem:$0x3FDB];
	s0 =	simm.s32 @p2 $0x1  }
0x17: {  	s4 =	simm.s32 $0x1BF5;
	[smem:$0x3F5D] =	sst s0  }
0x18: {  	s0 =	sld [smem:$0x3F40];
	_ =	swait.ge [sflag:s4], $0x0  }
0x19: {  	s7 =	sld [smem:$0x3F41]  }
0x1a: {  	s8 =	sadd.s32 $0xFFFFE003, lr  }
0x1b: {  	s9 =	sadd.s32 $0xFFFFFEF7, lr;
	s5 =	simm.s32 $0xFFFFFFFF;
	p2 =	slt.u32 s8, $0xFFFFF086  }
0x1c: {  	p1 =	slt.u32 s9, $0xF7A;
	s5 =	simm.s32 @!p2 $0x0  }
0x1d: {  	s5 =	simm.s32 @p1 $0x1;
	p0 =	seq.s32 s7, s2  }
0x1e: {  	s7 =	smul.u32 @!p0 $0xF7A, s2;
	p2 =	seq.s32 @!p0 s5, $0x0  }
0x1f: {  	s9 =	smul.u32 $0xF7A, s1;
	s8 =	simm.s32 @!p0 $0x1BF5;
	p2 =	por !p2, p0  }
0x20: {  	[sflag:s8] =	ssyncset.s32 @!p0 $0xFFFFF086;
	s6 =	sadd.s32 @!p0 s3, s7;
	s7 =	simm.s32 @!p0 $0x108  }
0x21: {  	s3 =	sadd.s32 s3, s9;
	s6 =	sadd.s32 @!p0 $0x88, s6;
	s7 =	simm.s32 @p2 $0x1082  }
0x22: {  	[simem:s7], [sflag:s8] =	dma.local @!p0 [hbm:s6], $0xF7A  }
0x23: {  	s9 =	sor.u32 $0xD0000000, s2;
	s6 =	simm.s32 $0x108;
	_ =	swait.ge @!p0 [sflag:s8], $0x0  }
0x24: {  	s3 =	sadd.s32 $0x88, s3;
	s6 =	simm.s32 @!p1 $0x1082;
	[sflag:s4] =	ssyncset.s32 $0xFFFFF086  }
0x25: {  	[simem:s6], [sflag:s4] =	dma.local [hbm:s3], $0xF7A  }
0x26: {  	[smem:$0x3F41] =	sst s1;
	(tag) =	ssettag s2;
	_ =	strace s9  }
0x27: {  	s1 =	sld [smem:$0x3F51]  }
0x28: {  	s2 =	sld [smem:$0x3F52]  }
0x29: {  	s4 =	sld [smem:$0x3F54]  }
0x2a: {  	p0 =	seq.s32 s5, $0x0;
	s5 =	sld [smem:$0x3F55]  }
0x2b: {  	s6 =	sld [smem:$0x3F56]  }
0x2c: {  	s7 =	sld [smem:$0x3F57]  }
0x2d: {  	s3 =	simm.s32 $0x108;
	s8 =	sld [smem:$0x3F58]  }
0x2e: {  	s3 =	simm.s32 @!p0 $0x1082;
	s9 =	sld [smem:$0x3F59]  }
0x2f: {  	lr =	sadd.s32 s0, s3;
	s0 =	sld [smem:$0x3F50]  }
0x30: {  	s3 =	sld [smem:$0x3F53]  }
0x31: {  	[smem:$0x3F5C] =	sst s10  }
0x32: {  	s10 =	sld [smem:$0x3F5A];
	_ =	sdelay $0x3  }
0x33: {  	p0 =	seq.s32 s10, $0x1;
	s10 =	sld [smem:$0x3F5C];
	_ =	sdelay $0x3  }
0x34: {  	[smem:$0x3F5C] =	sst s10  }
0x35: {  	s10 =	sld [smem:$0x3F5B];
	_ =	sdelay $0x3  }
0x36: {  	p1 =	seq.s32 s10, $0x1;
	s10 =	sld [smem:$0x3F5C];
	_ =	sdelay $0x3  }
0x37: {  	[smem:$0x3F5C] =	sst s10  }
0x38: {  	s10 =	sld [smem:$0x3F5D]  }
0x39: {  	_ = 	snop;
	(pc) =	sbr.ind lr, $3  }
0x3a: {  	_ = 	snop  }
0x3b: {  	_ = 	snop  }
0x3c: {  	p2 =	seq.s32 s10, $0x1;
	s10 =	sld [smem:$0x3F5C]  }
0x3d: {  	_ =	shalt  }
0x3e: {  	_ =	shalt  }
0x3f: {  	_ =	shalt  }
0x40: {  	_ =	shalt  }
0x41: {  	_ =	shalt  }
0x42: {  	_ =	shalt  }
0x43: {  	_ =	shalt  }
0x44: {  	_ =	shalt  }
0x45: {  	_ =	shalt  }
0x46: {  	_ =	shalt  }
0x47: {  	_ =	shalt  }
0x48: {  	_ =	shalt  }
0x49: {  	_ =	shalt  }
0x4a: {  	_ =	shalt  }
0x4b: {  	_ =	shalt  }
0x4c: {  	_ =	shalt  }
0x4d: {  	_ =	shalt  }
0x4e: {  	_ =	shalt  }
0x4f: {  	_ =	shalt  }
0x50: {  	_ =	shalt  }
0x51: {  	_ =	shalt  }
0x52: {  	_ =	shalt  }
0x53: {  	_ =	shalt  }
0x54: {  	_ =	shalt  }
0x55: {  	_ =	shalt  }
0x56: {  	_ =	shalt  }
0x57: {  	_ =	shalt  }
0x58: {  	_ =	shalt  }
0x59: {  	_ =	shalt  }
0x5a: {  	_ =	shalt  }
0x5b: {  	_ =	shalt  }
0x5c: {  	_ =	shalt  }
0x5d: {  	_ =	shalt  }
0x5e: {  	_ =	shalt  }
0x5f: {  	_ =	shalt  }
0x60: {  	_ =	shalt  }
0x61: {  	_ =	shalt  }
0x62: {  	_ =	shalt  }
0x63: {  	_ =	shalt  }
0x64: {  	_ =	shalt  }
0x65: {  	_ =	shalt  }
0x66: {  	_ =	shalt  }
0x67: {  	_ =	shalt  }
0x68: {  	_ =	shalt  }
0x69: {  	_ =	shalt  }
0x6a: {  	_ =	shalt  }
0x6b: {  	_ =	shalt  }
0x6c: {  	_ =	shalt  }
0x6d: {  	_ =	shalt  }
0x6e: {  	_ =	shalt  }
0x6f: {  	_ =	shalt  }
0x70: {  	_ =	shalt  }
0x71: {  	_ =	shalt  }
0x72: {  	_ =	shalt  }
0x73: {  	_ =	shalt  }
0x74: {  	_ =	shalt  }
0x75: {  	_ =	shalt  }
0x76: {  	_ =	shalt  }
0x77: {  	_ =	shalt  }
0x78: {  	_ =	shalt  }
0x79: {  	_ =	shalt  }
0x7a: {  	_ =	shalt  }
0x7b: {  	_ =	shalt  }
0x7c: {  	_ =	shalt  }
0x7d: {  	_ =	shalt  }
0x7e: {  	_ =	shalt  }
0x7f: {  	_ =	shalt  }
0x80: {  	_ =	shalt  }
0x81: {  	_ =	shalt  }
0x82: {  	_ =	shalt  }
0x83: {  	_ =	shalt  }
0x84: {  	_ =	shalt  }
0x85: {  	_ =	shalt  }
0x86: {  	_ =	shalt  }
0x87: {  	_ =	shalt  }
.Lfunc_end0:
.L_simem_size_0:
called_computation.6_lowered:
.L_overlay_start_0:
0x88: {  	s2 =	sld [smem:$0x3FD9]  }
0x89: {  	s3 =	sld [smem:$0x3FFE];
	_ =	sdelay $0x1  }
0x8a: {  	s1 =	srdreg.scid  }
0x8b: {  	s0 =	sand.u32 $0x1, s1  }
0x8c: {  	s17 =	sshll.u32 s0, $0xA;
	s2 =	sadd.s32 s3, s2  }
0x8d: {  	s2 =	sadd.s32 s2, s17  }
0x8e: {  	[smem:$0x3F68] =	sst s2  }
0x8f: {  	_ = 	snop  }
0x90: {  	s2 =	sld [smem:$0x3FD0];
	(tm) =	ssettm $0x1  }
0x91: {  	s18 =	sld [smem:$0x3FFB];
	_ =	sdelay $0x3  }
0x92: {  	_ =	strace s18  }
0x93: {  	s3 =	sld [smem:$0x3FFC];
	_ =	sdelay $0x3  }
0x94: {  	_ =	strace s3  }
0x95: {  	s3 =	sld [smem:$0x3FFD];
	_ =	sdelay $0x3  }
0x96: {  	_ =	strace s3  }
0x97: {  	_ =	strace $0x8FFFFFFF  }
0x98: {  	s19 =	sld [smem:$0x3FDB];
	_ =	sdelay $0x1  }
0x99: {  	s4 =	simm.s32 $_scs_section_size  }
0x9a: {  	s5 =	simm.s32 $_size__tile_overlayer_lowered;
	s6 =	simm.s32 $_tile_overlayer_lowered  }
0x9b: {  	s22 =	simm.s32 $0x1BFF;
	s21 =	sshll.u32 s6, $0x1;
	s3 =	sadd.s32 s4, s19  }
0x9c: {  	s7 =	simm.s32 $0x0;
	s20 =	sshll.u32 s5, $0x1;
	s5 =	sadd.s32 s21, s3  }
0x9d: {  	[timem:s7], [sflag:s22] =	dma.local [hbm:s5], s20  }
0x9e: {  	_ =	swait.ge [sflag:s22], s20  }
0x9f: {  	s4 =	ssub.s32 $0x0, s20;
	[sflag:s22] =	ssyncset.done $0x0  }
0xa0: {  	[sflag:s22] =	ssyncadd.s32 s4;
	_ =	sdelay $0x1  }
0xa1: {  	s23 =	simm.s32 $0x1B8B  }
0xa2: {  	_ =	swait.ge [sflag:s23], $0x1  }
0xa3: {  	[sflag:s23] =	ssyncset.done $0x0  }
0xa4: {  	s25 =	simm.s32 $0x1B8E;
	s24 =	sld [smem:$0x3FFE];
	[sflag:s23] =	ssyncadd.s32 $0xFFFFFFFF  }
0xa5: {  	s26 =	simm.s32 $execute0_lowered;
	[smem:$0x3FD2] =	sst s25  }
0xa6: {  	s5 =	sshll.u32 s26, $0x1;
	_ =	strace $0x80000058;
	[dreg:$0x1] =	wrdreg $0xFFFFFFFF  }
0xa7: {  	s28 =	simm.s32 $_size_execute0_lowered;
	s3 =	sadd.s32 s3, s5;
	[dreg:$0x0] =	wrdreg $0x0  }
0xa8: {  	s5 =	sshll.u32 s28, $0x1;
	[dreg:$0x2] =	wrdreg s3  }
0xa9: {  	[dreg:$0x3] =	wrdreg s5  }
0xaa: {  	[dreg:$0x4] =	wrdreg $0xC0  }
0xab: {  	_ =	task [dreg:s7], $0x5FFFF  }
0xac: {  	[dreg:$0x1] =	wrdreg $0xFFFFFFFF  }
0xad: {  	[dreg:$0x0] =	wrdreg $0x60  }
0xae: {  	[dreg:$0x2] =	wrdreg s24  }
0xaf: {  	[dreg:$0x3] =	wrdreg s2  }
0xb0: {  	[dreg:$0x4] =	wrdreg $0x9  }
0xb1: {  	_ =	task.clear_ibuf [dreg:s7], $0x5FFFF;
	_ =	strace $0x90000058  }
0xb2: {  	s29 =	simm.s32 $0x9;
	_ =	strace $0x8000005A  }
0xb3: {  	_ =	swait.ge [sflag:s29], $0x1  }
0xb4: {  	[sflag:s29] =	ssyncadd.s32 $0xFFFFFFFF  }
0xb5: {  	_ =	strace $0x9000005A  }
0xb6: {  	_ =	sfence  }
0xb7: {  	s30 =	sld [smem:$0x0];
	_ =	sdelay $0x2  }
0xb8: {  	s31 =	sshll.u32 s1, $0xD;
	s1 =	sshrl.u32 s1, $0x2  }
0xb9: {  	s3 =	sand.u32 $0x4000, s31;
	s1 =	sadd.s32 s1, s30  }
0xba: {  	s0 =	sor.u32 s3, s0;
	s1 =	sshll.u32 s1, $0x11  }
0xbb: {  	s0 =	sor.u32 s1, s0  }
0xbc: {  	s0 =	sadd.s32 $0x8F2B, s0  }
0xbd: {  	[sflag:s0] =	ssyncadd.remote.s32 $0x1  }
0xbe: {  	_ =	sfence.sel $0xFFFF  }
0xbf: {  	[dreg:$0x0] =	wrdreg $0xFFFFFFFF;
	(pc) =	sbr.abs _section_cstart, $3  }
0xc0: {  	[dreg:$0x1] =	wrdreg $0xFFFFFFFF  }
0xc1: {  	_ =	task.clear_ibuf [dreg:s7], $0x2FFFF;
	_ =	strace $0x9FFFFFFF  }
0xc2: {  	(tm) =	ssettm $0x7FFFFFFF  }
0xc3: {  	_ =	shalt  }
tec
execute0_lowered:
.L_overlay_start_1:
0x0: {  	(tag) =	ssettag $0x1  }
0x1: {  	s1 =	srdreg.scid;
	s0 =	stileid.u32  }
0x2: {  	s1 =	sand.u32 $0x1, s1;
	s2 =	smul.u32 $0x4F00, s0  }
0x3: {  	s3 =	smul.u32 $0x2780, s1  }
0x4: {  	s4 =	rddreg [dreg:$0x0]  }
0x5: {  	s5 =	rddreg [dreg:$0x1];
	s3 =	sadd.s32 s3, s2;
	s2 =	simm.s32 $0x0  }
0x6: {  	s11 =	simm.s32 $0x8080;
	[smem:$0x7FF] =	sst s2  }
0x7: {  	s12 =	simm.s32 $0x880;
	_ =	strace $0x80000059;
	[dreg:$0x5] =	wrdreg s11  }
0x8: {  	s14 =	simm.s32 $0x1080;
	[dreg:$0x6] =	wrdreg s12  }
0x9: {  	s15 =	simm.s32 $0x1880;
	[dreg:$0x7] =	wrdreg s14  }
0xa: {  	s16 =	simm.s32 $0x2080;
	s18 =	simm.s32 $0x2880;
	[dreg:$0x8] =	wrdreg s15  }
0xb: {  	s19 =	simm.s32 $0x3080;
	s20 =	simm.s32 $0x3880;
	[dreg:$0x9] =	wrdreg s16  }
0xc: {  	s21 =	simm.s32 $0x4080;
	s23 =	simm.s32 $0x4880;
	[dreg:$0xa] =	wrdreg s18  }
0xd: {  	s24 =	simm.s32 $0x5080;
	s25 =	simm.s32 $0x5880;
	[dreg:$0xb] =	wrdreg s19  }
0xe: {  	s26 =	simm.s32 $0x6080;
	s30 =	simm.s32 $0x6880;
	[dreg:$0xc] =	wrdreg s20  }
0xf: {  	s8 =	simm.s32 $0x80;
	s31 =	simm.s32 $0x7080;
	[dreg:$0xd] =	wrdreg s21  }
0x10: {  	s9 =	simm.s32 $0x7880;
	s10 =	simm.s32 $0x8100;
	[dreg:$0xe] =	wrdreg s23  }
0x11: {  	s28 =	simm.s32 $0x2;
	s29 =	simm.s32 $0x0;
	[dreg:$0xf] =	wrdreg s24  }
0x12: {  	s13 =	smul.u32 $0x9E000, s0;
	s17 =	ssub.s32 $0x2, s1;
	[dreg:$0x10] =	wrdreg s25  }
0x13: {  	s1 =	smul.u32 $0x4F000, s1;
	s3 =	sshrl.u32 s3, $0x3;
	[dreg:$0x11] =	wrdreg s26  }
0x14: {  	s7 =	sshrl.u32 s17, $0x1;
	s6 =	sadd.s32 s3, s4;
	[dreg:$0x12] =	wrdreg s30  }
0x15: {  	s3 =	sadd.s32 s3, s5;
	s5 =	sadd.s32 s13, s4;
	[dreg:$0x13] =	wrdreg s31  }
0x16: {  	s11 =	simm.s32 $0x8900;
	s12 =	simm.s32 $0x9100;
	s13 =	simm.s32 $0x9900  }
0x17: {  	s14 =	simm.s32 $0xA100;
	s15 =	simm.s32 $0xA900;
	s16 =	simm.s32 $0xB100  }
0x18: {  	s18 =	simm.s32 $0xC100;
	s19 =	simm.s32 $0xC900;
	s20 =	simm.s32 $0xD100  }
0x19: {  	s21 =	simm.s32 $0xD900;
	s23 =	simm.s32 $0xE900;
	s24 =	simm.s32 $0xF100  }
0x1a: {  	s25 =	simm.s32 $0xF900;
	s26 =	simm.s32 $0x1;
	s6 =	sadd.s32 $0x85C00, s6  }
0x1b: {  	[dreg:$0x4] =	wrdreg s3;
	s3 =	sadd.s32 $0x10800, s4;
	s1 =	sadd.s32 s1, s5  }
0x1c: {  	v2 =	vlaneseq.u32;
	[dreg:$0x3] =	wrdreg s6;
	s6 =	ssub.s32 s17, s7;
	s5 =	sadd.s32 $0x193FA00, s1  }
0x1d: {  	vm0 =	vmmov $0xffff;
	v1 =	vshrl.u32 v2, $0x3;
	s7 =	simm.s32 $0x3;
	s17 =	simm.s32 $0xB900;
	s22 =	smax.u32 s6, $0x1  }
0x1e: {  	v0 =	vand.u32 $0x7, v2;
	v2 =	vor.u32 $0x8, v2;
	v1 =	vmul.u32 $0x8, v1;
	s6 =	sadd.s32 $0x8FA00, s1;
	[dreg:$0x14] =	wrdreg s22;
	s22 =	simm.s32 $0xE100  }
.LBB2_1:
0x1f: {  	s30 =	smov.u32 s6;
	s31 =	smov.u32 s5;
	s1 =	simm.s32 $0x0  }
.LBB2_2:
0x20: {  	s0 =	rddreg [dreg:$0x4]  }
0x21: {  	s0 =	sadd.s32 s1, s0  }
0x22: {  	[tilespmem:s2], [sflag:$0x3] =	stream.linear.gather [hbm4b:s0+s2], $0x80, $0x38;
	[tilespmem:$0x10100] =	vst v63  }
0x23: {  	_ =	swait.ge [sflag:s7], $0x80  }
0x24: {  	s0 =	rddreg [dreg:$0x3];
	[sflag:s7] =	ssyncset.done $0x0  }
0x25: {  	s4 =	rddreg [dreg:$0x5];
	[sflag:s7] =	ssyncadd.s32 $0xFFFFFF80;
	s0 =	sadd.s32 s1, s0  }
0x26: {  	[tilespmem:s4], [sflag:$0x3] =	stream.linear.gather [hbm4b:s0+s2], $0x80, $0x38;
	[tilespmem:$0x10100] =	vst v63  }
0x27: {  	_ =	swait.ge [sflag:s7], $0x80  }
0x28: {  	[sflag:s7] =	ssyncset.done $0x0  }
0x29: {  	[sflag:s7] =	ssyncadd.s32 $0xFFFFFF80  }
0x2a: {  	v3 =	vld [tilespmem:$0x0];
	_ =	sdelay $0x4  }
0x2b: {  	v4 =	vshll.u32 v3, $0x1  }
0x2c: {  	v3 =	vand.u32 $0x7, v3;
	v4 =	vand.u32 $0xFFFFFFF0, v4  }
0x2d: {  	v3 =	vor.u32 v3, v4  }
0x2e: {  	v4 =	vperm.xlane v3, v0;
	_ =	sdelay $0x1  }
0x2f: {  	v3 =	vperm.xlane v3, v2;
	v4 =	vadd.s32 v1, v4;
	_ =	sdelay $0x1  }
0x30: {  	v3 =	vadd.s32 v1, v3;
	_ =	sdelay $0x2  }
0x31: {  	[tilespmem:s8], [sflag:$0x1] =	stream.indirect_vreg.gather [hbm4b:s3+s2], $0x80, v4, vm0, $0xb8;
	[tilespmem:$0x10100] =	vst v63  }
0x32: {  	s4 =	rddreg [dreg:$0x6]  }
0x33: {  	[tilespmem:s4], [sflag:$0x1] =	stream.indirect_vreg.gather [hbm4b:s3+s2], $0x80, v3, vm0, $0xb8;
	[tilespmem:$0x10100] =	vst v63  }
0x34: {  	v3 =	vld [tilespmem:$0x10];
	_ =	sdelay $0x4  }
0x35: {  	v49 =	vshll.u32 v3, $0x1  }
0x36: {  	v3 =	vand.u32 $0x7, v3;
	v4 =	vand.u32 $0xFFFFFFF0, v49  }
0x37: {  	v3 =	vor.u32 v3, v4  }
0x38: {  	v4 =	vperm.xlane v3, v0;
	_ =	sdelay $0x1  }
0x39: {  	v3 =	vperm.xlane v3, v2;
	v4 =	vadd.s32 v1, v4;
	_ =	sdelay $0x1  }
0x3a: {  	v3 =	vadd.s32 v1, v3;
	_ =	sdelay $0x1  }
0x3b: {  	s0 =	rddreg [dreg:$0x7]  }
0x3c: {  	[tilespmem:s0], [sflag:$0x1] =	stream.indirect_vreg.gather [hbm4b:s3+s2], $0x80, v4, vm0, $0xb8;
	[tilespmem:$0x10100] =	vst v63  }
0x3d: {  	s4 =	rddreg [dreg:$0x8]  }
0x3e: {  	[tilespmem:s4], [sflag:$0x1] =	stream.indirect_vreg.gather [hbm4b:s3+s2], $0x80, v3, vm0, $0xb8;
	[tilespmem:$0x10100] =	vst v63  }
0x3f: {  	v3 =	vld [tilespmem:$0x20];
	_ =	sdelay $0x4  }
0x40: {  	v50 =	vshll.u32 v3, $0x1  }
0x41: {  	v3 =	vand.u32 $0x7, v3;
	v4 =	vand.u32 $0xFFFFFFF0, v50  }
0x42: {  	v3 =	vor.u32 v3, v4  }
0x43: {  	v4 =	vperm.xlane v3, v0;
	_ =	sdelay $0x1  }
0x44: {  	v3 =	vperm.xlane v3, v2;
	v4 =	vadd.s32 v1, v4;
	_ =	sdelay $0x1  }
0x45: {  	v3 =	vadd.s32 v1, v3;
	_ =	sdelay $0x1  }
0x46: {  	s0 =	rddreg [dreg:$0x9]  }
0x47: {  	[tilespmem:s0], [sflag:$0x1] =	stream.indirect_vreg.gather [hbm4b:s3+s2], $0x80, v4, vm0, $0xb8;
	[tilespmem:$0x10100] =	vst v63  }
0x48: {  	s4 =	rddreg [dreg:$0xa]  }
0x49: {  	[tilespmem:s4], [sflag:$0x1] =	stream.indirect_vreg.gather [hbm4b:s3+s2], $0x80, v3, vm0, $0xb8;
	[tilespmem:$0x10100] =	vst v63  }
0x4a: {  	v3 =	vld [tilespmem:$0x30];
	_ =	sdelay $0x4  }
0x4b: {  	v51 =	vshll.u32 v3, $0x1  }
0x4c: {  	v3 =	vand.u32 $0x7, v3;
	v4 =	vand.u32 $0xFFFFFFF0, v51  }
0x4d: {  	v3 =	vor.u32 v3, v4  }
0x4e: {  	v4 =	vperm.xlane v3, v0;
	_ =	sdelay $0x1  }
0x4f: {  	v3 =	vperm.xlane v3, v2;
	v4 =	vadd.s32 v1, v4;
	_ =	sdelay $0x1  }
0x50: {  	v3 =	vadd.s32 v1, v3;
	_ =	sdelay $0x1  }
0x51: {  	s0 =	rddreg [dreg:$0xb]  }
0x52: {  	[tilespmem:s0], [sflag:$0x1] =	stream.indirect_vreg.gather [hbm4b:s3+s2], $0x80, v4, vm0, $0xb8;
	[tilespmem:$0x10100] =	vst v63  }
0x53: {  	s4 =	rddreg [dreg:$0xc]  }
0x54: {  	[tilespmem:s4], [sflag:$0x1] =	stream.indirect_vreg.gather [hbm4b:s3+s2], $0x80, v3, vm0, $0xb8;
	[tilespmem:$0x10100] =	vst v63  }
0x55: {  	v3 =	vld [tilespmem:$0x40];
	_ =	sdelay $0x4  }
0x56: {  	v52 =	vshll.u32 v3, $0x1  }
0x57: {  	v3 =	vand.u32 $0x7, v3;
	v4 =	vand.u32 $0xFFFFFFF0, v52  }
0x58: {  	v3 =	vor.u32 v3, v4  }
0x59: {  	v4 =	vperm.xlane v3, v0;
	_ =	sdelay $0x1  }
0x5a: {  	v3 =	vperm.xlane v3, v2;
	v4 =	vadd.s32 v1, v4;
	_ =	sdelay $0x1  }
0x5b: {  	v3 =	vadd.s32 v1, v3;
	_ =	sdelay $0x1  }
0x5c: {  	s0 =	rddreg [dreg:$0xd]  }
0x5d: {  	[tilespmem:s0], [sflag:$0x1] =	stream.indirect_vreg.gather [hbm4b:s3+s2], $0x80, v4, vm0, $0xb8;
	[tilespmem:$0x10100] =	vst v63  }
0x5e: {  	s4 =	rddreg [dreg:$0xe]  }
0x5f: {  	[tilespmem:s4], [sflag:$0x1] =	stream.indirect_vreg.gather [hbm4b:s3+s2], $0x80, v3, vm0, $0xb8;
	[tilespmem:$0x10100] =	vst v63  }
0x60: {  	v3 =	vld [tilespmem:$0x50];
	_ =	sdelay $0x4  }
0x61: {  	v53 =	vshll.u32 v3, $0x1  }
0x62: {  	v3 =	vand.u32 $0x7, v3;
	v4 =	vand.u32 $0xFFFFFFF0, v53  }
0x63: {  	v3 =	vor.u32 v3, v4  }
0x64: {  	v4 =	vperm.xlane v3, v0;
	_ =	sdelay $0x1  }
0x65: {  	v3 =	vperm.xlane v3, v2;
	v4 =	vadd.s32 v1, v4;
	_ =	sdelay $0x1  }
0x66: {  	v3 =	vadd.s32 v1, v3;
	_ =	sdelay $0x1  }
0x67: {  	s0 =	rddreg [dreg:$0xf]  }
0x68: {  	[tilespmem:s0], [sflag:$0x1] =	stream.indirect_vreg.gather [hbm4b:s3+s2], $0x80, v4, vm0, $0xb8;
	[tilespmem:$0x10100] =	vst v63  }
0x69: {  	s4 =	rddreg [dreg:$0x10]  }
0x6a: {  	[tilespmem:s4], [sflag:$0x1] =	stream.indirect_vreg.gather [hbm4b:s3+s2], $0x80, v3, vm0, $0xb8;
	[tilespmem:$0x10100] =	vst v63  }
0x6b: {  	v3 =	vld [tilespmem:$0x60];
	_ =	sdelay $0x4  }
0x6c: {  	v54 =	vshll.u32 v3, $0x1  }
0x6d: {  	v3 =	vand.u32 $0x7, v3;
	v4 =	vand.u32 $0xFFFFFFF0, v54  }
0x6e: {  	v3 =	vor.u32 v3, v4  }
0x6f: {  	v4 =	vperm.xlane v3, v0;
	_ =	sdelay $0x1  }
0x70: {  	v3 =	vperm.xlane v3, v2;
	v4 =	vadd.s32 v1, v4;
	_ =	sdelay $0x1  }
0x71: {  	v3 =	vadd.s32 v1, v3;
	_ =	sdelay $0x1  }
0x72: {  	s0 =	rddreg [dreg:$0x11]  }
0x73: {  	[tilespmem:s0], [sflag:$0x1] =	stream.indirect_vreg.gather [hbm4b:s3+s2], $0x80, v4, vm0, $0xb8;
	[tilespmem:$0x10100] =	vst v63  }
0x74: {  	s4 =	rddreg [dreg:$0x12]  }
0x75: {  	[tilespmem:s4], [sflag:$0x1] =	stream.indirect_vreg.gather [hbm4b:s3+s2], $0x80, v3, vm0, $0xb8;
	[tilespmem:$0x10100] =	vst v63  }
0x76: {  	v3 =	vld [tilespmem:$0x70];
	_ =	sdelay $0x4  }
0x77: {  	v55 =	vshll.u32 v3, $0x1  }
0x78: {  	v3 =	vand.u32 $0x7, v3;
	v4 =	vand.u32 $0xFFFFFFF0, v55  }
0x79: {  	v3 =	vor.u32 v3, v4  }
0x7a: {  	v4 =	vperm.xlane v3, v0;
	_ =	sdelay $0x1  }
0x7b: {  	v3 =	vperm.xlane v3, v2;
	v4 =	vadd.s32 v1, v4;
	_ =	sdelay $0x1  }
0x7c: {  	v3 =	vadd.s32 v1, v3;
	_ =	sdelay $0x1  }
0x7d: {  	s4 =	rddreg [dreg:$0x13]  }
0x7e: {  	[tilespmem:s4], [sflag:$0x1] =	stream.indirect_vreg.gather [hbm4b:s3+s2], $0x80, v4, vm0, $0xb8;
	[tilespmem:$0x10100] =	vst v63  }
0x7f: {  	_ = 	snop  }
0x80: {  	[tilespmem:s9], [sflag:$0x1] =	stream.indirect_vreg.gather [hbm4b:s3+s2], $0x80, v3, vm0, $0xb8;
	[tilespmem:$0x10100] =	vst v63  }
0x81: {  	v3 =	vld [tilespmem:$0x8080];
	_ =	sdelay $0x4  }
0x82: {  	v56 =	vshll.u32 v3, $0x1  }
0x83: {  	v3 =	vand.u32 $0x7, v3;
	v4 =	vand.u32 $0xFFFFFFF0, v56  }
0x84: {  	v3 =	vor.u32 v3, v4  }
0x85: {  	v4 =	vperm.xlane v3, v0;
	_ =	sdelay $0x1  }
0x86: {  	v3 =	vperm.xlane v3, v2;
	v4 =	vadd.s32 v1, v4;
	_ =	sdelay $0x1  }
0x87: {  	v3 =	vadd.s32 v1, v3;
	_ =	sdelay $0x2  }
0x88: {  	[tilespmem:s10], [sflag:$0x2] =	stream.indirect_vreg.gather [hbm4b:s3+s2], $0x80, v4, vm0, $0xb8;
	[tilespmem:$0x10100] =	vst v63  }
0x89: {  	_ = 	snop  }
0x8a: {  	[tilespmem:s11], [sflag:$0x2] =	stream.indirect_vreg.gather [hbm4b:s3+s2], $0x80, v3, vm0, $0xb8;
	[tilespmem:$0x10100] =	vst v63  }
0x8b: {  	v3 =	vld [tilespmem:$0x8090];
	_ =	sdelay $0x4  }
0x8c: {  	v57 =	vshll.u32 v3, $0x1  }
0x8d: {  	v3 =	vand.u32 $0x7, v3;
	v4 =	vand.u32 $0xFFFFFFF0, v57  }
0x8e: {  	v3 =	vor.u32 v3, v4  }
0x8f: {  	v4 =	vperm.xlane v3, v0;
	_ =	sdelay $0x1  }
0x90: {  	v3 =	vperm.xlane v3, v2;
	v4 =	vadd.s32 v1, v4;
	_ =	sdelay $0x1  }
0x91: {  	v3 =	vadd.s32 v1, v3;
	_ =	sdelay $0x2  }
0x92: {  	[tilespmem:s12], [sflag:$0x2] =	stream.indirect_vreg.gather [hbm4b:s3+s2], $0x80, v4, vm0, $0xb8;
	[tilespmem:$0x10100] =	vst v63  }
0x93: {  	_ = 	snop  }
0x94: {  	[tilespmem:s13], [sflag:$0x2] =	stream.indirect_vreg.gather [hbm4b:s3+s2], $0x80, v3, vm0, $0xb8;
	[tilespmem:$0x10100] =	vst v63  }
0x95: {  	v3 =	vld [tilespmem:$0x80A0];
	_ =	sdelay $0x4  }
0x96: {  	v58 =	vshll.u32 v3, $0x1  }
0x97: {  	v3 =	vand.u32 $0x7, v3;
	v4 =	vand.u32 $0xFFFFFFF0, v58  }
0x98: {  	v3 =	vor.u32 v3, v4  }
0x99: {  	v4 =	vperm.xlane v3, v0;
	_ =	sdelay $0x1  }
0x9a: {  	v3 =	vperm.xlane v3, v2;
	v4 =	vadd.s32 v1, v4;
	_ =	sdelay $0x1  }
0x9b: {  	v3 =	vadd.s32 v1, v3;
	_ =	sdelay $0x2  }
0x9c: {  	[tilespmem:s14], [sflag:$0x2] =	stream.indirect_vreg.gather [hbm4b:s3+s2], $0x80, v4, vm0, $0xb8;
	[tilespmem:$0x10100] =	vst v63  }
0x9d: {  	_ = 	snop  }
0x9e: {  	[tilespmem:s15], [sflag:$0x2] =	stream.indirect_vreg.gather [hbm4b:s3+s2], $0x80, v3, vm0, $0xb8;
	[tilespmem:$0x10100] =	vst v63  }
0x9f: {  	v3 =	vld [tilespmem:$0x80B0];
	_ =	sdelay $0x4  }
0xa0: {  	v59 =	vshll.u32 v3, $0x1  }
0xa1: {  	v3 =	vand.u32 $0x7, v3;
	v4 =	vand.u32 $0xFFFFFFF0, v59  }
0xa2: {  	v3 =	vor.u32 v3, v4  }
0xa3: {  	v4 =	vperm.xlane v3, v0;
	_ =	sdelay $0x1  }
0xa4: {  	v3 =	vperm.xlane v3, v2;
	v4 =	vadd.s32 v1, v4;
	_ =	sdelay $0x1  }
0xa5: {  	v3 =	vadd.s32 v1, v3;
	_ =	sdelay $0x2  }
0xa6: {  	[tilespmem:s16], [sflag:$0x2] =	stream.indirect_vreg.gather [hbm4b:s3+s2], $0x80, v4, vm0, $0xb8;
	[tilespmem:$0x10100] =	vst v63  }
0xa7: {  	_ = 	snop  }
0xa8: {  	[tilespmem:s17], [sflag:$0x2] =	stream.indirect_vreg.gather [hbm4b:s3+s2], $0x80, v3, vm0, $0xb8;
	[tilespmem:$0x10100] =	vst v63  }
0xa9: {  	v3 =	vld [tilespmem:$0x80C0];
	_ =	sdelay $0x4  }
0xaa: {  	v60 =	vshll.u32 v3, $0x1  }
0xab: {  	v3 =	vand.u32 $0x7, v3;
	v4 =	vand.u32 $0xFFFFFFF0, v60  }
0xac: {  	v3 =	vor.u32 v3, v4  }
0xad: {  	v4 =	vperm.xlane v3, v0;
	_ =	sdelay $0x1  }
0xae: {  	v3 =	vperm.xlane v3, v2;
	v4 =	vadd.s32 v1, v4;
	_ =	sdelay $0x1  }
0xaf: {  	v3 =	vadd.s32 v1, v3;
	_ =	sdelay $0x2  }
0xb0: {  	[tilespmem:s18], [sflag:$0x2] =	stream.indirect_vreg.gather [hbm4b:s3+s2], $0x80, v4, vm0, $0xb8;
	[tilespmem:$0x10100] =	vst v63  }
0xb1: {  	_ = 	snop  }
0xb2: {  	[tilespmem:s19], [sflag:$0x2] =	stream.indirect_vreg.gather [hbm4b:s3+s2], $0x80, v3, vm0, $0xb8;
	[tilespmem:$0x10100] =	vst v63  }
0xb3: {  	v3 =	vld [tilespmem:$0x80D0];
	_ =	sdelay $0x4  }
0xb4: {  	v61 =	vshll.u32 v3, $0x1  }
0xb5: {  	v3 =	vand.u32 $0x7, v3;
	v4 =	vand.u32 $0xFFFFFFF0, v61  }
0xb6: {  	v3 =	vor.u32 v3, v4  }
0xb7: {  	v4 =	vperm.xlane v3, v0;
	_ =	sdelay $0x1  }
0xb8: {  	v3 =	vperm.xlane v3, v2;
	v4 =	vadd.s32 v1, v4;
	_ =	sdelay $0x1  }
0xb9: {  	v3 =	vadd.s32 v1, v3;
	_ =	sdelay $0x2  }
0xba: {  	[tilespmem:s20], [sflag:$0x2] =	stream.indirect_vreg.gather [hbm4b:s3+s2], $0x80, v4, vm0, $0xb8;
	[tilespmem:$0x10100] =	vst v63  }
0xbb: {  	_ = 	snop  }
0xbc: {  	[tilespmem:s21], [sflag:$0x2] =	stream.indirect_vreg.gather [hbm4b:s3+s2], $0x80, v3, vm0, $0xb8;
	[tilespmem:$0x10100] =	vst v63  }
0xbd: {  	v3 =	vld [tilespmem:$0x80E0];
	_ =	sdelay $0x4  }
0xbe: {  	v62 =	vshll.u32 v3, $0x1  }
0xbf: {  	v3 =	vand.u32 $0x7, v3;
	v4 =	vand.u32 $0xFFFFFFF0, v62  }
0xc0: {  	v3 =	vor.u32 v3, v4  }
0xc1: {  	v4 =	vperm.xlane v3, v0;
	_ =	sdelay $0x1  }
0xc2: {  	v3 =	vperm.xlane v3, v2;
	v4 =	vadd.s32 v1, v4;
	_ =	sdelay $0x1  }
0xc3: {  	v3 =	vadd.s32 v1, v3;
	_ =	sdelay $0x2  }
0xc4: {  	[tilespmem:s22], [sflag:$0x2] =	stream.indirect_vreg.gather [hbm4b:s3+s2], $0x80, v4, vm0, $0xb8;
	[tilespmem:$0x10100] =	vst v63  }
0xc5: {  	_ = 	snop  }
0xc6: {  	[tilespmem:s23], [sflag:$0x2] =	stream.indirect_vreg.gather [hbm4b:s3+s2], $0x80, v3, vm0, $0xb8;
	[tilespmem:$0x10100] =	vst v63  }
0xc7: {  	v3 =	vld [tilespmem:$0x80F0];
	_ =	sdelay $0x4  }
0xc8: {  	v63 =	vshll.u32 v3, $0x1  }
0xc9: {  	v3 =	vand.u32 $0x7, v3;
	v4 =	vand.u32 $0xFFFFFFF0, v63  }
0xca: {  	v3 =	vor.u32 v3, v4  }
0xcb: {  	v4 =	vperm.xlane v3, v0;
	_ =	sdelay $0x1  }
0xcc: {  	v3 =	vperm.xlane v3, v2;
	v4 =	vadd.s32 v1, v4;
	_ =	sdelay $0x1  }
0xcd: {  	v3 =	vadd.s32 v1, v3;
	_ =	sdelay $0x2  }
0xce: {  	[tilespmem:s24], [sflag:$0x2] =	stream.indirect_vreg.gather [hbm4b:s3+s2], $0x80, v4, vm0, $0xb8;
	[tilespmem:$0x10100] =	vst v63  }
0xcf: {  	_ = 	snop  }
0xd0: {  	[tilespmem:s25], [sflag:$0x2] =	stream.indirect_vreg.gather [hbm4b:s3+s2], $0x80, v3, vm0, $0xb8;
	[tilespmem:$0x10100] =	vst v63  }
0xd1: {  	_ =	swait.ge [sflag:s26], $0x8000  }
0xd2: {  	[sflag:s26] =	ssyncset.done $0x0  }
0xd3: {  	[sflag:s26] =	ssyncadd.s32 $0xFFFF8000  }
0xd4: {  	[hbm4b:s31+s2] =	stream.linear.scatter [tilespmem:s8], [sflag:$0x3], $0x8000, $0x38;
	[tilespmem:$0x10100] =	vst v63  }
0xd5: {  	_ =	swait.ge [sflag:s7], $0x8000  }
0xd6: {  	[sflag:s7] =	ssyncset.done $0x0  }
0xd7: {  	[sflag:s7] =	ssyncadd.s32 $0xFFFF8000  }
0xd8: {  	_ =	swait.ge [sflag:s28], $0x8000  }
0xd9: {  	p0 =	sne.s32 s1, $0x4E0;
	[sflag:s28] =	ssyncset.done $0x0  }
.Ltmp0:
0xda: {  	[sflag:s28] =	ssyncadd.s32 $0xFFFF8000;
	(pc) =	sbr.rel @p0 .LBB2_2-.Ltmp0, $4  }
0xdb: {  	[hbm4b:s30+s2] =	stream.linear.scatter [tilespmem:s10], [sflag:$0x3], $0x8000, $0x38;
	[tilespmem:$0x10100] =	vst v63  }
0xdc: {  	_ =	swait.ge [sflag:s7], $0x8000  }
0xdd: {  	s1 =	sadd.s32 $0x10, s1;
	[sflag:s7] =	ssyncset.done $0x0  }
0xde: {  	s31 =	sadd.s32 $0x1000, s31;
	s30 =	sadd.s32 $0x1000, s30;
	[sflag:s7] =	ssyncadd.s32 $0xFFFF8000  }
0xdf: {  	s29 =	sadd.s32 $0x1, s29;
	s0 =	rddreg [dreg:$0x14]  }
0xe0: {  	p0 =	sne.s32 s29, s0  }
.Ltmp1:
0xe1: {  	_ = 	snop;
	(pc) =	sbr.rel @p0 .LBB2_1-.Ltmp1, $1  }
0xe2: {  	_ =	sdelay $0x3  }
0xe3: {  	_ =	sfence.sel $0x180000  }
0xe4: {  	[bflag:$0x0] =	sbarrier.arrive $0xFFFF  }
0xe5: {  	_ =	strace $0x90000059  }
0xe6: {  	s0 =	stileid.u32;
	[bflag:$0x2] =	sbarrier.arrive $0xFFFF  }
0xe7: {  	p0 =	sne.s32 s0, $0x0;
	s0 =	rddreg [dreg:$0x2]  }
0xe8: {  	s0 =	sadd.s32 @!p0 $0x100000, s0  }
0xe9: {  	[sflag:s0] =	ssyncadd.tile.s32 @!p0 $0x1;
	_ =	shalt  }
.Lfunc_end2:
_tile_overlayer_lowered:
.L_overlay_start_2:
0xea: {  	(tag) =	ssettag $0x2  }
0xeb: {  	s0 =	rddreg [dreg:$0x0];
	s2 =	stileid.u32  }
0xec: {  	s1 =	rddreg [dreg:$0x1];
	p0 =	sne.s32 s2, $0x0  }
0xed: {  	s3 =	rddreg [dreg:$0x2];
	[bflag:$0x3] =	sbarrier.arrive $0xFFFF;
	s2 =	simm.s32 @!p0 $0x1C03  }
0xee: {  	[timem:s3], [sflag:s2] =	dma.local @!p0 [hbm:s0], s1  }
0xef: {  	s0 =	simm.s32 @!p0 $0x3  }
0xf0: {  	_ =	swait.ge @!p0 [sflag:s0], s1  }
0xf1: {  	s1 =	ssub.s32 @!p0 $0x0, s1;
	[sflag:s0] =	ssyncset.done @!p0 $0x0  }
0xf2: {  	[sflag:s0] =	ssyncadd.s32 @!p0 s1  }
0xf3: {  	[bflag:$0x3] =	sbarrier.arrive $0xFFFF  }
0xf4: {  	_ =	shalt  }

// kernel: kernel.41.cloned.1.call-start
scs
__scs_entry_jumppad:
0x0: {  	(pc) =	sbr.rel $0x88, $3  }
0x1: {  	(tag) =	ssettag $0x0;
	lr =	simm.s32 $0x1  }
0x2: {  	[smem:$0x3F41] =	sst lr;
	_ =	strace $0xD0000000  }
0x3: {  	_ = 	snop  }
0x4: {  	_ = 	snop  }
0x5: {  	_ = 	snop  }
0x6: {  	_ = 	snop  }
0x7: {  	_ = 	snop  }
__scs_overlays_trampoline_lowered:
0x8: {  	[smem:$0x3F50] =	sst s0  }
0x9: {  	[smem:$0x3F51] =	sst s1  }
0xa: {  	[smem:$0x3F52] =	sst s2  }
0xb: {  	[smem:$0x3F53] =	sst s3  }
0xc: {  	[smem:$0x3F54] =	sst s4  }
0xd: {  	[smem:$0x3F55] =	sst s5  }
0xe: {  	[smem:$0x3F56] =	sst s6  }
0xf: {  	[smem:$0x3F57] =	sst s7  }
0x10: {  	[smem:$0x3F58] =	sst s8  }
0x11: {  	[smem:$0x3F59] =	sst s9;
	s0 =	simm.s32 @!p0 $0x0  }
0x12: {  	s1 =	sld [smem:$0x3F3F];
	s0 =	simm.s32 @p0 $0x1  }
0x13: {  	[smem:$0x3F5A] =	sst s0;
	s0 =	simm.s32 @!p1 $0x0  }
0x14: {  	s2 =	sld [smem:$0x3F3E];
	s0 =	simm.s32 @p1 $0x1  }
0x15: {  	[smem:$0x3F5B] =	sst s0;
	s0 =	simm.s32 @!p2 $0x0  }
0x16: {  	s3 =	sld [smem:$0x3FDB];
	s0 =	simm.s32 @p2 $0x1  }
0x17: {  	s4 =	simm.s32 $0x1BF5;
	[smem:$0x3F5D] =	sst s0  }
0x18: {  	s0 =	sld [smem:$0x3F40];
	_ =	swait.ge [sflag:s4], $0x0  }
0x19: {  	s7 =	sld [smem:$0x3F41]  }
0x1a: {  	s8 =	sadd.s32 $0xFFFFE003, lr  }
0x1b: {  	s9 =	sadd.s32 $0xFFFFFEF7, lr;
	s5 =	simm.s32 $0xFFFFFFFF;
	p2 =	slt.u32 s8, $0xFFFFF086  }
0x1c: {  	p1 =	slt.u32 s9, $0xF7A;
	s5 =	simm.s32 @!p2 $0x0  }
0x1d: {  	s5 =	simm.s32 @p1 $0x1;
	p0 =	seq.s32 s7, s2  }
0x1e: {  	s7 =	smul.u32 @!p0 $0xF7A, s2;
	p2 =	seq.s32 @!p0 s5, $0x0  }
0x1f: {  	s9 =	smul.u32 $0xF7A, s1;
	s8 =	simm.s32 @!p0 $0x1BF5;
	p2 =	por !p2, p0  }
0x20: {  	[sflag:s8] =	ssyncset.s32 @!p0 $0xFFFFF086;
	s6 =	sadd.s32 @!p0 s3, s7;
	s7 =	simm.s32 @!p0 $0x108  }
0x21: {  	s3 =	sadd.s32 s3, s9;
	s6 =	sadd.s32 @!p0 $0x88, s6;
	s7 =	simm.s32 @p2 $0x1082  }
0x22: {  	[simem:s7], [sflag:s8] =	dma.local @!p0 [hbm:s6], $0xF7A  }
0x23: {  	s9 =	sor.u32 $0xD0000000, s2;
	s6 =	simm.s32 $0x108;
	_ =	swait.ge @!p0 [sflag:s8], $0x0  }
0x24: {  	s3 =	sadd.s32 $0x88, s3;
	s6 =	simm.s32 @!p1 $0x1082;
	[sflag:s4] =	ssyncset.s32 $0xFFFFF086  }
0x25: {  	[simem:s6], [sflag:s4] =	dma.local [hbm:s3], $0xF7A  }
0x26: {  	[smem:$0x3F41] =	sst s1;
	(tag) =	ssettag s2;
	_ =	strace s9  }
0x27: {  	s1 =	sld [smem:$0x3F51]  }
0x28: {  	s2 =	sld [smem:$0x3F52]  }
0x29: {  	s4 =	sld [smem:$0x3F54]  }
0x2a: {  	p0 =	seq.s32 s5, $0x0;
	s5 =	sld [smem:$0x3F55]  }
0x2b: {  	s6 =	sld [smem:$0x3F56]  }
0x2c: {  	s7 =	sld [smem:$0x3F57]  }
0x2d: {  	s3 =	simm.s32 $0x108;
	s8 =	sld [smem:$0x3F58]  }
0x2e: {  	s3 =	simm.s32 @!p0 $0x1082;
	s9 =	sld [smem:$0x3F59]  }
0x2f: {  	lr =	sadd.s32 s0, s3;
	s0 =	sld [smem:$0x3F50]  }
0x30: {  	s3 =	sld [smem:$0x3F53]  }
0x31: {  	[smem:$0x3F5C] =	sst s10  }
0x32: {  	s10 =	sld [smem:$0x3F5A];
	_ =	sdelay $0x3  }
0x33: {  	p0 =	seq.s32 s10, $0x1;
	s10 =	sld [smem:$0x3F5C];
	_ =	sdelay $0x3  }
0x34: {  	[smem:$0x3F5C] =	sst s10  }
0x35: {  	s10 =	sld [smem:$0x3F5B];
	_ =	sdelay $0x3  }
0x36: {  	p1 =	seq.s32 s10, $0x1;
	s10 =	sld [smem:$0x3F5C];
	_ =	sdelay $0x3  }
0x37: {  	[smem:$0x3F5C] =	sst s10  }
0x38: {  	s10 =	sld [smem:$0x3F5D]  }
0x39: {  	_ = 	snop;
	(pc) =	sbr.ind lr, $3  }
0x3a: {  	_ = 	snop  }
0x3b: {  	_ = 	snop  }
0x3c: {  	p2 =	seq.s32 s10, $0x1;
	s10 =	sld [smem:$0x3F5C]  }
0x3d: {  	_ =	shalt  }
0x3e: {  	_ =	shalt  }
0x3f: {  	_ =	shalt  }
0x40: {  	_ =	shalt  }
0x41: {  	_ =	shalt  }
0x42: {  	_ =	shalt  }
0x43: {  	_ =	shalt  }
0x44: {  	_ =	shalt  }
0x45: {  	_ =	shalt  }
0x46: {  	_ =	shalt  }
0x47: {  	_ =	shalt  }
0x48: {  	_ =	shalt  }
0x49: {  	_ =	shalt  }
0x4a: {  	_ =	shalt  }
0x4b: {  	_ =	shalt  }
0x4c: {  	_ =	shalt  }
0x4d: {  	_ =	shalt  }
0x4e: {  	_ =	shalt  }
0x4f: {  	_ =	shalt  }
0x50: {  	_ =	shalt  }
0x51: {  	_ =	shalt  }
0x52: {  	_ =	shalt  }
0x53: {  	_ =	shalt  }
0x54: {  	_ =	shalt  }
0x55: {  	_ =	shalt  }
0x56: {  	_ =	shalt  }
0x57: {  	_ =	shalt  }
0x58: {  	_ =	shalt  }
0x59: {  	_ =	shalt  }
0x5a: {  	_ =	shalt  }
0x5b: {  	_ =	shalt  }
0x5c: {  	_ =	shalt  }
0x5d: {  	_ =	shalt  }
0x5e: {  	_ =	shalt  }
0x5f: {  	_ =	shalt  }
0x60: {  	_ =	shalt  }
0x61: {  	_ =	shalt  }
0x62: {  	_ =	shalt  }
0x63: {  	_ =	shalt  }
0x64: {  	_ =	shalt  }
0x65: {  	_ =	shalt  }
0x66: {  	_ =	shalt  }
0x67: {  	_ =	shalt  }
0x68: {  	_ =	shalt  }
0x69: {  	_ =	shalt  }
0x6a: {  	_ =	shalt  }
0x6b: {  	_ =	shalt  }
0x6c: {  	_ =	shalt  }
0x6d: {  	_ =	shalt  }
0x6e: {  	_ =	shalt  }
0x6f: {  	_ =	shalt  }
0x70: {  	_ =	shalt  }
0x71: {  	_ =	shalt  }
0x72: {  	_ =	shalt  }
0x73: {  	_ =	shalt  }
0x74: {  	_ =	shalt  }
0x75: {  	_ =	shalt  }
0x76: {  	_ =	shalt  }
0x77: {  	_ =	shalt  }
0x78: {  	_ =	shalt  }
0x79: {  	_ =	shalt  }
0x7a: {  	_ =	shalt  }
0x7b: {  	_ =	shalt  }
0x7c: {  	_ =	shalt  }
0x7d: {  	_ =	shalt  }
0x7e: {  	_ =	shalt  }
0x7f: {  	_ =	shalt  }
0x80: {  	_ =	shalt  }
0x81: {  	_ =	shalt  }
0x82: {  	_ =	shalt  }
0x83: {  	_ =	shalt  }
0x84: {  	_ =	shalt  }
0x85: {  	_ =	shalt  }
0x86: {  	_ =	shalt  }
0x87: {  	_ =	shalt  }
.Lfunc_end0:
.L_simem_size_0:
called_computation.7_lowered:
.L_overlay_start_0:
0x88: {  	s2 =	sld [smem:$0x3FD9]  }
0x89: {  	s3 =	sld [smem:$0x3FFE];
	_ =	sdelay $0x1  }
0x8a: {  	s1 =	srdreg.scid  }
0x8b: {  	s0 =	sand.u32 $0x1, s1  }
0x8c: {  	s17 =	sshll.u32 s0, $0xA;
	s2 =	sadd.s32 s3, s2  }
0x8d: {  	s2 =	sadd.s32 s2, s17  }
0x8e: {  	[smem:$0x3F68] =	sst s2  }
0x8f: {  	_ = 	snop  }
0x90: {  	(tm) =	ssettm $0x1  }
0x91: {  	s18 =	sld [smem:$0x3FFB];
	_ =	sdelay $0x3  }
0x92: {  	_ =	strace s18  }
0x93: {  	s2 =	sld [smem:$0x3FFC];
	_ =	sdelay $0x3  }
0x94: {  	_ =	strace s2  }
0x95: {  	s2 =	sld [smem:$0x3FFD];
	_ =	sdelay $0x3  }
0x96: {  	_ =	strace s2  }
0x97: {  	_ =	strace $0x8FFFFFFF  }
0x98: {  	s19 =	sld [smem:$0x3FDB];
	_ =	sdelay $0x1  }
0x99: {  	s20 =	simm.s32 $_scs_section_size  }
0x9a: {  	s4 =	simm.s32 $_size__tile_overlayer_lowered;
	s5 =	simm.s32 $_tile_overlayer_lowered  }
0x9b: {  	s6 =	simm.s32 $0x1BFF;
	s21 =	sshll.u32 s5, $0x1;
	s3 =	sadd.s32 s20, s19  }
0x9c: {  	s22 =	simm.s32 $0x0;
	s4 =	sshll.u32 s4, $0x1;
	s5 =	sadd.s32 s21, s3  }
0x9d: {  	[timem:s22], [sflag:s6] =	dma.local [hbm:s5], s4  }
0x9e: {  	_ =	swait.ge [sflag:s6], s4  }
0x9f: {  	s4 =	ssub.s32 $0x0, s4;
	[sflag:s6] =	ssyncset.done $0x0  }
0xa0: {  	[sflag:s6] =	ssyncadd.s32 s4;
	_ =	sdelay $0x1  }
0xa1: {  	s23 =	simm.s32 $0x1B8B  }
0xa2: {  	_ =	swait.ge [sflag:s23], $0x1  }
0xa3: {  	[sflag:s23] =	ssyncset.done $0x0  }
0xa4: {  	[sflag:s23] =	ssyncadd.s32 $0xFFFFFFFF  }
0xa5: {  	s4 =	sld [smem:$0x0]  }
0xa6: {  	s5 =	sand.u32 $0xFFFFFFFE, s1  }
0xa7: {  	p0 =	sne.s32 s1, s5  }
0xa8: {  	s5 =	sshll.u32 @p0 s5, $0xE  }
0xa9: {  	s5 =	sadd.s32 @p0 $0x11B8D, s5;
	s6 =	sshll.u32 @p0 s4, $0x11  }
0xaa: {  	s5 =	sor.u32 @p0 s6, s5  }
0xab: {  	[sflag:s5] =	ssyncadd.remote.s32 @p0 $0x1;
	_ =	sdelay $0x1  }
0xac: {  	s5 =	simm.s32 @p0 $0x1B8D  }
0xad: {  	_ =	swait.eq @p0 [sflag:s5], $0x1  }
0xae: {  	[sflag:s5] =	ssyncadd.s32 @p0 $0xFFFFFFFF  }
0xaf: {  	s6 =	sshll.u32 @!p0 s1, $0xE  }
0xb0: {  	s6 =	sor.u32 @!p0 $0x4000, s6;
	s5 =	simm.s32 @!p0 $0x1B8D  }
0xb1: {  	s4 =	sshll.u32 @!p0 s4, $0x11;
	s6 =	sadd.s32 @!p0 $0x11B8D, s6;
	_ =	swait.eq @!p0 [sflag:s5], $0x1  }
0xb2: {  	s4 =	sor.u32 @!p0 s4, s6;
	[sflag:s5] =	ssyncadd.s32 @!p0 $0xFFFFFFFF  }
0xb3: {  	s25 =	simm.s32 $0x1B8E;
	s24 =	sld [smem:$0x3FFE];
	[sflag:s4] =	ssyncadd.remote.s32 @!p0 $0x1  }
0xb4: {  	s26 =	simm.s32 $execute0_lowered;
	[smem:$0x3FD2] =	sst s25  }
0xb5: {  	s5 =	sshll.u32 s26, $0x1;
	_ =	strace $0x8000005E;
	[dreg:$0x1] =	wrdreg $0xFFFFFFFF  }
0xb6: {  	s28 =	simm.s32 $_size_execute0_lowered;
	s3 =	sadd.s32 s3, s5;
	[dreg:$0x0] =	wrdreg $0x0  }
0xb7: {  	s5 =	sshll.u32 s28, $0x1;
	[dreg:$0x2] =	wrdreg s3  }
0xb8: {  	[dreg:$0x3] =	wrdreg s5  }
0xb9: {  	[dreg:$0x4] =	wrdreg $0xC0  }
0xba: {  	_ =	task [dreg:s22], $0x5FFFF  }
0xbb: {  	[dreg:$0x1] =	wrdreg $0xFFFFFFFF  }
0xbc: {  	[dreg:$0x0] =	wrdreg $0x60  }
0xbd: {  	[dreg:$0x2] =	wrdreg s24  }
0xbe: {  	[dreg:$0x3] =	wrdreg $0x40800  }
0xbf: {  	[dreg:$0x4] =	wrdreg $0x9  }
0xc0: {  	_ =	task.clear_ibuf [dreg:s22], $0x5FFFF;
	_ =	strace $0x9000005E  }
0xc1: {  	s29 =	simm.s32 $0x9;
	_ =	strace $0x80000060  }
0xc2: {  	_ =	swait.ge [sflag:s29], $0x1  }
0xc3: {  	[sflag:s29] =	ssyncadd.s32 $0xFFFFFFFF  }
0xc4: {  	_ =	strace $0x90000060  }
0xc5: {  	_ =	sfence  }
0xc6: {  	s30 =	sld [smem:$0x0];
	_ =	sdelay $0x2  }
0xc7: {  	s31 =	sshll.u32 s1, $0xD;
	s1 =	sshrl.u32 s1, $0x2  }
0xc8: {  	s4 =	sand.u32 $0x4000, s31;
	s1 =	sadd.s32 s1, s30  }
0xc9: {  	s0 =	sor.u32 s4, s0;
	s1 =	sshll.u32 s1, $0x11  }
0xca: {  	s0 =	sor.u32 s1, s0  }
0xcb: {  	s0 =	sadd.s32 $0x8F2B, s0  }
0xcc: {  	[sflag:s0] =	ssyncadd.remote.s32 $0x1  }
0xcd: {  	_ =	sfence.sel $0xFFFF  }
0xce: {  	[dreg:$0x0] =	wrdreg $0xFFFFFFFF;
	(pc) =	sbr.abs _section_cstart, $3  }
0xcf: {  	[dreg:$0x1] =	wrdreg $0xFFFFFFFF  }
0xd0: {  	_ =	task.clear_ibuf [dreg:s22], $0x2FFFF;
	_ =	strace $0x9FFFFFFF  }
0xd1: {  	(tm) =	ssettm $0x7FFFFFFF  }
tec
execute0_lowered:
.L_overlay_start_1:
0x0: {  	(tag) =	ssettag $0x1  }
0x1: {  	s11 =	stileid.u32  }
0x2: {  	s0 =	srdreg.scid;
	s5 =	rddreg [dreg:$0x0]  }
0x3: {  	s1 =	rddreg [dreg:$0x1];
	s2 =	simm.s32 $0x0;
	s3 =	smul.u32 $0x4F00, s11  }
0x4: {  	s4 =	sand.u32 $0x1, s0;
	s0 =	rddreg [dreg:$0x2];
	s8 =	smul.u32 $0x13C00, s11  }
0x5: {  	[smem:$0x7FF] =	sst s2;
	s9 =	smul.u32 $0x4F000, s11  }
0x6: {  	p0 =	sne.s32 s11, $0x0;
	s11 =	sshll.u32 s11, $0x6;
	s6 =	smul.u32 $0x2780, s4  }
0x7: {  	s7 =	smul.u32 $0x13C000, s4;
	_ =	strace $0x8000005F;
	s30 =	ssub.s32 $0x2, s4  }
0x8: {  	s12 =	smul.u32 $0x27800, s4;
	s11 =	sor.u32 $0x1C01, s11;
	s28 =	sadd.s32 s9, s5  }
0x9: {  	s10 =	sshrl.u32 s30, $0x1;
	s9 =	sshrl.u32 s9, $0x2;
	s3 =	sadd.s32 s6, s3  }
0xa: {  	s26 =	sadd.s32 s8, s7;
	s13 =	sadd.s32 s9, s1;
	s31 =	sadd.s32 s12, s28  }
0xb: {  	s8 =	sshrl.u32 @!p0 s1, $0x3;
	s9 =	simm.s32 $0x1;
	s3 =	sshrl.u32 s3, $0x3  }
0xc: {  	s6 =	sshrl.u32 s26, $0x3;
	s12 =	sshrl.u32 s13, $0x3;
	s13 =	simm.s32 $0x0  }
0xd: {  	s29 =	sadd.s32 s3, s5;
	s3 =	sadd.s32 $0x231FA00, s5;
	s5 =	sadd.s32 s6, s5  }
0xe: {  	s6 =	ssub.s32 s30, s10;
	s10 =	simm.s32 $0x80;
	s4 =	sadd.s32 $0xDEA00, s5  }
0xf: {  	s5 =	smax.u32 s6, $0x1;
	s6 =	sadd.s32 $0xF5FA00, s31;
	s7 =	sadd.s32 $0x85C00, s29  }
.LBB2_1:
0x10: {  	s14 =	simm.s32 @!p0 $0x1C01  }
0x11: {  	[spmem:s8], [sflag:s14] =	dma.local @!p0 [hbm:s3], $0x27800  }
0x12: {  	s14 =	simm.s32 @!p0 $0x1  }
0x13: {  	_ =	swait.ge @!p0 [sflag:s14], $0x27800  }
0x14: {  	[sflag:s14] =	ssyncset.done @!p0 $0x0  }
0x15: {  	[sflag:s14] =	ssyncadd.s32 @!p0 $0xFFFD8800  }
0x16: {  	s31 =	sadd.s32 $0x0, s7;
	[bflag:$0x0] =	sbarrier.arrive $0xFFFF  }
0x17: {  	[tilespmem:s2], [sflag:$0x1] =	stream.linear.gather [hbm4b:s31+s2], $0x80, $0x38;
	[tilespmem:$0x17C80] =	vst v63  }
0x18: {  	_ =	swait.ge [sflag:s9], $0x80  }
0x19: {  	[sflag:s9] =	ssyncset.done $0x0  }
0x1a: {  	[sflag:s9] =	ssyncadd.s32 $0xFFFFFF80  }
0x1b: {  	[tilespmem:s10], [sflag:$0x1] =	stream.linear.gather [hbm4b:s6+s2], $0x4000, $0x38;
	[tilespmem:$0x17C80] =	vst v63  }
0x1c: {  	_ =	swait.ge [sflag:s9], $0x4000  }
0x1d: {  	[sflag:s9] =	ssyncset.done $0x0  }
0x1e: {  	[sflag:s9] =	ssyncadd.s32 $0xFFFFC000  }
0x1f: {  	[spmem:s1] =	stream.indirect.scatter.add.f32 [tilespmem:s10], [sflag:$0x1], $0x80, s2, s10, $0xb8;
	[tilespmem:$0x17C80] =	vst v63  }
0x20: {  	s15 =	simm.s32 $0x10;
	_ =	swait.ge [sflag:s9], $0x4000  }
0x21: {  	s16 =	simm.s32 $0x20;
	s14 =	sadd.s32 $0x800, s6;
	[sflag:s9] =	ssyncset.done $0x0  }
.LBB2_2:
0x22: {  	s17 =	sadd.s32 s15, s7  }
0x23: {  	[sflag:s9] =	ssyncadd.s32 $0xFFFFC000;
	s15 =	smov.u32 s16;
	s18 =	sadd.s32 $0x10, s16  }
0x24: {  	[tilespmem:s2], [sflag:$0x1] =	stream.linear.gather [hbm4b:s17+s2], $0x80, $0x38;
	[tilespmem:$0x17C80] =	vst v63  }
0x25: {  	p1 =	sne.s32 s16, $0x4E0;
	_ =	swait.ge [sflag:s9], $0x80  }
0x26: {  	[sflag:s9] =	ssyncset.done $0x0  }
0x27: {  	[sflag:s9] =	ssyncadd.s32 $0xFFFFFF80  }
0x28: {  	[tilespmem:s10], [sflag:$0x1] =	stream.linear.gather [hbm4b:s14+s2], $0x4000, $0x38;
	[tilespmem:$0x17C80] =	vst v63  }
0x29: {  	_ =	swait.ge [sflag:s9], $0x4000  }
.Ltmp0:
0x2a: {  	[sflag:s9] =	ssyncset.done $0x0;
	(pc) =	sbr.rel @p1 .LBB2_2-.Ltmp0, $4  }
0x2b: {  	[sflag:s9] =	ssyncadd.s32 $0xFFFFC000  }
0x2c: {  	[spmem:s1] =	stream.indirect.scatter.add.f32 [tilespmem:s10], [sflag:$0x1], $0x80, s2, s10, $0xb8;
	[tilespmem:$0x17C80] =	vst v63  }
0x2d: {  	_ =	swait.ge [sflag:s9], $0x4000  }
0x2e: {  	s16 =	smov.u32 s18;
	s14 =	sadd.s32 $0x800, s14;
	[sflag:s9] =	ssyncset.done $0x0  }
0x2f: {  	s15 =	sadd.s32 s15, s7;
	[sflag:s9] =	ssyncadd.s32 $0xFFFFC000  }
0x30: {  	[tilespmem:s2], [sflag:$0x1] =	stream.linear.gather [hbm4b:s15+s2], $0x80, $0x38;
	[tilespmem:$0x17C80] =	vst v63  }
0x31: {  	_ =	swait.ge [sflag:s9], $0x80  }
0x32: {  	[sflag:s9] =	ssyncset.done $0x0  }
0x33: {  	[sflag:s9] =	ssyncadd.s32 $0xFFFFFF80  }
0x34: {  	[tilespmem:s10], [sflag:$0x1] =	stream.linear.gather [hbm4b:s14+s2], $0x4000, $0x38;
	[tilespmem:$0x17C80] =	vst v63  }
0x35: {  	_ =	swait.ge [sflag:s9], $0x4000  }
0x36: {  	[sflag:s9] =	ssyncset.done $0x0  }
0x37: {  	[sflag:s9] =	ssyncadd.s32 $0xFFFFC000  }
0x38: {  	[spmem:s1] =	stream.indirect.scatter.add.f32 [tilespmem:s10], [sflag:$0x1], $0x80, s2, s10, $0xb8;
	[tilespmem:$0x17C80] =	vst v63  }
0x39: {  	_ =	swait.ge [sflag:s9], $0x4000  }
0x3a: {  	s13 =	sadd.s32 $0x1, s13;
	[sflag:s9] =	ssyncset.done $0x0  }
0x3b: {  	p1 =	sne.s32 s13, s5;
	[sflag:s9] =	ssyncadd.s32 $0xFFFFC000  }
.Ltmp1:
0x3c: {  	[bflag:$0x0] =	sbarrier.arrive $0xFFFF;
	(pc) =	sbr.rel @p1 .LBB2_1-.Ltmp1, $4  }
0x3d: {  	[hbm:s4], [sflag:s11] =	dma.local [spmem:s12], $0x2780  }
0x3e: {  	_ =	swait.ge [sflag:s9], $0x2780  }
0x3f: {  	[sflag:s9] =	ssyncset.done $0x0  }
0x40: {  	[sflag:s9] =	ssyncadd.s32 $0xFFFFD880  }
0x41: {  	_ =	sfence.sel $0x180000  }
0x42: {  	[bflag:$0x0] =	sbarrier.arrive $0xFFFF  }
0x43: {  	_ =	strace $0x9000005F  }
0x44: {  	s0 =	sadd.s32 @!p0 $0x100000, s0;
	[bflag:$0x2] =	sbarrier.arrive $0xFFFF  }
0x45: {  	[sflag:s0] =	ssyncadd.tile.s32 @!p0 $0x1;
	_ =	shalt  }
.Lfunc_end2:
_tile_overlayer_lowered:
.L_overlay_start_2:
0x46: {  	(tag) =	ssettag $0x2  }
0x47: {  	s0 =	rddreg [dreg:$0x0];
	s2 =	stileid.u32  }
0x48: {  	s1 =	rddreg [dreg:$0x1];
	p0 =	sne.s32 s2, $0x0  }
0x49: {  	s3 =	rddreg [dreg:$0x2];
	[bflag:$0x3] =	sbarrier.arrive $0xFFFF;
	s2 =	simm.s32 @!p0 $0x1C01  }
0x4a: {  	[timem:s3], [sflag:s2] =	dma.local @!p0 [hbm:s0], s1  }
0x4b: {  	s0 =	simm.s32 @!p0 $0x1  }
0x4c: {  	_ =	swait.ge @!p0 [sflag:s0], s1  }
0x4d: {  	s1 =	ssub.s32 @!p0 $0x0, s1;
	[sflag:s0] =	ssyncset.done @!p0 $0x0  }
0x4e: {  	[sflag:s0] =	ssyncadd.s32 @!p0 s1  }
0x4f: {  	[bflag:$0x3] =	sbarrier.arrive $0xFFFF  }
0x50: {  	_ =	shalt  }

// kernel: kernel.44.cloned.1.call-start
scs
__scs_entry_jumppad:
0x0: {  	(pc) =	sbr.rel $0x88, $3  }
0x1: {  	(tag) =	ssettag $0x0;
	lr =	simm.s32 $0x1  }
0x2: {  	[smem:$0x3F41] =	sst lr;
	_ =	strace $0xD0000000  }
0x3: {  	_ = 	snop  }
0x4: {  	_ = 	snop  }
0x5: {  	_ = 	snop  }
0x6: {  	_ = 	snop  }
0x7: {  	_ = 	snop  }
__scs_overlays_trampoline_lowered:
0x8: {  	[smem:$0x3F50] =	sst s0  }
0x9: {  	[smem:$0x3F51] =	sst s1  }
0xa: {  	[smem:$0x3F52] =	sst s2  }
0xb: {  	[smem:$0x3F53] =	sst s3  }
0xc: {  	[smem:$0x3F54] =	sst s4  }
0xd: {  	[smem:$0x3F55] =	sst s5  }
0xe: {  	[smem:$0x3F56] =	sst s6  }
0xf: {  	[smem:$0x3F57] =	sst s7  }
0x10: {  	[smem:$0x3F58] =	sst s8  }
0x11: {  	[smem:$0x3F59] =	sst s9;
	s0 =	simm.s32 @!p0 $0x0  }
0x12: {  	s1 =	sld [smem:$0x3F3F];
	s0 =	simm.s32 @p0 $0x1  }
0x13: {  	[smem:$0x3F5A] =	sst s0;
	s0 =	simm.s32 @!p1 $0x0  }
0x14: {  	s2 =	sld [smem:$0x3F3E];
	s0 =	simm.s32 @p1 $0x1  }
0x15: {  	[smem:$0x3F5B] =	sst s0;
	s0 =	simm.s32 @!p2 $0x0  }
0x16: {  	s3 =	sld [smem:$0x3FDB];
	s0 =	simm.s32 @p2 $0x1  }
0x17: {  	s4 =	simm.s32 $0x1BF5;
	[smem:$0x3F5D] =	sst s0  }
0x18: {  	s0 =	sld [smem:$0x3F40];
	_ =	swait.ge [sflag:s4], $0x0  }
0x19: {  	s7 =	sld [smem:$0x3F41]  }
0x1a: {  	s8 =	sadd.s32 $0xFFFFE003, lr  }
0x1b: {  	s9 =	sadd.s32 $0xFFFFFEF7, lr;
	s5 =	simm.s32 $0xFFFFFFFF;
	p2 =	slt.u32 s8, $0xFFFFF086  }
0x1c: {  	p1 =	slt.u32 s9, $0xF7A;
	s5 =	simm.s32 @!p2 $0x0  }
0x1d: {  	s5 =	simm.s32 @p1 $0x1;
	p0 =	seq.s32 s7, s2  }
0x1e: {  	s7 =	smul.u32 @!p0 $0xF7A, s2;
	p2 =	seq.s32 @!p0 s5, $0x0  }
0x1f: {  	s9 =	smul.u32 $0xF7A, s1;
	s8 =	simm.s32 @!p0 $0x1BF5;
	p2 =	por !p2, p0  }
0x20: {  	[sflag:s8] =	ssyncset.s32 @!p0 $0xFFFFF086;
	s6 =	sadd.s32 @!p0 s3, s7;
	s7 =	simm.s32 @!p0 $0x108  }
0x21: {  	s3 =	sadd.s32 s3, s9;
	s6 =	sadd.s32 @!p0 $0x88, s6;
	s7 =	simm.s32 @p2 $0x1082  }
0x22: {  	[simem:s7], [sflag:s8] =	dma.local @!p0 [hbm:s6], $0xF7A  }
0x23: {  	s9 =	sor.u32 $0xD0000000, s2;
	s6 =	simm.s32 $0x108;
	_ =	swait.ge @!p0 [sflag:s8], $0x0  }
0x24: {  	s3 =	sadd.s32 $0x88, s3;
	s6 =	simm.s32 @!p1 $0x1082;
	[sflag:s4] =	ssyncset.s32 $0xFFFFF086  }
0x25: {  	[simem:s6], [sflag:s4] =	dma.local [hbm:s3], $0xF7A  }
0x26: {  	[smem:$0x3F41] =	sst s1;
	(tag) =	ssettag s2;
	_ =	strace s9  }
0x27: {  	s1 =	sld [smem:$0x3F51]  }
0x28: {  	s2 =	sld [smem:$0x3F52]  }
0x29: {  	s4 =	sld [smem:$0x3F54]  }
0x2a: {  	p0 =	seq.s32 s5, $0x0;
	s5 =	sld [smem:$0x3F55]  }
0x2b: {  	s6 =	sld [smem:$0x3F56]  }
0x2c: {  	s7 =	sld [smem:$0x3F57]  }
0x2d: {  	s3 =	simm.s32 $0x108;
	s8 =	sld [smem:$0x3F58]  }
0x2e: {  	s3 =	simm.s32 @!p0 $0x1082;
	s9 =	sld [smem:$0x3F59]  }
0x2f: {  	lr =	sadd.s32 s0, s3;
	s0 =	sld [smem:$0x3F50]  }
0x30: {  	s3 =	sld [smem:$0x3F53]  }
0x31: {  	[smem:$0x3F5C] =	sst s10  }
0x32: {  	s10 =	sld [smem:$0x3F5A];
	_ =	sdelay $0x3  }
0x33: {  	p0 =	seq.s32 s10, $0x1;
	s10 =	sld [smem:$0x3F5C];
	_ =	sdelay $0x3  }
0x34: {  	[smem:$0x3F5C] =	sst s10  }
0x35: {  	s10 =	sld [smem:$0x3F5B];
	_ =	sdelay $0x3  }
0x36: {  	p1 =	seq.s32 s10, $0x1;
	s10 =	sld [smem:$0x3F5C];
	_ =	sdelay $0x3  }
0x37: {  	[smem:$0x3F5C] =	sst s10  }
0x38: {  	s10 =	sld [smem:$0x3F5D]  }
0x39: {  	_ = 	snop;
	(pc) =	sbr.ind lr, $3  }
0x3a: {  	_ = 	snop  }
0x3b: {  	_ = 	snop  }
0x3c: {  	p2 =	seq.s32 s10, $0x1;
	s10 =	sld [smem:$0x3F5C]  }
0x3d: {  	_ =	shalt  }
0x3e: {  	_ =	shalt  }
0x3f: {  	_ =	shalt  }
0x40: {  	_ =	shalt  }
0x41: {  	_ =	shalt  }
0x42: {  	_ =	shalt  }
0x43: {  	_ =	shalt  }
0x44: {  	_ =	shalt  }
0x45: {  	_ =	shalt  }
0x46: {  	_ =	shalt  }
0x47: {  	_ =	shalt  }
0x48: {  	_ =	shalt  }
0x49: {  	_ =	shalt  }
0x4a: {  	_ =	shalt  }
0x4b: {  	_ =	shalt  }
0x4c: {  	_ =	shalt  }
0x4d: {  	_ =	shalt  }
0x4e: {  	_ =	shalt  }
0x4f: {  	_ =	shalt  }
0x50: {  	_ =	shalt  }
0x51: {  	_ =	shalt  }
0x52: {  	_ =	shalt  }
0x53: {  	_ =	shalt  }
0x54: {  	_ =	shalt  }
0x55: {  	_ =	shalt  }
0x56: {  	_ =	shalt  }
0x57: {  	_ =	shalt  }
0x58: {  	_ =	shalt  }
0x59: {  	_ =	shalt  }
0x5a: {  	_ =	shalt  }
0x5b: {  	_ =	shalt  }
0x5c: {  	_ =	shalt  }
0x5d: {  	_ =	shalt  }
0x5e: {  	_ =	shalt  }
0x5f: {  	_ =	shalt  }
0x60: {  	_ =	shalt  }
0x61: {  	_ =	shalt  }
0x62: {  	_ =	shalt  }
0x63: {  	_ =	shalt  }
0x64: {  	_ =	shalt  }
0x65: {  	_ =	shalt  }
0x66: {  	_ =	shalt  }
0x67: {  	_ =	shalt  }
0x68: {  	_ =	shalt  }
0x69: {  	_ =	shalt  }
0x6a: {  	_ =	shalt  }
0x6b: {  	_ =	shalt  }
0x6c: {  	_ =	shalt  }
0x6d: {  	_ =	shalt  }
0x6e: {  	_ =	shalt  }
0x6f: {  	_ =	shalt  }
0x70: {  	_ =	shalt  }
0x71: {  	_ =	shalt  }
0x72: {  	_ =	shalt  }
0x73: {  	_ =	shalt  }
0x74: {  	_ =	shalt  }
0x75: {  	_ =	shalt  }
0x76: {  	_ =	shalt  }
0x77: {  	_ =	shalt  }
0x78: {  	_ =	shalt  }
0x79: {  	_ =	shalt  }
0x7a: {  	_ =	shalt  }
0x7b: {  	_ =	shalt  }
0x7c: {  	_ =	shalt  }
0x7d: {  	_ =	shalt  }
0x7e: {  	_ =	shalt  }
0x7f: {  	_ =	shalt  }
0x80: {  	_ =	shalt  }
0x81: {  	_ =	shalt  }
0x82: {  	_ =	shalt  }
0x83: {  	_ =	shalt  }
0x84: {  	_ =	shalt  }
0x85: {  	_ =	shalt  }
0x86: {  	_ =	shalt  }
0x87: {  	_ =	shalt  }
.Lfunc_end0:
.L_simem_size_0:
called_computation.8_lowered:
.L_overlay_start_0:
0x88: {  	s2 =	sld [smem:$0x3FD9]  }
0x89: {  	s3 =	sld [smem:$0x3FFE];
	_ =	sdelay $0x1  }
0x8a: {  	s1 =	srdreg.scid  }
0x8b: {  	s0 =	sand.u32 $0x1, s1  }
0x8c: {  	s16 =	sshll.u32 s0, $0xA;
	s2 =	sadd.s32 s3, s2  }
0x8d: {  	s2 =	sadd.s32 s2, s16  }
0x8e: {  	[smem:$0x3F68] =	sst s2  }
0x8f: {  	_ = 	snop  }
0x90: {  	(tm) =	ssettm $0x1  }
0x91: {  	s17 =	sld [smem:$0x3FFB];
	_ =	sdelay $0x3  }
0x92: {  	_ =	strace s17  }
0x93: {  	s2 =	sld [smem:$0x3FFC];
	_ =	sdelay $0x3  }
0x94: {  	_ =	strace s2  }
0x95: {  	s2 =	sld [smem:$0x3FFD];
	_ =	sdelay $0x3  }
0x96: {  	_ =	strace s2  }
0x97: {  	_ =	strace $0x8FFFFFFF  }
0x98: {  	s18 =	sld [smem:$0x3FDB];
	_ =	sdelay $0x1  }
0x99: {  	s19 =	simm.s32 $_scs_section_size  }
0x9a: {  	s4 =	simm.s32 $_size__tile_overlayer_lowered;
	s5 =	simm.s32 $_tile_overlayer_lowered  }
0x9b: {  	s22 =	simm.s32 $0x1BFF;
	s21 =	sshll.u32 s5, $0x1;
	s2 =	sadd.s32 s19, s18  }
0x9c: {  	s6 =	simm.s32 $0x0;
	s20 =	sshll.u32 s4, $0x1;
	s4 =	sadd.s32 s21, s2  }
0x9d: {  	[timem:s6], [sflag:s22] =	dma.local [hbm:s4], s20  }
0x9e: {  	_ =	swait.ge [sflag:s22], s20  }
0x9f: {  	s3 =	ssub.s32 $0x0, s20;
	[sflag:s22] =	ssyncset.done $0x0  }
0xa0: {  	[sflag:s22] =	ssyncadd.s32 s3;
	_ =	sdelay $0x1  }
0xa1: {  	s23 =	simm.s32 $0x1B8B  }
0xa2: {  	_ =	swait.ge [sflag:s23], $0x1  }
0xa3: {  	[sflag:s23] =	ssyncset.done $0x0  }
0xa4: {  	s25 =	simm.s32 $0x1B8E;
	s24 =	sld [smem:$0x3FFE];
	[sflag:s23] =	ssyncadd.s32 $0xFFFFFFFF  }
0xa5: {  	s26 =	simm.s32 $execute0_lowered;
	[smem:$0x3FD2] =	sst s25  }
0xa6: {  	s4 =	sshll.u32 s26, $0x1;
	_ =	strace $0x8000005B;
	[dreg:$0x1] =	wrdreg $0xFFFFFFFF  }
0xa7: {  	s28 =	simm.s32 $_size_execute0_lowered;
	s2 =	sadd.s32 s2, s4;
	[dreg:$0x0] =	wrdreg $0x0  }
0xa8: {  	s4 =	sshll.u32 s28, $0x1;
	[dreg:$0x2] =	wrdreg s2  }
0xa9: {  	[dreg:$0x3] =	wrdreg s4  }
0xaa: {  	[dreg:$0x4] =	wrdreg $0xC0  }
0xab: {  	_ =	task [dreg:s6], $0x5FFFF  }
0xac: {  	[dreg:$0x1] =	wrdreg $0xFFFFFFFF  }
0xad: {  	[dreg:$0x0] =	wrdreg $0x60  }
0xae: {  	[dreg:$0x2] =	wrdreg s24  }
0xaf: {  	[dreg:$0x3] =	wrdreg $0x40800  }
0xb0: {  	[dreg:$0x4] =	wrdreg $0xA  }
0xb1: {  	_ =	task.clear_ibuf [dreg:s6], $0x5FFFF;
	_ =	strace $0x9000005B  }
0xb2: {  	s29 =	simm.s32 $0xA;
	_ =	strace $0x8000005D  }
0xb3: {  	_ =	swait.ge [sflag:s29], $0x1  }
0xb4: {  	[sflag:s29] =	ssyncadd.s32 $0xFFFFFFFF  }
0xb5: {  	_ =	strace $0x9000005D  }
0xb6: {  	_ =	sfence  }
0xb7: {  	s30 =	sld [smem:$0x0];
	_ =	sdelay $0x2  }
0xb8: {  	s31 =	sshll.u32 s1, $0xD;
	s1 =	sshrl.u32 s1, $0x2  }
0xb9: {  	s3 =	sand.u32 $0x4000, s31;
	s1 =	sadd.s32 s1, s30  }
0xba: {  	s0 =	sor.u32 s3, s0;
	s1 =	sshll.u32 s1, $0x11  }
0xbb: {  	s0 =	sor.u32 s1, s0  }
0xbc: {  	s0 =	sadd.s32 $0x8F2B, s0  }
0xbd: {  	[sflag:s0] =	ssyncadd.remote.s32 $0x1  }
0xbe: {  	_ =	sfence.sel $0xFFFF  }
0xbf: {  	[dreg:$0x0] =	wrdreg $0xFFFFFFFF;
	(pc) =	sbr.abs _section_cstart, $3  }
0xc0: {  	[dreg:$0x1] =	wrdreg $0xFFFFFFFF  }
0xc1: {  	_ =	task.clear_ibuf [dreg:s6], $0x2FFFF;
	_ =	strace $0x9FFFFFFF  }
0xc2: {  	(tm) =	ssettm $0x7FFFFFFF  }
0xc3: {  	_ =	shalt  }
tec
execute0_lowered:
.L_overlay_start_1:
0x0: {  	(tag) =	ssettag $0x1  }
0x1: {  	s11 =	stileid.u32  }
0x2: {  	s0 =	srdreg.scid;
	s5 =	rddreg [dreg:$0x0]  }
0x3: {  	s1 =	rddreg [dreg:$0x1];
	s2 =	simm.s32 $0x0;
	s3 =	smul.u32 $0x4F00, s11  }
0x4: {  	s4 =	sand.u32 $0x1, s0;
	s0 =	rddreg [dreg:$0x2];
	s8 =	smul.u32 $0x13C00, s11  }
0x5: {  	[smem:$0x7FF] =	sst s2;
	s9 =	smul.u32 $0x4F000, s11  }
0x6: {  	p0 =	sne.s32 s11, $0x0;
	s11 =	sshll.u32 s11, $0x6;
	s6 =	smul.u32 $0x2780, s4  }
0x7: {  	s7 =	smul.u32 $0x13C000, s4;
	_ =	strace $0x8000005C;
	s30 =	ssub.s32 $0x2, s4  }
0x8: {  	s12 =	smul.u32 $0x27800, s4;
	s11 =	sor.u32 $0x1C01, s11;
	s28 =	sadd.s32 s9, s5  }
0x9: {  	s10 =	sshrl.u32 s30, $0x1;
	s9 =	sshrl.u32 s9, $0x2;
	s3 =	sadd.s32 s6, s3  }
0xa: {  	s26 =	sadd.s32 s8, s7;
	s13 =	sadd.s32 s9, s1;
	s31 =	sadd.s32 s12, s28  }
0xb: {  	s8 =	sshrl.u32 @!p0 s1, $0x3;
	s9 =	simm.s32 $0x1;
	s3 =	sshrl.u32 s3, $0x3  }
0xc: {  	s6 =	sshrl.u32 s26, $0x3;
	s12 =	sshrl.u32 s13, $0x3;
	s13 =	simm.s32 $0x0  }
0xd: {  	s29 =	sadd.s32 s3, s5;
	s3 =	sadd.s32 $0x231FA00, s5;
	s5 =	sadd.s32 s6, s5  }
0xe: {  	s6 =	ssub.s32 s30, s10;
	s10 =	simm.s32 $0x80;
	s4 =	sadd.s32 $0x8FA00, s5  }
0xf: {  	s5 =	smax.u32 s6, $0x1;
	s6 =	sadd.s32 $0xA6FA00, s31;
	s7 =	sadd.s32 $0x85C00, s29  }
.LBB2_1:
0x10: {  	s14 =	simm.s32 @!p0 $0x1C01  }
0x11: {  	[spmem:s8], [sflag:s14] =	dma.local @!p0 [hbm:s3], $0x27800  }
0x12: {  	s14 =	simm.s32 @!p0 $0x1  }
0x13: {  	_ =	swait.ge @!p0 [sflag:s14], $0x27800  }
0x14: {  	[sflag:s14] =	ssyncset.done @!p0 $0x0  }
0x15: {  	[sflag:s14] =	ssyncadd.s32 @!p0 $0xFFFD8800  }
0x16: {  	s31 =	sadd.s32 $0x0, s7;
	[bflag:$0x0] =	sbarrier.arrive $0xFFFF  }
0x17: {  	[tilespmem:s2], [sflag:$0x1] =	stream.linear.gather [hbm4b:s31+s2], $0x80, $0x38;
	[tilespmem:$0x17C80] =	vst v63  }
0x18: {  	_ =	swait.ge [sflag:s9], $0x80  }
0x19: {  	[sflag:s9] =	ssyncset.done $0x0  }
0x1a: {  	[sflag:s9] =	ssyncadd.s32 $0xFFFFFF80  }
0x1b: {  	[tilespmem:s10], [sflag:$0x1] =	stream.linear.gather [hbm4b:s6+s2], $0x4000, $0x38;
	[tilespmem:$0x17C80] =	vst v63  }
0x1c: {  	_ =	swait.ge [sflag:s9], $0x4000  }
0x1d: {  	[sflag:s9] =	ssyncset.done $0x0  }
0x1e: {  	[sflag:s9] =	ssyncadd.s32 $0xFFFFC000  }
0x1f: {  	[spmem:s1] =	stream.indirect.scatter.add.f32 [tilespmem:s10], [sflag:$0x1], $0x80, s2, s10, $0xb8;
	[tilespmem:$0x17C80] =	vst v63  }
0x20: {  	s15 =	simm.s32 $0x10;
	_ =	swait.ge [sflag:s9], $0x4000  }
0x21: {  	s16 =	simm.s32 $0x20;
	s14 =	sadd.s32 $0x800, s6;
	[sflag:s9] =	ssyncset.done $0x0  }
.LBB2_2:
0x22: {  	s17 =	sadd.s32 s15, s7  }
0x23: {  	[sflag:s9] =	ssyncadd.s32 $0xFFFFC000;
	s15 =	smov.u32 s16;
	s18 =	sadd.s32 $0x10, s16  }
0x24: {  	[tilespmem:s2], [sflag:$0x1] =	stream.linear.gather [hbm4b:s17+s2], $0x80, $0x38;
	[tilespmem:$0x17C80] =	vst v63  }
0x25: {  	p1 =	sne.s32 s16, $0x4E0;
	_ =	swait.ge [sflag:s9], $0x80  }
0x26: {  	[sflag:s9] =	ssyncset.done $0x0  }
0x27: {  	[sflag:s9] =	ssyncadd.s32 $0xFFFFFF80  }
0x28: {  	[tilespmem:s10], [sflag:$0x1] =	stream.linear.gather [hbm4b:s14+s2], $0x4000, $0x38;
	[tilespmem:$0x17C80] =	vst v63  }
0x29: {  	_ =	swait.ge [sflag:s9], $0x4000  }
.Ltmp0:
0x2a: {  	[sflag:s9] =	ssyncset.done $0x0;
	(pc) =	sbr.rel @p1 .LBB2_2-.Ltmp0, $4  }
0x2b: {  	[sflag:s9] =	ssyncadd.s32 $0xFFFFC000  }
0x2c: {  	[spmem:s1] =	stream.indirect.scatter.add.f32 [tilespmem:s10], [sflag:$0x1], $0x80, s2, s10, $0xb8;
	[tilespmem:$0x17C80] =	vst v63  }
0x2d: {  	_ =	swait.ge [sflag:s9], $0x4000  }
0x2e: {  	s16 =	smov.u32 s18;
	s14 =	sadd.s32 $0x800, s14;
	[sflag:s9] =	ssyncset.done $0x0  }
0x2f: {  	s15 =	sadd.s32 s15, s7;
	[sflag:s9] =	ssyncadd.s32 $0xFFFFC000  }
0x30: {  	[tilespmem:s2], [sflag:$0x1] =	stream.linear.gather [hbm4b:s15+s2], $0x80, $0x38;
	[tilespmem:$0x17C80] =	vst v63  }
0x31: {  	_ =	swait.ge [sflag:s9], $0x80  }
0x32: {  	[sflag:s9] =	ssyncset.done $0x0  }
0x33: {  	[sflag:s9] =	ssyncadd.s32 $0xFFFFFF80  }
0x34: {  	[tilespmem:s10], [sflag:$0x1] =	stream.linear.gather [hbm4b:s14+s2], $0x4000, $0x38;
	[tilespmem:$0x17C80] =	vst v63  }
0x35: {  	_ =	swait.ge [sflag:s9], $0x4000  }
0x36: {  	[sflag:s9] =	ssyncset.done $0x0  }
0x37: {  	[sflag:s9] =	ssyncadd.s32 $0xFFFFC000  }
0x38: {  	[spmem:s1] =	stream.indirect.scatter.add.f32 [tilespmem:s10], [sflag:$0x1], $0x80, s2, s10, $0xb8;
	[tilespmem:$0x17C80] =	vst v63  }
0x39: {  	_ =	swait.ge [sflag:s9], $0x4000  }
0x3a: {  	s13 =	sadd.s32 $0x1, s13;
	[sflag:s9] =	ssyncset.done $0x0  }
0x3b: {  	p1 =	sne.s32 s13, s5;
	[sflag:s9] =	ssyncadd.s32 $0xFFFFC000  }
.Ltmp1:
0x3c: {  	[bflag:$0x0] =	sbarrier.arrive $0xFFFF;
	(pc) =	sbr.rel @p1 .LBB2_1-.Ltmp1, $4  }
0x3d: {  	[hbm:s4], [sflag:s11] =	dma.local [spmem:s12], $0x2780  }
0x3e: {  	_ =	swait.ge [sflag:s9], $0x2780  }
0x3f: {  	[sflag:s9] =	ssyncset.done $0x0  }
0x40: {  	[sflag:s9] =	ssyncadd.s32 $0xFFFFD880  }
0x41: {  	_ =	sfence.sel $0x180000  }
0x42: {  	[bflag:$0x0] =	sbarrier.arrive $0xFFFF  }
0x43: {  	_ =	strace $0x9000005C  }
0x44: {  	s0 =	sadd.s32 @!p0 $0x100000, s0;
	[bflag:$0x2] =	sbarrier.arrive $0xFFFF  }
0x45: {  	[sflag:s0] =	ssyncadd.tile.s32 @!p0 $0x1;
	_ =	shalt  }
.Lfunc_end2:
_tile_overlayer_lowered:
.L_overlay_start_2:
0x46: {  	(tag) =	ssettag $0x2  }
0x47: {  	s0 =	rddreg [dreg:$0x0];
	s2 =	stileid.u32  }
0x48: {  	s1 =	rddreg [dreg:$0x1];
	p0 =	sne.s32 s2, $0x0  }
0x49: {  	s3 =	rddreg [dreg:$0x2];
	[bflag:$0x3] =	sbarrier.arrive $0xFFFF;
	s2 =	simm.s32 @!p0 $0x1C01  }
0x4a: {  	[timem:s3], [sflag:s2] =	dma.local @!p0 [hbm:s0], s1  }
0x4b: {  	s0 =	simm.s32 @!p0 $0x1  }
0x4c: {  	_ =	swait.ge @!p0 [sflag:s0], s1  }
0x4d: {  	s1 =	ssub.s32 @!p0 $0x0, s1;
	[sflag:s0] =	ssyncset.done @!p0 $0x0  }
0x4e: {  	[sflag:s0] =	ssyncadd.s32 @!p0 s1  }
0x4f: {  	[bflag:$0x3] =	sbarrier.arrive $0xFFFF  }
0x50: {  	_ =	shalt  }

</sc_bundles>
